<compile_context>
chip_gen: v7x
topology: tpu7x:2x2x1
jax: 0.10.2.dev20260603
libtpu: 0.0.44.dev20260713+nightly
codegen_flags: <defaults>
</compile_context>

<pallas_src>
import functools

import jax
import jax.numpy as jnp
from jax import lax
from jax.experimental import pallas as pl
from jax.experimental.pallas import tpu as pltpu
from jax.experimental.pallas import tpu_sc as plsc

N = 10000
E = 320000
D = 128
D_LAT = 64
G = 64

NC = 2
NS = 16
NW = NC * NS
EPW0 = E // NW
EPW = 10240
EPADW = EPW - EPW0
CHUNK = 64
NCHUNK = EPW // CHUNK
IBLK = 20
NBLKI = NCHUNK // IBLK
NSLOT = 5
LOOK = 3
NPAD = 10112
RPT = NPAD // NS

BLK = 1264
NBLK = NPAD // BLK


def _sc_aggregate(h, src3, dst3, zrows):
    mesh = plsc.VectorSubcoreMesh(core_axis_name="c", subcore_axis_name="s")

    @functools.partial(
        pl.kernel,
        mesh=mesh,
        out_type=jax.ShapeDtypeStruct((NC, NPAD, D), jnp.float32),
        scratch_types=(
            [pltpu.VMEM((IBLK, CHUNK), jnp.int32)] * 2
            + [pltpu.VMEM((CHUNK, D), jnp.float32)] * NSLOT
            + [pltpu.VMEM_SHARED((NPAD, D), jnp.float32)]
            + [pltpu.SemaphoreType.DMA] * (2 * NSLOT)
        ),
    )
    def agg_kernel(h_hbm, src_hbm, dst_hbm, z_hbm, out_hbm, srcv, dstv,
                   *rest):
        rows = rest[:NSLOT]
        acc = rest[NSLOT]
        gsem = rest[NSLOT + 1:2 * NSLOT + 1]
        ssem = rest[2 * NSLOT + 1:]
        c = lax.axis_index("c")
        s = lax.axis_index("s")
        wid = s * NC + c

        def stage(j):
            pltpu.sync_copy(src_hbm.at[wid, j], srcv)
            pltpu.sync_copy(dst_hbm.at[wid, j], dstv)
            for b in range(LOOK):
                pltpu.async_copy(h_hbm.at[srcv.at[b]], rows[b], gsem[b])

        @pl.when(c == 0)
        def _():
            pltpu.sync_copy(h_hbm.at[pl.ds(s * RPT, RPT)],
                            acc.at[pl.ds(s * RPT, RPT)])

        @pl.when(c != 0)
        def _():
            pltpu.sync_copy(z_hbm, acc.at[pl.ds(s * RPT, RPT)])

        stage(0)
        plsc.subcore_barrier()

        def block(j, carry):
            @pl.when(j > 0)
            def _():
                stage(j)

            def group(k, cr):
                for b in range(NSLOT):
                    i = k * NSLOT + b
                    ip = i + LOOK
                    bb = (b + LOOK) % NSLOT

                    @pl.when(ip < IBLK)
                    def _():
                        @pl.when(ip >= NSLOT)
                        def _():
                            pltpu.make_async_copy(
                                rows[bb], acc.at[dstv.at[ip - NSLOT]],
                                ssem[bb]).wait()

                        pltpu.async_copy(h_hbm.at[srcv.at[ip]], rows[bb],
                                         gsem[bb])

                    pltpu.make_async_copy(h_hbm.at[srcv.at[i]], rows[b],
                                          gsem[b]).wait()
                    pltpu.async_copy(rows[b], acc.at[dstv.at[i]], ssem[b],
                                     add=True)
                return cr

            lax.fori_loop(0, IBLK // NSLOT, group, 0)
            for b in range(NSLOT):
                il = IBLK - NSLOT + b
                pltpu.make_async_copy(rows[b], acc.at[dstv.at[il]],
                                      ssem[b]).wait()
            return carry

        lax.fori_loop(0, NBLKI, block, 0)
        plsc.subcore_barrier()
        pltpu.sync_copy(acc.at[pl.ds(s * RPT, RPT)],
                        out_hbm.at[c, pl.ds(s * RPT, RPT)])

    return agg_kernel(h, src3, dst3, zrows)


def _leaky(v):
    return jnp.where(v > 0, v, 0.2 * v)


def _pad_mask_rows(i, t):
    row = i * BLK + lax.broadcasted_iota(jnp.int32, (BLK, 1), 0)
    return jnp.where(row < N, t, 0.0)


def _mlp_body(parts_ref, w1_ref, b1_ref, w2_ref, b2_ref, out_ref):
    i = pl.program_id(0)
    hb = parts_ref[0] + parts_ref[1]
    t = _leaky(jnp.dot(hb, w1_ref[...], preferred_element_type=jnp.float32)
               + b1_ref[...])
    t = _leaky(jnp.dot(t, w2_ref[...], preferred_element_type=jnp.float32)
               + b2_ref[...])
    out_ref[...] = _pad_mask_rows(i, t)


def _mlp(parts, w1, b1, w2p, b2p):
    return pl.pallas_call(
        _mlp_body,
        grid=(NBLK,),
        in_specs=[
            pl.BlockSpec((NC, BLK, D), lambda i: (0, i, 0)),
            pl.BlockSpec((D, D), lambda i: (0, 0)),
            pl.BlockSpec((1, D), lambda i: (0, 0)),
            pl.BlockSpec((D, D), lambda i: (0, 0)),
            pl.BlockSpec((1, D), lambda i: (0, 0)),
        ],
        out_specs=pl.BlockSpec((BLK, D), lambda i: (i, 0)),
        out_shape=jax.ShapeDtypeStruct((NPAD, D), jnp.float32),
    )(parts, w1, b1, w2p, b2p)


def _final_body(parts_ref, batch_ref, w1_ref, b1_ref, w2_ref, b2_ref,
                wf_ref, bf_ref, out_ref, acc_ref):
    i = pl.program_id(0)
    hb = parts_ref[0] + parts_ref[1]
    t = _leaky(jnp.dot(hb, w1_ref[...], preferred_element_type=jnp.float32)
               + b1_ref[...])
    t = _leaky(jnp.dot(t, w2_ref[...], preferred_element_type=jnp.float32)
               + b2_ref[...])
    t = _pad_mask_rows(i, t)
    seg = batch_ref[0, 0].reshape(BLK, 1)
    onehot = (seg == lax.broadcasted_iota(jnp.int32, (BLK, G), 1)
              ).astype(jnp.float32)
    p = lax.dot_general(onehot, t, (((0,), (0,)), ((), ())),
                        preferred_element_type=jnp.float32)

    @pl.when(i == 0)
    def _():
        acc_ref[...] = p

    @pl.when(i > 0)
    def _():
        acc_ref[...] += p

    @pl.when(i == NBLK - 1)
    def _():
        out_ref[...] = (jnp.dot(acc_ref[...], wf_ref[...],
                                preferred_element_type=jnp.float32)
                        + bf_ref[...])


def _final(parts, batch3, w1, b1, w2p, b2p, wfp, bfp):
    return pl.pallas_call(
        _final_body,
        grid=(NBLK,),
        in_specs=[
            pl.BlockSpec((NC, BLK, D), lambda i: (0, i, 0)),
            pl.BlockSpec((1, 1, BLK), lambda i: (i, 0, 0)),
            pl.BlockSpec((D, D), lambda i: (0, 0)),
            pl.BlockSpec((1, D), lambda i: (0, 0)),
            pl.BlockSpec((D, D), lambda i: (0, 0)),
            pl.BlockSpec((1, D), lambda i: (0, 0)),
            pl.BlockSpec((D, D_LAT), lambda i: (0, 0)),
            pl.BlockSpec((1, D_LAT), lambda i: (0, 0)),
        ],
        out_specs=pl.BlockSpec((G, D_LAT), lambda i: (0, 0)),
        out_shape=jax.ShapeDtypeStruct((G, D_LAT), jnp.float32),
        scratch_shapes=[pltpu.VMEM((G, D), jnp.float32)],
    )(parts, batch3, w1, b1, w2p, b2p, wfp, bfp)


def _fold_bn(g, be, rm, rv, w2, b2):
    scale = g / jnp.sqrt(rv + 1e-5)
    shift = be - rm * scale
    return scale[:, None] * w2, b2 + shift @ w2


def kernel(x, edge_index, batch, w1_0, b1_0, g_0, be_0, rm_0, rv_0, w2_0,
           b2_0, w1_1, b1_1, g_1, be_1, rm_1, rv_1, w2_1, b2_1, w1_2, b1_2,
           g_2, be_2, rm_2, rv_2, w2_2, b2_2, gf, bef, rmf, rvf, wfc, bfc):
    pad_src = jnp.broadcast_to(
        N + (jnp.arange(EPADW, dtype=jnp.int32) % (NPAD - N)), (NW, EPADW))
    pad_dst = (jnp.arange(NW, dtype=jnp.int32)[:, None] * 320
               + jnp.arange(EPADW, dtype=jnp.int32)[None, :]) % NPAD
    src = jnp.concatenate(
        [edge_index[0].reshape(NW, EPW0), pad_src], axis=1
    ).reshape(NW, NBLKI, IBLK, CHUNK)
    dst = jnp.concatenate(
        [edge_index[1].reshape(NW, EPW0), pad_dst], axis=1
    ).reshape(NW, NBLKI, IBLK, CHUNK)

    xp = jnp.concatenate([x, jnp.zeros((NPAD - N, D), jnp.float32)])
    zrows = jnp.zeros((RPT, D), jnp.float32)
    batch3 = jnp.concatenate(
        [batch, jnp.zeros((NPAD - N,), batch.dtype)]).reshape(NBLK, 1, BLK)

    w2p0, b2p0 = _fold_bn(g_0, be_0, rm_0, rv_0, w2_0, b2_0)
    w2p1, b2p1 = _fold_bn(g_1, be_1, rm_1, rv_1, w2_1, b2_1)
    w2p2, b2p2 = _fold_bn(g_2, be_2, rm_2, rv_2, w2_2, b2_2)
    scale_f = gf / jnp.sqrt(rvf + 1e-5)
    shift_f = bef - rmf * scale_f
    wfp = scale_f[:, None] * wfc
    bfp = bfc + shift_f @ wfc

    parts = _sc_aggregate(xp, src, dst, zrows)
    h = _mlp(parts, w1_0, b1_0.reshape(1, D), w2p0, b2p0.reshape(1, D))
    parts = _sc_aggregate(h, src, dst, zrows)
    h = _mlp(parts, w1_1, b1_1.reshape(1, D), w2p1, b2p1.reshape(1, D))
    parts = _sc_aggregate(h, src, dst, zrows)
    out = _final(parts, batch3, w1_2, b1_2.reshape(1, D), w2p2,
                 b2p2.reshape(1, D), wfp, bfp.reshape(1, D_LAT))
    return out

# --- scband reference (transcript-rebuilt; emitter-appended) ---
"""Pipeline reference for scband-gin-58291296141328 (READ-ONLY COPY).

The authoritative reference and input builder live on the scoring server;
editing this copy changes nothing except your own understanding.
"""

import jax, jax.numpy as jnp
import numpy as np

N = 10000
E = 320000
D_IN = 128
D_H = 128
D_LAT = 64
G = 64

def _leaky(x):
    return jnp.where(x > 0, x, 0.2 * x)

def _bn(x, g, b, rm, rv):
    return (x - rm) / jnp.sqrt(rv + 1e-5) * g + b

def setup_inputs(seed: int = 0):
    key = jax.random.key(seed)
    ks = jax.random.split(key, 40)
    inp = {}
    inp['x'] = jax.random.normal(ks[0], (N, D_IN), jnp.float32)
    inp['edge_index'] = jax.random.randint(ks[1], (2, E), 0, N, jnp.int32)
    inp['batch'] = jnp.sort(jax.random.randint(ks[2], (N,), 0, G, jnp.int32))
    dims = [(D_IN, D_H), (D_H, D_H), (D_H, D_H)]
    k = 3
    for l, (din, dh) in enumerate(dims):
        inp['w1_%d' % l] = jax.random.normal(ks[k], (din, dh), jnp.float32) / np.sqrt(din); k += 1
        inp['b1_%d' % l] = jnp.zeros((dh,), jnp.float32)
        inp['g_%d' % l] = jnp.ones((dh,), jnp.float32)
        inp['be_%d' % l] = jnp.zeros((dh,), jnp.float32)
        inp['rm_%d' % l] = jnp.zeros((dh,), jnp.float32)
        inp['rv_%d' % l] = jnp.ones((dh,), jnp.float32)
        inp['w2_%d' % l] = jax.random.normal(ks[k], (dh, dh), jnp.float32) / np.sqrt(dh); k += 1
        inp['b2_%d' % l] = jnp.zeros((dh,), jnp.float32)
    inp['gf'] = jnp.ones((D_H,), jnp.float32)
    inp['bef'] = jnp.zeros((D_H,), jnp.float32)
    inp['rmf'] = jnp.zeros((D_H,), jnp.float32)
    inp['rvf'] = jnp.ones((D_H,), jnp.float32)
    inp['wfc'] = jax.random.normal(ks[k], (D_H, D_LAT), jnp.float32) / np.sqrt(D_H)
    inp['bfc'] = jnp.zeros((D_LAT,), jnp.float32)
    return inp

def _gin_conv(h, src, dst, w1, b1, g, be, rm, rv, w2, b2):
    # GINConv with eps=0 (PyG default, train_eps=False): MLP((1+eps)*x + sum_j x_j)
    agg = jnp.zeros_like(h).at[dst].add(h[src])
    h = h + agg
    h = _leaky(h @ w1 + b1)
    h = _bn(h, g, be, rm, rv)
    h = _leaky(h @ w2 + b2)
    return h

def reference(x, edge_index, batch, w1_0, b1_0, g_0, be_0, rm_0, rv_0, w2_0, b2_0, w1_1, b1_1, g_1, be_1, rm_1, rv_1, w2_1, b2_1, w1_2, b1_2, g_2, be_2, rm_2, rv_2, w2_2, b2_2, gf, bef, rmf, rvf, wfc, bfc):
    src = edge_index[0]
    dst = edge_index[1]
    h = _gin_conv(x, src, dst, w1_0, b1_0, g_0, be_0, rm_0, rv_0, w2_0, b2_0)
    # dropout is identity in eval mode
    h = _gin_conv(h, src, dst, w1_1, b1_1, g_1, be_1, rm_1, rv_1, w2_1, b2_1)
    h = _gin_conv(h, src, dst, w1_2, b1_2, g_2, be_2, rm_2, rv_2, w2_2, b2_2)
    out = jax.ops.segment_sum(h, batch, num_segments=G)
    out = _bn(out, gf, bef, rmf, rvf)
    out = out @ wfc + bfc
    return out

if __name__ == "__main__":
    import jax
    _d = setup_inputs()
    print(jax.jit(kernel)(*tuple(_d.values())))

</pallas_src>

<mosaic_0001>
#map = affine_map<(d0, d1) -> (0, 0)>
#map1 = affine_map<(d0, d1) -> (0, 0, 0, 0)>
#map2 = affine_map<(d0, d1) -> (0, 0, 0)>
module attributes {stable_mosaic.version = 14 : i64} {
  func.func @agg_kernel(%arg0: i32, %arg1: i32, %arg2: memref<10112x128xf32, #tpu.memory_space<hbm>>, %arg3: memref<32x8x20x64xi32, #tpu.memory_space<hbm>>, %arg4: memref<32x8x20x64xi32, #tpu.memory_space<hbm>>, %arg5: memref<632x128xf32, #tpu.memory_space<hbm>>, %arg6: memref<2x10112x128xf32, #tpu.memory_space<hbm>>, %arg7: memref<20x64xi32, #tpu.memory_space<vmem>>, %arg8: memref<20x64xi32, #tpu.memory_space<vmem>>, %arg9: memref<64x128xf32, #tpu.memory_space<vmem>>, %arg10: memref<64x128xf32, #tpu.memory_space<vmem>>, %arg11: memref<64x128xf32, #tpu.memory_space<vmem>>, %arg12: memref<64x128xf32, #tpu.memory_space<vmem>>, %arg13: memref<64x128xf32, #tpu.memory_space<vmem>>, %arg14: memref<10112x128xf32, #tpu.memory_space<vmem_shared>>, %arg15: memref<!tpu.dma_semaphore, #tpu.memory_space<semaphore_mem>>, %arg16: memref<!tpu.dma_semaphore, #tpu.memory_space<semaphore_mem>>, %arg17: memref<!tpu.dma_semaphore, #tpu.memory_space<semaphore_mem>>, %arg18: memref<!tpu.dma_semaphore, #tpu.memory_space<semaphore_mem>>, %arg19: memref<!tpu.dma_semaphore, #tpu.memory_space<semaphore_mem>>, %arg20: memref<!tpu.dma_semaphore, #tpu.memory_space<semaphore_mem>>, %arg21: memref<!tpu.dma_semaphore, #tpu.memory_space<semaphore_mem>>, %arg22: memref<!tpu.dma_semaphore, #tpu.memory_space<semaphore_mem>>, %arg23: memref<!tpu.dma_semaphore, #tpu.memory_space<semaphore_mem>>, %arg24: memref<!tpu.dma_semaphore, #tpu.memory_space<semaphore_mem>>) attributes {dimension_semantics = [#tpu.dimension_semantics<core_parallel>, #tpu.dimension_semantics<subcore_parallel>], iteration_bounds = array<i64: 2, 16>, scalar_prefetch = 0 : i64, scratch_operands = 18 : i64, tpu.core_type = #tpu.core_type<sc_vector_subcore>, window_params = [{transform_indices = #map}, {transform_indices = #map1}, {transform_indices = #map1}, {transform_indices = #map}, {transform_indices = #map2}]} {
    %mul3A = arith.constant 2 : i32
    %mul3A_0 = arith.muli %arg1, %mul3A : i32
    %add3A = arith.addi %mul3A_0, %arg0 : i32
    %eq3A = arith.constant 0 : i32
    %eq3A_1 = arith.cmpi eq, %arg0, %eq3A : i32
    %convert_element_type3A = arith.extui %eq3A_1 : i1 to i32
    %cond3A = arith.constant 0 : i32
    %cond3A_2 = arith.cmpi ne, %convert_element_type3A, %cond3A : i32
    scf.if %cond3A_2 {
      %mul3A_38 = arith.constant 632 : i32
      %mul3A_39 = arith.muli %arg1, %mul3A_38 : i32
      %mul3A_40 = arith.constant 632 : i32
      %mul3A_41 = arith.muli %arg1, %mul3A_40 : i32
      "tpu.region"() ({
        %run_scoped3A_42 = tpu.sem_alloc : memref<!tpu.dma_semaphore, #tpu.memory_space<semaphore_mem>>
        %dma_start3A_43 = arith.constant 0 : i32
        %dma_start3A_44 = tpu.memref_slice %arg14[%mul3A_41, %dma_start3A_43] : memref<10112x128xf32, #tpu.memory_space<vmem_shared>> -> memref<632x128xf32, #tpu.memory_space<vmem_shared>>
        %dma_start3A_45 = arith.constant 0 : i32
        %dma_start3A_46 = tpu.memref_slice %arg2[%mul3A_39, %dma_start3A_45] : memref<10112x128xf32, #tpu.memory_space<hbm>> -> memref<632x128xf32, #tpu.memory_space<hbm>>
        tpu.enqueue_dma source(%dma_start3A_46 : memref<632x128xf32, #tpu.memory_space<hbm>>) target(%dma_start3A_44 : memref<632x128xf32, #tpu.memory_space<vmem_shared>>) target_semaphore(%run_scoped3A_42 : memref<!tpu.dma_semaphore, #tpu.memory_space<semaphore_mem>>)
        %dma_wait3A = arith.constant 0 : i32
        %dma_wait3A_47 = tpu.memref_slice %arg14[%mul3A_41, %dma_wait3A] : memref<10112x128xf32, #tpu.memory_space<vmem_shared>> -> memref<632x128xf32, #tpu.memory_space<vmem_shared>>
        %dma_wait3A_48 = arith.constant 0 : i32
        %dma_wait3A_49 = tpu.memref_slice %arg2[%mul3A_39, %dma_wait3A_48] : memref<10112x128xf32, #tpu.memory_space<hbm>> -> memref<632x128xf32, #tpu.memory_space<hbm>>
        tpu.wait_dma2 semaphore(%run_scoped3A_42 : memref<!tpu.dma_semaphore, #tpu.memory_space<semaphore_mem>>) src(%dma_wait3A_49 : memref<632x128xf32, #tpu.memory_space<hbm>>) dst(%dma_wait3A_47 : memref<632x128xf32, #tpu.memory_space<vmem_shared>>)
        tpu.yield
      }) : () -> ()
    } else {
    }
    %ne3A = arith.constant 0 : i32
    %ne3A_3 = arith.cmpi ne, %arg0, %ne3A : i32
    %convert_element_type3A_4 = arith.extui %ne3A_3 : i1 to i32
    %cond3A_5 = arith.constant 0 : i32
    %cond3A_6 = arith.cmpi ne, %convert_element_type3A_4, %cond3A_5 : i32
    scf.if %cond3A_6 {
      %mul3A_38 = arith.constant 632 : i32
      %mul3A_39 = arith.muli %arg1, %mul3A_38 : i32
      "tpu.region"() ({
        %run_scoped3A_40 = tpu.sem_alloc : memref<!tpu.dma_semaphore, #tpu.memory_space<semaphore_mem>>
        %dma_start3A_41 = arith.constant 0 : i32
        %dma_start3A_42 = tpu.memref_slice %arg14[%mul3A_39, %dma_start3A_41] : memref<10112x128xf32, #tpu.memory_space<vmem_shared>> -> memref<632x128xf32, #tpu.memory_space<vmem_shared>>
        tpu.enqueue_dma source(%arg5 : memref<632x128xf32, #tpu.memory_space<hbm>>) target(%dma_start3A_42 : memref<632x128xf32, #tpu.memory_space<vmem_shared>>) target_semaphore(%run_scoped3A_40 : memref<!tpu.dma_semaphore, #tpu.memory_space<semaphore_mem>>)
        %dma_wait3A = arith.constant 0 : i32
        %dma_wait3A_43 = tpu.memref_slice %arg14[%mul3A_39, %dma_wait3A] : memref<10112x128xf32, #tpu.memory_space<vmem_shared>> -> memref<632x128xf32, #tpu.memory_space<vmem_shared>>
        tpu.wait_dma2 semaphore(%run_scoped3A_40 : memref<!tpu.dma_semaphore, #tpu.memory_space<semaphore_mem>>) src(%arg5 : memref<632x128xf32, #tpu.memory_space<hbm>>) dst(%dma_wait3A_43 : memref<632x128xf32, #tpu.memory_space<vmem_shared>>)
        tpu.yield
      }) : () -> ()
    } else {
    }
    %run_scoped3A = arith.constant 0 : i32
    "tpu.region"() ({
      %run_scoped3A_38 = tpu.sem_alloc : memref<!tpu.dma_semaphore, #tpu.memory_space<semaphore_mem>>
      %dma_start3A_39 = arith.constant 0 : i32
      %dma_start3A_40 = arith.constant 0 : i32
      %dma_start3A_41 = tpu.memref_slice %arg3[%add3A, %run_scoped3A, %dma_start3A_39, %dma_start3A_40] : memref<32x8x20x64xi32, #tpu.memory_space<hbm>> -> memref<1x1x20x64xi32, #tpu.memory_space<hbm>>
      %dma_start3A_42 = tpu.memref_squeeze %dma_start3A_41 : memref<1x1x20x64xi32, #tpu.memory_space<hbm>> -> memref<20x64xi32, #tpu.memory_space<hbm>>
      %dma_start3A_43 = arith.constant 0 : i32
      %dma_start3A_44 = arith.constant 0 : i32
      %dma_start3A_45 = tpu.memref_slice %arg3[%add3A, %run_scoped3A, %dma_start3A_43, %dma_start3A_44] : memref<32x8x20x64xi32, #tpu.memory_space<hbm>> -> memref<1x1x20x64xi32, #tpu.memory_space<hbm>>
      %dma_start3A_46 = tpu.memref_squeeze %dma_start3A_45 : memref<1x1x20x64xi32, #tpu.memory_space<hbm>> -> memref<20x64xi32, #tpu.memory_space<hbm>>
      tpu.enqueue_dma source(%dma_start3A_46 : memref<20x64xi32, #tpu.memory_space<hbm>>) target(%arg7 : memref<20x64xi32, #tpu.memory_space<vmem>>) target_semaphore(%run_scoped3A_38 : memref<!tpu.dma_semaphore, #tpu.memory_space<semaphore_mem>>)
      %dma_wait3A = arith.constant 0 : i32
      %dma_wait3A_47 = arith.constant 0 : i32
      %dma_wait3A_48 = tpu.memref_slice %arg3[%add3A, %run_scoped3A, %dma_wait3A, %dma_wait3A_47] : memref<32x8x20x64xi32, #tpu.memory_space<hbm>> -> memref<1x1x20x64xi32, #tpu.memory_space<hbm>>
      %dma_wait3A_49 = tpu.memref_squeeze %dma_wait3A_48 : memref<1x1x20x64xi32, #tpu.memory_space<hbm>> -> memref<20x64xi32, #tpu.memory_space<hbm>>
      %dma_wait3A_50 = arith.constant 0 : i32
      %dma_wait3A_51 = arith.constant 0 : i32
      %dma_wait3A_52 = tpu.memref_slice %arg3[%add3A, %run_scoped3A, %dma_wait3A_50, %dma_wait3A_51] : memref<32x8x20x64xi32, #tpu.memory_space<hbm>> -> memref<1x1x20x64xi32, #tpu.memory_space<hbm>>
      %dma_wait3A_53 = tpu.memref_squeeze %dma_wait3A_52 : memref<1x1x20x64xi32, #tpu.memory_space<hbm>> -> memref<20x64xi32, #tpu.memory_space<hbm>>
      tpu.wait_dma2 semaphore(%run_scoped3A_38 : memref<!tpu.dma_semaphore, #tpu.memory_space<semaphore_mem>>) src(%dma_wait3A_53 : memref<20x64xi32, #tpu.memory_space<hbm>>) dst(%arg7 : memref<20x64xi32, #tpu.memory_space<vmem>>)
      tpu.yield
    }) : () -> ()
    %run_scoped3A_7 = arith.constant 0 : i32
    "tpu.region"() ({
      %run_scoped3A_38 = tpu.sem_alloc : memref<!tpu.dma_semaphore, #tpu.memory_space<semaphore_mem>>
      %dma_start3A_39 = arith.constant 0 : i32
      %dma_start3A_40 = arith.constant 0 : i32
      %dma_start3A_41 = tpu.memref_slice %arg4[%add3A, %run_scoped3A_7, %dma_start3A_39, %dma_start3A_40] : memref<32x8x20x64xi32, #tpu.memory_space<hbm>> -> memref<1x1x20x64xi32, #tpu.memory_space<hbm>>
      %dma_start3A_42 = tpu.memref_squeeze %dma_start3A_41 : memref<1x1x20x64xi32, #tpu.memory_space<hbm>> -> memref<20x64xi32, #tpu.memory_space<hbm>>
      %dma_start3A_43 = arith.constant 0 : i32
      %dma_start3A_44 = arith.constant 0 : i32
      %dma_start3A_45 = tpu.memref_slice %arg4[%add3A, %run_scoped3A_7, %dma_start3A_43, %dma_start3A_44] : memref<32x8x20x64xi32, #tpu.memory_space<hbm>> -> memref<1x1x20x64xi32, #tpu.memory_space<hbm>>
      %dma_start3A_46 = tpu.memref_squeeze %dma_start3A_45 : memref<1x1x20x64xi32, #tpu.memory_space<hbm>> -> memref<20x64xi32, #tpu.memory_space<hbm>>
      tpu.enqueue_dma source(%dma_start3A_46 : memref<20x64xi32, #tpu.memory_space<hbm>>) target(%arg8 : memref<20x64xi32, #tpu.memory_space<vmem>>) target_semaphore(%run_scoped3A_38 : memref<!tpu.dma_semaphore, #tpu.memory_space<semaphore_mem>>)
      %dma_wait3A = arith.constant 0 : i32
      %dma_wait3A_47 = arith.constant 0 : i32
      %dma_wait3A_48 = tpu.memref_slice %arg4[%add3A, %run_scoped3A_7, %dma_wait3A, %dma_wait3A_47] : memref<32x8x20x64xi32, #tpu.memory_space<hbm>> -> memref<1x1x20x64xi32, #tpu.memory_space<hbm>>
      %dma_wait3A_49 = tpu.memref_squeeze %dma_wait3A_48 : memref<1x1x20x64xi32, #tpu.memory_space<hbm>> -> memref<20x64xi32, #tpu.memory_space<hbm>>
      %dma_wait3A_50 = arith.constant 0 : i32
      %dma_wait3A_51 = arith.constant 0 : i32
      %dma_wait3A_52 = tpu.memref_slice %arg4[%add3A, %run_scoped3A_7, %dma_wait3A_50, %dma_wait3A_51] : memref<32x8x20x64xi32, #tpu.memory_space<hbm>> -> memref<1x1x20x64xi32, #tpu.memory_space<hbm>>
      %dma_wait3A_53 = tpu.memref_squeeze %dma_wait3A_52 : memref<1x1x20x64xi32, #tpu.memory_space<hbm>> -> memref<20x64xi32, #tpu.memory_space<hbm>>
      tpu.wait_dma2 semaphore(%run_scoped3A_38 : memref<!tpu.dma_semaphore, #tpu.memory_space<semaphore_mem>>) src(%dma_wait3A_53 : memref<20x64xi32, #tpu.memory_space<hbm>>) dst(%arg8 : memref<20x64xi32, #tpu.memory_space<vmem>>)
      tpu.yield
    }) : () -> ()
    %dma_start3A = arith.constant 0 : i32
    %dma_start3A_8 = arith.constant 0 : i32
    %dma_start3A_9 = tpu.memref_slice %arg7[%dma_start3A, %dma_start3A_8] : memref<20x64xi32, #tpu.memory_space<vmem>> -> memref<1x64xi32, #tpu.memory_space<vmem>>
    %dma_start3A_10 = tpu.memref_squeeze %dma_start3A_9 : memref<1x64xi32, #tpu.memory_space<vmem>> -> memref<64xi32, #tpu.memory_space<vmem>>
    %dma_start3A_11 = arith.constant 0 : i32
    %dma_start3A_12 = arith.constant 0 : i32
    %dma_start3A_13 = tpu.memref_slice %arg2[%dma_start3A_11, %dma_start3A_12] : memref<10112x128xf32, #tpu.memory_space<hbm>> -> memref<10112x128xf32, #tpu.memory_space<hbm>>
    tpu.enqueue_indirect_dma source(%dma_start3A_13 : memref<10112x128xf32, #tpu.memory_space<hbm>>) target(%arg9 : memref<64x128xf32, #tpu.memory_space<vmem>>) offsets(%dma_start3A_10 : memref<64xi32, #tpu.memory_space<vmem>>) semaphore(%arg15 : memref<!tpu.dma_semaphore, #tpu.memory_space<semaphore_mem>>)
    %dma_start3A_14 = arith.constant 1 : i32
    %dma_start3A_15 = arith.constant 0 : i32
    %dma_start3A_16 = tpu.memref_slice %arg7[%dma_start3A_14, %dma_start3A_15] : memref<20x64xi32, #tpu.memory_space<vmem>> -> memref<1x64xi32, #tpu.memory_space<vmem>>
    %dma_start3A_17 = tpu.memref_squeeze %dma_start3A_16 : memref<1x64xi32, #tpu.memory_space<vmem>> -> memref<64xi32, #tpu.memory_space<vmem>>
    %dma_start3A_18 = arith.constant 0 : i32
    %dma_start3A_19 = arith.constant 0 : i32
    %dma_start3A_20 = tpu.memref_slice %arg2[%dma_start3A_18, %dma_start3A_19] : memref<10112x128xf32, #tpu.memory_space<hbm>> -> memref<10112x128xf32, #tpu.memory_space<hbm>>
    tpu.enqueue_indirect_dma source(%dma_start3A_20 : memref<10112x128xf32, #tpu.memory_space<hbm>>) target(%arg10 : memref<64x128xf32, #tpu.memory_space<vmem>>) offsets(%dma_start3A_17 : memref<64xi32, #tpu.memory_space<vmem>>) semaphore(%arg16 : memref<!tpu.dma_semaphore, #tpu.memory_space<semaphore_mem>>)
    %dma_start3A_21 = arith.constant 2 : i32
    %dma_start3A_22 = arith.constant 0 : i32
    %dma_start3A_23 = tpu.memref_slice %arg7[%dma_start3A_21, %dma_start3A_22] : memref<20x64xi32, #tpu.memory_space<vmem>> -> memref<1x64xi32, #tpu.memory_space<vmem>>
    %dma_start3A_24 = tpu.memref_squeeze %dma_start3A_23 : memref<1x64xi32, #tpu.memory_space<vmem>> -> memref<64xi32, #tpu.memory_space<vmem>>
    %dma_start3A_25 = arith.constant 0 : i32
    %dma_start3A_26 = arith.constant 0 : i32
    %dma_start3A_27 = tpu.memref_slice %arg2[%dma_start3A_25, %dma_start3A_26] : memref<10112x128xf32, #tpu.memory_space<hbm>> -> memref<10112x128xf32, #tpu.memory_space<hbm>>
    tpu.enqueue_indirect_dma source(%dma_start3A_27 : memref<10112x128xf32, #tpu.memory_space<hbm>>) target(%arg11 : memref<64x128xf32, #tpu.memory_space<vmem>>) offsets(%dma_start3A_24 : memref<64xi32, #tpu.memory_space<vmem>>) semaphore(%arg17 : memref<!tpu.dma_semaphore, #tpu.memory_space<semaphore_mem>>)
    %barrier3A = arith.constant 0 : index
    tpu.barrier barrier_id(%barrier3A)
    %scan3A = arith.constant 0 : i32
    %scan3A_28 = arith.constant 0 : i32
    %scan3A_29 = arith.constant 8 : i32
    %scan3A_30 = arith.addi %scan3A_28, %scan3A_29 : i32
    %scan3A_31 = arith.constant 1 : i32
    scf.for %scan3A_38 = %scan3A_28 to %scan3A_30 step %scan3A_31  : i32 {
      %gt3A = arith.constant 0 : i32
      %gt3A_39 = arith.cmpi sgt, %scan3A_38, %gt3A : i32
      %convert_element_type3A_40 = arith.extui %gt3A_39 : i1 to i32
      %cond3A_41 = arith.constant 0 : i32
      %cond3A_42 = arith.cmpi ne, %convert_element_type3A_40, %cond3A_41 : i32
      scf.if %cond3A_42 {
        "tpu.region"() ({
          %run_scoped3A_104 = tpu.sem_alloc : memref<!tpu.dma_semaphore, #tpu.memory_space<semaphore_mem>>
          %dma_start3A_105 = arith.constant 0 : i32
          %dma_start3A_106 = arith.constant 0 : i32
          %dma_start3A_107 = tpu.memref_slice %arg3[%add3A, %scan3A_38, %dma_start3A_105, %dma_start3A_106] : memref<32x8x20x64xi32, #tpu.memory_space<hbm>> -> memref<1x1x20x64xi32, #tpu.memory_space<hbm>>
          %dma_start3A_108 = tpu.memref_squeeze %dma_start3A_107 : memref<1x1x20x64xi32, #tpu.memory_space<hbm>> -> memref<20x64xi32, #tpu.memory_space<hbm>>
          %dma_start3A_109 = arith.constant 0 : i32
          %dma_start3A_110 = arith.constant 0 : i32
          %dma_start3A_111 = tpu.memref_slice %arg3[%add3A, %scan3A_38, %dma_start3A_109, %dma_start3A_110] : memref<32x8x20x64xi32, #tpu.memory_space<hbm>> -> memref<1x1x20x64xi32, #tpu.memory_space<hbm>>
          %dma_start3A_112 = tpu.memref_squeeze %dma_start3A_111 : memref<1x1x20x64xi32, #tpu.memory_space<hbm>> -> memref<20x64xi32, #tpu.memory_space<hbm>>
          tpu.enqueue_dma source(%dma_start3A_112 : memref<20x64xi32, #tpu.memory_space<hbm>>) target(%arg7 : memref<20x64xi32, #tpu.memory_space<vmem>>) target_semaphore(%run_scoped3A_104 : memref<!tpu.dma_semaphore, #tpu.memory_space<semaphore_mem>>)
          %dma_wait3A_113 = arith.constant 0 : i32
          %dma_wait3A_114 = arith.constant 0 : i32
          %dma_wait3A_115 = tpu.memref_slice %arg3[%add3A, %scan3A_38, %dma_wait3A_113, %dma_wait3A_114] : memref<32x8x20x64xi32, #tpu.memory_space<hbm>> -> memref<1x1x20x64xi32, #tpu.memory_space<hbm>>
          %dma_wait3A_116 = tpu.memref_squeeze %dma_wait3A_115 : memref<1x1x20x64xi32, #tpu.memory_space<hbm>> -> memref<20x64xi32, #tpu.memory_space<hbm>>
          %dma_wait3A_117 = arith.constant 0 : i32
          %dma_wait3A_118 = arith.constant 0 : i32
          %dma_wait3A_119 = tpu.memref_slice %arg3[%add3A, %scan3A_38, %dma_wait3A_117, %dma_wait3A_118] : memref<32x8x20x64xi32, #tpu.memory_space<hbm>> -> memref<1x1x20x64xi32, #tpu.memory_space<hbm>>
          %dma_wait3A_120 = tpu.memref_squeeze %dma_wait3A_119 : memref<1x1x20x64xi32, #tpu.memory_space<hbm>> -> memref<20x64xi32, #tpu.memory_space<hbm>>
          tpu.wait_dma2 semaphore(%run_scoped3A_104 : memref<!tpu.dma_semaphore, #tpu.memory_space<semaphore_mem>>) src(%dma_wait3A_120 : memref<20x64xi32, #tpu.memory_space<hbm>>) dst(%arg7 : memref<20x64xi32, #tpu.memory_space<vmem>>)
          tpu.yield
        }) : () -> ()
        "tpu.region"() ({
          %run_scoped3A_104 = tpu.sem_alloc : memref<!tpu.dma_semaphore, #tpu.memory_space<semaphore_mem>>
          %dma_start3A_105 = arith.constant 0 : i32
          %dma_start3A_106 = arith.constant 0 : i32
          %dma_start3A_107 = tpu.memref_slice %arg4[%add3A, %scan3A_38, %dma_start3A_105, %dma_start3A_106] : memref<32x8x20x64xi32, #tpu.memory_space<hbm>> -> memref<1x1x20x64xi32, #tpu.memory_space<hbm>>
          %dma_start3A_108 = tpu.memref_squeeze %dma_start3A_107 : memref<1x1x20x64xi32, #tpu.memory_space<hbm>> -> memref<20x64xi32, #tpu.memory_space<hbm>>
          %dma_start3A_109 = arith.constant 0 : i32
          %dma_start3A_110 = arith.constant 0 : i32
          %dma_start3A_111 = tpu.memref_slice %arg4[%add3A, %scan3A_38, %dma_start3A_109, %dma_start3A_110] : memref<32x8x20x64xi32, #tpu.memory_space<hbm>> -> memref<1x1x20x64xi32, #tpu.memory_space<hbm>>
          %dma_start3A_112 = tpu.memref_squeeze %dma_start3A_111 : memref<1x1x20x64xi32, #tpu.memory_space<hbm>> -> memref<20x64xi32, #tpu.memory_space<hbm>>
          tpu.enqueue_dma source(%dma_start3A_112 : memref<20x64xi32, #tpu.memory_space<hbm>>) target(%arg8 : memref<20x64xi32, #tpu.memory_space<vmem>>) target_semaphore(%run_scoped3A_104 : memref<!tpu.dma_semaphore, #tpu.memory_space<semaphore_mem>>)
          %dma_wait3A_113 = arith.constant 0 : i32
          %dma_wait3A_114 = arith.constant 0 : i32
          %dma_wait3A_115 = tpu.memref_slice %arg4[%add3A, %scan3A_38, %dma_wait3A_113, %dma_wait3A_114] : memref<32x8x20x64xi32, #tpu.memory_space<hbm>> -> memref<1x1x20x64xi32, #tpu.memory_space<hbm>>
          %dma_wait3A_116 = tpu.memref_squeeze %dma_wait3A_115 : memref<1x1x20x64xi32, #tpu.memory_space<hbm>> -> memref<20x64xi32, #tpu.memory_space<hbm>>
          %dma_wait3A_117 = arith.constant 0 : i32
          %dma_wait3A_118 = arith.constant 0 : i32
          %dma_wait3A_119 = tpu.memref_slice %arg4[%add3A, %scan3A_38, %dma_wait3A_117, %dma_wait3A_118] : memref<32x8x20x64xi32, #tpu.memory_space<hbm>> -> memref<1x1x20x64xi32, #tpu.memory_space<hbm>>
          %dma_wait3A_120 = tpu.memref_squeeze %dma_wait3A_119 : memref<1x1x20x64xi32, #tpu.memory_space<hbm>> -> memref<20x64xi32, #tpu.memory_space<hbm>>
          tpu.wait_dma2 semaphore(%run_scoped3A_104 : memref<!tpu.dma_semaphore, #tpu.memory_space<semaphore_mem>>) src(%dma_wait3A_120 : memref<20x64xi32, #tpu.memory_space<hbm>>) dst(%arg8 : memref<20x64xi32, #tpu.memory_space<vmem>>)
          tpu.yield
        }) : () -> ()
        %dma_start3A_83 = arith.constant 0 : i32
        %dma_start3A_84 = arith.constant 0 : i32
        %dma_start3A_85 = tpu.memref_slice %arg7[%dma_start3A_83, %dma_start3A_84] : memref<20x64xi32, #tpu.memory_space<vmem>> -> memref<1x64xi32, #tpu.memory_space<vmem>>
        %dma_start3A_86 = tpu.memref_squeeze %dma_start3A_85 : memref<1x64xi32, #tpu.memory_space<vmem>> -> memref<64xi32, #tpu.memory_space<vmem>>
        %dma_start3A_87 = arith.constant 0 : i32
        %dma_start3A_88 = arith.constant 0 : i32
        %dma_start3A_89 = tpu.memref_slice %arg2[%dma_start3A_87, %dma_start3A_88] : memref<10112x128xf32, #tpu.memory_space<hbm>> -> memref<10112x128xf32, #tpu.memory_space<hbm>>
        tpu.enqueue_indirect_dma source(%dma_start3A_89 : memref<10112x128xf32, #tpu.memory_space<hbm>>) target(%arg9 : memref<64x128xf32, #tpu.memory_space<vmem>>) offsets(%dma_start3A_86 : memref<64xi32, #tpu.memory_space<vmem>>) semaphore(%arg15 : memref<!tpu.dma_semaphore, #tpu.memory_space<semaphore_mem>>)
        %dma_start3A_90 = arith.constant 1 : i32
        %dma_start3A_91 = arith.constant 0 : i32
        %dma_start3A_92 = tpu.memref_slice %arg7[%dma_start3A_90, %dma_start3A_91] : memref<20x64xi32, #tpu.memory_space<vmem>> -> memref<1x64xi32, #tpu.memory_space<vmem>>
        %dma_start3A_93 = tpu.memref_squeeze %dma_start3A_92 : memref<1x64xi32, #tpu.memory_space<vmem>> -> memref<64xi32, #tpu.memory_space<vmem>>
        %dma_start3A_94 = arith.constant 0 : i32
        %dma_start3A_95 = arith.constant 0 : i32
        %dma_start3A_96 = tpu.memref_slice %arg2[%dma_start3A_94, %dma_start3A_95] : memref<10112x128xf32, #tpu.memory_space<hbm>> -> memref<10112x128xf32, #tpu.memory_space<hbm>>
        tpu.enqueue_indirect_dma source(%dma_start3A_96 : memref<10112x128xf32, #tpu.memory_space<hbm>>) target(%arg10 : memref<64x128xf32, #tpu.memory_space<vmem>>) offsets(%dma_start3A_93 : memref<64xi32, #tpu.memory_space<vmem>>) semaphore(%arg16 : memref<!tpu.dma_semaphore, #tpu.memory_space<semaphore_mem>>)
        %dma_start3A_97 = arith.constant 2 : i32
        %dma_start3A_98 = arith.constant 0 : i32
        %dma_start3A_99 = tpu.memref_slice %arg7[%dma_start3A_97, %dma_start3A_98] : memref<20x64xi32, #tpu.memory_space<vmem>> -> memref<1x64xi32, #tpu.memory_space<vmem>>
        %dma_start3A_100 = tpu.memref_squeeze %dma_start3A_99 : memref<1x64xi32, #tpu.memory_space<vmem>> -> memref<64xi32, #tpu.memory_space<vmem>>
        %dma_start3A_101 = arith.constant 0 : i32
        %dma_start3A_102 = arith.constant 0 : i32
        %dma_start3A_103 = tpu.memref_slice %arg2[%dma_start3A_101, %dma_start3A_102] : memref<10112x128xf32, #tpu.memory_space<hbm>> -> memref<10112x128xf32, #tpu.memory_space<hbm>>
        tpu.enqueue_indirect_dma source(%dma_start3A_103 : memref<10112x128xf32, #tpu.memory_space<hbm>>) target(%arg11 : memref<64x128xf32, #tpu.memory_space<vmem>>) offsets(%dma_start3A_100 : memref<64xi32, #tpu.memory_space<vmem>>) semaphore(%arg17 : memref<!tpu.dma_semaphore, #tpu.memory_space<semaphore_mem>>)
      } else {
      }
      %scan3A_43 = arith.constant 0 : i32
      %scan3A_44 = arith.constant 0 : i32
      %scan3A_45 = arith.constant 4 : i32
      %scan3A_46 = arith.addi %scan3A_44, %scan3A_45 : i32
      %scan3A_47 = arith.constant 1 : i32
      scf.for %scan3A_83 = %scan3A_44 to %scan3A_46 step %scan3A_47  : i32 {
        %mul3A_84 = arith.constant 5 : i32
        %mul3A_85 = arith.muli %scan3A_83, %mul3A_84 : i32
        %add3A_86 = arith.constant 0 : i32
        %add3A_87 = arith.addi %mul3A_85, %add3A_86 : i32
        %add3A_88 = arith.constant 3 : i32
        %add3A_89 = arith.addi %add3A_87, %add3A_88 : i32
        %lt3A = arith.constant 20 : i32
        %lt3A_90 = arith.cmpi slt, %add3A_89, %lt3A : i32
        %convert_element_type3A_91 = arith.extui %lt3A_90 : i1 to i32
        %cond3A_92 = arith.constant 0 : i32
        %cond3A_93 = arith.cmpi ne, %convert_element_type3A_91, %cond3A_92 : i32
        scf.if %cond3A_93 {
          %ge3A = arith.constant 5 : i32
          %ge3A_198 = arith.cmpi sge, %add3A_89, %ge3A : i32
          %convert_element_type3A_199 = arith.extui %ge3A_198 : i1 to i32
          %cond3A_200 = arith.constant 0 : i32
          %cond3A_201 = arith.cmpi ne, %convert_element_type3A_199, %cond3A_200 : i32
          scf.if %cond3A_201 {
            %sub3A = arith.constant 5 : i32
            %sub3A_208 = arith.subi %add3A_89, %sub3A : i32
            %dma_wait3A_209 = arith.constant 0 : i32
            %dma_wait3A_210 = tpu.memref_slice %arg8[%sub3A_208, %dma_wait3A_209] : memref<20x64xi32, #tpu.memory_space<vmem>> -> memref<1x64xi32, #tpu.memory_space<vmem>>
            %dma_wait3A_211 = tpu.memref_squeeze %dma_wait3A_210 : memref<1x64xi32, #tpu.memory_space<vmem>> -> memref<64xi32, #tpu.memory_space<vmem>>
            %dma_wait3A_212 = arith.constant 0 : i32
            %dma_wait3A_213 = arith.constant 0 : i32
            %dma_wait3A_214 = tpu.memref_slice %arg14[%dma_wait3A_212, %dma_wait3A_213] : memref<10112x128xf32, #tpu.memory_space<vmem_shared>> -> memref<10112x128xf32, #tpu.memory_space<vmem_shared>>
            tpu.wait_indirect_dma semaphore(%arg23 : memref<!tpu.dma_semaphore, #tpu.memory_space<semaphore_mem>>) src(%arg12 : memref<64x128xf32, #tpu.memory_space<vmem>>) dst(%dma_wait3A_214 : memref<10112x128xf32, #tpu.memory_space<vmem_shared>>)
          } else {
          }
          %dma_start3A_202 = arith.constant 0 : i32
          %dma_start3A_203 = tpu.memref_slice %arg7[%add3A_89, %dma_start3A_202] : memref<20x64xi32, #tpu.memory_space<vmem>> -> memref<1x64xi32, #tpu.memory_space<vmem>>
          %dma_start3A_204 = tpu.memref_squeeze %dma_start3A_203 : memref<1x64xi32, #tpu.memory_space<vmem>> -> memref<64xi32, #tpu.memory_space<vmem>>
          %dma_start3A_205 = arith.constant 0 : i32
          %dma_start3A_206 = arith.constant 0 : i32
          %dma_start3A_207 = tpu.memref_slice %arg2[%dma_start3A_205, %dma_start3A_206] : memref<10112x128xf32, #tpu.memory_space<hbm>> -> memref<10112x128xf32, #tpu.memory_space<hbm>>
          tpu.enqueue_indirect_dma source(%dma_start3A_207 : memref<10112x128xf32, #tpu.memory_space<hbm>>) target(%arg12 : memref<64x128xf32, #tpu.memory_space<vmem>>) offsets(%dma_start3A_204 : memref<64xi32, #tpu.memory_space<vmem>>) semaphore(%arg18 : memref<!tpu.dma_semaphore, #tpu.memory_space<semaphore_mem>>)
        } else {
        }
        %dma_wait3A_94 = arith.constant 0 : i32
        %dma_wait3A_95 = tpu.memref_slice %arg7[%add3A_87, %dma_wait3A_94] : memref<20x64xi32, #tpu.memory_space<vmem>> -> memref<1x64xi32, #tpu.memory_space<vmem>>
        %dma_wait3A_96 = tpu.memref_squeeze %dma_wait3A_95 : memref<1x64xi32, #tpu.memory_space<vmem>> -> memref<64xi32, #tpu.memory_space<vmem>>
        %dma_wait3A_97 = arith.constant 0 : i32
        %dma_wait3A_98 = arith.constant 0 : i32
        %dma_wait3A_99 = tpu.memref_slice %arg2[%dma_wait3A_97, %dma_wait3A_98] : memref<10112x128xf32, #tpu.memory_space<hbm>> -> memref<10112x128xf32, #tpu.memory_space<hbm>>
        tpu.wait_indirect_dma semaphore(%arg15 : memref<!tpu.dma_semaphore, #tpu.memory_space<semaphore_mem>>) src(%dma_wait3A_99 : memref<10112x128xf32, #tpu.memory_space<hbm>>) dst(%arg9 : memref<64x128xf32, #tpu.memory_space<vmem>>)
        %dma_start3A_100 = arith.constant 0 : i32
        %dma_start3A_101 = tpu.memref_slice %arg8[%add3A_87, %dma_start3A_100] : memref<20x64xi32, #tpu.memory_space<vmem>> -> memref<1x64xi32, #tpu.memory_space<vmem>>
        %dma_start3A_102 = tpu.memref_squeeze %dma_start3A_101 : memref<1x64xi32, #tpu.memory_space<vmem>> -> memref<64xi32, #tpu.memory_space<vmem>>
        %dma_start3A_103 = arith.constant 0 : i32
        %dma_start3A_104 = arith.constant 0 : i32
        %dma_start3A_105 = tpu.memref_slice %arg14[%dma_start3A_103, %dma_start3A_104] : memref<10112x128xf32, #tpu.memory_space<vmem_shared>> -> memref<10112x128xf32, #tpu.memory_space<vmem_shared>>
        tpu.enqueue_indirect_dma source(%arg9 : memref<64x128xf32, #tpu.memory_space<vmem>>) target(%dma_start3A_105 : memref<10112x128xf32, #tpu.memory_space<vmem_shared>>) offsets(%dma_start3A_102 : memref<64xi32, #tpu.memory_space<vmem>>) semaphore(%arg20 : memref<!tpu.dma_semaphore, #tpu.memory_space<semaphore_mem>>) {add = true}
        %mul3A_106 = arith.constant 5 : i32
        %mul3A_107 = arith.muli %scan3A_83, %mul3A_106 : i32
        %add3A_108 = arith.constant 1 : i32
        %add3A_109 = arith.addi %mul3A_107, %add3A_108 : i32
        %add3A_110 = arith.constant 3 : i32
        %add3A_111 = arith.addi %add3A_109, %add3A_110 : i32
        %lt3A_112 = arith.constant 20 : i32
        %lt3A_113 = arith.cmpi slt, %add3A_111, %lt3A_112 : i32
        %convert_element_type3A_114 = arith.extui %lt3A_113 : i1 to i32
        %cond3A_115 = arith.constant 0 : i32
        %cond3A_116 = arith.cmpi ne, %convert_element_type3A_114, %cond3A_115 : i32
        scf.if %cond3A_116 {
          %ge3A = arith.constant 5 : i32
          %ge3A_198 = arith.cmpi sge, %add3A_111, %ge3A : i32
          %convert_element_type3A_199 = arith.extui %ge3A_198 : i1 to i32
          %cond3A_200 = arith.constant 0 : i32
          %cond3A_201 = arith.cmpi ne, %convert_element_type3A_199, %cond3A_200 : i32
          scf.if %cond3A_201 {
            %sub3A = arith.constant 5 : i32
            %sub3A_208 = arith.subi %add3A_111, %sub3A : i32
            %dma_wait3A_209 = arith.constant 0 : i32
            %dma_wait3A_210 = tpu.memref_slice %arg8[%sub3A_208, %dma_wait3A_209] : memref<20x64xi32, #tpu.memory_space<vmem>> -> memref<1x64xi32, #tpu.memory_space<vmem>>
            %dma_wait3A_211 = tpu.memref_squeeze %dma_wait3A_210 : memref<1x64xi32, #tpu.memory_space<vmem>> -> memref<64xi32, #tpu.memory_space<vmem>>
            %dma_wait3A_212 = arith.constant 0 : i32
            %dma_wait3A_213 = arith.constant 0 : i32
            %dma_wait3A_214 = tpu.memref_slice %arg14[%dma_wait3A_212, %dma_wait3A_213] : memref<10112x128xf32, #tpu.memory_space<vmem_shared>> -> memref<10112x128xf32, #tpu.memory_space<vmem_shared>>
            tpu.wait_indirect_dma semaphore(%arg24 : memref<!tpu.dma_semaphore, #tpu.memory_space<semaphore_mem>>) src(%arg13 : memref<64x128xf32, #tpu.memory_space<vmem>>) dst(%dma_wait3A_214 : memref<10112x128xf32, #tpu.memory_space<vmem_shared>>)
          } else {
          }
          %dma_start3A_202 = arith.constant 0 : i32
          %dma_start3A_203 = tpu.memref_slice %arg7[%add3A_111, %dma_start3A_202] : memref<20x64xi32, #tpu.memory_space<vmem>> -> memref<1x64xi32, #tpu.memory_space<vmem>>
          %dma_start3A_204 = tpu.memref_squeeze %dma_start3A_203 : memref<1x64xi32, #tpu.memory_space<vmem>> -> memref<64xi32, #tpu.memory_space<vmem>>
          %dma_start3A_205 = arith.constant 0 : i32
          %dma_start3A_206 = arith.constant 0 : i32
          %dma_start3A_207 = tpu.memref_slice %arg2[%dma_start3A_205, %dma_start3A_206] : memref<10112x128xf32, #tpu.memory_space<hbm>> -> memref<10112x128xf32, #tpu.memory_space<hbm>>
          tpu.enqueue_indirect_dma source(%dma_start3A_207 : memref<10112x128xf32, #tpu.memory_space<hbm>>) target(%arg13 : memref<64x128xf32, #tpu.memory_space<vmem>>) offsets(%dma_start3A_204 : memref<64xi32, #tpu.memory_space<vmem>>) semaphore(%arg19 : memref<!tpu.dma_semaphore, #tpu.memory_space<semaphore_mem>>)
        } else {
        }
        %dma_wait3A_117 = arith.constant 0 : i32
        %dma_wait3A_118 = tpu.memref_slice %arg7[%add3A_109, %dma_wait3A_117] : memref<20x64xi32, #tpu.memory_space<vmem>> -> memref<1x64xi32, #tpu.memory_space<vmem>>
        %dma_wait3A_119 = tpu.memref_squeeze %dma_wait3A_118 : memref<1x64xi32, #tpu.memory_space<vmem>> -> memref<64xi32, #tpu.memory_space<vmem>>
        %dma_wait3A_120 = arith.constant 0 : i32
        %dma_wait3A_121 = arith.constant 0 : i32
        %dma_wait3A_122 = tpu.memref_slice %arg2[%dma_wait3A_120, %dma_wait3A_121] : memref<10112x128xf32, #tpu.memory_space<hbm>> -> memref<10112x128xf32, #tpu.memory_space<hbm>>
        tpu.wait_indirect_dma semaphore(%arg16 : memref<!tpu.dma_semaphore, #tpu.memory_space<semaphore_mem>>) src(%dma_wait3A_122 : memref<10112x128xf32, #tpu.memory_space<hbm>>) dst(%arg10 : memref<64x128xf32, #tpu.memory_space<vmem>>)
        %dma_start3A_123 = arith.constant 0 : i32
        %dma_start3A_124 = tpu.memref_slice %arg8[%add3A_109, %dma_start3A_123] : memref<20x64xi32, #tpu.memory_space<vmem>> -> memref<1x64xi32, #tpu.memory_space<vmem>>
        %dma_start3A_125 = tpu.memref_squeeze %dma_start3A_124 : memref<1x64xi32, #tpu.memory_space<vmem>> -> memref<64xi32, #tpu.memory_space<vmem>>
        %dma_start3A_126 = arith.constant 0 : i32
        %dma_start3A_127 = arith.constant 0 : i32
        %dma_start3A_128 = tpu.memref_slice %arg14[%dma_start3A_126, %dma_start3A_127] : memref<10112x128xf32, #tpu.memory_space<vmem_shared>> -> memref<10112x128xf32, #tpu.memory_space<vmem_shared>>
        tpu.enqueue_indirect_dma source(%arg10 : memref<64x128xf32, #tpu.memory_space<vmem>>) target(%dma_start3A_128 : memref<10112x128xf32, #tpu.memory_space<vmem_shared>>) offsets(%dma_start3A_125 : memref<64xi32, #tpu.memory_space<vmem>>) semaphore(%arg21 : memref<!tpu.dma_semaphore, #tpu.memory_space<semaphore_mem>>) {add = true}
        %mul3A_129 = arith.constant 5 : i32
        %mul3A_130 = arith.muli %scan3A_83, %mul3A_129 : i32
        %add3A_131 = arith.constant 2 : i32
        %add3A_132 = arith.addi %mul3A_130, %add3A_131 : i32
        %add3A_133 = arith.constant 3 : i32
        %add3A_134 = arith.addi %add3A_132, %add3A_133 : i32
        %lt3A_135 = arith.constant 20 : i32
        %lt3A_136 = arith.cmpi slt, %add3A_134, %lt3A_135 : i32
        %convert_element_type3A_137 = arith.extui %lt3A_136 : i1 to i32
        %cond3A_138 = arith.constant 0 : i32
        %cond3A_139 = arith.cmpi ne, %convert_element_type3A_137, %cond3A_138 : i32
        scf.if %cond3A_139 {
          %ge3A = arith.constant 5 : i32
          %ge3A_198 = arith.cmpi sge, %add3A_134, %ge3A : i32
          %convert_element_type3A_199 = arith.extui %ge3A_198 : i1 to i32
          %cond3A_200 = arith.constant 0 : i32
          %cond3A_201 = arith.cmpi ne, %convert_element_type3A_199, %cond3A_200 : i32
          scf.if %cond3A_201 {
            %sub3A = arith.constant 5 : i32
            %sub3A_208 = arith.subi %add3A_134, %sub3A : i32
            %dma_wait3A_209 = arith.constant 0 : i32
            %dma_wait3A_210 = tpu.memref_slice %arg8[%sub3A_208, %dma_wait3A_209] : memref<20x64xi32, #tpu.memory_space<vmem>> -> memref<1x64xi32, #tpu.memory_space<vmem>>
            %dma_wait3A_211 = tpu.memref_squeeze %dma_wait3A_210 : memref<1x64xi32, #tpu.memory_space<vmem>> -> memref<64xi32, #tpu.memory_space<vmem>>
            %dma_wait3A_212 = arith.constant 0 : i32
            %dma_wait3A_213 = arith.constant 0 : i32
            %dma_wait3A_214 = tpu.memref_slice %arg14[%dma_wait3A_212, %dma_wait3A_213] : memref<10112x128xf32, #tpu.memory_space<vmem_shared>> -> memref<10112x128xf32, #tpu.memory_space<vmem_shared>>
            tpu.wait_indirect_dma semaphore(%arg20 : memref<!tpu.dma_semaphore, #tpu.memory_space<semaphore_mem>>) src(%arg9 : memref<64x128xf32, #tpu.memory_space<vmem>>) dst(%dma_wait3A_214 : memref<10112x128xf32, #tpu.memory_space<vmem_shared>>)
          } else {
          }
          %dma_start3A_202 = arith.constant 0 : i32
          %dma_start3A_203 = tpu.memref_slice %arg7[%add3A_134, %dma_start3A_202] : memref<20x64xi32, #tpu.memory_space<vmem>> -> memref<1x64xi32, #tpu.memory_space<vmem>>
          %dma_start3A_204 = tpu.memref_squeeze %dma_start3A_203 : memref<1x64xi32, #tpu.memory_space<vmem>> -> memref<64xi32, #tpu.memory_space<vmem>>
          %dma_start3A_205 = arith.constant 0 : i32
          %dma_start3A_206 = arith.constant 0 : i32
          %dma_start3A_207 = tpu.memref_slice %arg2[%dma_start3A_205, %dma_start3A_206] : memref<10112x128xf32, #tpu.memory_space<hbm>> -> memref<10112x128xf32, #tpu.memory_space<hbm>>
          tpu.enqueue_indirect_dma source(%dma_start3A_207 : memref<10112x128xf32, #tpu.memory_space<hbm>>) target(%arg9 : memref<64x128xf32, #tpu.memory_space<vmem>>) offsets(%dma_start3A_204 : memref<64xi32, #tpu.memory_space<vmem>>) semaphore(%arg15 : memref<!tpu.dma_semaphore, #tpu.memory_space<semaphore_mem>>)
        } else {
        }
        %dma_wait3A_140 = arith.constant 0 : i32
        %dma_wait3A_141 = tpu.memref_slice %arg7[%add3A_132, %dma_wait3A_140] : memref<20x64xi32, #tpu.memory_space<vmem>> -> memref<1x64xi32, #tpu.memory_space<vmem>>
        %dma_wait3A_142 = tpu.memref_squeeze %dma_wait3A_141 : memref<1x64xi32, #tpu.memory_space<vmem>> -> memref<64xi32, #tpu.memory_space<vmem>>
        %dma_wait3A_143 = arith.constant 0 : i32
        %dma_wait3A_144 = arith.constant 0 : i32
        %dma_wait3A_145 = tpu.memref_slice %arg2[%dma_wait3A_143, %dma_wait3A_144] : memref<10112x128xf32, #tpu.memory_space<hbm>> -> memref<10112x128xf32, #tpu.memory_space<hbm>>
        tpu.wait_indirect_dma semaphore(%arg17 : memref<!tpu.dma_semaphore, #tpu.memory_space<semaphore_mem>>) src(%dma_wait3A_145 : memref<10112x128xf32, #tpu.memory_space<hbm>>) dst(%arg11 : memref<64x128xf32, #tpu.memory_space<vmem>>)
        %dma_start3A_146 = arith.constant 0 : i32
        %dma_start3A_147 = tpu.memref_slice %arg8[%add3A_132, %dma_start3A_146] : memref<20x64xi32, #tpu.memory_space<vmem>> -> memref<1x64xi32, #tpu.memory_space<vmem>>
        %dma_start3A_148 = tpu.memref_squeeze %dma_start3A_147 : memref<1x64xi32, #tpu.memory_space<vmem>> -> memref<64xi32, #tpu.memory_space<vmem>>
        %dma_start3A_149 = arith.constant 0 : i32
        %dma_start3A_150 = arith.constant 0 : i32
        %dma_start3A_151 = tpu.memref_slice %arg14[%dma_start3A_149, %dma_start3A_150] : memref<10112x128xf32, #tpu.memory_space<vmem_shared>> -> memref<10112x128xf32, #tpu.memory_space<vmem_shared>>
        tpu.enqueue_indirect_dma source(%arg11 : memref<64x128xf32, #tpu.memory_space<vmem>>) target(%dma_start3A_151 : memref<10112x128xf32, #tpu.memory_space<vmem_shared>>) offsets(%dma_start3A_148 : memref<64xi32, #tpu.memory_space<vmem>>) semaphore(%arg22 : memref<!tpu.dma_semaphore, #tpu.memory_space<semaphore_mem>>) {add = true}
        %mul3A_152 = arith.constant 5 : i32
        %mul3A_153 = arith.muli %scan3A_83, %mul3A_152 : i32
        %add3A_154 = arith.constant 3 : i32
        %add3A_155 = arith.addi %mul3A_153, %add3A_154 : i32
        %add3A_156 = arith.constant 3 : i32
        %add3A_157 = arith.addi %add3A_155, %add3A_156 : i32
        %lt3A_158 = arith.constant 20 : i32
        %lt3A_159 = arith.cmpi slt, %add3A_157, %lt3A_158 : i32
        %convert_element_type3A_160 = arith.extui %lt3A_159 : i1 to i32
        %cond3A_161 = arith.constant 0 : i32
        %cond3A_162 = arith.cmpi ne, %convert_element_type3A_160, %cond3A_161 : i32
        scf.if %cond3A_162 {
          %ge3A = arith.constant 5 : i32
          %ge3A_198 = arith.cmpi sge, %add3A_157, %ge3A : i32
          %convert_element_type3A_199 = arith.extui %ge3A_198 : i1 to i32
          %cond3A_200 = arith.constant 0 : i32
          %cond3A_201 = arith.cmpi ne, %convert_element_type3A_199, %cond3A_200 : i32
          scf.if %cond3A_201 {
            %sub3A = arith.constant 5 : i32
            %sub3A_208 = arith.subi %add3A_157, %sub3A : i32
            %dma_wait3A_209 = arith.constant 0 : i32
            %dma_wait3A_210 = tpu.memref_slice %arg8[%sub3A_208, %dma_wait3A_209] : memref<20x64xi32, #tpu.memory_space<vmem>> -> memref<1x64xi32, #tpu.memory_space<vmem>>
            %dma_wait3A_211 = tpu.memref_squeeze %dma_wait3A_210 : memref<1x64xi32, #tpu.memory_space<vmem>> -> memref<64xi32, #tpu.memory_space<vmem>>
            %dma_wait3A_212 = arith.constant 0 : i32
            %dma_wait3A_213 = arith.constant 0 : i32
            %dma_wait3A_214 = tpu.memref_slice %arg14[%dma_wait3A_212, %dma_wait3A_213] : memref<10112x128xf32, #tpu.memory_space<vmem_shared>> -> memref<10112x128xf32, #tpu.memory_space<vmem_shared>>
            tpu.wait_indirect_dma semaphore(%arg21 : memref<!tpu.dma_semaphore, #tpu.memory_space<semaphore_mem>>) src(%arg10 : memref<64x128xf32, #tpu.memory_space<vmem>>) dst(%dma_wait3A_214 : memref<10112x128xf32, #tpu.memory_space<vmem_shared>>)
          } else {
          }
          %dma_start3A_202 = arith.constant 0 : i32
          %dma_start3A_203 = tpu.memref_slice %arg7[%add3A_157, %dma_start3A_202] : memref<20x64xi32, #tpu.memory_space<vmem>> -> memref<1x64xi32, #tpu.memory_space<vmem>>
          %dma_start3A_204 = tpu.memref_squeeze %dma_start3A_203 : memref<1x64xi32, #tpu.memory_space<vmem>> -> memref<64xi32, #tpu.memory_space<vmem>>
          %dma_start3A_205 = arith.constant 0 : i32
          %dma_start3A_206 = arith.constant 0 : i32
          %dma_start3A_207 = tpu.memref_slice %arg2[%dma_start3A_205, %dma_start3A_206] : memref<10112x128xf32, #tpu.memory_space<hbm>> -> memref<10112x128xf32, #tpu.memory_space<hbm>>
          tpu.enqueue_indirect_dma source(%dma_start3A_207 : memref<10112x128xf32, #tpu.memory_space<hbm>>) target(%arg10 : memref<64x128xf32, #tpu.memory_space<vmem>>) offsets(%dma_start3A_204 : memref<64xi32, #tpu.memory_space<vmem>>) semaphore(%arg16 : memref<!tpu.dma_semaphore, #tpu.memory_space<semaphore_mem>>)
        } else {
        }
        %dma_wait3A_163 = arith.constant 0 : i32
        %dma_wait3A_164 = tpu.memref_slice %arg7[%add3A_155, %dma_wait3A_163] : memref<20x64xi32, #tpu.memory_space<vmem>> -> memref<1x64xi32, #tpu.memory_space<vmem>>
        %dma_wait3A_165 = tpu.memref_squeeze %dma_wait3A_164 : memref<1x64xi32, #tpu.memory_space<vmem>> -> memref<64xi32, #tpu.memory_space<vmem>>
        %dma_wait3A_166 = arith.constant 0 : i32
        %dma_wait3A_167 = arith.constant 0 : i32
        %dma_wait3A_168 = tpu.memref_slice %arg2[%dma_wait3A_166, %dma_wait3A_167] : memref<10112x128xf32, #tpu.memory_space<hbm>> -> memref<10112x128xf32, #tpu.memory_space<hbm>>
        tpu.wait_indirect_dma semaphore(%arg18 : memref<!tpu.dma_semaphore, #tpu.memory_space<semaphore_mem>>) src(%dma_wait3A_168 : memref<10112x128xf32, #tpu.memory_space<hbm>>) dst(%arg12 : memref<64x128xf32, #tpu.memory_space<vmem>>)
        %dma_start3A_169 = arith.constant 0 : i32
        %dma_start3A_170 = tpu.memref_slice %arg8[%add3A_155, %dma_start3A_169] : memref<20x64xi32, #tpu.memory_space<vmem>> -> memref<1x64xi32, #tpu.memory_space<vmem>>
        %dma_start3A_171 = tpu.memref_squeeze %dma_start3A_170 : memref<1x64xi32, #tpu.memory_space<vmem>> -> memref<64xi32, #tpu.memory_space<vmem>>
        %dma_start3A_172 = arith.constant 0 : i32
        %dma_start3A_173 = arith.constant 0 : i32
        %dma_start3A_174 = tpu.memref_slice %arg14[%dma_start3A_172, %dma_start3A_173] : memref<10112x128xf32, #tpu.memory_space<vmem_shared>> -> memref<10112x128xf32, #tpu.memory_space<vmem_shared>>
        tpu.enqueue_indirect_dma source(%arg12 : memref<64x128xf32, #tpu.memory_space<vmem>>) target(%dma_start3A_174 : memref<10112x128xf32, #tpu.memory_space<vmem_shared>>) offsets(%dma_start3A_171 : memref<64xi32, #tpu.memory_space<vmem>>) semaphore(%arg23 : memref<!tpu.dma_semaphore, #tpu.memory_space<semaphore_mem>>) {add = true}
        %mul3A_175 = arith.constant 5 : i32
        %mul3A_176 = arith.muli %scan3A_83, %mul3A_175 : i32
        %add3A_177 = arith.constant 4 : i32
        %add3A_178 = arith.addi %mul3A_176, %add3A_177 : i32
        %add3A_179 = arith.constant 3 : i32
        %add3A_180 = arith.addi %add3A_178, %add3A_179 : i32
        %lt3A_181 = arith.constant 20 : i32
        %lt3A_182 = arith.cmpi slt, %add3A_180, %lt3A_181 : i32
        %convert_element_type3A_183 = arith.extui %lt3A_182 : i1 to i32
        %cond3A_184 = arith.constant 0 : i32
        %cond3A_185 = arith.cmpi ne, %convert_element_type3A_183, %cond3A_184 : i32
        scf.if %cond3A_185 {
          %ge3A = arith.constant 5 : i32
          %ge3A_198 = arith.cmpi sge, %add3A_180, %ge3A : i32
          %convert_element_type3A_199 = arith.extui %ge3A_198 : i1 to i32
          %cond3A_200 = arith.constant 0 : i32
          %cond3A_201 = arith.cmpi ne, %convert_element_type3A_199, %cond3A_200 : i32
          scf.if %cond3A_201 {
            %sub3A = arith.constant 5 : i32
            %sub3A_208 = arith.subi %add3A_180, %sub3A : i32
            %dma_wait3A_209 = arith.constant 0 : i32
            %dma_wait3A_210 = tpu.memref_slice %arg8[%sub3A_208, %dma_wait3A_209] : memref<20x64xi32, #tpu.memory_space<vmem>> -> memref<1x64xi32, #tpu.memory_space<vmem>>
            %dma_wait3A_211 = tpu.memref_squeeze %dma_wait3A_210 : memref<1x64xi32, #tpu.memory_space<vmem>> -> memref<64xi32, #tpu.memory_space<vmem>>
            %dma_wait3A_212 = arith.constant 0 : i32
            %dma_wait3A_213 = arith.constant 0 : i32
            %dma_wait3A_214 = tpu.memref_slice %arg14[%dma_wait3A_212, %dma_wait3A_213] : memref<10112x128xf32, #tpu.memory_space<vmem_shared>> -> memref<10112x128xf32, #tpu.memory_space<vmem_shared>>
            tpu.wait_indirect_dma semaphore(%arg22 : memref<!tpu.dma_semaphore, #tpu.memory_space<semaphore_mem>>) src(%arg11 : memref<64x128xf32, #tpu.memory_space<vmem>>) dst(%dma_wait3A_214 : memref<10112x128xf32, #tpu.memory_space<vmem_shared>>)
          } else {
          }
          %dma_start3A_202 = arith.constant 0 : i32
          %dma_start3A_203 = tpu.memref_slice %arg7[%add3A_180, %dma_start3A_202] : memref<20x64xi32, #tpu.memory_space<vmem>> -> memref<1x64xi32, #tpu.memory_space<vmem>>
          %dma_start3A_204 = tpu.memref_squeeze %dma_start3A_203 : memref<1x64xi32, #tpu.memory_space<vmem>> -> memref<64xi32, #tpu.memory_space<vmem>>
          %dma_start3A_205 = arith.constant 0 : i32
          %dma_start3A_206 = arith.constant 0 : i32
          %dma_start3A_207 = tpu.memref_slice %arg2[%dma_start3A_205, %dma_start3A_206] : memref<10112x128xf32, #tpu.memory_space<hbm>> -> memref<10112x128xf32, #tpu.memory_space<hbm>>
          tpu.enqueue_indirect_dma source(%dma_start3A_207 : memref<10112x128xf32, #tpu.memory_space<hbm>>) target(%arg11 : memref<64x128xf32, #tpu.memory_space<vmem>>) offsets(%dma_start3A_204 : memref<64xi32, #tpu.memory_space<vmem>>) semaphore(%arg17 : memref<!tpu.dma_semaphore, #tpu.memory_space<semaphore_mem>>)
        } else {
        }
        %dma_wait3A_186 = arith.constant 0 : i32
        %dma_wait3A_187 = tpu.memref_slice %arg7[%add3A_178, %dma_wait3A_186] : memref<20x64xi32, #tpu.memory_space<vmem>> -> memref<1x64xi32, #tpu.memory_space<vmem>>
        %dma_wait3A_188 = tpu.memref_squeeze %dma_wait3A_187 : memref<1x64xi32, #tpu.memory_space<vmem>> -> memref<64xi32, #tpu.memory_space<vmem>>
        %dma_wait3A_189 = arith.constant 0 : i32
        %dma_wait3A_190 = arith.constant 0 : i32
        %dma_wait3A_191 = tpu.memref_slice %arg2[%dma_wait3A_189, %dma_wait3A_190] : memref<10112x128xf32, #tpu.memory_space<hbm>> -> memref<10112x128xf32, #tpu.memory_space<hbm>>
        tpu.wait_indirect_dma semaphore(%arg19 : memref<!tpu.dma_semaphore, #tpu.memory_space<semaphore_mem>>) src(%dma_wait3A_191 : memref<10112x128xf32, #tpu.memory_space<hbm>>) dst(%arg13 : memref<64x128xf32, #tpu.memory_space<vmem>>)
        %dma_start3A_192 = arith.constant 0 : i32
        %dma_start3A_193 = tpu.memref_slice %arg8[%add3A_178, %dma_start3A_192] : memref<20x64xi32, #tpu.memory_space<vmem>> -> memref<1x64xi32, #tpu.memory_space<vmem>>
        %dma_start3A_194 = tpu.memref_squeeze %dma_start3A_193 : memref<1x64xi32, #tpu.memory_space<vmem>> -> memref<64xi32, #tpu.memory_space<vmem>>
        %dma_start3A_195 = arith.constant 0 : i32
        %dma_start3A_196 = arith.constant 0 : i32
        %dma_start3A_197 = tpu.memref_slice %arg14[%dma_start3A_195, %dma_start3A_196] : memref<10112x128xf32, #tpu.memory_space<vmem_shared>> -> memref<10112x128xf32, #tpu.memory_space<vmem_shared>>
        tpu.enqueue_indirect_dma source(%arg13 : memref<64x128xf32, #tpu.memory_space<vmem>>) target(%dma_start3A_197 : memref<10112x128xf32, #tpu.memory_space<vmem_shared>>) offsets(%dma_start3A_194 : memref<64xi32, #tpu.memory_space<vmem>>) semaphore(%arg24 : memref<!tpu.dma_semaphore, #tpu.memory_space<semaphore_mem>>) {add = true}
      }
      %scan3A_48 = arith.constant 4 : i32
      %dma_wait3A = arith.constant 15 : i32
      %dma_wait3A_49 = arith.constant 0 : i32
      %dma_wait3A_50 = tpu.memref_slice %arg8[%dma_wait3A, %dma_wait3A_49] : memref<20x64xi32, #tpu.memory_space<vmem>> -> memref<1x64xi32, #tpu.memory_space<vmem>>
      %dma_wait3A_51 = tpu.memref_squeeze %dma_wait3A_50 : memref<1x64xi32, #tpu.memory_space<vmem>> -> memref<64xi32, #tpu.memory_space<vmem>>
      %dma_wait3A_52 = arith.constant 0 : i32
      %dma_wait3A_53 = arith.constant 0 : i32
      %dma_wait3A_54 = tpu.memref_slice %arg14[%dma_wait3A_52, %dma_wait3A_53] : memref<10112x128xf32, #tpu.memory_space<vmem_shared>> -> memref<10112x128xf32, #tpu.memory_space<vmem_shared>>
      tpu.wait_indirect_dma semaphore(%arg20 : memref<!tpu.dma_semaphore, #tpu.memory_space<semaphore_mem>>) src(%arg9 : memref<64x128xf32, #tpu.memory_space<vmem>>) dst(%dma_wait3A_54 : memref<10112x128xf32, #tpu.memory_space<vmem_shared>>)
      %dma_wait3A_55 = arith.constant 16 : i32
      %dma_wait3A_56 = arith.constant 0 : i32
      %dma_wait3A_57 = tpu.memref_slice %arg8[%dma_wait3A_55, %dma_wait3A_56] : memref<20x64xi32, #tpu.memory_space<vmem>> -> memref<1x64xi32, #tpu.memory_space<vmem>>
      %dma_wait3A_58 = tpu.memref_squeeze %dma_wait3A_57 : memref<1x64xi32, #tpu.memory_space<vmem>> -> memref<64xi32, #tpu.memory_space<vmem>>
      %dma_wait3A_59 = arith.constant 0 : i32
      %dma_wait3A_60 = arith.constant 0 : i32
      %dma_wait3A_61 = tpu.memref_slice %arg14[%dma_wait3A_59, %dma_wait3A_60] : memref<10112x128xf32, #tpu.memory_space<vmem_shared>> -> memref<10112x128xf32, #tpu.memory_space<vmem_shared>>
      tpu.wait_indirect_dma semaphore(%arg21 : memref<!tpu.dma_semaphore, #tpu.memory_space<semaphore_mem>>) src(%arg10 : memref<64x128xf32, #tpu.memory_space<vmem>>) dst(%dma_wait3A_61 : memref<10112x128xf32, #tpu.memory_space<vmem_shared>>)
      %dma_wait3A_62 = arith.constant 17 : i32
      %dma_wait3A_63 = arith.constant 0 : i32
      %dma_wait3A_64 = tpu.memref_slice %arg8[%dma_wait3A_62, %dma_wait3A_63] : memref<20x64xi32, #tpu.memory_space<vmem>> -> memref<1x64xi32, #tpu.memory_space<vmem>>
      %dma_wait3A_65 = tpu.memref_squeeze %dma_wait3A_64 : memref<1x64xi32, #tpu.memory_space<vmem>> -> memref<64xi32, #tpu.memory_space<vmem>>
      %dma_wait3A_66 = arith.constant 0 : i32
      %dma_wait3A_67 = arith.constant 0 : i32
      %dma_wait3A_68 = tpu.memref_slice %arg14[%dma_wait3A_66, %dma_wait3A_67] : memref<10112x128xf32, #tpu.memory_space<vmem_shared>> -> memref<10112x128xf32, #tpu.memory_space<vmem_shared>>
      tpu.wait_indirect_dma semaphore(%arg22 : memref<!tpu.dma_semaphore, #tpu.memory_space<semaphore_mem>>) src(%arg11 : memref<64x128xf32, #tpu.memory_space<vmem>>) dst(%dma_wait3A_68 : memref<10112x128xf32, #tpu.memory_space<vmem_shared>>)
      %dma_wait3A_69 = arith.constant 18 : i32
      %dma_wait3A_70 = arith.constant 0 : i32
      %dma_wait3A_71 = tpu.memref_slice %arg8[%dma_wait3A_69, %dma_wait3A_70] : memref<20x64xi32, #tpu.memory_space<vmem>> -> memref<1x64xi32, #tpu.memory_space<vmem>>
      %dma_wait3A_72 = tpu.memref_squeeze %dma_wait3A_71 : memref<1x64xi32, #tpu.memory_space<vmem>> -> memref<64xi32, #tpu.memory_space<vmem>>
      %dma_wait3A_73 = arith.constant 0 : i32
      %dma_wait3A_74 = arith.constant 0 : i32
      %dma_wait3A_75 = tpu.memref_slice %arg14[%dma_wait3A_73, %dma_wait3A_74] : memref<10112x128xf32, #tpu.memory_space<vmem_shared>> -> memref<10112x128xf32, #tpu.memory_space<vmem_shared>>
      tpu.wait_indirect_dma semaphore(%arg23 : memref<!tpu.dma_semaphore, #tpu.memory_space<semaphore_mem>>) src(%arg12 : memref<64x128xf32, #tpu.memory_space<vmem>>) dst(%dma_wait3A_75 : memref<10112x128xf32, #tpu.memory_space<vmem_shared>>)
      %dma_wait3A_76 = arith.constant 19 : i32
      %dma_wait3A_77 = arith.constant 0 : i32
      %dma_wait3A_78 = tpu.memref_slice %arg8[%dma_wait3A_76, %dma_wait3A_77] : memref<20x64xi32, #tpu.memory_space<vmem>> -> memref<1x64xi32, #tpu.memory_space<vmem>>
      %dma_wait3A_79 = tpu.memref_squeeze %dma_wait3A_78 : memref<1x64xi32, #tpu.memory_space<vmem>> -> memref<64xi32, #tpu.memory_space<vmem>>
      %dma_wait3A_80 = arith.constant 0 : i32
      %dma_wait3A_81 = arith.constant 0 : i32
      %dma_wait3A_82 = tpu.memref_slice %arg14[%dma_wait3A_80, %dma_wait3A_81] : memref<10112x128xf32, #tpu.memory_space<vmem_shared>> -> memref<10112x128xf32, #tpu.memory_space<vmem_shared>>
      tpu.wait_indirect_dma semaphore(%arg24 : memref<!tpu.dma_semaphore, #tpu.memory_space<semaphore_mem>>) src(%arg13 : memref<64x128xf32, #tpu.memory_space<vmem>>) dst(%dma_wait3A_82 : memref<10112x128xf32, #tpu.memory_space<vmem_shared>>)
    }
    %scan3A_32 = arith.constant 8 : i32
    %barrier3A_33 = arith.constant 0 : index
    tpu.barrier barrier_id(%barrier3A_33)
    %mul3A_34 = arith.constant 632 : i32
    %mul3A_35 = arith.muli %arg1, %mul3A_34 : i32
    %mul3A_36 = arith.constant 632 : i32
    %mul3A_37 = arith.muli %arg1, %mul3A_36 : i32
    "tpu.region"() ({
      %run_scoped3A_38 = tpu.sem_alloc : memref<!tpu.dma_semaphore, #tpu.memory_space<semaphore_mem>>
      %dma_start3A_39 = arith.constant 0 : i32
      %dma_start3A_40 = tpu.memref_slice %arg6[%arg0, %mul3A_37, %dma_start3A_39] : memref<2x10112x128xf32, #tpu.memory_space<hbm>> -> memref<1x632x128xf32, #tpu.memory_space<hbm>>
      %dma_start3A_41 = tpu.memref_squeeze %dma_start3A_40 : memref<1x632x128xf32, #tpu.memory_space<hbm>> -> memref<632x128xf32, #tpu.memory_space<hbm>>
      %dma_start3A_42 = arith.constant 0 : i32
      %dma_start3A_43 = tpu.memref_slice %arg14[%mul3A_35, %dma_start3A_42] : memref<10112x128xf32, #tpu.memory_space<vmem_shared>> -> memref<632x128xf32, #tpu.memory_space<vmem_shared>>
      tpu.enqueue_dma source(%dma_start3A_43 : memref<632x128xf32, #tpu.memory_space<vmem_shared>>) target(%dma_start3A_41 : memref<632x128xf32, #tpu.memory_space<hbm>>) target_semaphore(%run_scoped3A_38 : memref<!tpu.dma_semaphore, #tpu.memory_space<semaphore_mem>>)
      %dma_wait3A = arith.constant 0 : i32
      %dma_wait3A_44 = tpu.memref_slice %arg6[%arg0, %mul3A_37, %dma_wait3A] : memref<2x10112x128xf32, #tpu.memory_space<hbm>> -> memref<1x632x128xf32, #tpu.memory_space<hbm>>
      %dma_wait3A_45 = tpu.memref_squeeze %dma_wait3A_44 : memref<1x632x128xf32, #tpu.memory_space<hbm>> -> memref<632x128xf32, #tpu.memory_space<hbm>>
      %dma_wait3A_46 = arith.constant 0 : i32
      %dma_wait3A_47 = tpu.memref_slice %arg14[%mul3A_35, %dma_wait3A_46] : memref<10112x128xf32, #tpu.memory_space<vmem_shared>> -> memref<632x128xf32, #tpu.memory_space<vmem_shared>>
      tpu.wait_dma2 semaphore(%run_scoped3A_38 : memref<!tpu.dma_semaphore, #tpu.memory_space<semaphore_mem>>) src(%dma_wait3A_47 : memref<632x128xf32, #tpu.memory_space<vmem_shared>>) dst(%dma_wait3A_45 : memref<632x128xf32, #tpu.memory_space<hbm>>)
      tpu.yield
    }) : () -> ()
    return
  }
}

#map = affine_map<(d0, d1) -> (0, 0)>
#map1 = affine_map<(d0, d1) -> (0, 0, 0, 0)>
#map2 = affine_map<(d0, d1) -> (0, 0, 0)>
module attributes {stable_mosaic.version = 14 : i64} {
  func.func @agg_kernel(%arg0: i32, %arg1: i32, %arg2: memref<10112x128xf32, #tpu.memory_space<hbm>>, %arg3: memref<32x8x20x64xi32, #tpu.memory_space<hbm>>, %arg4: memref<32x8x20x64xi32, #tpu.memory_space<hbm>>, %arg5: memref<632x128xf32, #tpu.memory_space<hbm>>, %arg6: memref<2x10112x128xf32, #tpu.memory_space<hbm>>, %arg7: memref<20x64xi32, #tpu.memory_space<vmem>>, %arg8: memref<20x64xi32, #tpu.memory_space<vmem>>, %arg9: memref<64x128xf32, #tpu.memory_space<vmem>>, %arg10: memref<64x128xf32, #tpu.memory_space<vmem>>, %arg11: memref<64x128xf32, #tpu.memory_space<vmem>>, %arg12: memref<64x128xf32, #tpu.memory_space<vmem>>, %arg13: memref<64x128xf32, #tpu.memory_space<vmem>>, %arg14: memref<10112x128xf32, #tpu.memory_space<vmem_shared>>, %arg15: memref<!tpu.dma_semaphore, #tpu.memory_space<semaphore_mem>>, %arg16: memref<!tpu.dma_semaphore, #tpu.memory_space<semaphore_mem>>, %arg17: memref<!tpu.dma_semaphore, #tpu.memory_space<semaphore_mem>>, %arg18: memref<!tpu.dma_semaphore, #tpu.memory_space<semaphore_mem>>, %arg19: memref<!tpu.dma_semaphore, #tpu.memory_space<semaphore_mem>>, %arg20: memref<!tpu.dma_semaphore, #tpu.memory_space<semaphore_mem>>, %arg21: memref<!tpu.dma_semaphore, #tpu.memory_space<semaphore_mem>>, %arg22: memref<!tpu.dma_semaphore, #tpu.memory_space<semaphore_mem>>, %arg23: memref<!tpu.dma_semaphore, #tpu.memory_space<semaphore_mem>>, %arg24: memref<!tpu.dma_semaphore, #tpu.memory_space<semaphore_mem>>) attributes {dimension_semantics = [#tpu.dimension_semantics<core_parallel>, #tpu.dimension_semantics<subcore_parallel>], iteration_bounds = array<i64: 2, 16>, scalar_prefetch = 0 : i64, scratch_operands = 18 : i64, tpu.core_type = #tpu.core_type<sc_vector_subcore>, window_params = [{transform_indices = #map}, {transform_indices = #map1}, {transform_indices = #map1}, {transform_indices = #map}, {transform_indices = #map2}]} {
    %mul3A = arith.constant 2 : i32
    %mul3A_0 = arith.muli %arg1, %mul3A : i32
    %add3A = arith.addi %mul3A_0, %arg0 : i32
    %eq3A = arith.constant 0 : i32
    %eq3A_1 = arith.cmpi eq, %arg0, %eq3A : i32
    %convert_element_type3A = arith.extui %eq3A_1 : i1 to i32
    %cond3A = arith.constant 0 : i32
    %cond3A_2 = arith.cmpi ne, %convert_element_type3A, %cond3A : i32
    scf.if %cond3A_2 {
      %mul3A_38 = arith.constant 632 : i32
      %mul3A_39 = arith.muli %arg1, %mul3A_38 : i32
      %mul3A_40 = arith.constant 632 : i32
      %mul3A_41 = arith.muli %arg1, %mul3A_40 : i32
      "tpu.region"() ({
        %run_scoped3A_42 = tpu.sem_alloc : memref<!tpu.dma_semaphore, #tpu.memory_space<semaphore_mem>>
        %dma_start3A_43 = arith.constant 0 : i32
        %dma_start3A_44 = tpu.memref_slice %arg14[%mul3A_41, %dma_start3A_43] : memref<10112x128xf32, #tpu.memory_space<vmem_shared>> -> memref<632x128xf32, #tpu.memory_space<vmem_shared>>
        %dma_start3A_45 = arith.constant 0 : i32
        %dma_start3A_46 = tpu.memref_slice %arg2[%mul3A_39, %dma_start3A_45] : memref<10112x128xf32, #tpu.memory_space<hbm>> -> memref<632x128xf32, #tpu.memory_space<hbm>>
        tpu.enqueue_dma source(%dma_start3A_46 : memref<632x128xf32, #tpu.memory_space<hbm>>) target(%dma_start3A_44 : memref<632x128xf32, #tpu.memory_space<vmem_shared>>) target_semaphore(%run_scoped3A_42 : memref<!tpu.dma_semaphore, #tpu.memory_space<semaphore_mem>>)
        %dma_wait3A = arith.constant 0 : i32
        %dma_wait3A_47 = tpu.memref_slice %arg14[%mul3A_41, %dma_wait3A] : memref<10112x128xf32, #tpu.memory_space<vmem_shared>> -> memref<632x128xf32, #tpu.memory_space<vmem_shared>>
        %dma_wait3A_48 = arith.constant 0 : i32
        %dma_wait3A_49 = tpu.memref_slice %arg2[%mul3A_39, %dma_wait3A_48] : memref<10112x128xf32, #tpu.memory_space<hbm>> -> memref<632x128xf32, #tpu.memory_space<hbm>>
        tpu.wait_dma2 semaphore(%run_scoped3A_42 : memref<!tpu.dma_semaphore, #tpu.memory_space<semaphore_mem>>) src(%dma_wait3A_49 : memref<632x128xf32, #tpu.memory_space<hbm>>) dst(%dma_wait3A_47 : memref<632x128xf32, #tpu.memory_space<vmem_shared>>)
        tpu.yield
      }) : () -> ()
    } else {
    }
    %ne3A = arith.constant 0 : i32
    %ne3A_3 = arith.cmpi ne, %arg0, %ne3A : i32
    %convert_element_type3A_4 = arith.extui %ne3A_3 : i1 to i32
    %cond3A_5 = arith.constant 0 : i32
    %cond3A_6 = arith.cmpi ne, %convert_element_type3A_4, %cond3A_5 : i32
    scf.if %cond3A_6 {
      %mul3A_38 = arith.constant 632 : i32
      %mul3A_39 = arith.muli %arg1, %mul3A_38 : i32
      "tpu.region"() ({
        %run_scoped3A_40 = tpu.sem_alloc : memref<!tpu.dma_semaphore, #tpu.memory_space<semaphore_mem>>
        %dma_start3A_41 = arith.constant 0 : i32
        %dma_start3A_42 = tpu.memref_slice %arg14[%mul3A_39, %dma_start3A_41] : memref<10112x128xf32, #tpu.memory_space<vmem_shared>> -> memref<632x128xf32, #tpu.memory_space<vmem_shared>>
        tpu.enqueue_dma source(%arg5 : memref<632x128xf32, #tpu.memory_space<hbm>>) target(%dma_start3A_42 : memref<632x128xf32, #tpu.memory_space<vmem_shared>>) target_semaphore(%run_scoped3A_40 : memref<!tpu.dma_semaphore, #tpu.memory_space<semaphore_mem>>)
        %dma_wait3A = arith.constant 0 : i32
        %dma_wait3A_43 = tpu.memref_slice %arg14[%mul3A_39, %dma_wait3A] : memref<10112x128xf32, #tpu.memory_space<vmem_shared>> -> memref<632x128xf32, #tpu.memory_space<vmem_shared>>
        tpu.wait_dma2 semaphore(%run_scoped3A_40 : memref<!tpu.dma_semaphore, #tpu.memory_space<semaphore_mem>>) src(%arg5 : memref<632x128xf32, #tpu.memory_space<hbm>>) dst(%dma_wait3A_43 : memref<632x128xf32, #tpu.memory_space<vmem_shared>>)
        tpu.yield
      }) : () -> ()
    } else {
    }
    %run_scoped3A = arith.constant 0 : i32
    "tpu.region"() ({
      %run_scoped3A_38 = tpu.sem_alloc : memref<!tpu.dma_semaphore, #tpu.memory_space<semaphore_mem>>
      %dma_start3A_39 = arith.constant 0 : i32
      %dma_start3A_40 = arith.constant 0 : i32
      %dma_start3A_41 = tpu.memref_slice %arg3[%add3A, %run_scoped3A, %dma_start3A_39, %dma_start3A_40] : memref<32x8x20x64xi32, #tpu.memory_space<hbm>> -> memref<1x1x20x64xi32, #tpu.memory_space<hbm>>
      %dma_start3A_42 = tpu.memref_squeeze %dma_start3A_41 : memref<1x1x20x64xi32, #tpu.memory_space<hbm>> -> memref<20x64xi32, #tpu.memory_space<hbm>>
      %dma_start3A_43 = arith.constant 0 : i32
      %dma_start3A_44 = arith.constant 0 : i32
      %dma_start3A_45 = tpu.memref_slice %arg3[%add3A, %run_scoped3A, %dma_start3A_43, %dma_start3A_44] : memref<32x8x20x64xi32, #tpu.memory_space<hbm>> -> memref<1x1x20x64xi32, #tpu.memory_space<hbm>>
      %dma_start3A_46 = tpu.memref_squeeze %dma_start3A_45 : memref<1x1x20x64xi32, #tpu.memory_space<hbm>> -> memref<20x64xi32, #tpu.memory_space<hbm>>
      tpu.enqueue_dma source(%dma_start3A_46 : memref<20x64xi32, #tpu.memory_space<hbm>>) target(%arg7 : memref<20x64xi32, #tpu.memory_space<vmem>>) target_semaphore(%run_scoped3A_38 : memref<!tpu.dma_semaphore, #tpu.memory_space<semaphore_mem>>)
      %dma_wait3A = arith.constant 0 : i32
      %dma_wait3A_47 = arith.constant 0 : i32
      %dma_wait3A_48 = tpu.memref_slice %arg3[%add3A, %run_scoped3A, %dma_wait3A, %dma_wait3A_47] : memref<32x8x20x64xi32, #tpu.memory_space<hbm>> -> memref<1x1x20x64xi32, #tpu.memory_space<hbm>>
      %dma_wait3A_49 = tpu.memref_squeeze %dma_wait3A_48 : memref<1x1x20x64xi32, #tpu.memory_space<hbm>> -> memref<20x64xi32, #tpu.memory_space<hbm>>
      %dma_wait3A_50 = arith.constant 0 : i32
      %dma_wait3A_51 = arith.constant 0 : i32
      %dma_wait3A_52 = tpu.memref_slice %arg3[%add3A, %run_scoped3A, %dma_wait3A_50, %dma_wait3A_51] : memref<32x8x20x64xi32, #tpu.memory_space<hbm>> -> memref<1x1x20x64xi32, #tpu.memory_space<hbm>>
      %dma_wait3A_53 = tpu.memref_squeeze %dma_wait3A_52 : memref<1x1x20x64xi32, #tpu.memory_space<hbm>> -> memref<20x64xi32, #tpu.memory_space<hbm>>
      tpu.wait_dma2 semaphore(%run_scoped3A_38 : memref<!tpu.dma_semaphore, #tpu.memory_space<semaphore_mem>>) src(%dma_wait3A_53 : memref<20x64xi32, #tpu.memory_space<hbm>>) dst(%arg7 : memref<20x64xi32, #tpu.memory_space<vmem>>)
      tpu.yield
    }) : () -> ()
    %run_scoped3A_7 = arith.constant 0 : i32
    "tpu.region"() ({
      %run_scoped3A_38 = tpu.sem_alloc : memref<!tpu.dma_semaphore, #tpu.memory_space<semaphore_mem>>
      %dma_start3A_39 = arith.constant 0 : i32
      %dma_start3A_40 = arith.constant 0 : i32
      %dma_start3A_41 = tpu.memref_slice %arg4[%add3A, %run_scoped3A_7, %dma_start3A_39, %dma_start3A_40] : memref<32x8x20x64xi32, #tpu.memory_space<hbm>> -> memref<1x1x20x64xi32, #tpu.memory_space<hbm>>
      %dma_start3A_42 = tpu.memref_squeeze %dma_start3A_41 : memref<1x1x20x64xi32, #tpu.memory_space<hbm>> -> memref<20x64xi32, #tpu.memory_space<hbm>>
      %dma_start3A_43 = arith.constant 0 : i32
      %dma_start3A_44 = arith.constant 0 : i32
      %dma_start3A_45 = tpu.memref_slice %arg4[%add3A, %run_scoped3A_7, %dma_start3A_43, %dma_start3A_44] : memref<32x8x20x64xi32, #tpu.memory_space<hbm>> -> memref<1x1x20x64xi32, #tpu.memory_space<hbm>>
      %dma_start3A_46 = tpu.memref_squeeze %dma_start3A_45 : memref<1x1x20x64xi32, #tpu.memory_space<hbm>> -> memref<20x64xi32, #tpu.memory_space<hbm>>
      tpu.enqueue_dma source(%dma_start3A_46 : memref<20x64xi32, #tpu.memory_space<hbm>>) target(%arg8 : memref<20x64xi32, #tpu.memory_space<vmem>>) target_semaphore(%run_scoped3A_38 : memref<!tpu.dma_semaphore, #tpu.memory_space<semaphore_mem>>)
      %dma_wait3A = arith.constant 0 : i32
      %dma_wait3A_47 = arith.constant 0 : i32
      %dma_wait3A_48 = tpu.memref_slice %arg4[%add3A, %run_scoped3A_7, %dma_wait3A, %dma_wait3A_47] : memref<32x8x20x64xi32, #tpu.memory_space<hbm>> -> memref<1x1x20x64xi32, #tpu.memory_space<hbm>>
      %dma_wait3A_49 = tpu.memref_squeeze %dma_wait3A_48 : memref<1x1x20x64xi32, #tpu.memory_space<hbm>> -> memref<20x64xi32, #tpu.memory_space<hbm>>
      %dma_wait3A_50 = arith.constant 0 : i32
      %dma_wait3A_51 = arith.constant 0 : i32
      %dma_wait3A_52 = tpu.memref_slice %arg4[%add3A, %run_scoped3A_7, %dma_wait3A_50, %dma_wait3A_51] : memref<32x8x20x64xi32, #tpu.memory_space<hbm>> -> memref<1x1x20x64xi32, #tpu.memory_space<hbm>>
      %dma_wait3A_53 = tpu.memref_squeeze %dma_wait3A_52 : memref<1x1x20x64xi32, #tpu.memory_space<hbm>> -> memref<20x64xi32, #tpu.memory_space<hbm>>
      tpu.wait_dma2 semaphore(%run_scoped3A_38 : memref<!tpu.dma_semaphore, #tpu.memory_space<semaphore_mem>>) src(%dma_wait3A_53 : memref<20x64xi32, #tpu.memory_space<hbm>>) dst(%arg8 : memref<20x64xi32, #tpu.memory_space<vmem>>)
      tpu.yield
    }) : () -> ()
    %dma_start3A = arith.constant 0 : i32
    %dma_start3A_8 = arith.constant 0 : i32
    %dma_start3A_9 = tpu.memref_slice %arg7[%dma_start3A, %dma_start3A_8] : memref<20x64xi32, #tpu.memory_space<vmem>> -> memref<1x64xi32, #tpu.memory_space<vmem>>
    %dma_start3A_10 = tpu.memref_squeeze %dma_start3A_9 : memref<1x64xi32, #tpu.memory_space<vmem>> -> memref<64xi32, #tpu.memory_space<vmem>>
    %dma_start3A_11 = arith.constant 0 : i32
    %dma_start3A_12 = arith.constant 0 : i32
    %dma_start3A_13 = tpu.memref_slice %arg2[%dma_start3A_11, %dma_start3A_12] : memref<10112x128xf32, #tpu.memory_space<hbm>> -> memref<10112x128xf32, #tpu.memory_space<hbm>>
    tpu.enqueue_indirect_dma source(%dma_start3A_13 : memref<10112x128xf32, #tpu.memory_space<hbm>>) target(%arg9 : memref<64x128xf32, #tpu.memory_space<vmem>>) offsets(%dma_start3A_10 : memref<64xi32, #tpu.memory_space<vmem>>) semaphore(%arg15 : memref<!tpu.dma_semaphore, #tpu.memory_space<semaphore_mem>>)
    %dma_start3A_14 = arith.constant 1 : i32
    %dma_start3A_15 = arith.constant 0 : i32
    %dma_start3A_16 = tpu.memref_slice %arg7[%dma_start3A_14, %dma_start3A_15] : memref<20x64xi32, #tpu.memory_space<vmem>> -> memref<1x64xi32, #tpu.memory_space<vmem>>
    %dma_start3A_17 = tpu.memref_squeeze %dma_start3A_16 : memref<1x64xi32, #tpu.memory_space<vmem>> -> memref<64xi32, #tpu.memory_space<vmem>>
    %dma_start3A_18 = arith.constant 0 : i32
    %dma_start3A_19 = arith.constant 0 : i32
    %dma_start3A_20 = tpu.memref_slice %arg2[%dma_start3A_18, %dma_start3A_19] : memref<10112x128xf32, #tpu.memory_space<hbm>> -> memref<10112x128xf32, #tpu.memory_space<hbm>>
    tpu.enqueue_indirect_dma source(%dma_start3A_20 : memref<10112x128xf32, #tpu.memory_space<hbm>>) target(%arg10 : memref<64x128xf32, #tpu.memory_space<vmem>>) offsets(%dma_start3A_17 : memref<64xi32, #tpu.memory_space<vmem>>) semaphore(%arg16 : memref<!tpu.dma_semaphore, #tpu.memory_space<semaphore_mem>>)
    %dma_start3A_21 = arith.constant 2 : i32
    %dma_start3A_22 = arith.constant 0 : i32
    %dma_start3A_23 = tpu.memref_slice %arg7[%dma_start3A_21, %dma_start3A_22] : memref<20x64xi32, #tpu.memory_space<vmem>> -> memref<1x64xi32, #tpu.memory_space<vmem>>
    %dma_start3A_24 = tpu.memref_squeeze %dma_start3A_23 : memref<1x64xi32, #tpu.memory_space<vmem>> -> memref<64xi32, #tpu.memory_space<vmem>>
    %dma_start3A_25 = arith.constant 0 : i32
    %dma_start3A_26 = arith.constant 0 : i32
    %dma_start3A_27 = tpu.memref_slice %arg2[%dma_start3A_25, %dma_start3A_26] : memref<10112x128xf32, #tpu.memory_space<hbm>> -> memref<10112x128xf32, #tpu.memory_space<hbm>>
    tpu.enqueue_indirect_dma source(%dma_start3A_27 : memref<10112x128xf32, #tpu.memory_space<hbm>>) target(%arg11 : memref<64x128xf32, #tpu.memory_space<vmem>>) offsets(%dma_start3A_24 : memref<64xi32, #tpu.memory_space<vmem>>) semaphore(%arg17 : memref<!tpu.dma_semaphore, #tpu.memory_space<semaphore_mem>>)
    %barrier3A = arith.constant 0 : index
    tpu.barrier barrier_id(%barrier3A)
    %scan3A = arith.constant 0 : i32
    %scan3A_28 = arith.constant 0 : i32
    %scan3A_29 = arith.constant 8 : i32
    %scan3A_30 = arith.addi %scan3A_28, %scan3A_29 : i32
    %scan3A_31 = arith.constant 1 : i32
    scf.for %scan3A_38 = %scan3A_28 to %scan3A_30 step %scan3A_31  : i32 {
      %gt3A = arith.constant 0 : i32
      %gt3A_39 = arith.cmpi sgt, %scan3A_38, %gt3A : i32
      %convert_element_type3A_40 = arith.extui %gt3A_39 : i1 to i32
      %cond3A_41 = arith.constant 0 : i32
      %cond3A_42 = arith.cmpi ne, %convert_element_type3A_40, %cond3A_41 : i32
      scf.if %cond3A_42 {
        "tpu.region"() ({
          %run_scoped3A_104 = tpu.sem_alloc : memref<!tpu.dma_semaphore, #tpu.memory_space<semaphore_mem>>
          %dma_start3A_105 = arith.constant 0 : i32
          %dma_start3A_106 = arith.constant 0 : i32
          %dma_start3A_107 = tpu.memref_slice %arg3[%add3A, %scan3A_38, %dma_start3A_105, %dma_start3A_106] : memref<32x8x20x64xi32, #tpu.memory_space<hbm>> -> memref<1x1x20x64xi32, #tpu.memory_space<hbm>>
          %dma_start3A_108 = tpu.memref_squeeze %dma_start3A_107 : memref<1x1x20x64xi32, #tpu.memory_space<hbm>> -> memref<20x64xi32, #tpu.memory_space<hbm>>
          %dma_start3A_109 = arith.constant 0 : i32
          %dma_start3A_110 = arith.constant 0 : i32
          %dma_start3A_111 = tpu.memref_slice %arg3[%add3A, %scan3A_38, %dma_start3A_109, %dma_start3A_110] : memref<32x8x20x64xi32, #tpu.memory_space<hbm>> -> memref<1x1x20x64xi32, #tpu.memory_space<hbm>>
          %dma_start3A_112 = tpu.memref_squeeze %dma_start3A_111 : memref<1x1x20x64xi32, #tpu.memory_space<hbm>> -> memref<20x64xi32, #tpu.memory_space<hbm>>
          tpu.enqueue_dma source(%dma_start3A_112 : memref<20x64xi32, #tpu.memory_space<hbm>>) target(%arg7 : memref<20x64xi32, #tpu.memory_space<vmem>>) target_semaphore(%run_scoped3A_104 : memref<!tpu.dma_semaphore, #tpu.memory_space<semaphore_mem>>)
          %dma_wait3A_113 = arith.constant 0 : i32
          %dma_wait3A_114 = arith.constant 0 : i32
          %dma_wait3A_115 = tpu.memref_slice %arg3[%add3A, %scan3A_38, %dma_wait3A_113, %dma_wait3A_114] : memref<32x8x20x64xi32, #tpu.memory_space<hbm>> -> memref<1x1x20x64xi32, #tpu.memory_space<hbm>>
          %dma_wait3A_116 = tpu.memref_squeeze %dma_wait3A_115 : memref<1x1x20x64xi32, #tpu.memory_space<hbm>> -> memref<20x64xi32, #tpu.memory_space<hbm>>
          %dma_wait3A_117 = arith.constant 0 : i32
          %dma_wait3A_118 = arith.constant 0 : i32
          %dma_wait3A_119 = tpu.memref_slice %arg3[%add3A, %scan3A_38, %dma_wait3A_117, %dma_wait3A_118] : memref<32x8x20x64xi32, #tpu.memory_space<hbm>> -> memref<1x1x20x64xi32, #tpu.memory_space<hbm>>
          %dma_wait3A_120 = tpu.memref_squeeze %dma_wait3A_119 : memref<1x1x20x64xi32, #tpu.memory_space<hbm>> -> memref<20x64xi32, #tpu.memory_space<hbm>>
          tpu.wait_dma2 semaphore(%run_scoped3A_104 : memref<!tpu.dma_semaphore, #tpu.memory_space<semaphore_mem>>) src(%dma_wait3A_120 : memref<20x64xi32, #tpu.memory_space<hbm>>) dst(%arg7 : memref<20x64xi32, #tpu.memory_space<vmem>>)
          tpu.yield
        }) : () -> ()
        "tpu.region"() ({
          %run_scoped3A_104 = tpu.sem_alloc : memref<!tpu.dma_semaphore, #tpu.memory_space<semaphore_mem>>
          %dma_start3A_105 = arith.constant 0 : i32
          %dma_start3A_106 = arith.constant 0 : i32
          %dma_start3A_107 = tpu.memref_slice %arg4[%add3A, %scan3A_38, %dma_start3A_105, %dma_start3A_106] : memref<32x8x20x64xi32, #tpu.memory_space<hbm>> -> memref<1x1x20x64xi32, #tpu.memory_space<hbm>>
          %dma_start3A_108 = tpu.memref_squeeze %dma_start3A_107 : memref<1x1x20x64xi32, #tpu.memory_space<hbm>> -> memref<20x64xi32, #tpu.memory_space<hbm>>
          %dma_start3A_109 = arith.constant 0 : i32
          %dma_start3A_110 = arith.constant 0 : i32
          %dma_start3A_111 = tpu.memref_slice %arg4[%add3A, %scan3A_38, %dma_start3A_109, %dma_start3A_110] : memref<32x8x20x64xi32, #tpu.memory_space<hbm>> -> memref<1x1x20x64xi32, #tpu.memory_space<hbm>>
          %dma_start3A_112 = tpu.memref_squeeze %dma_start3A_111 : memref<1x1x20x64xi32, #tpu.memory_space<hbm>> -> memref<20x64xi32, #tpu.memory_space<hbm>>
          tpu.enqueue_dma source(%dma_start3A_112 : memref<20x64xi32, #tpu.memory_space<hbm>>) target(%arg8 : memref<20x64xi32, #tpu.memory_space<vmem>>) target_semaphore(%run_scoped3A_104 : memref<!tpu.dma_semaphore, #tpu.memory_space<semaphore_mem>>)
          %dma_wait3A_113 = arith.constant 0 : i32
          %dma_wait3A_114 = arith.constant 0 : i32
          %dma_wait3A_115 = tpu.memref_slice %arg4[%add3A, %scan3A_38, %dma_wait3A_113, %dma_wait3A_114] : memref<32x8x20x64xi32, #tpu.memory_space<hbm>> -> memref<1x1x20x64xi32, #tpu.memory_space<hbm>>
          %dma_wait3A_116 = tpu.memref_squeeze %dma_wait3A_115 : memref<1x1x20x64xi32, #tpu.memory_space<hbm>> -> memref<20x64xi32, #tpu.memory_space<hbm>>
          %dma_wait3A_117 = arith.constant 0 : i32
          %dma_wait3A_118 = arith.constant 0 : i32
          %dma_wait3A_119 = tpu.memref_slice %arg4[%add3A, %scan3A_38, %dma_wait3A_117, %dma_wait3A_118] : memref<32x8x20x64xi32, #tpu.memory_space<hbm>> -> memref<1x1x20x64xi32, #tpu.memory_space<hbm>>
          %dma_wait3A_120 = tpu.memref_squeeze %dma_wait3A_119 : memref<1x1x20x64xi32, #tpu.memory_space<hbm>> -> memref<20x64xi32, #tpu.memory_space<hbm>>
          tpu.wait_dma2 semaphore(%run_scoped3A_104 : memref<!tpu.dma_semaphore, #tpu.memory_space<semaphore_mem>>) src(%dma_wait3A_120 : memref<20x64xi32, #tpu.memory_space<hbm>>) dst(%arg8 : memref<20x64xi32, #tpu.memory_space<vmem>>)
          tpu.yield
        }) : () -> ()
        %dma_start3A_83 = arith.constant 0 : i32
        %dma_start3A_84 = arith.constant 0 : i32
        %dma_start3A_85 = tpu.memref_slice %arg7[%dma_start3A_83, %dma_start3A_84] : memref<20x64xi32, #tpu.memory_space<vmem>> -> memref<1x64xi32, #tpu.memory_space<vmem>>
        %dma_start3A_86 = tpu.memref_squeeze %dma_start3A_85 : memref<1x64xi32, #tpu.memory_space<vmem>> -> memref<64xi32, #tpu.memory_space<vmem>>
        %dma_start3A_87 = arith.constant 0 : i32
        %dma_start3A_88 = arith.constant 0 : i32
        %dma_start3A_89 = tpu.memref_slice %arg2[%dma_start3A_87, %dma_start3A_88] : memref<10112x128xf32, #tpu.memory_space<hbm>> -> memref<10112x128xf32, #tpu.memory_space<hbm>>
        tpu.enqueue_indirect_dma source(%dma_start3A_89 : memref<10112x128xf32, #tpu.memory_space<hbm>>) target(%arg9 : memref<64x128xf32, #tpu.memory_space<vmem>>) offsets(%dma_start3A_86 : memref<64xi32, #tpu.memory_space<vmem>>) semaphore(%arg15 : memref<!tpu.dma_semaphore, #tpu.memory_space<semaphore_mem>>)
        %dma_start3A_90 = arith.constant 1 : i32
        %dma_start3A_91 = arith.constant 0 : i32
        %dma_start3A_92 = tpu.memref_slice %arg7[%dma_start3A_90, %dma_start3A_91] : memref<20x64xi32, #tpu.memory_space<vmem>> -> memref<1x64xi32, #tpu.memory_space<vmem>>
        %dma_start3A_93 = tpu.memref_squeeze %dma_start3A_92 : memref<1x64xi32, #tpu.memory_space<vmem>> -> memref<64xi32, #tpu.memory_space<vmem>>
        %dma_start3A_94 = arith.constant 0 : i32
        %dma_start3A_95 = arith.constant 0 : i32
        %dma_start3A_96 = tpu.memref_slice %arg2[%dma_start3A_94, %dma_start3A_95] : memref<10112x128xf32, #tpu.memory_space<hbm>> -> memref<10112x128xf32, #tpu.memory_space<hbm>>
        tpu.enqueue_indirect_dma source(%dma_start3A_96 : memref<10112x128xf32, #tpu.memory_space<hbm>>) target(%arg10 : memref<64x128xf32, #tpu.memory_space<vmem>>) offsets(%dma_start3A_93 : memref<64xi32, #tpu.memory_space<vmem>>) semaphore(%arg16 : memref<!tpu.dma_semaphore, #tpu.memory_space<semaphore_mem>>)
        %dma_start3A_97 = arith.constant 2 : i32
        %dma_start3A_98 = arith.constant 0 : i32
        %dma_start3A_99 = tpu.memref_slice %arg7[%dma_start3A_97, %dma_start3A_98] : memref<20x64xi32, #tpu.memory_space<vmem>> -> memref<1x64xi32, #tpu.memory_space<vmem>>
        %dma_start3A_100 = tpu.memref_squeeze %dma_start3A_99 : memref<1x64xi32, #tpu.memory_space<vmem>> -> memref<64xi32, #tpu.memory_space<vmem>>
        %dma_start3A_101 = arith.constant 0 : i32
        %dma_start3A_102 = arith.constant 0 : i32
        %dma_start3A_103 = tpu.memref_slice %arg2[%dma_start3A_101, %dma_start3A_102] : memref<10112x128xf32, #tpu.memory_space<hbm>> -> memref<10112x128xf32, #tpu.memory_space<hbm>>
        tpu.enqueue_indirect_dma source(%dma_start3A_103 : memref<10112x128xf32, #tpu.memory_space<hbm>>) target(%arg11 : memref<64x128xf32, #tpu.memory_space<vmem>>) offsets(%dma_start3A_100 : memref<64xi32, #tpu.memory_space<vmem>>) semaphore(%arg17 : memref<!tpu.dma_semaphore, #tpu.memory_space<semaphore_mem>>)
      } else {
      }
      %scan3A_43 = arith.constant 0 : i32
      %scan3A_44 = arith.constant 0 : i32
      %scan3A_45 = arith.constant 4 : i32
      %scan3A_46 = arith.addi %scan3A_44, %scan3A_45 : i32
      %scan3A_47 = arith.constant 1 : i32
      scf.for %scan3A_83 = %scan3A_44 to %scan3A_46 step %scan3A_47  : i32 {
        %mul3A_84 = arith.constant 5 : i32
        %mul3A_85 = arith.muli %scan3A_83, %mul3A_84 : i32
        %add3A_86 = arith.constant 0 : i32
        %add3A_87 = arith.addi %mul3A_85, %add3A_86 : i32
        %add3A_88 = arith.constant 3 : i32
        %add3A_89 = arith.addi %add3A_87, %add3A_88 : i32
        %lt3A = arith.constant 20 : i32
        %lt3A_90 = arith.cmpi slt, %add3A_89, %lt3A : i32
        %convert_element_type3A_91 = arith.extui %lt3A_90 : i1 to i32
        %cond3A_92 = arith.constant 0 : i32
        %cond3A_93 = arith.cmpi ne, %convert_element_type3A_91, %cond3A_92 : i32
        scf.if %cond3A_93 {
          %ge3A = arith.constant 5 : i32
          %ge3A_198 = arith.cmpi sge, %add3A_89, %ge3A : i32
          %convert_element_type3A_199 = arith.extui %ge3A_198 : i1 to i32
          %cond3A_200 = arith.constant 0 : i32
          %cond3A_201 = arith.cmpi ne, %convert_element_type3A_199, %cond3A_200 : i32
          scf.if %cond3A_201 {
            %sub3A = arith.constant 5 : i32
            %sub3A_208 = arith.subi %add3A_89, %sub3A : i32
            %dma_wait3A_209 = arith.constant 0 : i32
            %dma_wait3A_210 = tpu.memref_slice %arg8[%sub3A_208, %dma_wait3A_209] : memref<20x64xi32, #tpu.memory_space<vmem>> -> memref<1x64xi32, #tpu.memory_space<vmem>>
            %dma_wait3A_211 = tpu.memref_squeeze %dma_wait3A_210 : memref<1x64xi32, #tpu.memory_space<vmem>> -> memref<64xi32, #tpu.memory_space<vmem>>
            %dma_wait3A_212 = arith.constant 0 : i32
            %dma_wait3A_213 = arith.constant 0 : i32
            %dma_wait3A_214 = tpu.memref_slice %arg14[%dma_wait3A_212, %dma_wait3A_213] : memref<10112x128xf32, #tpu.memory_space<vmem_shared>> -> memref<10112x128xf32, #tpu.memory_space<vmem_shared>>
            tpu.wait_indirect_dma semaphore(%arg23 : memref<!tpu.dma_semaphore, #tpu.memory_space<semaphore_mem>>) src(%arg12 : memref<64x128xf32, #tpu.memory_space<vmem>>) dst(%dma_wait3A_214 : memref<10112x128xf32, #tpu.memory_space<vmem_shared>>)
          } else {
          }
          %dma_start3A_202 = arith.constant 0 : i32
          %dma_start3A_203 = tpu.memref_slice %arg7[%add3A_89, %dma_start3A_202] : memref<20x64xi32, #tpu.memory_space<vmem>> -> memref<1x64xi32, #tpu.memory_space<vmem>>
          %dma_start3A_204 = tpu.memref_squeeze %dma_start3A_203 : memref<1x64xi32, #tpu.memory_space<vmem>> -> memref<64xi32, #tpu.memory_space<vmem>>
          %dma_start3A_205 = arith.constant 0 : i32
          %dma_start3A_206 = arith.constant 0 : i32
          %dma_start3A_207 = tpu.memref_slice %arg2[%dma_start3A_205, %dma_start3A_206] : memref<10112x128xf32, #tpu.memory_space<hbm>> -> memref<10112x128xf32, #tpu.memory_space<hbm>>
          tpu.enqueue_indirect_dma source(%dma_start3A_207 : memref<10112x128xf32, #tpu.memory_space<hbm>>) target(%arg12 : memref<64x128xf32, #tpu.memory_space<vmem>>) offsets(%dma_start3A_204 : memref<64xi32, #tpu.memory_space<vmem>>) semaphore(%arg18 : memref<!tpu.dma_semaphore, #tpu.memory_space<semaphore_mem>>)
        } else {
        }
        %dma_wait3A_94 = arith.constant 0 : i32
        %dma_wait3A_95 = tpu.memref_slice %arg7[%add3A_87, %dma_wait3A_94] : memref<20x64xi32, #tpu.memory_space<vmem>> -> memref<1x64xi32, #tpu.memory_space<vmem>>
        %dma_wait3A_96 = tpu.memref_squeeze %dma_wait3A_95 : memref<1x64xi32, #tpu.memory_space<vmem>> -> memref<64xi32, #tpu.memory_space<vmem>>
        %dma_wait3A_97 = arith.constant 0 : i32
        %dma_wait3A_98 = arith.constant 0 : i32
        %dma_wait3A_99 = tpu.memref_slice %arg2[%dma_wait3A_97, %dma_wait3A_98] : memref<10112x128xf32, #tpu.memory_space<hbm>> -> memref<10112x128xf32, #tpu.memory_space<hbm>>
        tpu.wait_indirect_dma semaphore(%arg15 : memref<!tpu.dma_semaphore, #tpu.memory_space<semaphore_mem>>) src(%dma_wait3A_99 : memref<10112x128xf32, #tpu.memory_space<hbm>>) dst(%arg9 : memref<64x128xf32, #tpu.memory_space<vmem>>)
        %dma_start3A_100 = arith.constant 0 : i32
        %dma_start3A_101 = tpu.memref_slice %arg8[%add3A_87, %dma_start3A_100] : memref<20x64xi32, #tpu.memory_space<vmem>> -> memref<1x64xi32, #tpu.memory_space<vmem>>
        %dma_start3A_102 = tpu.memref_squeeze %dma_start3A_101 : memref<1x64xi32, #tpu.memory_space<vmem>> -> memref<64xi32, #tpu.memory_space<vmem>>
        %dma_start3A_103 = arith.constant 0 : i32
        %dma_start3A_104 = arith.constant 0 : i32
        %dma_start3A_105 = tpu.memref_slice %arg14[%dma_start3A_103, %dma_start3A_104] : memref<10112x128xf32, #tpu.memory_space<vmem_shared>> -> memref<10112x128xf32, #tpu.memory_space<vmem_shared>>
        tpu.enqueue_indirect_dma source(%arg9 : memref<64x128xf32, #tpu.memory_space<vmem>>) target(%dma_start3A_105 : memref<10112x128xf32, #tpu.memory_space<vmem_shared>>) offsets(%dma_start3A_102 : memref<64xi32, #tpu.memory_space<vmem>>) semaphore(%arg20 : memref<!tpu.dma_semaphore, #tpu.memory_space<semaphore_mem>>) {add = true}
        %mul3A_106 = arith.constant 5 : i32
        %mul3A_107 = arith.muli %scan3A_83, %mul3A_106 : i32
        %add3A_108 = arith.constant 1 : i32
        %add3A_109 = arith.addi %mul3A_107, %add3A_108 : i32
        %add3A_110 = arith.constant 3 : i32
        %add3A_111 = arith.addi %add3A_109, %add3A_110 : i32
        %lt3A_112 = arith.constant 20 : i32
        %lt3A_113 = arith.cmpi slt, %add3A_111, %lt3A_112 : i32
        %convert_element_type3A_114 = arith.extui %lt3A_113 : i1 to i32
        %cond3A_115 = arith.constant 0 : i32
        %cond3A_116 = arith.cmpi ne, %convert_element_type3A_114, %cond3A_115 : i32
        scf.if %cond3A_116 {
          %ge3A = arith.constant 5 : i32
          %ge3A_198 = arith.cmpi sge, %add3A_111, %ge3A : i32
          %convert_element_type3A_199 = arith.extui %ge3A_198 : i1 to i32
          %cond3A_200 = arith.constant 0 : i32
          %cond3A_201 = arith.cmpi ne, %convert_element_type3A_199, %cond3A_200 : i32
          scf.if %cond3A_201 {
            %sub3A = arith.constant 5 : i32
            %sub3A_208 = arith.subi %add3A_111, %sub3A : i32
            %dma_wait3A_209 = arith.constant 0 : i32
            %dma_wait3A_210 = tpu.memref_slice %arg8[%sub3A_208, %dma_wait3A_209] : memref<20x64xi32, #tpu.memory_space<vmem>> -> memref<1x64xi32, #tpu.memory_space<vmem>>
            %dma_wait3A_211 = tpu.memref_squeeze %dma_wait3A_210 : memref<1x64xi32, #tpu.memory_space<vmem>> -> memref<64xi32, #tpu.memory_space<vmem>>
            %dma_wait3A_212 = arith.constant 0 : i32
            %dma_wait3A_213 = arith.constant 0 : i32
            %dma_wait3A_214 = tpu.memref_slice %arg14[%dma_wait3A_212, %dma_wait3A_213] : memref<10112x128xf32, #tpu.memory_space<vmem_shared>> -> memref<10112x128xf32, #tpu.memory_space<vmem_shared>>
            tpu.wait_indirect_dma semaphore(%arg24 : memref<!tpu.dma_semaphore, #tpu.memory_space<semaphore_mem>>) src(%arg13 : memref<64x128xf32, #tpu.memory_space<vmem>>) dst(%dma_wait3A_214 : memref<10112x128xf32, #tpu.memory_space<vmem_shared>>)
          } else {
          }
          %dma_start3A_202 = arith.constant 0 : i32
          %dma_start3A_203 = tpu.memref_slice %arg7[%add3A_111, %dma_start3A_202] : memref<20x64xi32, #tpu.memory_space<vmem>> -> memref<1x64xi32, #tpu.memory_space<vmem>>
          %dma_start3A_204 = tpu.memref_squeeze %dma_start3A_203 : memref<1x64xi32, #tpu.memory_space<vmem>> -> memref<64xi32, #tpu.memory_space<vmem>>
          %dma_start3A_205 = arith.constant 0 : i32
          %dma_start3A_206 = arith.constant 0 : i32
          %dma_start3A_207 = tpu.memref_slice %arg2[%dma_start3A_205, %dma_start3A_206] : memref<10112x128xf32, #tpu.memory_space<hbm>> -> memref<10112x128xf32, #tpu.memory_space<hbm>>
          tpu.enqueue_indirect_dma source(%dma_start3A_207 : memref<10112x128xf32, #tpu.memory_space<hbm>>) target(%arg13 : memref<64x128xf32, #tpu.memory_space<vmem>>) offsets(%dma_start3A_204 : memref<64xi32, #tpu.memory_space<vmem>>) semaphore(%arg19 : memref<!tpu.dma_semaphore, #tpu.memory_space<semaphore_mem>>)
        } else {
        }
        %dma_wait3A_117 = arith.constant 0 : i32
        %dma_wait3A_118 = tpu.memref_slice %arg7[%add3A_109, %dma_wait3A_117] : memref<20x64xi32, #tpu.memory_space<vmem>> -> memref<1x64xi32, #tpu.memory_space<vmem>>
        %dma_wait3A_119 = tpu.memref_squeeze %dma_wait3A_118 : memref<1x64xi32, #tpu.memory_space<vmem>> -> memref<64xi32, #tpu.memory_space<vmem>>
        %dma_wait3A_120 = arith.constant 0 : i32
        %dma_wait3A_121 = arith.constant 0 : i32
        %dma_wait3A_122 = tpu.memref_slice %arg2[%dma_wait3A_120, %dma_wait3A_121] : memref<10112x128xf32, #tpu.memory_space<hbm>> -> memref<10112x128xf32, #tpu.memory_space<hbm>>
        tpu.wait_indirect_dma semaphore(%arg16 : memref<!tpu.dma_semaphore, #tpu.memory_space<semaphore_mem>>) src(%dma_wait3A_122 : memref<10112x128xf32, #tpu.memory_space<hbm>>) dst(%arg10 : memref<64x128xf32, #tpu.memory_space<vmem>>)
        %dma_start3A_123 = arith.constant 0 : i32
        %dma_start3A_124 = tpu.memref_slice %arg8[%add3A_109, %dma_start3A_123] : memref<20x64xi32, #tpu.memory_space<vmem>> -> memref<1x64xi32, #tpu.memory_space<vmem>>
        %dma_start3A_125 = tpu.memref_squeeze %dma_start3A_124 : memref<1x64xi32, #tpu.memory_space<vmem>> -> memref<64xi32, #tpu.memory_space<vmem>>
        %dma_start3A_126 = arith.constant 0 : i32
        %dma_start3A_127 = arith.constant 0 : i32
        %dma_start3A_128 = tpu.memref_slice %arg14[%dma_start3A_126, %dma_start3A_127] : memref<10112x128xf32, #tpu.memory_space<vmem_shared>> -> memref<10112x128xf32, #tpu.memory_space<vmem_shared>>
        tpu.enqueue_indirect_dma source(%arg10 : memref<64x128xf32, #tpu.memory_space<vmem>>) target(%dma_start3A_128 : memref<10112x128xf32, #tpu.memory_space<vmem_shared>>) offsets(%dma_start3A_125 : memref<64xi32, #tpu.memory_space<vmem>>) semaphore(%arg21 : memref<!tpu.dma_semaphore, #tpu.memory_space<semaphore_mem>>) {add = true}
        %mul3A_129 = arith.constant 5 : i32
        %mul3A_130 = arith.muli %scan3A_83, %mul3A_129 : i32
        %add3A_131 = arith.constant 2 : i32
        %add3A_132 = arith.addi %mul3A_130, %add3A_131 : i32
        %add3A_133 = arith.constant 3 : i32
        %add3A_134 = arith.addi %add3A_132, %add3A_133 : i32
        %lt3A_135 = arith.constant 20 : i32
        %lt3A_136 = arith.cmpi slt, %add3A_134, %lt3A_135 : i32
        %convert_element_type3A_137 = arith.extui %lt3A_136 : i1 to i32
        %cond3A_138 = arith.constant 0 : i32
        %cond3A_139 = arith.cmpi ne, %convert_element_type3A_137, %cond3A_138 : i32
        scf.if %cond3A_139 {
          %ge3A = arith.constant 5 : i32
          %ge3A_198 = arith.cmpi sge, %add3A_134, %ge3A : i32
          %convert_element_type3A_199 = arith.extui %ge3A_198 : i1 to i32
          %cond3A_200 = arith.constant 0 : i32
          %cond3A_201 = arith.cmpi ne, %convert_element_type3A_199, %cond3A_200 : i32
          scf.if %cond3A_201 {
            %sub3A = arith.constant 5 : i32
            %sub3A_208 = arith.subi %add3A_134, %sub3A : i32
            %dma_wait3A_209 = arith.constant 0 : i32
            %dma_wait3A_210 = tpu.memref_slice %arg8[%sub3A_208, %dma_wait3A_209] : memref<20x64xi32, #tpu.memory_space<vmem>> -> memref<1x64xi32, #tpu.memory_space<vmem>>
            %dma_wait3A_211 = tpu.memref_squeeze %dma_wait3A_210 : memref<1x64xi32, #tpu.memory_space<vmem>> -> memref<64xi32, #tpu.memory_space<vmem>>
            %dma_wait3A_212 = arith.constant 0 : i32
            %dma_wait3A_213 = arith.constant 0 : i32
            %dma_wait3A_214 = tpu.memref_slice %arg14[%dma_wait3A_212, %dma_wait3A_213] : memref<10112x128xf32, #tpu.memory_space<vmem_shared>> -> memref<10112x128xf32, #tpu.memory_space<vmem_shared>>
            tpu.wait_indirect_dma semaphore(%arg20 : memref<!tpu.dma_semaphore, #tpu.memory_space<semaphore_mem>>) src(%arg9 : memref<64x128xf32, #tpu.memory_space<vmem>>) dst(%dma_wait3A_214 : memref<10112x128xf32, #tpu.memory_space<vmem_shared>>)
          } else {
          }
          %dma_start3A_202 = arith.constant 0 : i32
          %dma_start3A_203 = tpu.memref_slice %arg7[%add3A_134, %dma_start3A_202] : memref<20x64xi32, #tpu.memory_space<vmem>> -> memref<1x64xi32, #tpu.memory_space<vmem>>
          %dma_start3A_204 = tpu.memref_squeeze %dma_start3A_203 : memref<1x64xi32, #tpu.memory_space<vmem>> -> memref<64xi32, #tpu.memory_space<vmem>>
          %dma_start3A_205 = arith.constant 0 : i32
          %dma_start3A_206 = arith.constant 0 : i32
          %dma_start3A_207 = tpu.memref_slice %arg2[%dma_start3A_205, %dma_start3A_206] : memref<10112x128xf32, #tpu.memory_space<hbm>> -> memref<10112x128xf32, #tpu.memory_space<hbm>>
          tpu.enqueue_indirect_dma source(%dma_start3A_207 : memref<10112x128xf32, #tpu.memory_space<hbm>>) target(%arg9 : memref<64x128xf32, #tpu.memory_space<vmem>>) offsets(%dma_start3A_204 : memref<64xi32, #tpu.memory_space<vmem>>) semaphore(%arg15 : memref<!tpu.dma_semaphore, #tpu.memory_space<semaphore_mem>>)
        } else {
        }
        %dma_wait3A_140 = arith.constant 0 : i32
        %dma_wait3A_141 = tpu.memref_slice %arg7[%add3A_132, %dma_wait3A_140] : memref<20x64xi32, #tpu.memory_space<vmem>> -> memref<1x64xi32, #tpu.memory_space<vmem>>
        %dma_wait3A_142 = tpu.memref_squeeze %dma_wait3A_141 : memref<1x64xi32, #tpu.memory_space<vmem>> -> memref<64xi32, #tpu.memory_space<vmem>>
        %dma_wait3A_143 = arith.constant 0 : i32
        %dma_wait3A_144 = arith.constant 0 : i32
        %dma_wait3A_145 = tpu.memref_slice %arg2[%dma_wait3A_143, %dma_wait3A_144] : memref<10112x128xf32, #tpu.memory_space<hbm>> -> memref<10112x128xf32, #tpu.memory_space<hbm>>
        tpu.wait_indirect_dma semaphore(%arg17 : memref<!tpu.dma_semaphore, #tpu.memory_space<semaphore_mem>>) src(%dma_wait3A_145 : memref<10112x128xf32, #tpu.memory_space<hbm>>) dst(%arg11 : memref<64x128xf32, #tpu.memory_space<vmem>>)
        %dma_start3A_146 = arith.constant 0 : i32
        %dma_start3A_147 = tpu.memref_slice %arg8[%add3A_132, %dma_start3A_146] : memref<20x64xi32, #tpu.memory_space<vmem>> -> memref<1x64xi32, #tpu.memory_space<vmem>>
        %dma_start3A_148 = tpu.memref_squeeze %dma_start3A_147 : memref<1x64xi32, #tpu.memory_space<vmem>> -> memref<64xi32, #tpu.memory_space<vmem>>
        %dma_start3A_149 = arith.constant 0 : i32
        %dma_start3A_150 = arith.constant 0 : i32
        %dma_start3A_151 = tpu.memref_slice %arg14[%dma_start3A_149, %dma_start3A_150] : memref<10112x128xf32, #tpu.memory_space<vmem_shared>> -> memref<10112x128xf32, #tpu.memory_space<vmem_shared>>
        tpu.enqueue_indirect_dma source(%arg11 : memref<64x128xf32, #tpu.memory_space<vmem>>) target(%dma_start3A_151 : memref<10112x128xf32, #tpu.memory_space<vmem_shared>>) offsets(%dma_start3A_148 : memref<64xi32, #tpu.memory_space<vmem>>) semaphore(%arg22 : memref<!tpu.dma_semaphore, #tpu.memory_space<semaphore_mem>>) {add = true}
        %mul3A_152 = arith.constant 5 : i32
        %mul3A_153 = arith.muli %scan3A_83, %mul3A_152 : i32
        %add3A_154 = arith.constant 3 : i32
        %add3A_155 = arith.addi %mul3A_153, %add3A_154 : i32
        %add3A_156 = arith.constant 3 : i32
        %add3A_157 = arith.addi %add3A_155, %add3A_156 : i32
        %lt3A_158 = arith.constant 20 : i32
        %lt3A_159 = arith.cmpi slt, %add3A_157, %lt3A_158 : i32
        %convert_element_type3A_160 = arith.extui %lt3A_159 : i1 to i32
        %cond3A_161 = arith.constant 0 : i32
        %cond3A_162 = arith.cmpi ne, %convert_element_type3A_160, %cond3A_161 : i32
        scf.if %cond3A_162 {
          %ge3A = arith.constant 5 : i32
          %ge3A_198 = arith.cmpi sge, %add3A_157, %ge3A : i32
          %convert_element_type3A_199 = arith.extui %ge3A_198 : i1 to i32
          %cond3A_200 = arith.constant 0 : i32
          %cond3A_201 = arith.cmpi ne, %convert_element_type3A_199, %cond3A_200 : i32
          scf.if %cond3A_201 {
            %sub3A = arith.constant 5 : i32
            %sub3A_208 = arith.subi %add3A_157, %sub3A : i32
            %dma_wait3A_209 = arith.constant 0 : i32
            %dma_wait3A_210 = tpu.memref_slice %arg8[%sub3A_208, %dma_wait3A_209] : memref<20x64xi32, #tpu.memory_space<vmem>> -> memref<1x64xi32, #tpu.memory_space<vmem>>
            %dma_wait3A_211 = tpu.memref_squeeze %dma_wait3A_210 : memref<1x64xi32, #tpu.memory_space<vmem>> -> memref<64xi32, #tpu.memory_space<vmem>>
            %dma_wait3A_212 = arith.constant 0 : i32
            %dma_wait3A_213 = arith.constant 0 : i32
            %dma_wait3A_214 = tpu.memref_slice %arg14[%dma_wait3A_212, %dma_wait3A_213] : memref<10112x128xf32, #tpu.memory_space<vmem_shared>> -> memref<10112x128xf32, #tpu.memory_space<vmem_shared>>
            tpu.wait_indirect_dma semaphore(%arg21 : memref<!tpu.dma_semaphore, #tpu.memory_space<semaphore_mem>>) src(%arg10 : memref<64x128xf32, #tpu.memory_space<vmem>>) dst(%dma_wait3A_214 : memref<10112x128xf32, #tpu.memory_space<vmem_shared>>)
          } else {
          }
          %dma_start3A_202 = arith.constant 0 : i32
          %dma_start3A_203 = tpu.memref_slice %arg7[%add3A_157, %dma_start3A_202] : memref<20x64xi32, #tpu.memory_space<vmem>> -> memref<1x64xi32, #tpu.memory_space<vmem>>
          %dma_start3A_204 = tpu.memref_squeeze %dma_start3A_203 : memref<1x64xi32, #tpu.memory_space<vmem>> -> memref<64xi32, #tpu.memory_space<vmem>>
          %dma_start3A_205 = arith.constant 0 : i32
          %dma_start3A_206 = arith.constant 0 : i32
          %dma_start3A_207 = tpu.memref_slice %arg2[%dma_start3A_205, %dma_start3A_206] : memref<10112x128xf32, #tpu.memory_space<hbm>> -> memref<10112x128xf32, #tpu.memory_space<hbm>>
          tpu.enqueue_indirect_dma source(%dma_start3A_207 : memref<10112x128xf32, #tpu.memory_space<hbm>>) target(%arg10 : memref<64x128xf32, #tpu.memory_space<vmem>>) offsets(%dma_start3A_204 : memref<64xi32, #tpu.memory_space<vmem>>) semaphore(%arg16 : memref<!tpu.dma_semaphore, #tpu.memory_space<semaphore_mem>>)
        } else {
        }
        %dma_wait3A_163 = arith.constant 0 : i32
        %dma_wait3A_164 = tpu.memref_slice %arg7[%add3A_155, %dma_wait3A_163] : memref<20x64xi32, #tpu.memory_space<vmem>> -> memref<1x64xi32, #tpu.memory_space<vmem>>
        %dma_wait3A_165 = tpu.memref_squeeze %dma_wait3A_164 : memref<1x64xi32, #tpu.memory_space<vmem>> -> memref<64xi32, #tpu.memory_space<vmem>>
        %dma_wait3A_166 = arith.constant 0 : i32
        %dma_wait3A_167 = arith.constant 0 : i32
        %dma_wait3A_168 = tpu.memref_slice %arg2[%dma_wait3A_166, %dma_wait3A_167] : memref<10112x128xf32, #tpu.memory_space<hbm>> -> memref<10112x128xf32, #tpu.memory_space<hbm>>
        tpu.wait_indirect_dma semaphore(%arg18 : memref<!tpu.dma_semaphore, #tpu.memory_space<semaphore_mem>>) src(%dma_wait3A_168 : memref<10112x128xf32, #tpu.memory_space<hbm>>) dst(%arg12 : memref<64x128xf32, #tpu.memory_space<vmem>>)
        %dma_start3A_169 = arith.constant 0 : i32
        %dma_start3A_170 = tpu.memref_slice %arg8[%add3A_155, %dma_start3A_169] : memref<20x64xi32, #tpu.memory_space<vmem>> -> memref<1x64xi32, #tpu.memory_space<vmem>>
        %dma_start3A_171 = tpu.memref_squeeze %dma_start3A_170 : memref<1x64xi32, #tpu.memory_space<vmem>> -> memref<64xi32, #tpu.memory_space<vmem>>
        %dma_start3A_172 = arith.constant 0 : i32
        %dma_start3A_173 = arith.constant 0 : i32
        %dma_start3A_174 = tpu.memref_slice %arg14[%dma_start3A_172, %dma_start3A_173] : memref<10112x128xf32, #tpu.memory_space<vmem_shared>> -> memref<10112x128xf32, #tpu.memory_space<vmem_shared>>
        tpu.enqueue_indirect_dma source(%arg12 : memref<64x128xf32, #tpu.memory_space<vmem>>) target(%dma_start3A_174 : memref<10112x128xf32, #tpu.memory_space<vmem_shared>>) offsets(%dma_start3A_171 : memref<64xi32, #tpu.memory_space<vmem>>) semaphore(%arg23 : memref<!tpu.dma_semaphore, #tpu.memory_space<semaphore_mem>>) {add = true}
        %mul3A_175 = arith.constant 5 : i32
        %mul3A_176 = arith.muli %scan3A_83, %mul3A_175 : i32
        %add3A_177 = arith.constant 4 : i32
        %add3A_178 = arith.addi %mul3A_176, %add3A_177 : i32
        %add3A_179 = arith.constant 3 : i32
        %add3A_180 = arith.addi %add3A_178, %add3A_179 : i32
        %lt3A_181 = arith.constant 20 : i32
        %lt3A_182 = arith.cmpi slt, %add3A_180, %lt3A_181 : i32
        %convert_element_type3A_183 = arith.extui %lt3A_182 : i1 to i32
        %cond3A_184 = arith.constant 0 : i32
        %cond3A_185 = arith.cmpi ne, %convert_element_type3A_183, %cond3A_184 : i32
        scf.if %cond3A_185 {
          %ge3A = arith.constant 5 : i32
          %ge3A_198 = arith.cmpi sge, %add3A_180, %ge3A : i32
          %convert_element_type3A_199 = arith.extui %ge3A_198 : i1 to i32
          %cond3A_200 = arith.constant 0 : i32
          %cond3A_201 = arith.cmpi ne, %convert_element_type3A_199, %cond3A_200 : i32
          scf.if %cond3A_201 {
            %sub3A = arith.constant 5 : i32
            %sub3A_208 = arith.subi %add3A_180, %sub3A : i32
            %dma_wait3A_209 = arith.constant 0 : i32
            %dma_wait3A_210 = tpu.memref_slice %arg8[%sub3A_208, %dma_wait3A_209] : memref<20x64xi32, #tpu.memory_space<vmem>> -> memref<1x64xi32, #tpu.memory_space<vmem>>
            %dma_wait3A_211 = tpu.memref_squeeze %dma_wait3A_210 : memref<1x64xi32, #tpu.memory_space<vmem>> -> memref<64xi32, #tpu.memory_space<vmem>>
            %dma_wait3A_212 = arith.constant 0 : i32
            %dma_wait3A_213 = arith.constant 0 : i32
            %dma_wait3A_214 = tpu.memref_slice %arg14[%dma_wait3A_212, %dma_wait3A_213] : memref<10112x128xf32, #tpu.memory_space<vmem_shared>> -> memref<10112x128xf32, #tpu.memory_space<vmem_shared>>
            tpu.wait_indirect_dma semaphore(%arg22 : memref<!tpu.dma_semaphore, #tpu.memory_space<semaphore_mem>>) src(%arg11 : memref<64x128xf32, #tpu.memory_space<vmem>>) dst(%dma_wait3A_214 : memref<10112x128xf32, #tpu.memory_space<vmem_shared>>)
          } else {
          }
          %dma_start3A_202 = arith.constant 0 : i32
          %dma_start3A_203 = tpu.memref_slice %arg7[%add3A_180, %dma_start3A_202] : memref<20x64xi32, #tpu.memory_space<vmem>> -> memref<1x64xi32, #tpu.memory_space<vmem>>
          %dma_start3A_204 = tpu.memref_squeeze %dma_start3A_203 : memref<1x64xi32, #tpu.memory_space<vmem>> -> memref<64xi32, #tpu.memory_space<vmem>>
          %dma_start3A_205 = arith.constant 0 : i32
          %dma_start3A_206 = arith.constant 0 : i32
          %dma_start3A_207 = tpu.memref_slice %arg2[%dma_start3A_205, %dma_start3A_206] : memref<10112x128xf32, #tpu.memory_space<hbm>> -> memref<10112x128xf32, #tpu.memory_space<hbm>>
          tpu.enqueue_indirect_dma source(%dma_start3A_207 : memref<10112x128xf32, #tpu.memory_space<hbm>>) target(%arg11 : memref<64x128xf32, #tpu.memory_space<vmem>>) offsets(%dma_start3A_204 : memref<64xi32, #tpu.memory_space<vmem>>) semaphore(%arg17 : memref<!tpu.dma_semaphore, #tpu.memory_space<semaphore_mem>>)
        } else {
        }
        %dma_wait3A_186 = arith.constant 0 : i32
        %dma_wait3A_187 = tpu.memref_slice %arg7[%add3A_178, %dma_wait3A_186] : memref<20x64xi32, #tpu.memory_space<vmem>> -> memref<1x64xi32, #tpu.memory_space<vmem>>
        %dma_wait3A_188 = tpu.memref_squeeze %dma_wait3A_187 : memref<1x64xi32, #tpu.memory_space<vmem>> -> memref<64xi32, #tpu.memory_space<vmem>>
        %dma_wait3A_189 = arith.constant 0 : i32
        %dma_wait3A_190 = arith.constant 0 : i32
        %dma_wait3A_191 = tpu.memref_slice %arg2[%dma_wait3A_189, %dma_wait3A_190] : memref<10112x128xf32, #tpu.memory_space<hbm>> -> memref<10112x128xf32, #tpu.memory_space<hbm>>
        tpu.wait_indirect_dma semaphore(%arg19 : memref<!tpu.dma_semaphore, #tpu.memory_space<semaphore_mem>>) src(%dma_wait3A_191 : memref<10112x128xf32, #tpu.memory_space<hbm>>) dst(%arg13 : memref<64x128xf32, #tpu.memory_space<vmem>>)
        %dma_start3A_192 = arith.constant 0 : i32
        %dma_start3A_193 = tpu.memref_slice %arg8[%add3A_178, %dma_start3A_192] : memref<20x64xi32, #tpu.memory_space<vmem>> -> memref<1x64xi32, #tpu.memory_space<vmem>>
        %dma_start3A_194 = tpu.memref_squeeze %dma_start3A_193 : memref<1x64xi32, #tpu.memory_space<vmem>> -> memref<64xi32, #tpu.memory_space<vmem>>
        %dma_start3A_195 = arith.constant 0 : i32
        %dma_start3A_196 = arith.constant 0 : i32
        %dma_start3A_197 = tpu.memref_slice %arg14[%dma_start3A_195, %dma_start3A_196] : memref<10112x128xf32, #tpu.memory_space<vmem_shared>> -> memref<10112x128xf32, #tpu.memory_space<vmem_shared>>
        tpu.enqueue_indirect_dma source(%arg13 : memref<64x128xf32, #tpu.memory_space<vmem>>) target(%dma_start3A_197 : memref<10112x128xf32, #tpu.memory_space<vmem_shared>>) offsets(%dma_start3A_194 : memref<64xi32, #tpu.memory_space<vmem>>) semaphore(%arg24 : memref<!tpu.dma_semaphore, #tpu.memory_space<semaphore_mem>>) {add = true}
      }
      %scan3A_48 = arith.constant 4 : i32
      %dma_wait3A = arith.constant 15 : i32
      %dma_wait3A_49 = arith.constant 0 : i32
      %dma_wait3A_50 = tpu.memref_slice %arg8[%dma_wait3A, %dma_wait3A_49] : memref<20x64xi32, #tpu.memory_space<vmem>> -> memref<1x64xi32, #tpu.memory_space<vmem>>
      %dma_wait3A_51 = tpu.memref_squeeze %dma_wait3A_50 : memref<1x64xi32, #tpu.memory_space<vmem>> -> memref<64xi32, #tpu.memory_space<vmem>>
      %dma_wait3A_52 = arith.constant 0 : i32
      %dma_wait3A_53 = arith.constant 0 : i32
      %dma_wait3A_54 = tpu.memref_slice %arg14[%dma_wait3A_52, %dma_wait3A_53] : memref<10112x128xf32, #tpu.memory_space<vmem_shared>> -> memref<10112x128xf32, #tpu.memory_space<vmem_shared>>
      tpu.wait_indirect_dma semaphore(%arg20 : memref<!tpu.dma_semaphore, #tpu.memory_space<semaphore_mem>>) src(%arg9 : memref<64x128xf32, #tpu.memory_space<vmem>>) dst(%dma_wait3A_54 : memref<10112x128xf32, #tpu.memory_space<vmem_shared>>)
      %dma_wait3A_55 = arith.constant 16 : i32
      %dma_wait3A_56 = arith.constant 0 : i32
      %dma_wait3A_57 = tpu.memref_slice %arg8[%dma_wait3A_55, %dma_wait3A_56] : memref<20x64xi32, #tpu.memory_space<vmem>> -> memref<1x64xi32, #tpu.memory_space<vmem>>
      %dma_wait3A_58 = tpu.memref_squeeze %dma_wait3A_57 : memref<1x64xi32, #tpu.memory_space<vmem>> -> memref<64xi32, #tpu.memory_space<vmem>>
      %dma_wait3A_59 = arith.constant 0 : i32
      %dma_wait3A_60 = arith.constant 0 : i32
      %dma_wait3A_61 = tpu.memref_slice %arg14[%dma_wait3A_59, %dma_wait3A_60] : memref<10112x128xf32, #tpu.memory_space<vmem_shared>> -> memref<10112x128xf32, #tpu.memory_space<vmem_shared>>
      tpu.wait_indirect_dma semaphore(%arg21 : memref<!tpu.dma_semaphore, #tpu.memory_space<semaphore_mem>>) src(%arg10 : memref<64x128xf32, #tpu.memory_space<vmem>>) dst(%dma_wait3A_61 : memref<10112x128xf32, #tpu.memory_space<vmem_shared>>)
      %dma_wait3A_62 = arith.constant 17 : i32
      %dma_wait3A_63 = arith.constant 0 : i32
      %dma_wait3A_64 = tpu.memref_slice %arg8[%dma_wait3A_62, %dma_wait3A_63] : memref<20x64xi32, #tpu.memory_space<vmem>> -> memref<1x64xi32, #tpu.memory_space<vmem>>
      %dma_wait3A_65 = tpu.memref_squeeze %dma_wait3A_64 : memref<1x64xi32, #tpu.memory_space<vmem>> -> memref<64xi32, #tpu.memory_space<vmem>>
      %dma_wait3A_66 = arith.constant 0 : i32
      %dma_wait3A_67 = arith.constant 0 : i32
      %dma_wait3A_68 = tpu.memref_slice %arg14[%dma_wait3A_66, %dma_wait3A_67] : memref<10112x128xf32, #tpu.memory_space<vmem_shared>> -> memref<10112x128xf32, #tpu.memory_space<vmem_shared>>
      tpu.wait_indirect_dma semaphore(%arg22 : memref<!tpu.dma_semaphore, #tpu.memory_space<semaphore_mem>>) src(%arg11 : memref<64x128xf32, #tpu.memory_space<vmem>>) dst(%dma_wait3A_68 : memref<10112x128xf32, #tpu.memory_space<vmem_shared>>)
      %dma_wait3A_69 = arith.constant 18 : i32
      %dma_wait3A_70 = arith.constant 0 : i32
      %dma_wait3A_71 = tpu.memref_slice %arg8[%dma_wait3A_69, %dma_wait3A_70] : memref<20x64xi32, #tpu.memory_space<vmem>> -> memref<1x64xi32, #tpu.memory_space<vmem>>
      %dma_wait3A_72 = tpu.memref_squeeze %dma_wait3A_71 : memref<1x64xi32, #tpu.memory_space<vmem>> -> memref<64xi32, #tpu.memory_space<vmem>>
      %dma_wait3A_73 = arith.constant 0 : i32
      %dma_wait3A_74 = arith.constant 0 : i32
      %dma_wait3A_75 = tpu.memref_slice %arg14[%dma_wait3A_73, %dma_wait3A_74] : memref<10112x128xf32, #tpu.memory_space<vmem_shared>> -> memref<10112x128xf32, #tpu.memory_space<vmem_shared>>
      tpu.wait_indirect_dma semaphore(%arg23 : memref<!tpu.dma_semaphore, #tpu.memory_space<semaphore_mem>>) src(%arg12 : memref<64x128xf32, #tpu.memory_space<vmem>>) dst(%dma_wait3A_75 : memref<10112x128xf32, #tpu.memory_space<vmem_shared>>)
      %dma_wait3A_76 = arith.constant 19 : i32
      %dma_wait3A_77 = arith.constant 0 : i32
      %dma_wait3A_78 = tpu.memref_slice %arg8[%dma_wait3A_76, %dma_wait3A_77] : memref<20x64xi32, #tpu.memory_space<vmem>> -> memref<1x64xi32, #tpu.memory_space<vmem>>
      %dma_wait3A_79 = tpu.memref_squeeze %dma_wait3A_78 : memref<1x64xi32, #tpu.memory_space<vmem>> -> memref<64xi32, #tpu.memory_space<vmem>>
      %dma_wait3A_80 = arith.constant 0 : i32
      %dma_wait3A_81 = arith.constant 0 : i32
      %dma_wait3A_82 = tpu.memref_slice %arg14[%dma_wait3A_80, %dma_wait3A_81] : memref<10112x128xf32, #tpu.memory_space<vmem_shared>> -> memref<10112x128xf32, #tpu.memory_space<vmem_shared>>
      tpu.wait_indirect_dma semaphore(%arg24 : memref<!tpu.dma_semaphore, #tpu.memory_space<semaphore_mem>>) src(%arg13 : memref<64x128xf32, #tpu.memory_space<vmem>>) dst(%dma_wait3A_82 : memref<10112x128xf32, #tpu.memory_space<vmem_shared>>)
    }
    %scan3A_32 = arith.constant 8 : i32
    %barrier3A_33 = arith.constant 0 : index
    tpu.barrier barrier_id(%barrier3A_33)
    %mul3A_34 = arith.constant 632 : i32
    %mul3A_35 = arith.muli %arg1, %mul3A_34 : i32
    %mul3A_36 = arith.constant 632 : i32
    %mul3A_37 = arith.muli %arg1, %mul3A_36 : i32
    "tpu.region"() ({
      %run_scoped3A_38 = tpu.sem_alloc : memref<!tpu.dma_semaphore, #tpu.memory_space<semaphore_mem>>
      %dma_start3A_39 = arith.constant 0 : i32
      %dma_start3A_40 = tpu.memref_slice %arg6[%arg0, %mul3A_37, %dma_start3A_39] : memref<2x10112x128xf32, #tpu.memory_space<hbm>> -> memref<1x632x128xf32, #tpu.memory_space<hbm>>
      %dma_start3A_41 = tpu.memref_squeeze %dma_start3A_40 : memref<1x632x128xf32, #tpu.memory_space<hbm>> -> memref<632x128xf32, #tpu.memory_space<hbm>>
      %dma_start3A_42 = arith.constant 0 : i32
      %dma_start3A_43 = tpu.memref_slice %arg14[%mul3A_35, %dma_start3A_42] : memref<10112x128xf32, #tpu.memory_space<vmem_shared>> -> memref<632x128xf32, #tpu.memory_space<vmem_shared>>
      tpu.enqueue_dma source(%dma_start3A_43 : memref<632x128xf32, #tpu.memory_space<vmem_shared>>) target(%dma_start3A_41 : memref<632x128xf32, #tpu.memory_space<hbm>>) target_semaphore(%run_scoped3A_38 : memref<!tpu.dma_semaphore, #tpu.memory_space<semaphore_mem>>)
      %dma_wait3A = arith.constant 0 : i32
      %dma_wait3A_44 = tpu.memref_slice %arg6[%arg0, %mul3A_37, %dma_wait3A] : memref<2x10112x128xf32, #tpu.memory_space<hbm>> -> memref<1x632x128xf32, #tpu.memory_space<hbm>>
      %dma_wait3A_45 = tpu.memref_squeeze %dma_wait3A_44 : memref<1x632x128xf32, #tpu.memory_space<hbm>> -> memref<632x128xf32, #tpu.memory_space<hbm>>
      %dma_wait3A_46 = arith.constant 0 : i32
      %dma_wait3A_47 = tpu.memref_slice %arg14[%mul3A_35, %dma_wait3A_46] : memref<10112x128xf32, #tpu.memory_space<vmem_shared>> -> memref<632x128xf32, #tpu.memory_space<vmem_shared>>
      tpu.wait_dma2 semaphore(%run_scoped3A_38 : memref<!tpu.dma_semaphore, #tpu.memory_space<semaphore_mem>>) src(%dma_wait3A_47 : memref<632x128xf32, #tpu.memory_space<vmem_shared>>) dst(%dma_wait3A_45 : memref<632x128xf32, #tpu.memory_space<hbm>>)
      tpu.yield
    }) : () -> ()
    return
  }
}

#map = affine_map<(d0, d1) -> (0, 0)>
#map1 = affine_map<(d0, d1) -> (0, 0, 0, 0)>
#map2 = affine_map<(d0, d1) -> (0, 0, 0)>
module attributes {stable_mosaic.version = 14 : i64} {
  func.func @agg_kernel(%arg0: i32, %arg1: i32, %arg2: memref<10112x128xf32, #tpu.memory_space<hbm>>, %arg3: memref<32x8x20x64xi32, #tpu.memory_space<hbm>>, %arg4: memref<32x8x20x64xi32, #tpu.memory_space<hbm>>, %arg5: memref<632x128xf32, #tpu.memory_space<hbm>>, %arg6: memref<2x10112x128xf32, #tpu.memory_space<hbm>>, %arg7: memref<20x64xi32, #tpu.memory_space<vmem>>, %arg8: memref<20x64xi32, #tpu.memory_space<vmem>>, %arg9: memref<64x128xf32, #tpu.memory_space<vmem>>, %arg10: memref<64x128xf32, #tpu.memory_space<vmem>>, %arg11: memref<64x128xf32, #tpu.memory_space<vmem>>, %arg12: memref<64x128xf32, #tpu.memory_space<vmem>>, %arg13: memref<64x128xf32, #tpu.memory_space<vmem>>, %arg14: memref<10112x128xf32, #tpu.memory_space<vmem_shared>>, %arg15: memref<!tpu.dma_semaphore, #tpu.memory_space<semaphore_mem>>, %arg16: memref<!tpu.dma_semaphore, #tpu.memory_space<semaphore_mem>>, %arg17: memref<!tpu.dma_semaphore, #tpu.memory_space<semaphore_mem>>, %arg18: memref<!tpu.dma_semaphore, #tpu.memory_space<semaphore_mem>>, %arg19: memref<!tpu.dma_semaphore, #tpu.memory_space<semaphore_mem>>, %arg20: memref<!tpu.dma_semaphore, #tpu.memory_space<semaphore_mem>>, %arg21: memref<!tpu.dma_semaphore, #tpu.memory_space<semaphore_mem>>, %arg22: memref<!tpu.dma_semaphore, #tpu.memory_space<semaphore_mem>>, %arg23: memref<!tpu.dma_semaphore, #tpu.memory_space<semaphore_mem>>, %arg24: memref<!tpu.dma_semaphore, #tpu.memory_space<semaphore_mem>>) attributes {dimension_semantics = [#tpu.dimension_semantics<core_parallel>, #tpu.dimension_semantics<subcore_parallel>], iteration_bounds = array<i64: 2, 16>, scalar_prefetch = 0 : i64, scratch_operands = 18 : i64, tpu.core_type = #tpu.core_type<sc_vector_subcore>, window_params = [{transform_indices = #map}, {transform_indices = #map1}, {transform_indices = #map1}, {transform_indices = #map}, {transform_indices = #map2}]} {
    %mul3A = arith.constant 2 : i32
    %mul3A_0 = arith.muli %arg1, %mul3A : i32
    %add3A = arith.addi %mul3A_0, %arg0 : i32
    %eq3A = arith.constant 0 : i32
    %eq3A_1 = arith.cmpi eq, %arg0, %eq3A : i32
    %convert_element_type3A = arith.extui %eq3A_1 : i1 to i32
    %cond3A = arith.constant 0 : i32
    %cond3A_2 = arith.cmpi ne, %convert_element_type3A, %cond3A : i32
    scf.if %cond3A_2 {
      %mul3A_38 = arith.constant 632 : i32
      %mul3A_39 = arith.muli %arg1, %mul3A_38 : i32
      %mul3A_40 = arith.constant 632 : i32
      %mul3A_41 = arith.muli %arg1, %mul3A_40 : i32
      "tpu.region"() ({
        %run_scoped3A_42 = tpu.sem_alloc : memref<!tpu.dma_semaphore, #tpu.memory_space<semaphore_mem>>
        %dma_start3A_43 = arith.constant 0 : i32
        %dma_start3A_44 = tpu.memref_slice %arg14[%mul3A_41, %dma_start3A_43] : memref<10112x128xf32, #tpu.memory_space<vmem_shared>> -> memref<632x128xf32, #tpu.memory_space<vmem_shared>>
        %dma_start3A_45 = arith.constant 0 : i32
        %dma_start3A_46 = tpu.memref_slice %arg2[%mul3A_39, %dma_start3A_45] : memref<10112x128xf32, #tpu.memory_space<hbm>> -> memref<632x128xf32, #tpu.memory_space<hbm>>
        tpu.enqueue_dma source(%dma_start3A_46 : memref<632x128xf32, #tpu.memory_space<hbm>>) target(%dma_start3A_44 : memref<632x128xf32, #tpu.memory_space<vmem_shared>>) target_semaphore(%run_scoped3A_42 : memref<!tpu.dma_semaphore, #tpu.memory_space<semaphore_mem>>)
        %dma_wait3A = arith.constant 0 : i32
        %dma_wait3A_47 = tpu.memref_slice %arg14[%mul3A_41, %dma_wait3A] : memref<10112x128xf32, #tpu.memory_space<vmem_shared>> -> memref<632x128xf32, #tpu.memory_space<vmem_shared>>
        %dma_wait3A_48 = arith.constant 0 : i32
        %dma_wait3A_49 = tpu.memref_slice %arg2[%mul3A_39, %dma_wait3A_48] : memref<10112x128xf32, #tpu.memory_space<hbm>> -> memref<632x128xf32, #tpu.memory_space<hbm>>
        tpu.wait_dma2 semaphore(%run_scoped3A_42 : memref<!tpu.dma_semaphore, #tpu.memory_space<semaphore_mem>>) src(%dma_wait3A_49 : memref<632x128xf32, #tpu.memory_space<hbm>>) dst(%dma_wait3A_47 : memref<632x128xf32, #tpu.memory_space<vmem_shared>>)
        tpu.yield
      }) : () -> ()
    } else {
    }
    %ne3A = arith.constant 0 : i32
    %ne3A_3 = arith.cmpi ne, %arg0, %ne3A : i32
    %convert_element_type3A_4 = arith.extui %ne3A_3 : i1 to i32
    %cond3A_5 = arith.constant 0 : i32
    %cond3A_6 = arith.cmpi ne, %convert_element_type3A_4, %cond3A_5 : i32
    scf.if %cond3A_6 {
      %mul3A_38 = arith.constant 632 : i32
      %mul3A_39 = arith.muli %arg1, %mul3A_38 : i32
      "tpu.region"() ({
        %run_scoped3A_40 = tpu.sem_alloc : memref<!tpu.dma_semaphore, #tpu.memory_space<semaphore_mem>>
        %dma_start3A_41 = arith.constant 0 : i32
        %dma_start3A_42 = tpu.memref_slice %arg14[%mul3A_39, %dma_start3A_41] : memref<10112x128xf32, #tpu.memory_space<vmem_shared>> -> memref<632x128xf32, #tpu.memory_space<vmem_shared>>
        tpu.enqueue_dma source(%arg5 : memref<632x128xf32, #tpu.memory_space<hbm>>) target(%dma_start3A_42 : memref<632x128xf32, #tpu.memory_space<vmem_shared>>) target_semaphore(%run_scoped3A_40 : memref<!tpu.dma_semaphore, #tpu.memory_space<semaphore_mem>>)
        %dma_wait3A = arith.constant 0 : i32
        %dma_wait3A_43 = tpu.memref_slice %arg14[%mul3A_39, %dma_wait3A] : memref<10112x128xf32, #tpu.memory_space<vmem_shared>> -> memref<632x128xf32, #tpu.memory_space<vmem_shared>>
        tpu.wait_dma2 semaphore(%run_scoped3A_40 : memref<!tpu.dma_semaphore, #tpu.memory_space<semaphore_mem>>) src(%arg5 : memref<632x128xf32, #tpu.memory_space<hbm>>) dst(%dma_wait3A_43 : memref<632x128xf32, #tpu.memory_space<vmem_shared>>)
        tpu.yield
      }) : () -> ()
    } else {
    }
    %run_scoped3A = arith.constant 0 : i32
    "tpu.region"() ({
      %run_scoped3A_38 = tpu.sem_alloc : memref<!tpu.dma_semaphore, #tpu.memory_space<semaphore_mem>>
      %dma_start3A_39 = arith.constant 0 : i32
      %dma_start3A_40 = arith.constant 0 : i32
      %dma_start3A_41 = tpu.memref_slice %arg3[%add3A, %run_scoped3A, %dma_start3A_39, %dma_start3A_40] : memref<32x8x20x64xi32, #tpu.memory_space<hbm>> -> memref<1x1x20x64xi32, #tpu.memory_space<hbm>>
      %dma_start3A_42 = tpu.memref_squeeze %dma_start3A_41 : memref<1x1x20x64xi32, #tpu.memory_space<hbm>> -> memref<20x64xi32, #tpu.memory_space<hbm>>
      %dma_start3A_43 = arith.constant 0 : i32
      %dma_start3A_44 = arith.constant 0 : i32
      %dma_start3A_45 = tpu.memref_slice %arg3[%add3A, %run_scoped3A, %dma_start3A_43, %dma_start3A_44] : memref<32x8x20x64xi32, #tpu.memory_space<hbm>> -> memref<1x1x20x64xi32, #tpu.memory_space<hbm>>
      %dma_start3A_46 = tpu.memref_squeeze %dma_start3A_45 : memref<1x1x20x64xi32, #tpu.memory_space<hbm>> -> memref<20x64xi32, #tpu.memory_space<hbm>>
      tpu.enqueue_dma source(%dma_start3A_46 : memref<20x64xi32, #tpu.memory_space<hbm>>) target(%arg7 : memref<20x64xi32, #tpu.memory_space<vmem>>) target_semaphore(%run_scoped3A_38 : memref<!tpu.dma_semaphore, #tpu.memory_space<semaphore_mem>>)
      %dma_wait3A = arith.constant 0 : i32
      %dma_wait3A_47 = arith.constant 0 : i32
      %dma_wait3A_48 = tpu.memref_slice %arg3[%add3A, %run_scoped3A, %dma_wait3A, %dma_wait3A_47] : memref<32x8x20x64xi32, #tpu.memory_space<hbm>> -> memref<1x1x20x64xi32, #tpu.memory_space<hbm>>
      %dma_wait3A_49 = tpu.memref_squeeze %dma_wait3A_48 : memref<1x1x20x64xi32, #tpu.memory_space<hbm>> -> memref<20x64xi32, #tpu.memory_space<hbm>>
      %dma_wait3A_50 = arith.constant 0 : i32
      %dma_wait3A_51 = arith.constant 0 : i32
      %dma_wait3A_52 = tpu.memref_slice %arg3[%add3A, %run_scoped3A, %dma_wait3A_50, %dma_wait3A_51] : memref<32x8x20x64xi32, #tpu.memory_space<hbm>> -> memref<1x1x20x64xi32, #tpu.memory_space<hbm>>
      %dma_wait3A_53 = tpu.memref_squeeze %dma_wait3A_52 : memref<1x1x20x64xi32, #tpu.memory_space<hbm>> -> memref<20x64xi32, #tpu.memory_space<hbm>>
      tpu.wait_dma2 semaphore(%run_scoped3A_38 : memref<!tpu.dma_semaphore, #tpu.memory_space<semaphore_mem>>) src(%dma_wait3A_53 : memref<20x64xi32, #tpu.memory_space<hbm>>) dst(%arg7 : memref<20x64xi32, #tpu.memory_space<vmem>>)
      tpu.yield
    }) : () -> ()
    %run_scoped3A_7 = arith.constant 0 : i32
    "tpu.region"() ({
      %run_scoped3A_38 = tpu.sem_alloc : memref<!tpu.dma_semaphore, #tpu.memory_space<semaphore_mem>>
      %dma_start3A_39 = arith.constant 0 : i32
      %dma_start3A_40 = arith.constant 0 : i32
      %dma_start3A_41 = tpu.memref_slice %arg4[%add3A, %run_scoped3A_7, %dma_start3A_39, %dma_start3A_40] : memref<32x8x20x64xi32, #tpu.memory_space<hbm>> -> memref<1x1x20x64xi32, #tpu.memory_space<hbm>>
      %dma_start3A_42 = tpu.memref_squeeze %dma_start3A_41 : memref<1x1x20x64xi32, #tpu.memory_space<hbm>> -> memref<20x64xi32, #tpu.memory_space<hbm>>
      %dma_start3A_43 = arith.constant 0 : i32
      %dma_start3A_44 = arith.constant 0 : i32
      %dma_start3A_45 = tpu.memref_slice %arg4[%add3A, %run_scoped3A_7, %dma_start3A_43, %dma_start3A_44] : memref<32x8x20x64xi32, #tpu.memory_space<hbm>> -> memref<1x1x20x64xi32, #tpu.memory_space<hbm>>
      %dma_start3A_46 = tpu.memref_squeeze %dma_start3A_45 : memref<1x1x20x64xi32, #tpu.memory_space<hbm>> -> memref<20x64xi32, #tpu.memory_space<hbm>>
      tpu.enqueue_dma source(%dma_start3A_46 : memref<20x64xi32, #tpu.memory_space<hbm>>) target(%arg8 : memref<20x64xi32, #tpu.memory_space<vmem>>) target_semaphore(%run_scoped3A_38 : memref<!tpu.dma_semaphore, #tpu.memory_space<semaphore_mem>>)
      %dma_wait3A = arith.constant 0 : i32
      %dma_wait3A_47 = arith.constant 0 : i32
      %dma_wait3A_48 = tpu.memref_slice %arg4[%add3A, %run_scoped3A_7, %dma_wait3A, %dma_wait3A_47] : memref<32x8x20x64xi32, #tpu.memory_space<hbm>> -> memref<1x1x20x64xi32, #tpu.memory_space<hbm>>
      %dma_wait3A_49 = tpu.memref_squeeze %dma_wait3A_48 : memref<1x1x20x64xi32, #tpu.memory_space<hbm>> -> memref<20x64xi32, #tpu.memory_space<hbm>>
      %dma_wait3A_50 = arith.constant 0 : i32
      %dma_wait3A_51 = arith.constant 0 : i32
      %dma_wait3A_52 = tpu.memref_slice %arg4[%add3A, %run_scoped3A_7, %dma_wait3A_50, %dma_wait3A_51] : memref<32x8x20x64xi32, #tpu.memory_space<hbm>> -> memref<1x1x20x64xi32, #tpu.memory_space<hbm>>
      %dma_wait3A_53 = tpu.memref_squeeze %dma_wait3A_52 : memref<1x1x20x64xi32, #tpu.memory_space<hbm>> -> memref<20x64xi32, #tpu.memory_space<hbm>>
      tpu.wait_dma2 semaphore(%run_scoped3A_38 : memref<!tpu.dma_semaphore, #tpu.memory_space<semaphore_mem>>) src(%dma_wait3A_53 : memref<20x64xi32, #tpu.memory_space<hbm>>) dst(%arg8 : memref<20x64xi32, #tpu.memory_space<vmem>>)
      tpu.yield
    }) : () -> ()
    %dma_start3A = arith.constant 0 : i32
    %dma_start3A_8 = arith.constant 0 : i32
    %dma_start3A_9 = tpu.memref_slice %arg7[%dma_start3A, %dma_start3A_8] : memref<20x64xi32, #tpu.memory_space<vmem>> -> memref<1x64xi32, #tpu.memory_space<vmem>>
    %dma_start3A_10 = tpu.memref_squeeze %dma_start3A_9 : memref<1x64xi32, #tpu.memory_space<vmem>> -> memref<64xi32, #tpu.memory_space<vmem>>
    %dma_start3A_11 = arith.constant 0 : i32
    %dma_start3A_12 = arith.constant 0 : i32
    %dma_start3A_13 = tpu.memref_slice %arg2[%dma_start3A_11, %dma_start3A_12] : memref<10112x128xf32, #tpu.memory_space<hbm>> -> memref<10112x128xf32, #tpu.memory_space<hbm>>
    tpu.enqueue_indirect_dma source(%dma_start3A_13 : memref<10112x128xf32, #tpu.memory_space<hbm>>) target(%arg9 : memref<64x128xf32, #tpu.memory_space<vmem>>) offsets(%dma_start3A_10 : memref<64xi32, #tpu.memory_space<vmem>>) semaphore(%arg15 : memref<!tpu.dma_semaphore, #tpu.memory_space<semaphore_mem>>)
    %dma_start3A_14 = arith.constant 1 : i32
    %dma_start3A_15 = arith.constant 0 : i32
    %dma_start3A_16 = tpu.memref_slice %arg7[%dma_start3A_14, %dma_start3A_15] : memref<20x64xi32, #tpu.memory_space<vmem>> -> memref<1x64xi32, #tpu.memory_space<vmem>>
    %dma_start3A_17 = tpu.memref_squeeze %dma_start3A_16 : memref<1x64xi32, #tpu.memory_space<vmem>> -> memref<64xi32, #tpu.memory_space<vmem>>
    %dma_start3A_18 = arith.constant 0 : i32
    %dma_start3A_19 = arith.constant 0 : i32
    %dma_start3A_20 = tpu.memref_slice %arg2[%dma_start3A_18, %dma_start3A_19] : memref<10112x128xf32, #tpu.memory_space<hbm>> -> memref<10112x128xf32, #tpu.memory_space<hbm>>
    tpu.enqueue_indirect_dma source(%dma_start3A_20 : memref<10112x128xf32, #tpu.memory_space<hbm>>) target(%arg10 : memref<64x128xf32, #tpu.memory_space<vmem>>) offsets(%dma_start3A_17 : memref<64xi32, #tpu.memory_space<vmem>>) semaphore(%arg16 : memref<!tpu.dma_semaphore, #tpu.memory_space<semaphore_mem>>)
    %dma_start3A_21 = arith.constant 2 : i32
    %dma_start3A_22 = arith.constant 0 : i32
    %dma_start3A_23 = tpu.memref_slice %arg7[%dma_start3A_21, %dma_start3A_22] : memref<20x64xi32, #tpu.memory_space<vmem>> -> memref<1x64xi32, #tpu.memory_space<vmem>>
    %dma_start3A_24 = tpu.memref_squeeze %dma_start3A_23 : memref<1x64xi32, #tpu.memory_space<vmem>> -> memref<64xi32, #tpu.memory_space<vmem>>
    %dma_start3A_25 = arith.constant 0 : i32
    %dma_start3A_26 = arith.constant 0 : i32
    %dma_start3A_27 = tpu.memref_slice %arg2[%dma_start3A_25, %dma_start3A_26] : memref<10112x128xf32, #tpu.memory_space<hbm>> -> memref<10112x128xf32, #tpu.memory_space<hbm>>
    tpu.enqueue_indirect_dma source(%dma_start3A_27 : memref<10112x128xf32, #tpu.memory_space<hbm>>) target(%arg11 : memref<64x128xf32, #tpu.memory_space<vmem>>) offsets(%dma_start3A_24 : memref<64xi32, #tpu.memory_space<vmem>>) semaphore(%arg17 : memref<!tpu.dma_semaphore, #tpu.memory_space<semaphore_mem>>)
    %barrier3A = arith.constant 0 : index
    tpu.barrier barrier_id(%barrier3A)
    %scan3A = arith.constant 0 : i32
    %scan3A_28 = arith.constant 0 : i32
    %scan3A_29 = arith.constant 8 : i32
    %scan3A_30 = arith.addi %scan3A_28, %scan3A_29 : i32
    %scan3A_31 = arith.constant 1 : i32
    scf.for %scan3A_38 = %scan3A_28 to %scan3A_30 step %scan3A_31  : i32 {
      %gt3A = arith.constant 0 : i32
      %gt3A_39 = arith.cmpi sgt, %scan3A_38, %gt3A : i32
      %convert_element_type3A_40 = arith.extui %gt3A_39 : i1 to i32
      %cond3A_41 = arith.constant 0 : i32
      %cond3A_42 = arith.cmpi ne, %convert_element_type3A_40, %cond3A_41 : i32
      scf.if %cond3A_42 {
        "tpu.region"() ({
          %run_scoped3A_104 = tpu.sem_alloc : memref<!tpu.dma_semaphore, #tpu.memory_space<semaphore_mem>>
          %dma_start3A_105 = arith.constant 0 : i32
          %dma_start3A_106 = arith.constant 0 : i32
          %dma_start3A_107 = tpu.memref_slice %arg3[%add3A, %scan3A_38, %dma_start3A_105, %dma_start3A_106] : memref<32x8x20x64xi32, #tpu.memory_space<hbm>> -> memref<1x1x20x64xi32, #tpu.memory_space<hbm>>
          %dma_start3A_108 = tpu.memref_squeeze %dma_start3A_107 : memref<1x1x20x64xi32, #tpu.memory_space<hbm>> -> memref<20x64xi32, #tpu.memory_space<hbm>>
          %dma_start3A_109 = arith.constant 0 : i32
          %dma_start3A_110 = arith.constant 0 : i32
          %dma_start3A_111 = tpu.memref_slice %arg3[%add3A, %scan3A_38, %dma_start3A_109, %dma_start3A_110] : memref<32x8x20x64xi32, #tpu.memory_space<hbm>> -> memref<1x1x20x64xi32, #tpu.memory_space<hbm>>
          %dma_start3A_112 = tpu.memref_squeeze %dma_start3A_111 : memref<1x1x20x64xi32, #tpu.memory_space<hbm>> -> memref<20x64xi32, #tpu.memory_space<hbm>>
          tpu.enqueue_dma source(%dma_start3A_112 : memref<20x64xi32, #tpu.memory_space<hbm>>) target(%arg7 : memref<20x64xi32, #tpu.memory_space<vmem>>) target_semaphore(%run_scoped3A_104 : memref<!tpu.dma_semaphore, #tpu.memory_space<semaphore_mem>>)
          %dma_wait3A_113 = arith.constant 0 : i32
          %dma_wait3A_114 = arith.constant 0 : i32
          %dma_wait3A_115 = tpu.memref_slice %arg3[%add3A, %scan3A_38, %dma_wait3A_113, %dma_wait3A_114] : memref<32x8x20x64xi32, #tpu.memory_space<hbm>> -> memref<1x1x20x64xi32, #tpu.memory_space<hbm>>
          %dma_wait3A_116 = tpu.memref_squeeze %dma_wait3A_115 : memref<1x1x20x64xi32, #tpu.memory_space<hbm>> -> memref<20x64xi32, #tpu.memory_space<hbm>>
          %dma_wait3A_117 = arith.constant 0 : i32
          %dma_wait3A_118 = arith.constant 0 : i32
          %dma_wait3A_119 = tpu.memref_slice %arg3[%add3A, %scan3A_38, %dma_wait3A_117, %dma_wait3A_118] : memref<32x8x20x64xi32, #tpu.memory_space<hbm>> -> memref<1x1x20x64xi32, #tpu.memory_space<hbm>>
          %dma_wait3A_120 = tpu.memref_squeeze %dma_wait3A_119 : memref<1x1x20x64xi32, #tpu.memory_space<hbm>> -> memref<20x64xi32, #tpu.memory_space<hbm>>
          tpu.wait_dma2 semaphore(%run_scoped3A_104 : memref<!tpu.dma_semaphore, #tpu.memory_space<semaphore_mem>>) src(%dma_wait3A_120 : memref<20x64xi32, #tpu.memory_space<hbm>>) dst(%arg7 : memref<20x64xi32, #tpu.memory_space<vmem>>)
          tpu.yield
        }) : () -> ()
        "tpu.region"() ({
          %run_scoped3A_104 = tpu.sem_alloc : memref<!tpu.dma_semaphore, #tpu.memory_space<semaphore_mem>>
          %dma_start3A_105 = arith.constant 0 : i32
          %dma_start3A_106 = arith.constant 0 : i32
          %dma_start3A_107 = tpu.memref_slice %arg4[%add3A, %scan3A_38, %dma_start3A_105, %dma_start3A_106] : memref<32x8x20x64xi32, #tpu.memory_space<hbm>> -> memref<1x1x20x64xi32, #tpu.memory_space<hbm>>
          %dma_start3A_108 = tpu.memref_squeeze %dma_start3A_107 : memref<1x1x20x64xi32, #tpu.memory_space<hbm>> -> memref<20x64xi32, #tpu.memory_space<hbm>>
          %dma_start3A_109 = arith.constant 0 : i32
          %dma_start3A_110 = arith.constant 0 : i32
          %dma_start3A_111 = tpu.memref_slice %arg4[%add3A, %scan3A_38, %dma_start3A_109, %dma_start3A_110] : memref<32x8x20x64xi32, #tpu.memory_space<hbm>> -> memref<1x1x20x64xi32, #tpu.memory_space<hbm>>
          %dma_start3A_112 = tpu.memref_squeeze %dma_start3A_111 : memref<1x1x20x64xi32, #tpu.memory_space<hbm>> -> memref<20x64xi32, #tpu.memory_space<hbm>>
          tpu.enqueue_dma source(%dma_start3A_112 : memref<20x64xi32, #tpu.memory_space<hbm>>) target(%arg8 : memref<20x64xi32, #tpu.memory_space<vmem>>) target_semaphore(%run_scoped3A_104 : memref<!tpu.dma_semaphore, #tpu.memory_space<semaphore_mem>>)
          %dma_wait3A_113 = arith.constant 0 : i32
          %dma_wait3A_114 = arith.constant 0 : i32
          %dma_wait3A_115 = tpu.memref_slice %arg4[%add3A, %scan3A_38, %dma_wait3A_113, %dma_wait3A_114] : memref<32x8x20x64xi32, #tpu.memory_space<hbm>> -> memref<1x1x20x64xi32, #tpu.memory_space<hbm>>
          %dma_wait3A_116 = tpu.memref_squeeze %dma_wait3A_115 : memref<1x1x20x64xi32, #tpu.memory_space<hbm>> -> memref<20x64xi32, #tpu.memory_space<hbm>>
          %dma_wait3A_117 = arith.constant 0 : i32
          %dma_wait3A_118 = arith.constant 0 : i32
          %dma_wait3A_119 = tpu.memref_slice %arg4[%add3A, %scan3A_38, %dma_wait3A_117, %dma_wait3A_118] : memref<32x8x20x64xi32, #tpu.memory_space<hbm>> -> memref<1x1x20x64xi32, #tpu.memory_space<hbm>>
          %dma_wait3A_120 = tpu.memref_squeeze %dma_wait3A_119 : memref<1x1x20x64xi32, #tpu.memory_space<hbm>> -> memref<20x64xi32, #tpu.memory_space<hbm>>
          tpu.wait_dma2 semaphore(%run_scoped3A_104 : memref<!tpu.dma_semaphore, #tpu.memory_space<semaphore_mem>>) src(%dma_wait3A_120 : memref<20x64xi32, #tpu.memory_space<hbm>>) dst(%arg8 : memref<20x64xi32, #tpu.memory_space<vmem>>)
          tpu.yield
        }) : () -> ()
        %dma_start3A_83 = arith.constant 0 : i32
        %dma_start3A_84 = arith.constant 0 : i32
        %dma_start3A_85 = tpu.memref_slice %arg7[%dma_start3A_83, %dma_start3A_84] : memref<20x64xi32, #tpu.memory_space<vmem>> -> memref<1x64xi32, #tpu.memory_space<vmem>>
        %dma_start3A_86 = tpu.memref_squeeze %dma_start3A_85 : memref<1x64xi32, #tpu.memory_space<vmem>> -> memref<64xi32, #tpu.memory_space<vmem>>
        %dma_start3A_87 = arith.constant 0 : i32
        %dma_start3A_88 = arith.constant 0 : i32
        %dma_start3A_89 = tpu.memref_slice %arg2[%dma_start3A_87, %dma_start3A_88] : memref<10112x128xf32, #tpu.memory_space<hbm>> -> memref<10112x128xf32, #tpu.memory_space<hbm>>
        tpu.enqueue_indirect_dma source(%dma_start3A_89 : memref<10112x128xf32, #tpu.memory_space<hbm>>) target(%arg9 : memref<64x128xf32, #tpu.memory_space<vmem>>) offsets(%dma_start3A_86 : memref<64xi32, #tpu.memory_space<vmem>>) semaphore(%arg15 : memref<!tpu.dma_semaphore, #tpu.memory_space<semaphore_mem>>)
        %dma_start3A_90 = arith.constant 1 : i32
        %dma_start3A_91 = arith.constant 0 : i32
        %dma_start3A_92 = tpu.memref_slice %arg7[%dma_start3A_90, %dma_start3A_91] : memref<20x64xi32, #tpu.memory_space<vmem>> -> memref<1x64xi32, #tpu.memory_space<vmem>>
        %dma_start3A_93 = tpu.memref_squeeze %dma_start3A_92 : memref<1x64xi32, #tpu.memory_space<vmem>> -> memref<64xi32, #tpu.memory_space<vmem>>
        %dma_start3A_94 = arith.constant 0 : i32
        %dma_start3A_95 = arith.constant 0 : i32
        %dma_start3A_96 = tpu.memref_slice %arg2[%dma_start3A_94, %dma_start3A_95] : memref<10112x128xf32, #tpu.memory_space<hbm>> -> memref<10112x128xf32, #tpu.memory_space<hbm>>
        tpu.enqueue_indirect_dma source(%dma_start3A_96 : memref<10112x128xf32, #tpu.memory_space<hbm>>) target(%arg10 : memref<64x128xf32, #tpu.memory_space<vmem>>) offsets(%dma_start3A_93 : memref<64xi32, #tpu.memory_space<vmem>>) semaphore(%arg16 : memref<!tpu.dma_semaphore, #tpu.memory_space<semaphore_mem>>)
        %dma_start3A_97 = arith.constant 2 : i32
        %dma_start3A_98 = arith.constant 0 : i32
        %dma_start3A_99 = tpu.memref_slice %arg7[%dma_start3A_97, %dma_start3A_98] : memref<20x64xi32, #tpu.memory_space<vmem>> -> memref<1x64xi32, #tpu.memory_space<vmem>>
        %dma_start3A_100 = tpu.memref_squeeze %dma_start3A_99 : memref<1x64xi32, #tpu.memory_space<vmem>> -> memref<64xi32, #tpu.memory_space<vmem>>
        %dma_start3A_101 = arith.constant 0 : i32
        %dma_start3A_102 = arith.constant 0 : i32
        %dma_start3A_103 = tpu.memref_slice %arg2[%dma_start3A_101, %dma_start3A_102] : memref<10112x128xf32, #tpu.memory_space<hbm>> -> memref<10112x128xf32, #tpu.memory_space<hbm>>
        tpu.enqueue_indirect_dma source(%dma_start3A_103 : memref<10112x128xf32, #tpu.memory_space<hbm>>) target(%arg11 : memref<64x128xf32, #tpu.memory_space<vmem>>) offsets(%dma_start3A_100 : memref<64xi32, #tpu.memory_space<vmem>>) semaphore(%arg17 : memref<!tpu.dma_semaphore, #tpu.memory_space<semaphore_mem>>)
      } else {
      }
      %scan3A_43 = arith.constant 0 : i32
      %scan3A_44 = arith.constant 0 : i32
      %scan3A_45 = arith.constant 4 : i32
      %scan3A_46 = arith.addi %scan3A_44, %scan3A_45 : i32
      %scan3A_47 = arith.constant 1 : i32
      scf.for %scan3A_83 = %scan3A_44 to %scan3A_46 step %scan3A_47  : i32 {
        %mul3A_84 = arith.constant 5 : i32
        %mul3A_85 = arith.muli %scan3A_83, %mul3A_84 : i32
        %add3A_86 = arith.constant 0 : i32
        %add3A_87 = arith.addi %mul3A_85, %add3A_86 : i32
        %add3A_88 = arith.constant 3 : i32
        %add3A_89 = arith.addi %add3A_87, %add3A_88 : i32
        %lt3A = arith.constant 20 : i32
        %lt3A_90 = arith.cmpi slt, %add3A_89, %lt3A : i32
        %convert_element_type3A_91 = arith.extui %lt3A_90 : i1 to i32
        %cond3A_92 = arith.constant 0 : i32
        %cond3A_93 = arith.cmpi ne, %convert_element_type3A_91, %cond3A_92 : i32
        scf.if %cond3A_93 {
          %ge3A = arith.constant 5 : i32
          %ge3A_198 = arith.cmpi sge, %add3A_89, %ge3A : i32
          %convert_element_type3A_199 = arith.extui %ge3A_198 : i1 to i32
          %cond3A_200 = arith.constant 0 : i32
          %cond3A_201 = arith.cmpi ne, %convert_element_type3A_199, %cond3A_200 : i32
          scf.if %cond3A_201 {
            %sub3A = arith.constant 5 : i32
            %sub3A_208 = arith.subi %add3A_89, %sub3A : i32
            %dma_wait3A_209 = arith.constant 0 : i32
            %dma_wait3A_210 = tpu.memref_slice %arg8[%sub3A_208, %dma_wait3A_209] : memref<20x64xi32, #tpu.memory_space<vmem>> -> memref<1x64xi32, #tpu.memory_space<vmem>>
            %dma_wait3A_211 = tpu.memref_squeeze %dma_wait3A_210 : memref<1x64xi32, #tpu.memory_space<vmem>> -> memref<64xi32, #tpu.memory_space<vmem>>
            %dma_wait3A_212 = arith.constant 0 : i32
            %dma_wait3A_213 = arith.constant 0 : i32
            %dma_wait3A_214 = tpu.memref_slice %arg14[%dma_wait3A_212, %dma_wait3A_213] : memref<10112x128xf32, #tpu.memory_space<vmem_shared>> -> memref<10112x128xf32, #tpu.memory_space<vmem_shared>>
            tpu.wait_indirect_dma semaphore(%arg23 : memref<!tpu.dma_semaphore, #tpu.memory_space<semaphore_mem>>) src(%arg12 : memref<64x128xf32, #tpu.memory_space<vmem>>) dst(%dma_wait3A_214 : memref<10112x128xf32, #tpu.memory_space<vmem_shared>>)
          } else {
          }
          %dma_start3A_202 = arith.constant 0 : i32
          %dma_start3A_203 = tpu.memref_slice %arg7[%add3A_89, %dma_start3A_202] : memref<20x64xi32, #tpu.memory_space<vmem>> -> memref<1x64xi32, #tpu.memory_space<vmem>>
          %dma_start3A_204 = tpu.memref_squeeze %dma_start3A_203 : memref<1x64xi32, #tpu.memory_space<vmem>> -> memref<64xi32, #tpu.memory_space<vmem>>
          %dma_start3A_205 = arith.constant 0 : i32
          %dma_start3A_206 = arith.constant 0 : i32
          %dma_start3A_207 = tpu.memref_slice %arg2[%dma_start3A_205, %dma_start3A_206] : memref<10112x128xf32, #tpu.memory_space<hbm>> -> memref<10112x128xf32, #tpu.memory_space<hbm>>
          tpu.enqueue_indirect_dma source(%dma_start3A_207 : memref<10112x128xf32, #tpu.memory_space<hbm>>) target(%arg12 : memref<64x128xf32, #tpu.memory_space<vmem>>) offsets(%dma_start3A_204 : memref<64xi32, #tpu.memory_space<vmem>>) semaphore(%arg18 : memref<!tpu.dma_semaphore, #tpu.memory_space<semaphore_mem>>)
        } else {
        }
        %dma_wait3A_94 = arith.constant 0 : i32
        %dma_wait3A_95 = tpu.memref_slice %arg7[%add3A_87, %dma_wait3A_94] : memref<20x64xi32, #tpu.memory_space<vmem>> -> memref<1x64xi32, #tpu.memory_space<vmem>>
        %dma_wait3A_96 = tpu.memref_squeeze %dma_wait3A_95 : memref<1x64xi32, #tpu.memory_space<vmem>> -> memref<64xi32, #tpu.memory_space<vmem>>
        %dma_wait3A_97 = arith.constant 0 : i32
        %dma_wait3A_98 = arith.constant 0 : i32
        %dma_wait3A_99 = tpu.memref_slice %arg2[%dma_wait3A_97, %dma_wait3A_98] : memref<10112x128xf32, #tpu.memory_space<hbm>> -> memref<10112x128xf32, #tpu.memory_space<hbm>>
        tpu.wait_indirect_dma semaphore(%arg15 : memref<!tpu.dma_semaphore, #tpu.memory_space<semaphore_mem>>) src(%dma_wait3A_99 : memref<10112x128xf32, #tpu.memory_space<hbm>>) dst(%arg9 : memref<64x128xf32, #tpu.memory_space<vmem>>)
        %dma_start3A_100 = arith.constant 0 : i32
        %dma_start3A_101 = tpu.memref_slice %arg8[%add3A_87, %dma_start3A_100] : memref<20x64xi32, #tpu.memory_space<vmem>> -> memref<1x64xi32, #tpu.memory_space<vmem>>
        %dma_start3A_102 = tpu.memref_squeeze %dma_start3A_101 : memref<1x64xi32, #tpu.memory_space<vmem>> -> memref<64xi32, #tpu.memory_space<vmem>>
        %dma_start3A_103 = arith.constant 0 : i32
        %dma_start3A_104 = arith.constant 0 : i32
        %dma_start3A_105 = tpu.memref_slice %arg14[%dma_start3A_103, %dma_start3A_104] : memref<10112x128xf32, #tpu.memory_space<vmem_shared>> -> memref<10112x128xf32, #tpu.memory_space<vmem_shared>>
        tpu.enqueue_indirect_dma source(%arg9 : memref<64x128xf32, #tpu.memory_space<vmem>>) target(%dma_start3A_105 : memref<10112x128xf32, #tpu.memory_space<vmem_shared>>) offsets(%dma_start3A_102 : memref<64xi32, #tpu.memory_space<vmem>>) semaphore(%arg20 : memref<!tpu.dma_semaphore, #tpu.memory_space<semaphore_mem>>) {add = true}
        %mul3A_106 = arith.constant 5 : i32
        %mul3A_107 = arith.muli %scan3A_83, %mul3A_106 : i32
        %add3A_108 = arith.constant 1 : i32
        %add3A_109 = arith.addi %mul3A_107, %add3A_108 : i32
        %add3A_110 = arith.constant 3 : i32
        %add3A_111 = arith.addi %add3A_109, %add3A_110 : i32
        %lt3A_112 = arith.constant 20 : i32
        %lt3A_113 = arith.cmpi slt, %add3A_111, %lt3A_112 : i32
        %convert_element_type3A_114 = arith.extui %lt3A_113 : i1 to i32
        %cond3A_115 = arith.constant 0 : i32
        %cond3A_116 = arith.cmpi ne, %convert_element_type3A_114, %cond3A_115 : i32
        scf.if %cond3A_116 {
          %ge3A = arith.constant 5 : i32
          %ge3A_198 = arith.cmpi sge, %add3A_111, %ge3A : i32
          %convert_element_type3A_199 = arith.extui %ge3A_198 : i1 to i32
          %cond3A_200 = arith.constant 0 : i32
          %cond3A_201 = arith.cmpi ne, %convert_element_type3A_199, %cond3A_200 : i32
          scf.if %cond3A_201 {
            %sub3A = arith.constant 5 : i32
            %sub3A_208 = arith.subi %add3A_111, %sub3A : i32
            %dma_wait3A_209 = arith.constant 0 : i32
            %dma_wait3A_210 = tpu.memref_slice %arg8[%sub3A_208, %dma_wait3A_209] : memref<20x64xi32, #tpu.memory_space<vmem>> -> memref<1x64xi32, #tpu.memory_space<vmem>>
            %dma_wait3A_211 = tpu.memref_squeeze %dma_wait3A_210 : memref<1x64xi32, #tpu.memory_space<vmem>> -> memref<64xi32, #tpu.memory_space<vmem>>
            %dma_wait3A_212 = arith.constant 0 : i32
            %dma_wait3A_213 = arith.constant 0 : i32
            %dma_wait3A_214 = tpu.memref_slice %arg14[%dma_wait3A_212, %dma_wait3A_213] : memref<10112x128xf32, #tpu.memory_space<vmem_shared>> -> memref<10112x128xf32, #tpu.memory_space<vmem_shared>>
            tpu.wait_indirect_dma semaphore(%arg24 : memref<!tpu.dma_semaphore, #tpu.memory_space<semaphore_mem>>) src(%arg13 : memref<64x128xf32, #tpu.memory_space<vmem>>) dst(%dma_wait3A_214 : memref<10112x128xf32, #tpu.memory_space<vmem_shared>>)
          } else {
          }
          %dma_start3A_202 = arith.constant 0 : i32
          %dma_start3A_203 = tpu.memref_slice %arg7[%add3A_111, %dma_start3A_202] : memref<20x64xi32, #tpu.memory_space<vmem>> -> memref<1x64xi32, #tpu.memory_space<vmem>>
          %dma_start3A_204 = tpu.memref_squeeze %dma_start3A_203 : memref<1x64xi32, #tpu.memory_space<vmem>> -> memref<64xi32, #tpu.memory_space<vmem>>
          %dma_start3A_205 = arith.constant 0 : i32
          %dma_start3A_206 = arith.constant 0 : i32
          %dma_start3A_207 = tpu.memref_slice %arg2[%dma_start3A_205, %dma_start3A_206] : memref<10112x128xf32, #tpu.memory_space<hbm>> -> memref<10112x128xf32, #tpu.memory_space<hbm>>
          tpu.enqueue_indirect_dma source(%dma_start3A_207 : memref<10112x128xf32, #tpu.memory_space<hbm>>) target(%arg13 : memref<64x128xf32, #tpu.memory_space<vmem>>) offsets(%dma_start3A_204 : memref<64xi32, #tpu.memory_space<vmem>>) semaphore(%arg19 : memref<!tpu.dma_semaphore, #tpu.memory_space<semaphore_mem>>)
        } else {
        }
        %dma_wait3A_117 = arith.constant 0 : i32
        %dma_wait3A_118 = tpu.memref_slice %arg7[%add3A_109, %dma_wait3A_117] : memref<20x64xi32, #tpu.memory_space<vmem>> -> memref<1x64xi32, #tpu.memory_space<vmem>>
        %dma_wait3A_119 = tpu.memref_squeeze %dma_wait3A_118 : memref<1x64xi32, #tpu.memory_space<vmem>> -> memref<64xi32, #tpu.memory_space<vmem>>
        %dma_wait3A_120 = arith.constant 0 : i32
        %dma_wait3A_121 = arith.constant 0 : i32
        %dma_wait3A_122 = tpu.memref_slice %arg2[%dma_wait3A_120, %dma_wait3A_121] : memref<10112x128xf32, #tpu.memory_space<hbm>> -> memref<10112x128xf32, #tpu.memory_space<hbm>>
        tpu.wait_indirect_dma semaphore(%arg16 : memref<!tpu.dma_semaphore, #tpu.memory_space<semaphore_mem>>) src(%dma_wait3A_122 : memref<10112x128xf32, #tpu.memory_space<hbm>>) dst(%arg10 : memref<64x128xf32, #tpu.memory_space<vmem>>)
        %dma_start3A_123 = arith.constant 0 : i32
        %dma_start3A_124 = tpu.memref_slice %arg8[%add3A_109, %dma_start3A_123] : memref<20x64xi32, #tpu.memory_space<vmem>> -> memref<1x64xi32, #tpu.memory_space<vmem>>
        %dma_start3A_125 = tpu.memref_squeeze %dma_start3A_124 : memref<1x64xi32, #tpu.memory_space<vmem>> -> memref<64xi32, #tpu.memory_space<vmem>>
        %dma_start3A_126 = arith.constant 0 : i32
        %dma_start3A_127 = arith.constant 0 : i32
        %dma_start3A_128 = tpu.memref_slice %arg14[%dma_start3A_126, %dma_start3A_127] : memref<10112x128xf32, #tpu.memory_space<vmem_shared>> -> memref<10112x128xf32, #tpu.memory_space<vmem_shared>>
        tpu.enqueue_indirect_dma source(%arg10 : memref<64x128xf32, #tpu.memory_space<vmem>>) target(%dma_start3A_128 : memref<10112x128xf32, #tpu.memory_space<vmem_shared>>) offsets(%dma_start3A_125 : memref<64xi32, #tpu.memory_space<vmem>>) semaphore(%arg21 : memref<!tpu.dma_semaphore, #tpu.memory_space<semaphore_mem>>) {add = true}
        %mul3A_129 = arith.constant 5 : i32
        %mul3A_130 = arith.muli %scan3A_83, %mul3A_129 : i32
        %add3A_131 = arith.constant 2 : i32
        %add3A_132 = arith.addi %mul3A_130, %add3A_131 : i32
        %add3A_133 = arith.constant 3 : i32
        %add3A_134 = arith.addi %add3A_132, %add3A_133 : i32
        %lt3A_135 = arith.constant 20 : i32
        %lt3A_136 = arith.cmpi slt, %add3A_134, %lt3A_135 : i32
        %convert_element_type3A_137 = arith.extui %lt3A_136 : i1 to i32
        %cond3A_138 = arith.constant 0 : i32
        %cond3A_139 = arith.cmpi ne, %convert_element_type3A_137, %cond3A_138 : i32
        scf.if %cond3A_139 {
          %ge3A = arith.constant 5 : i32
          %ge3A_198 = arith.cmpi sge, %add3A_134, %ge3A : i32
          %convert_element_type3A_199 = arith.extui %ge3A_198 : i1 to i32
          %cond3A_200 = arith.constant 0 : i32
          %cond3A_201 = arith.cmpi ne, %convert_element_type3A_199, %cond3A_200 : i32
          scf.if %cond3A_201 {
            %sub3A = arith.constant 5 : i32
            %sub3A_208 = arith.subi %add3A_134, %sub3A : i32
            %dma_wait3A_209 = arith.constant 0 : i32
            %dma_wait3A_210 = tpu.memref_slice %arg8[%sub3A_208, %dma_wait3A_209] : memref<20x64xi32, #tpu.memory_space<vmem>> -> memref<1x64xi32, #tpu.memory_space<vmem>>
            %dma_wait3A_211 = tpu.memref_squeeze %dma_wait3A_210 : memref<1x64xi32, #tpu.memory_space<vmem>> -> memref<64xi32, #tpu.memory_space<vmem>>
            %dma_wait3A_212 = arith.constant 0 : i32
            %dma_wait3A_213 = arith.constant 0 : i32
            %dma_wait3A_214 = tpu.memref_slice %arg14[%dma_wait3A_212, %dma_wait3A_213] : memref<10112x128xf32, #tpu.memory_space<vmem_shared>> -> memref<10112x128xf32, #tpu.memory_space<vmem_shared>>
            tpu.wait_indirect_dma semaphore(%arg20 : memref<!tpu.dma_semaphore, #tpu.memory_space<semaphore_mem>>) src(%arg9 : memref<64x128xf32, #tpu.memory_space<vmem>>) dst(%dma_wait3A_214 : memref<10112x128xf32, #tpu.memory_space<vmem_shared>>)
          } else {
          }
          %dma_start3A_202 = arith.constant 0 : i32
          %dma_start3A_203 = tpu.memref_slice %arg7[%add3A_134, %dma_start3A_202] : memref<20x64xi32, #tpu.memory_space<vmem>> -> memref<1x64xi32, #tpu.memory_space<vmem>>
          %dma_start3A_204 = tpu.memref_squeeze %dma_start3A_203 : memref<1x64xi32, #tpu.memory_space<vmem>> -> memref<64xi32, #tpu.memory_space<vmem>>
          %dma_start3A_205 = arith.constant 0 : i32
          %dma_start3A_206 = arith.constant 0 : i32
          %dma_start3A_207 = tpu.memref_slice %arg2[%dma_start3A_205, %dma_start3A_206] : memref<10112x128xf32, #tpu.memory_space<hbm>> -> memref<10112x128xf32, #tpu.memory_space<hbm>>
          tpu.enqueue_indirect_dma source(%dma_start3A_207 : memref<10112x128xf32, #tpu.memory_space<hbm>>) target(%arg9 : memref<64x128xf32, #tpu.memory_space<vmem>>) offsets(%dma_start3A_204 : memref<64xi32, #tpu.memory_space<vmem>>) semaphore(%arg15 : memref<!tpu.dma_semaphore, #tpu.memory_space<semaphore_mem>>)
        } else {
        }
        %dma_wait3A_140 = arith.constant 0 : i32
        %dma_wait3A_141 = tpu.memref_slice %arg7[%add3A_132, %dma_wait3A_140] : memref<20x64xi32, #tpu.memory_space<vmem>> -> memref<1x64xi32, #tpu.memory_space<vmem>>
        %dma_wait3A_142 = tpu.memref_squeeze %dma_wait3A_141 : memref<1x64xi32, #tpu.memory_space<vmem>> -> memref<64xi32, #tpu.memory_space<vmem>>
        %dma_wait3A_143 = arith.constant 0 : i32
        %dma_wait3A_144 = arith.constant 0 : i32
        %dma_wait3A_145 = tpu.memref_slice %arg2[%dma_wait3A_143, %dma_wait3A_144] : memref<10112x128xf32, #tpu.memory_space<hbm>> -> memref<10112x128xf32, #tpu.memory_space<hbm>>
        tpu.wait_indirect_dma semaphore(%arg17 : memref<!tpu.dma_semaphore, #tpu.memory_space<semaphore_mem>>) src(%dma_wait3A_145 : memref<10112x128xf32, #tpu.memory_space<hbm>>) dst(%arg11 : memref<64x128xf32, #tpu.memory_space<vmem>>)
        %dma_start3A_146 = arith.constant 0 : i32
        %dma_start3A_147 = tpu.memref_slice %arg8[%add3A_132, %dma_start3A_146] : memref<20x64xi32, #tpu.memory_space<vmem>> -> memref<1x64xi32, #tpu.memory_space<vmem>>
        %dma_start3A_148 = tpu.memref_squeeze %dma_start3A_147 : memref<1x64xi32, #tpu.memory_space<vmem>> -> memref<64xi32, #tpu.memory_space<vmem>>
        %dma_start3A_149 = arith.constant 0 : i32
        %dma_start3A_150 = arith.constant 0 : i32
        %dma_start3A_151 = tpu.memref_slice %arg14[%dma_start3A_149, %dma_start3A_150] : memref<10112x128xf32, #tpu.memory_space<vmem_shared>> -> memref<10112x128xf32, #tpu.memory_space<vmem_shared>>
        tpu.enqueue_indirect_dma source(%arg11 : memref<64x128xf32, #tpu.memory_space<vmem>>) target(%dma_start3A_151 : memref<10112x128xf32, #tpu.memory_space<vmem_shared>>) offsets(%dma_start3A_148 : memref<64xi32, #tpu.memory_space<vmem>>) semaphore(%arg22 : memref<!tpu.dma_semaphore, #tpu.memory_space<semaphore_mem>>) {add = true}
        %mul3A_152 = arith.constant 5 : i32
        %mul3A_153 = arith.muli %scan3A_83, %mul3A_152 : i32
        %add3A_154 = arith.constant 3 : i32
        %add3A_155 = arith.addi %mul3A_153, %add3A_154 : i32
        %add3A_156 = arith.constant 3 : i32
        %add3A_157 = arith.addi %add3A_155, %add3A_156 : i32
        %lt3A_158 = arith.constant 20 : i32
        %lt3A_159 = arith.cmpi slt, %add3A_157, %lt3A_158 : i32
        %convert_element_type3A_160 = arith.extui %lt3A_159 : i1 to i32
        %cond3A_161 = arith.constant 0 : i32
        %cond3A_162 = arith.cmpi ne, %convert_element_type3A_160, %cond3A_161 : i32
        scf.if %cond3A_162 {
          %ge3A = arith.constant 5 : i32
          %ge3A_198 = arith.cmpi sge, %add3A_157, %ge3A : i32
          %convert_element_type3A_199 = arith.extui %ge3A_198 : i1 to i32
          %cond3A_200 = arith.constant 0 : i32
          %cond3A_201 = arith.cmpi ne, %convert_element_type3A_199, %cond3A_200 : i32
          scf.if %cond3A_201 {
            %sub3A = arith.constant 5 : i32
            %sub3A_208 = arith.subi %add3A_157, %sub3A : i32
            %dma_wait3A_209 = arith.constant 0 : i32
            %dma_wait3A_210 = tpu.memref_slice %arg8[%sub3A_208, %dma_wait3A_209] : memref<20x64xi32, #tpu.memory_space<vmem>> -> memref<1x64xi32, #tpu.memory_space<vmem>>
            %dma_wait3A_211 = tpu.memref_squeeze %dma_wait3A_210 : memref<1x64xi32, #tpu.memory_space<vmem>> -> memref<64xi32, #tpu.memory_space<vmem>>
            %dma_wait3A_212 = arith.constant 0 : i32
            %dma_wait3A_213 = arith.constant 0 : i32
            %dma_wait3A_214 = tpu.memref_slice %arg14[%dma_wait3A_212, %dma_wait3A_213] : memref<10112x128xf32, #tpu.memory_space<vmem_shared>> -> memref<10112x128xf32, #tpu.memory_space<vmem_shared>>
            tpu.wait_indirect_dma semaphore(%arg21 : memref<!tpu.dma_semaphore, #tpu.memory_space<semaphore_mem>>) src(%arg10 : memref<64x128xf32, #tpu.memory_space<vmem>>) dst(%dma_wait3A_214 : memref<10112x128xf32, #tpu.memory_space<vmem_shared>>)
          } else {
          }
          %dma_start3A_202 = arith.constant 0 : i32
          %dma_start3A_203 = tpu.memref_slice %arg7[%add3A_157, %dma_start3A_202] : memref<20x64xi32, #tpu.memory_space<vmem>> -> memref<1x64xi32, #tpu.memory_space<vmem>>
          %dma_start3A_204 = tpu.memref_squeeze %dma_start3A_203 : memref<1x64xi32, #tpu.memory_space<vmem>> -> memref<64xi32, #tpu.memory_space<vmem>>
          %dma_start3A_205 = arith.constant 0 : i32
          %dma_start3A_206 = arith.constant 0 : i32
          %dma_start3A_207 = tpu.memref_slice %arg2[%dma_start3A_205, %dma_start3A_206] : memref<10112x128xf32, #tpu.memory_space<hbm>> -> memref<10112x128xf32, #tpu.memory_space<hbm>>
          tpu.enqueue_indirect_dma source(%dma_start3A_207 : memref<10112x128xf32, #tpu.memory_space<hbm>>) target(%arg10 : memref<64x128xf32, #tpu.memory_space<vmem>>) offsets(%dma_start3A_204 : memref<64xi32, #tpu.memory_space<vmem>>) semaphore(%arg16 : memref<!tpu.dma_semaphore, #tpu.memory_space<semaphore_mem>>)
        } else {
        }
        %dma_wait3A_163 = arith.constant 0 : i32
        %dma_wait3A_164 = tpu.memref_slice %arg7[%add3A_155, %dma_wait3A_163] : memref<20x64xi32, #tpu.memory_space<vmem>> -> memref<1x64xi32, #tpu.memory_space<vmem>>
        %dma_wait3A_165 = tpu.memref_squeeze %dma_wait3A_164 : memref<1x64xi32, #tpu.memory_space<vmem>> -> memref<64xi32, #tpu.memory_space<vmem>>
        %dma_wait3A_166 = arith.constant 0 : i32
        %dma_wait3A_167 = arith.constant 0 : i32
        %dma_wait3A_168 = tpu.memref_slice %arg2[%dma_wait3A_166, %dma_wait3A_167] : memref<10112x128xf32, #tpu.memory_space<hbm>> -> memref<10112x128xf32, #tpu.memory_space<hbm>>
        tpu.wait_indirect_dma semaphore(%arg18 : memref<!tpu.dma_semaphore, #tpu.memory_space<semaphore_mem>>) src(%dma_wait3A_168 : memref<10112x128xf32, #tpu.memory_space<hbm>>) dst(%arg12 : memref<64x128xf32, #tpu.memory_space<vmem>>)
        %dma_start3A_169 = arith.constant 0 : i32
        %dma_start3A_170 = tpu.memref_slice %arg8[%add3A_155, %dma_start3A_169] : memref<20x64xi32, #tpu.memory_space<vmem>> -> memref<1x64xi32, #tpu.memory_space<vmem>>
        %dma_start3A_171 = tpu.memref_squeeze %dma_start3A_170 : memref<1x64xi32, #tpu.memory_space<vmem>> -> memref<64xi32, #tpu.memory_space<vmem>>
        %dma_start3A_172 = arith.constant 0 : i32
        %dma_start3A_173 = arith.constant 0 : i32
        %dma_start3A_174 = tpu.memref_slice %arg14[%dma_start3A_172, %dma_start3A_173] : memref<10112x128xf32, #tpu.memory_space<vmem_shared>> -> memref<10112x128xf32, #tpu.memory_space<vmem_shared>>
        tpu.enqueue_indirect_dma source(%arg12 : memref<64x128xf32, #tpu.memory_space<vmem>>) target(%dma_start3A_174 : memref<10112x128xf32, #tpu.memory_space<vmem_shared>>) offsets(%dma_start3A_171 : memref<64xi32, #tpu.memory_space<vmem>>) semaphore(%arg23 : memref<!tpu.dma_semaphore, #tpu.memory_space<semaphore_mem>>) {add = true}
        %mul3A_175 = arith.constant 5 : i32
        %mul3A_176 = arith.muli %scan3A_83, %mul3A_175 : i32
        %add3A_177 = arith.constant 4 : i32
        %add3A_178 = arith.addi %mul3A_176, %add3A_177 : i32
        %add3A_179 = arith.constant 3 : i32
        %add3A_180 = arith.addi %add3A_178, %add3A_179 : i32
        %lt3A_181 = arith.constant 20 : i32
        %lt3A_182 = arith.cmpi slt, %add3A_180, %lt3A_181 : i32
        %convert_element_type3A_183 = arith.extui %lt3A_182 : i1 to i32
        %cond3A_184 = arith.constant 0 : i32
        %cond3A_185 = arith.cmpi ne, %convert_element_type3A_183, %cond3A_184 : i32
        scf.if %cond3A_185 {
          %ge3A = arith.constant 5 : i32
          %ge3A_198 = arith.cmpi sge, %add3A_180, %ge3A : i32
          %convert_element_type3A_199 = arith.extui %ge3A_198 : i1 to i32
          %cond3A_200 = arith.constant 0 : i32
          %cond3A_201 = arith.cmpi ne, %convert_element_type3A_199, %cond3A_200 : i32
          scf.if %cond3A_201 {
            %sub3A = arith.constant 5 : i32
            %sub3A_208 = arith.subi %add3A_180, %sub3A : i32
            %dma_wait3A_209 = arith.constant 0 : i32
            %dma_wait3A_210 = tpu.memref_slice %arg8[%sub3A_208, %dma_wait3A_209] : memref<20x64xi32, #tpu.memory_space<vmem>> -> memref<1x64xi32, #tpu.memory_space<vmem>>
            %dma_wait3A_211 = tpu.memref_squeeze %dma_wait3A_210 : memref<1x64xi32, #tpu.memory_space<vmem>> -> memref<64xi32, #tpu.memory_space<vmem>>
            %dma_wait3A_212 = arith.constant 0 : i32
            %dma_wait3A_213 = arith.constant 0 : i32
            %dma_wait3A_214 = tpu.memref_slice %arg14[%dma_wait3A_212, %dma_wait3A_213] : memref<10112x128xf32, #tpu.memory_space<vmem_shared>> -> memref<10112x128xf32, #tpu.memory_space<vmem_shared>>
            tpu.wait_indirect_dma semaphore(%arg22 : memref<!tpu.dma_semaphore, #tpu.memory_space<semaphore_mem>>) src(%arg11 : memref<64x128xf32, #tpu.memory_space<vmem>>) dst(%dma_wait3A_214 : memref<10112x128xf32, #tpu.memory_space<vmem_shared>>)
          } else {
          }
          %dma_start3A_202 = arith.constant 0 : i32
          %dma_start3A_203 = tpu.memref_slice %arg7[%add3A_180, %dma_start3A_202] : memref<20x64xi32, #tpu.memory_space<vmem>> -> memref<1x64xi32, #tpu.memory_space<vmem>>
          %dma_start3A_204 = tpu.memref_squeeze %dma_start3A_203 : memref<1x64xi32, #tpu.memory_space<vmem>> -> memref<64xi32, #tpu.memory_space<vmem>>
          %dma_start3A_205 = arith.constant 0 : i32
          %dma_start3A_206 = arith.constant 0 : i32
          %dma_start3A_207 = tpu.memref_slice %arg2[%dma_start3A_205, %dma_start3A_206] : memref<10112x128xf32, #tpu.memory_space<hbm>> -> memref<10112x128xf32, #tpu.memory_space<hbm>>
          tpu.enqueue_indirect_dma source(%dma_start3A_207 : memref<10112x128xf32, #tpu.memory_space<hbm>>) target(%arg11 : memref<64x128xf32, #tpu.memory_space<vmem>>) offsets(%dma_start3A_204 : memref<64xi32, #tpu.memory_space<vmem>>) semaphore(%arg17 : memref<!tpu.dma_semaphore, #tpu.memory_space<semaphore_mem>>)
        } else {
        }
        %dma_wait3A_186 = arith.constant 0 : i32
        %dma_wait3A_187 = tpu.memref_slice %arg7[%add3A_178, %dma_wait3A_186] : memref<20x64xi32, #tpu.memory_space<vmem>> -> memref<1x64xi32, #tpu.memory_space<vmem>>
        %dma_wait3A_188 = tpu.memref_squeeze %dma_wait3A_187 : memref<1x64xi32, #tpu.memory_space<vmem>> -> memref<64xi32, #tpu.memory_space<vmem>>
        %dma_wait3A_189 = arith.constant 0 : i32
        %dma_wait3A_190 = arith.constant 0 : i32
        %dma_wait3A_191 = tpu.memref_slice %arg2[%dma_wait3A_189, %dma_wait3A_190] : memref<10112x128xf32, #tpu.memory_space<hbm>> -> memref<10112x128xf32, #tpu.memory_space<hbm>>
        tpu.wait_indirect_dma semaphore(%arg19 : memref<!tpu.dma_semaphore, #tpu.memory_space<semaphore_mem>>) src(%dma_wait3A_191 : memref<10112x128xf32, #tpu.memory_space<hbm>>) dst(%arg13 : memref<64x128xf32, #tpu.memory_space<vmem>>)
        %dma_start3A_192 = arith.constant 0 : i32
        %dma_start3A_193 = tpu.memref_slice %arg8[%add3A_178, %dma_start3A_192] : memref<20x64xi32, #tpu.memory_space<vmem>> -> memref<1x64xi32, #tpu.memory_space<vmem>>
        %dma_start3A_194 = tpu.memref_squeeze %dma_start3A_193 : memref<1x64xi32, #tpu.memory_space<vmem>> -> memref<64xi32, #tpu.memory_space<vmem>>
        %dma_start3A_195 = arith.constant 0 : i32
        %dma_start3A_196 = arith.constant 0 : i32
        %dma_start3A_197 = tpu.memref_slice %arg14[%dma_start3A_195, %dma_start3A_196] : memref<10112x128xf32, #tpu.memory_space<vmem_shared>> -> memref<10112x128xf32, #tpu.memory_space<vmem_shared>>
        tpu.enqueue_indirect_dma source(%arg13 : memref<64x128xf32, #tpu.memory_space<vmem>>) target(%dma_start3A_197 : memref<10112x128xf32, #tpu.memory_space<vmem_shared>>) offsets(%dma_start3A_194 : memref<64xi32, #tpu.memory_space<vmem>>) semaphore(%arg24 : memref<!tpu.dma_semaphore, #tpu.memory_space<semaphore_mem>>) {add = true}
      }
      %scan3A_48 = arith.constant 4 : i32
      %dma_wait3A = arith.constant 15 : i32
      %dma_wait3A_49 = arith.constant 0 : i32
      %dma_wait3A_50 = tpu.memref_slice %arg8[%dma_wait3A, %dma_wait3A_49] : memref<20x64xi32, #tpu.memory_space<vmem>> -> memref<1x64xi32, #tpu.memory_space<vmem>>
      %dma_wait3A_51 = tpu.memref_squeeze %dma_wait3A_50 : memref<1x64xi32, #tpu.memory_space<vmem>> -> memref<64xi32, #tpu.memory_space<vmem>>
      %dma_wait3A_52 = arith.constant 0 : i32
      %dma_wait3A_53 = arith.constant 0 : i32
      %dma_wait3A_54 = tpu.memref_slice %arg14[%dma_wait3A_52, %dma_wait3A_53] : memref<10112x128xf32, #tpu.memory_space<vmem_shared>> -> memref<10112x128xf32, #tpu.memory_space<vmem_shared>>
      tpu.wait_indirect_dma semaphore(%arg20 : memref<!tpu.dma_semaphore, #tpu.memory_space<semaphore_mem>>) src(%arg9 : memref<64x128xf32, #tpu.memory_space<vmem>>) dst(%dma_wait3A_54 : memref<10112x128xf32, #tpu.memory_space<vmem_shared>>)
      %dma_wait3A_55 = arith.constant 16 : i32
      %dma_wait3A_56 = arith.constant 0 : i32
      %dma_wait3A_57 = tpu.memref_slice %arg8[%dma_wait3A_55, %dma_wait3A_56] : memref<20x64xi32, #tpu.memory_space<vmem>> -> memref<1x64xi32, #tpu.memory_space<vmem>>
      %dma_wait3A_58 = tpu.memref_squeeze %dma_wait3A_57 : memref<1x64xi32, #tpu.memory_space<vmem>> -> memref<64xi32, #tpu.memory_space<vmem>>
      %dma_wait3A_59 = arith.constant 0 : i32
      %dma_wait3A_60 = arith.constant 0 : i32
      %dma_wait3A_61 = tpu.memref_slice %arg14[%dma_wait3A_59, %dma_wait3A_60] : memref<10112x128xf32, #tpu.memory_space<vmem_shared>> -> memref<10112x128xf32, #tpu.memory_space<vmem_shared>>
      tpu.wait_indirect_dma semaphore(%arg21 : memref<!tpu.dma_semaphore, #tpu.memory_space<semaphore_mem>>) src(%arg10 : memref<64x128xf32, #tpu.memory_space<vmem>>) dst(%dma_wait3A_61 : memref<10112x128xf32, #tpu.memory_space<vmem_shared>>)
      %dma_wait3A_62 = arith.constant 17 : i32
      %dma_wait3A_63 = arith.constant 0 : i32
      %dma_wait3A_64 = tpu.memref_slice %arg8[%dma_wait3A_62, %dma_wait3A_63] : memref<20x64xi32, #tpu.memory_space<vmem>> -> memref<1x64xi32, #tpu.memory_space<vmem>>
      %dma_wait3A_65 = tpu.memref_squeeze %dma_wait3A_64 : memref<1x64xi32, #tpu.memory_space<vmem>> -> memref<64xi32, #tpu.memory_space<vmem>>
      %dma_wait3A_66 = arith.constant 0 : i32
      %dma_wait3A_67 = arith.constant 0 : i32
      %dma_wait3A_68 = tpu.memref_slice %arg14[%dma_wait3A_66, %dma_wait3A_67] : memref<10112x128xf32, #tpu.memory_space<vmem_shared>> -> memref<10112x128xf32, #tpu.memory_space<vmem_shared>>
      tpu.wait_indirect_dma semaphore(%arg22 : memref<!tpu.dma_semaphore, #tpu.memory_space<semaphore_mem>>) src(%arg11 : memref<64x128xf32, #tpu.memory_space<vmem>>) dst(%dma_wait3A_68 : memref<10112x128xf32, #tpu.memory_space<vmem_shared>>)
      %dma_wait3A_69 = arith.constant 18 : i32
      %dma_wait3A_70 = arith.constant 0 : i32
      %dma_wait3A_71 = tpu.memref_slice %arg8[%dma_wait3A_69, %dma_wait3A_70] : memref<20x64xi32, #tpu.memory_space<vmem>> -> memref<1x64xi32, #tpu.memory_space<vmem>>
      %dma_wait3A_72 = tpu.memref_squeeze %dma_wait3A_71 : memref<1x64xi32, #tpu.memory_space<vmem>> -> memref<64xi32, #tpu.memory_space<vmem>>
      %dma_wait3A_73 = arith.constant 0 : i32
      %dma_wait3A_74 = arith.constant 0 : i32
      %dma_wait3A_75 = tpu.memref_slice %arg14[%dma_wait3A_73, %dma_wait3A_74] : memref<10112x128xf32, #tpu.memory_space<vmem_shared>> -> memref<10112x128xf32, #tpu.memory_space<vmem_shared>>
      tpu.wait_indirect_dma semaphore(%arg23 : memref<!tpu.dma_semaphore, #tpu.memory_space<semaphore_mem>>) src(%arg12 : memref<64x128xf32, #tpu.memory_space<vmem>>) dst(%dma_wait3A_75 : memref<10112x128xf32, #tpu.memory_space<vmem_shared>>)
      %dma_wait3A_76 = arith.constant 19 : i32
      %dma_wait3A_77 = arith.constant 0 : i32
      %dma_wait3A_78 = tpu.memref_slice %arg8[%dma_wait3A_76, %dma_wait3A_77] : memref<20x64xi32, #tpu.memory_space<vmem>> -> memref<1x64xi32, #tpu.memory_space<vmem>>
      %dma_wait3A_79 = tpu.memref_squeeze %dma_wait3A_78 : memref<1x64xi32, #tpu.memory_space<vmem>> -> memref<64xi32, #tpu.memory_space<vmem>>
      %dma_wait3A_80 = arith.constant 0 : i32
      %dma_wait3A_81 = arith.constant 0 : i32
      %dma_wait3A_82 = tpu.memref_slice %arg14[%dma_wait3A_80, %dma_wait3A_81] : memref<10112x128xf32, #tpu.memory_space<vmem_shared>> -> memref<10112x128xf32, #tpu.memory_space<vmem_shared>>
      tpu.wait_indirect_dma semaphore(%arg24 : memref<!tpu.dma_semaphore, #tpu.memory_space<semaphore_mem>>) src(%arg13 : memref<64x128xf32, #tpu.memory_space<vmem>>) dst(%dma_wait3A_82 : memref<10112x128xf32, #tpu.memory_space<vmem_shared>>)
    }
    %scan3A_32 = arith.constant 8 : i32
    %barrier3A_33 = arith.constant 0 : index
    tpu.barrier barrier_id(%barrier3A_33)
    %mul3A_34 = arith.constant 632 : i32
    %mul3A_35 = arith.muli %arg1, %mul3A_34 : i32
    %mul3A_36 = arith.constant 632 : i32
    %mul3A_37 = arith.muli %arg1, %mul3A_36 : i32
    "tpu.region"() ({
      %run_scoped3A_38 = tpu.sem_alloc : memref<!tpu.dma_semaphore, #tpu.memory_space<semaphore_mem>>
      %dma_start3A_39 = arith.constant 0 : i32
      %dma_start3A_40 = tpu.memref_slice %arg6[%arg0, %mul3A_37, %dma_start3A_39] : memref<2x10112x128xf32, #tpu.memory_space<hbm>> -> memref<1x632x128xf32, #tpu.memory_space<hbm>>
      %dma_start3A_41 = tpu.memref_squeeze %dma_start3A_40 : memref<1x632x128xf32, #tpu.memory_space<hbm>> -> memref<632x128xf32, #tpu.memory_space<hbm>>
      %dma_start3A_42 = arith.constant 0 : i32
      %dma_start3A_43 = tpu.memref_slice %arg14[%mul3A_35, %dma_start3A_42] : memref<10112x128xf32, #tpu.memory_space<vmem_shared>> -> memref<632x128xf32, #tpu.memory_space<vmem_shared>>
      tpu.enqueue_dma source(%dma_start3A_43 : memref<632x128xf32, #tpu.memory_space<vmem_shared>>) target(%dma_start3A_41 : memref<632x128xf32, #tpu.memory_space<hbm>>) target_semaphore(%run_scoped3A_38 : memref<!tpu.dma_semaphore, #tpu.memory_space<semaphore_mem>>)
      %dma_wait3A = arith.constant 0 : i32
      %dma_wait3A_44 = tpu.memref_slice %arg6[%arg0, %mul3A_37, %dma_wait3A] : memref<2x10112x128xf32, #tpu.memory_space<hbm>> -> memref<1x632x128xf32, #tpu.memory_space<hbm>>
      %dma_wait3A_45 = tpu.memref_squeeze %dma_wait3A_44 : memref<1x632x128xf32, #tpu.memory_space<hbm>> -> memref<632x128xf32, #tpu.memory_space<hbm>>
      %dma_wait3A_46 = arith.constant 0 : i32
      %dma_wait3A_47 = tpu.memref_slice %arg14[%mul3A_35, %dma_wait3A_46] : memref<10112x128xf32, #tpu.memory_space<vmem_shared>> -> memref<632x128xf32, #tpu.memory_space<vmem_shared>>
      tpu.wait_dma2 semaphore(%run_scoped3A_38 : memref<!tpu.dma_semaphore, #tpu.memory_space<semaphore_mem>>) src(%dma_wait3A_47 : memref<632x128xf32, #tpu.memory_space<vmem_shared>>) dst(%dma_wait3A_45 : memref<632x128xf32, #tpu.memory_space<hbm>>)
      tpu.yield
    }) : () -> ()
    return
  }
}

module attributes {stable_mosaic.version = 14 : i64} {
  func.func @_mlp_body(%arg0: i32, %arg1: memref<2x1264x128xf32, #tpu.memory_space<vmem>>, %arg2: memref<128x128xf32, #tpu.memory_space<vmem>>, %arg3: memref<1x128xf32, #tpu.memory_space<vmem>>, %arg4: memref<128x128xf32, #tpu.memory_space<vmem>>, %arg5: memref<1x128xf32, #tpu.memory_space<vmem>>, %arg6: memref<1264x128xf32, #tpu.memory_space<vmem>>) attributes {dimension_semantics = [#tpu.dimension_semantics<arbitrary>], iteration_bounds = array<i64: 8>, scalar_prefetch = 0 : i64, scratch_operands = 0 : i64, tpu.core_type = #tpu.core_type<tc>, window_params = [{transform_indices = @transform_0, window_bounds = array<i64: 2, 1264, 128>}, {pipeline_mode = #tpu.pipeline_mode<synchronous>, transform_indices = @transform_1, window_bounds = array<i64: 128, 128>}, {pipeline_mode = #tpu.pipeline_mode<synchronous>, transform_indices = @transform_2, window_bounds = array<i64: 1, 128>}, {pipeline_mode = #tpu.pipeline_mode<synchronous>, transform_indices = @transform_3, window_bounds = array<i64: 128, 128>}, {pipeline_mode = #tpu.pipeline_mode<synchronous>, transform_indices = @transform_4, window_bounds = array<i64: 1, 128>}, {transform_indices = @transform_5, window_bounds = array<i64: 1264, 128>}]} {
    %get3A = arith.constant 0 : index
    %get3A_0 = arith.constant 0 : index
    %get3A_1 = arith.constant 0 : index
    %get3A_2 = vector.load %arg1[%get3A, %get3A_0, %get3A_1] : memref<2x1264x128xf32, #tpu.memory_space<vmem>>, vector<1x1264x128xf32>
    %get3A_3 = vector.shape_cast %get3A_2 : vector<1x1264x128xf32> to vector<1264x128xf32>
    %get3A_4 = arith.constant 1 : index
    %get3A_5 = arith.constant 0 : index
    %get3A_6 = arith.constant 0 : index
    %get3A_7 = vector.load %arg1[%get3A_4, %get3A_5, %get3A_6] : memref<2x1264x128xf32, #tpu.memory_space<vmem>>, vector<1x1264x128xf32>
    %get3A_8 = vector.shape_cast %get3A_7 : vector<1x1264x128xf32> to vector<1264x128xf32>
    %add3A = arith.addf %get3A_3, %get3A_8 : vector<1264x128xf32>
    %get3A_9 = arith.constant 0 : index
    %get3A_10 = arith.constant 0 : index
    %get3A_11 = vector.load %arg2[%get3A_9, %get3A_10] : memref<128x128xf32, #tpu.memory_space<vmem>>, vector<128x128xf32>
    %dot_general3A = arith.constant dense<0.000000e+00> : vector<1264x128xf32>
    %dot_general3A_12 = tpu.matmul %add3A, %get3A_11, %dot_general3A {dimension_numbers = #tpu.dot_dimension_numbers<[1], [0], [0], [1], [0, 0, 1, 1], [], []>, transpose_lhs_hint = false} : vector<1264x128xf32>, vector<128x128xf32>, vector<1264x128xf32> -> vector<1264x128xf32>
    %get3A_13 = arith.constant 0 : index
    %get3A_14 = arith.constant 0 : index
    %get3A_15 = vector.load %arg3[%get3A_13, %get3A_14] : memref<1x128xf32, #tpu.memory_space<vmem>>, vector<1x128xf32>
    %add3A_16 = vector.broadcast %get3A_15 : vector<1x128xf32> to vector<1264x128xf32>
    %add3A_17 = arith.addf %dot_general3A_12, %add3A_16 : vector<1264x128xf32>
    %gt3A = arith.constant 0.000000e+00 : f32
    %gt3A_18 = vector.broadcast %gt3A : f32 to vector<1264x128xf32>
    %gt3A_19 = arith.cmpf ogt, %add3A_17, %gt3A_18 : vector<1264x128xf32>
    %mul3A = arith.constant 2.000000e-01 : f32
    %mul3A_20 = vector.broadcast %mul3A : f32 to vector<1264x128xf32>
    %mul3A_21 = arith.mulf %mul3A_20, %add3A_17 : vector<1264x128xf32>
    %select_n3A = arith.select %gt3A_19, %add3A_17, %mul3A_21 : vector<1264x128xi1>, vector<1264x128xf32>
    %get3A_22 = arith.constant 0 : index
    %get3A_23 = arith.constant 0 : index
    %get3A_24 = vector.load %arg4[%get3A_22, %get3A_23] : memref<128x128xf32, #tpu.memory_space<vmem>>, vector<128x128xf32>
    %dot_general3A_25 = arith.constant dense<0.000000e+00> : vector<1264x128xf32>
    %dot_general3A_26 = tpu.matmul %select_n3A, %get3A_24, %dot_general3A_25 {dimension_numbers = #tpu.dot_dimension_numbers<[1], [0], [0], [1], [0, 0, 1, 1], [], []>, transpose_lhs_hint = false} : vector<1264x128xf32>, vector<128x128xf32>, vector<1264x128xf32> -> vector<1264x128xf32>
    %get3A_27 = arith.constant 0 : index
    %get3A_28 = arith.constant 0 : index
    %get3A_29 = vector.load %arg5[%get3A_27, %get3A_28] : memref<1x128xf32, #tpu.memory_space<vmem>>, vector<1x128xf32>
    %add3A_30 = vector.broadcast %get3A_29 : vector<1x128xf32> to vector<1264x128xf32>
    %add3A_31 = arith.addf %dot_general3A_26, %add3A_30 : vector<1264x128xf32>
    %gt3A_32 = arith.constant 0.000000e+00 : f32
    %gt3A_33 = vector.broadcast %gt3A_32 : f32 to vector<1264x128xf32>
    %gt3A_34 = arith.cmpf ogt, %add3A_31, %gt3A_33 : vector<1264x128xf32>
    %mul3A_35 = arith.constant 2.000000e-01 : f32
    %mul3A_36 = vector.broadcast %mul3A_35 : f32 to vector<1264x128xf32>
    %mul3A_37 = arith.mulf %mul3A_36, %add3A_31 : vector<1264x128xf32>
    %select_n3A_38 = arith.select %gt3A_34, %add3A_31, %mul3A_37 : vector<1264x128xi1>, vector<1264x128xf32>
    %mul3A_39 = arith.constant 1264 : i32
    %mul3A_40 = arith.muli %arg0, %mul3A_39 : i32
    %iota3A = tpu.iota {dimensions = array<i32: 0>} : vector<1264x1xi32>
    %add3A_41 = vector.broadcast %mul3A_40 : i32 to vector<1264x1xi32>
    %add3A_42 = arith.addi %add3A_41, %iota3A : vector<1264x1xi32>
    %lt3A = arith.constant 10000 : i32
    %lt3A_43 = vector.broadcast %lt3A : i32 to vector<1264x1xi32>
    %lt3A_44 = arith.cmpi slt, %add3A_42, %lt3A_43 : vector<1264x1xi32>
    %jit3A = arith.constant 0.000000e+00 : f32
    %broadcast_in_dim3A = vector.shape_cast %lt3A_44 : vector<1264x1xi1> to vector<1264x1xi1>
    %broadcast_in_dim3A_45 = vector.broadcast %broadcast_in_dim3A : vector<1264x1xi1> to vector<1264x128xi1>
    %broadcast_in_dim3A_46 = vector.broadcast %jit3A : f32 to vector<1264x128xf32>
    %select_n3A_47 = arith.select %broadcast_in_dim3A_45, %select_n3A_38, %broadcast_in_dim3A_46 : vector<1264x128xi1>, vector<1264x128xf32>
    %swap3A = arith.constant 0 : index
    %swap3A_48 = arith.constant 0 : index
    %swap3A_49 = vector.load %arg6[%swap3A, %swap3A_48] : memref<1264x128xf32, #tpu.memory_space<vmem>>, vector<1264x128xf32>
    tpu.vector_store %arg6[%swap3A, %swap3A_48], %select_n3A_47 {strides = array<i32>} : memref<1264x128xf32, #tpu.memory_space<vmem>>, vector<1264x128xf32>,
    return
  }
  func.func @transform_0(%arg0: i32) -> (i32, i32, i32) {
    %c0_i32 = arith.constant 0 : i32
    %c0_i32_0 = arith.constant 0 : i32
    %c0_i32_1 = arith.constant 0 : i32
    return %c0_i32, %arg0, %c0_i32_0 : i32, i32, i32
  }
  func.func @transform_1(%arg0: i32) -> (i32, i32) {
    %c0_i32 = arith.constant 0 : i32
    %c0_i32_0 = arith.constant 0 : i32
    %c0_i32_1 = arith.constant 0 : i32
    return %c0_i32, %c0_i32_0 : i32, i32
  }
  func.func @transform_2(%arg0: i32) -> (i32, i32) {
    %c0_i32 = arith.constant 0 : i32
    %c0_i32_0 = arith.constant 0 : i32
    %c0_i32_1 = arith.constant 0 : i32
    return %c0_i32, %c0_i32_0 : i32, i32
  }
  func.func @transform_3(%arg0: i32) -> (i32, i32) {
    %c0_i32 = arith.constant 0 : i32
    %c0_i32_0 = arith.constant 0 : i32
    %c0_i32_1 = arith.constant 0 : i32
    return %c0_i32, %c0_i32_0 : i32, i32
  }
  func.func @transform_4(%arg0: i32) -> (i32, i32) {
    %c0_i32 = arith.constant 0 : i32
    %c0_i32_0 = arith.constant 0 : i32
    %c0_i32_1 = arith.constant 0 : i32
    return %c0_i32, %c0_i32_0 : i32, i32
  }
  func.func @transform_5(%arg0: i32) -> (i32, i32) {
    %c0_i32 = arith.constant 0 : i32
    %c0_i32_0 = arith.constant 0 : i32
    return %arg0, %c0_i32 : i32, i32
  }
}

module attributes {stable_mosaic.version = 14 : i64} {
  func.func @_final_body(%arg0: i32, %arg1: memref<2x1264x128xf32, #tpu.memory_space<vmem>>, %arg2: memref<1x1x1264xi32, #tpu.memory_space<vmem>>, %arg3: memref<128x128xf32, #tpu.memory_space<vmem>>, %arg4: memref<1x128xf32, #tpu.memory_space<vmem>>, %arg5: memref<128x128xf32, #tpu.memory_space<vmem>>, %arg6: memref<1x128xf32, #tpu.memory_space<vmem>>, %arg7: memref<128x64xf32, #tpu.memory_space<vmem>>, %arg8: memref<1x64xf32, #tpu.memory_space<vmem>>, %arg9: memref<64x64xf32, #tpu.memory_space<vmem>>, %arg10: memref<64x128xf32, #tpu.memory_space<vmem>>) attributes {dimension_semantics = [#tpu.dimension_semantics<arbitrary>], iteration_bounds = array<i64: 8>, scalar_prefetch = 0 : i64, scratch_operands = 1 : i64, tpu.core_type = #tpu.core_type<tc>, window_params = [{transform_indices = @transform_0, window_bounds = array<i64: 2, 1264, 128>}, {transform_indices = @transform_1, window_bounds = array<i64: 1, 1, 1264>}, {pipeline_mode = #tpu.pipeline_mode<synchronous>, transform_indices = @transform_2, window_bounds = array<i64: 128, 128>}, {pipeline_mode = #tpu.pipeline_mode<synchronous>, transform_indices = @transform_3, window_bounds = array<i64: 1, 128>}, {pipeline_mode = #tpu.pipeline_mode<synchronous>, transform_indices = @transform_4, window_bounds = array<i64: 128, 128>}, {pipeline_mode = #tpu.pipeline_mode<synchronous>, transform_indices = @transform_5, window_bounds = array<i64: 1, 128>}, {pipeline_mode = #tpu.pipeline_mode<synchronous>, transform_indices = @transform_6, window_bounds = array<i64: 128, 64>}, {pipeline_mode = #tpu.pipeline_mode<synchronous>, transform_indices = @transform_7, window_bounds = array<i64: 1, 64>}, {pipeline_mode = #tpu.pipeline_mode<synchronous>, transform_indices = @transform_8, window_bounds = array<i64: 64, 64>}]} {
    %get3A = arith.constant 0 : index
    %get3A_0 = arith.constant 0 : index
    %get3A_1 = arith.constant 0 : index
    %get3A_2 = vector.load %arg1[%get3A, %get3A_0, %get3A_1] : memref<2x1264x128xf32, #tpu.memory_space<vmem>>, vector<1x1264x128xf32>
    %get3A_3 = vector.shape_cast %get3A_2 : vector<1x1264x128xf32> to vector<1264x128xf32>
    %get3A_4 = arith.constant 1 : index
    %get3A_5 = arith.constant 0 : index
    %get3A_6 = arith.constant 0 : index
    %get3A_7 = vector.load %arg1[%get3A_4, %get3A_5, %get3A_6] : memref<2x1264x128xf32, #tpu.memory_space<vmem>>, vector<1x1264x128xf32>
    %get3A_8 = vector.shape_cast %get3A_7 : vector<1x1264x128xf32> to vector<1264x128xf32>
    %add3A = arith.addf %get3A_3, %get3A_8 : vector<1264x128xf32>
    %get3A_9 = arith.constant 0 : index
    %get3A_10 = arith.constant 0 : index
    %get3A_11 = vector.load %arg3[%get3A_9, %get3A_10] : memref<128x128xf32, #tpu.memory_space<vmem>>, vector<128x128xf32>
    %dot_general3A = arith.constant dense<0.000000e+00> : vector<1264x128xf32>
    %dot_general3A_12 = tpu.matmul %add3A, %get3A_11, %dot_general3A {dimension_numbers = #tpu.dot_dimension_numbers<[1], [0], [0], [1], [0, 0, 1, 1], [], []>, transpose_lhs_hint = false} : vector<1264x128xf32>, vector<128x128xf32>, vector<1264x128xf32> -> vector<1264x128xf32>
    %get3A_13 = arith.constant 0 : index
    %get3A_14 = arith.constant 0 : index
    %get3A_15 = vector.load %arg4[%get3A_13, %get3A_14] : memref<1x128xf32, #tpu.memory_space<vmem>>, vector<1x128xf32>
    %add3A_16 = vector.broadcast %get3A_15 : vector<1x128xf32> to vector<1264x128xf32>
    %add3A_17 = arith.addf %dot_general3A_12, %add3A_16 : vector<1264x128xf32>
    %gt3A = arith.constant 0.000000e+00 : f32
    %gt3A_18 = vector.broadcast %gt3A : f32 to vector<1264x128xf32>
    %gt3A_19 = arith.cmpf ogt, %add3A_17, %gt3A_18 : vector<1264x128xf32>
    %mul3A = arith.constant 2.000000e-01 : f32
    %mul3A_20 = vector.broadcast %mul3A : f32 to vector<1264x128xf32>
    %mul3A_21 = arith.mulf %mul3A_20, %add3A_17 : vector<1264x128xf32>
    %select_n3A = arith.select %gt3A_19, %add3A_17, %mul3A_21 : vector<1264x128xi1>, vector<1264x128xf32>
    %get3A_22 = arith.constant 0 : index
    %get3A_23 = arith.constant 0 : index
    %get3A_24 = vector.load %arg5[%get3A_22, %get3A_23] : memref<128x128xf32, #tpu.memory_space<vmem>>, vector<128x128xf32>
    %dot_general3A_25 = arith.constant dense<0.000000e+00> : vector<1264x128xf32>
    %dot_general3A_26 = tpu.matmul %select_n3A, %get3A_24, %dot_general3A_25 {dimension_numbers = #tpu.dot_dimension_numbers<[1], [0], [0], [1], [0, 0, 1, 1], [], []>, transpose_lhs_hint = false} : vector<1264x128xf32>, vector<128x128xf32>, vector<1264x128xf32> -> vector<1264x128xf32>
    %get3A_27 = arith.constant 0 : index
    %get3A_28 = arith.constant 0 : index
    %get3A_29 = vector.load %arg6[%get3A_27, %get3A_28] : memref<1x128xf32, #tpu.memory_space<vmem>>, vector<1x128xf32>
    %add3A_30 = vector.broadcast %get3A_29 : vector<1x128xf32> to vector<1264x128xf32>
    %add3A_31 = arith.addf %dot_general3A_26, %add3A_30 : vector<1264x128xf32>
    %gt3A_32 = arith.constant 0.000000e+00 : f32
    %gt3A_33 = vector.broadcast %gt3A_32 : f32 to vector<1264x128xf32>
    %gt3A_34 = arith.cmpf ogt, %add3A_31, %gt3A_33 : vector<1264x128xf32>
    %mul3A_35 = arith.constant 2.000000e-01 : f32
    %mul3A_36 = vector.broadcast %mul3A_35 : f32 to vector<1264x128xf32>
    %mul3A_37 = arith.mulf %mul3A_36, %add3A_31 : vector<1264x128xf32>
    %select_n3A_38 = arith.select %gt3A_34, %add3A_31, %mul3A_37 : vector<1264x128xi1>, vector<1264x128xf32>
    %mul3A_39 = arith.constant 1264 : i32
    %mul3A_40 = arith.muli %arg0, %mul3A_39 : i32
    %iota3A = tpu.iota {dimensions = array<i32: 0>} : vector<1264x1xi32>
    %add3A_41 = vector.broadcast %mul3A_40 : i32 to vector<1264x1xi32>
    %add3A_42 = arith.addi %add3A_41, %iota3A : vector<1264x1xi32>
    %lt3A = arith.constant 10000 : i32
    %lt3A_43 = vector.broadcast %lt3A : i32 to vector<1264x1xi32>
    %lt3A_44 = arith.cmpi slt, %add3A_42, %lt3A_43 : vector<1264x1xi32>
    %jit3A = arith.constant 0.000000e+00 : f32
    %broadcast_in_dim3A = vector.shape_cast %lt3A_44 : vector<1264x1xi1> to vector<1264x1xi1>
    %broadcast_in_dim3A_45 = vector.broadcast %broadcast_in_dim3A : vector<1264x1xi1> to vector<1264x128xi1>
    %broadcast_in_dim3A_46 = vector.broadcast %jit3A : f32 to vector<1264x128xf32>
    %select_n3A_47 = arith.select %broadcast_in_dim3A_45, %select_n3A_38, %broadcast_in_dim3A_46 : vector<1264x128xi1>, vector<1264x128xf32>
    %get3A_48 = arith.constant 0 : index
    %get3A_49 = arith.constant 0 : index
    %get3A_50 = arith.constant 0 : index
    %get3A_51 = vector.load %arg2[%get3A_48, %get3A_49, %get3A_50] : memref<1x1x1264xi32, #tpu.memory_space<vmem>>, vector<1x1x1264xi32>
    %get3A_52 = vector.shape_cast %get3A_51 : vector<1x1x1264xi32> to vector<1264xi32>
    %reshape3A = vector.shape_cast %get3A_52 : vector<1264xi32> to vector<1264x1xi32>
    %iota3A_53 = tpu.iota {dimensions = array<i32: 1>} : vector<1264x64xi32>
    %eq3A = vector.broadcast %reshape3A : vector<1264x1xi32> to vector<1264x64xi32>
    %eq3A_54 = arith.cmpi eq, %eq3A, %iota3A_53 : vector<1264x64xi32>
    %convert_element_type3A = arith.extui %eq3A_54 : vector<1264x64xi1> to vector<1264x64xi32>
    %convert_element_type3A_55 = arith.sitofp %convert_element_type3A : vector<1264x64xi32> to vector<1264x64xf32>
    %dot_general3A_56 = arith.constant dense<0.000000e+00> : vector<64x128xf32>
    %dot_general3A_57 = tpu.matmul %convert_element_type3A_55, %select_n3A_47, %dot_general3A_56 {dimension_numbers = #tpu.dot_dimension_numbers<[0], [0], [1], [1], [0, 1, 1, 1], [], []>, transpose_lhs_hint = false} : vector<1264x64xf32>, vector<1264x128xf32>, vector<64x128xf32> -> vector<64x128xf32>
    %eq3A_58 = arith.constant 0 : i32
    %eq3A_59 = arith.cmpi eq, %arg0, %eq3A_58 : i32
    %convert_element_type3A_60 = arith.extui %eq3A_59 : i1 to i32
    %cond3A = arith.constant 0 : i32
    %cond3A_61 = arith.cmpi ne, %convert_element_type3A_60, %cond3A : i32
    scf.if %cond3A_61 {
      %swap3A = arith.constant 0 : index
      %swap3A_72 = arith.constant 0 : index
      %swap3A_73 = vector.load %arg10[%swap3A, %swap3A_72] : memref<64x128xf32, #tpu.memory_space<vmem>>, vector<64x128xf32>
      tpu.vector_store %arg10[%swap3A, %swap3A_72], %dot_general3A_57 {strides = array<i32>} : memref<64x128xf32, #tpu.memory_space<vmem>>, vector<64x128xf32>,
    } else {
    }
    %gt3A_62 = arith.constant 0 : i32
    %gt3A_63 = arith.cmpi sgt, %arg0, %gt3A_62 : i32
    %convert_element_type3A_64 = arith.extui %gt3A_63 : i1 to i32
    %cond3A_65 = arith.constant 0 : i32
    %cond3A_66 = arith.cmpi ne, %convert_element_type3A_64, %cond3A_65 : i32
    scf.if %cond3A_66 {
      %get3A_72 = arith.constant 0 : index
      %get3A_73 = arith.constant 0 : index
      %get3A_74 = vector.load %arg10[%get3A_72, %get3A_73] : memref<64x128xf32, #tpu.memory_space<vmem>>, vector<64x128xf32>
      %add3A_75 = arith.addf %get3A_74, %dot_general3A_57 : vector<64x128xf32>
      %swap3A = arith.constant 0 : index
      %swap3A_76 = arith.constant 0 : index
      %swap3A_77 = vector.load %arg10[%swap3A, %swap3A_76] : memref<64x128xf32, #tpu.memory_space<vmem>>, vector<64x128xf32>
      tpu.vector_store %arg10[%swap3A, %swap3A_76], %add3A_75 {strides = array<i32>} : memref<64x128xf32, #tpu.memory_space<vmem>>, vector<64x128xf32>,
    } else {
    }
    %eq3A_67 = arith.constant 7 : i32
    %eq3A_68 = arith.cmpi eq, %arg0, %eq3A_67 : i32
    %convert_element_type3A_69 = arith.extui %eq3A_68 : i1 to i32
    %cond3A_70 = arith.constant 0 : i32
    %cond3A_71 = arith.cmpi ne, %convert_element_type3A_69, %cond3A_70 : i32
    scf.if %cond3A_71 {
      %get3A_72 = arith.constant 0 : index
      %get3A_73 = arith.constant 0 : index
      %get3A_74 = vector.load %arg10[%get3A_72, %get3A_73] : memref<64x128xf32, #tpu.memory_space<vmem>>, vector<64x128xf32>
      %get3A_75 = arith.constant 0 : index
      %get3A_76 = arith.constant 0 : index
      %get3A_77 = vector.load %arg7[%get3A_75, %get3A_76] : memref<128x64xf32, #tpu.memory_space<vmem>>, vector<128x64xf32>
      %dot_general3A_78 = arith.constant dense<0.000000e+00> : vector<64x64xf32>
      %dot_general3A_79 = tpu.matmul %get3A_74, %get3A_77, %dot_general3A_78 {dimension_numbers = #tpu.dot_dimension_numbers<[1], [0], [0], [1], [0, 0, 1, 1], [], []>, transpose_lhs_hint = false} : vector<64x128xf32>, vector<128x64xf32>, vector<64x64xf32> -> vector<64x64xf32>
      %get3A_80 = arith.constant 0 : index
      %get3A_81 = arith.constant 0 : index
      %get3A_82 = vector.load %arg8[%get3A_80, %get3A_81] : memref<1x64xf32, #tpu.memory_space<vmem>>, vector<1x64xf32>
      %add3A_83 = vector.broadcast %get3A_82 : vector<1x64xf32> to vector<64x64xf32>
      %add3A_84 = arith.addf %dot_general3A_79, %add3A_83 : vector<64x64xf32>
      %swap3A = arith.constant 0 : index
      %swap3A_85 = arith.constant 0 : index
      %swap3A_86 = vector.load %arg9[%swap3A, %swap3A_85] : memref<64x64xf32, #tpu.memory_space<vmem>>, vector<64x64xf32>
      tpu.vector_store %arg9[%swap3A, %swap3A_85], %add3A_84 {strides = array<i32>} : memref<64x64xf32, #tpu.memory_space<vmem>>, vector<64x64xf32>,
    } else {
    }
    return
  }
  func.func @transform_0(%arg0: i32) -> (i32, i32, i32) {
    %c0_i32 = arith.constant 0 : i32
    %c0_i32_0 = arith.constant 0 : i32
    %c0_i32_1 = arith.constant 0 : i32
    return %c0_i32, %arg0, %c0_i32_0 : i32, i32, i32
  }
  func.func @transform_1(%arg0: i32) -> (i32, i32, i32) {
    %c0_i32 = arith.constant 0 : i32
    %c0_i32_0 = arith.constant 0 : i32
    %c0_i32_1 = arith.constant 0 : i32
    return %arg0, %c0_i32, %c0_i32_0 : i32, i32, i32
  }
  func.func @transform_2(%arg0: i32) -> (i32, i32) {
    %c0_i32 = arith.constant 0 : i32
    %c0_i32_0 = arith.constant 0 : i32
    %c0_i32_1 = arith.constant 0 : i32
    return %c0_i32, %c0_i32_0 : i32, i32
  }
  func.func @transform_3(%arg0: i32) -> (i32, i32) {
    %c0_i32 = arith.constant 0 : i32
    %c0_i32_0 = arith.constant 0 : i32
    %c0_i32_1 = arith.constant 0 : i32
    return %c0_i32, %c0_i32_0 : i32, i32
  }
  func.func @transform_4(%arg0: i32) -> (i32, i32) {
    %c0_i32 = arith.constant 0 : i32
    %c0_i32_0 = arith.constant 0 : i32
    %c0_i32_1 = arith.constant 0 : i32
    return %c0_i32, %c0_i32_0 : i32, i32
  }
  func.func @transform_5(%arg0: i32) -> (i32, i32) {
    %c0_i32 = arith.constant 0 : i32
    %c0_i32_0 = arith.constant 0 : i32
    %c0_i32_1 = arith.constant 0 : i32
    return %c0_i32, %c0_i32_0 : i32, i32
  }
  func.func @transform_6(%arg0: i32) -> (i32, i32) {
    %c0_i32 = arith.constant 0 : i32
    %c0_i32_0 = arith.constant 0 : i32
    %c0_i32_1 = arith.constant 0 : i32
    return %c0_i32, %c0_i32_0 : i32, i32
  }
  func.func @transform_7(%arg0: i32) -> (i32, i32) {
    %c0_i32 = arith.constant 0 : i32
    %c0_i32_0 = arith.constant 0 : i32
    %c0_i32_1 = arith.constant 0 : i32
    return %c0_i32, %c0_i32_0 : i32, i32
  }
  func.func @transform_8(%arg0: i32) -> (i32, i32) {
    %c0_i32 = arith.constant 0 : i32
    %c0_i32_0 = arith.constant 0 : i32
    %c0_i32_1 = arith.constant 0 : i32
    return %c0_i32, %c0_i32_0 : i32, i32
  }
}

</mosaic_0001>

<sc_bundles>
// kernel: kernel.11.cloned.1.call-start
scs
__scs_entry_jumppad:
0x0: {  	(pc) =	sbr.rel $0x88, $3  }
0x1: {  	(tag) =	ssettag $0x0;
	lr =	simm.s32 $0x1  }
0x2: {  	[smem:$0x3F80] =	sst lr;
	_ =	strace $0xD0000000  }
0x3: {  	_ = 	snop  }
0x4: {  	_ = 	snop  }
0x5: {  	_ = 	snop  }
0x6: {  	_ = 	snop  }
0x7: {  	_ = 	snop  }
__scs_overlays_trampoline_lowered:
0x8: {  	[smem:$0x3F8F] =	sst s0  }
0x9: {  	[smem:$0x3F90] =	sst s1  }
0xa: {  	[smem:$0x3F91] =	sst s2  }
0xb: {  	[smem:$0x3F92] =	sst s3  }
0xc: {  	[smem:$0x3F93] =	sst s4  }
0xd: {  	[smem:$0x3F94] =	sst s5  }
0xe: {  	[smem:$0x3F95] =	sst s6  }
0xf: {  	[smem:$0x3F96] =	sst s7  }
0x10: {  	[smem:$0x3F97] =	sst s8  }
0x11: {  	[smem:$0x3F98] =	sst s9;
	s0 =	simm.s32 @!p0 $0x0  }
0x12: {  	s1 =	sld [smem:$0x3F7E];
	s0 =	simm.s32 @p0 $0x1  }
0x13: {  	[smem:$0x3F99] =	sst s0;
	s0 =	simm.s32 @!p1 $0x0  }
0x14: {  	s2 =	sld [smem:$0x3F7D];
	s0 =	simm.s32 @p1 $0x1  }
0x15: {  	[smem:$0x3F9A] =	sst s0;
	s0 =	simm.s32 @!p2 $0x0  }
0x16: {  	s3 =	sld [smem:$0x3FDB];
	s0 =	simm.s32 @p2 $0x1  }
0x17: {  	s4 =	simm.s32 $0x1BF5;
	[smem:$0x3F9C] =	sst s0  }
0x18: {  	s0 =	sld [smem:$0x3F7F];
	_ =	swait.ge [sflag:s4], $0x0  }
0x19: {  	s7 =	sld [smem:$0x3F80]  }
0x1a: {  	s8 =	sadd.s32 $0xFFFFE003, lr  }
0x1b: {  	s9 =	sadd.s32 $0xFFFFFEF7, lr;
	s5 =	simm.s32 $0xFFFFFFFF;
	p2 =	slt.u32 s8, $0xFFFFF086  }
0x1c: {  	p1 =	slt.u32 s9, $0xF7A;
	s5 =	simm.s32 @!p2 $0x0  }
0x1d: {  	s5 =	simm.s32 @p1 $0x1;
	p0 =	seq.s32 s7, s2  }
0x1e: {  	s7 =	smul.u32 @!p0 $0xF7A, s2;
	p2 =	seq.s32 @!p0 s5, $0x0  }
0x1f: {  	s9 =	smul.u32 $0xF7A, s1;
	s8 =	simm.s32 @!p0 $0x1BF5;
	p2 =	por !p2, p0  }
0x20: {  	[sflag:s8] =	ssyncset.s32 @!p0 $0xFFFFF086;
	s6 =	sadd.s32 @!p0 s3, s7;
	s7 =	simm.s32 @!p0 $0x108  }
0x21: {  	s3 =	sadd.s32 s3, s9;
	s6 =	sadd.s32 @!p0 $0x88, s6;
	s7 =	simm.s32 @p2 $0x1082  }
0x22: {  	[simem:s7], [sflag:s8] =	dma.local @!p0 [hbm:s6], $0xF7A  }
0x23: {  	s9 =	sor.u32 $0xD0000000, s2;
	s6 =	simm.s32 $0x108;
	_ =	swait.ge @!p0 [sflag:s8], $0x0  }
0x24: {  	s3 =	sadd.s32 $0x88, s3;
	s6 =	simm.s32 @!p1 $0x1082;
	[sflag:s4] =	ssyncset.s32 $0xFFFFF086  }
0x25: {  	[simem:s6], [sflag:s4] =	dma.local [hbm:s3], $0xF7A  }
0x26: {  	[smem:$0x3F80] =	sst s1;
	(tag) =	ssettag s2;
	_ =	strace s9  }
0x27: {  	s1 =	sld [smem:$0x3F90]  }
0x28: {  	s2 =	sld [smem:$0x3F91]  }
0x29: {  	s4 =	sld [smem:$0x3F93]  }
0x2a: {  	p0 =	seq.s32 s5, $0x0;
	s5 =	sld [smem:$0x3F94]  }
0x2b: {  	s6 =	sld [smem:$0x3F95]  }
0x2c: {  	s7 =	sld [smem:$0x3F96]  }
0x2d: {  	s3 =	simm.s32 $0x108;
	s8 =	sld [smem:$0x3F97]  }
0x2e: {  	s3 =	simm.s32 @!p0 $0x1082;
	s9 =	sld [smem:$0x3F98]  }
0x2f: {  	lr =	sadd.s32 s0, s3;
	s0 =	sld [smem:$0x3F8F]  }
0x30: {  	s3 =	sld [smem:$0x3F92]  }
0x31: {  	[smem:$0x3F9B] =	sst s10  }
0x32: {  	s10 =	sld [smem:$0x3F99];
	_ =	sdelay $0x3  }
0x33: {  	p0 =	seq.s32 s10, $0x1;
	s10 =	sld [smem:$0x3F9B];
	_ =	sdelay $0x3  }
0x34: {  	[smem:$0x3F9B] =	sst s10  }
0x35: {  	s10 =	sld [smem:$0x3F9A];
	_ =	sdelay $0x3  }
0x36: {  	p1 =	seq.s32 s10, $0x1;
	s10 =	sld [smem:$0x3F9B];
	_ =	sdelay $0x3  }
0x37: {  	[smem:$0x3F9B] =	sst s10  }
0x38: {  	s10 =	sld [smem:$0x3F9C]  }
0x39: {  	_ = 	snop;
	(pc) =	sbr.ind lr, $3  }
0x3a: {  	_ = 	snop  }
0x3b: {  	_ = 	snop  }
0x3c: {  	p2 =	seq.s32 s10, $0x1;
	s10 =	sld [smem:$0x3F9B]  }
0x3d: {  	_ =	shalt  }
0x3e: {  	_ =	shalt  }
0x3f: {  	_ =	shalt  }
0x40: {  	_ =	shalt  }
0x41: {  	_ =	shalt  }
0x42: {  	_ =	shalt  }
0x43: {  	_ =	shalt  }
0x44: {  	_ =	shalt  }
0x45: {  	_ =	shalt  }
0x46: {  	_ =	shalt  }
0x47: {  	_ =	shalt  }
0x48: {  	_ =	shalt  }
0x49: {  	_ =	shalt  }
0x4a: {  	_ =	shalt  }
0x4b: {  	_ =	shalt  }
0x4c: {  	_ =	shalt  }
0x4d: {  	_ =	shalt  }
0x4e: {  	_ =	shalt  }
0x4f: {  	_ =	shalt  }
0x50: {  	_ =	shalt  }
0x51: {  	_ =	shalt  }
0x52: {  	_ =	shalt  }
0x53: {  	_ =	shalt  }
0x54: {  	_ =	shalt  }
0x55: {  	_ =	shalt  }
0x56: {  	_ =	shalt  }
0x57: {  	_ =	shalt  }
0x58: {  	_ =	shalt  }
0x59: {  	_ =	shalt  }
0x5a: {  	_ =	shalt  }
0x5b: {  	_ =	shalt  }
0x5c: {  	_ =	shalt  }
0x5d: {  	_ =	shalt  }
0x5e: {  	_ =	shalt  }
0x5f: {  	_ =	shalt  }
0x60: {  	_ =	shalt  }
0x61: {  	_ =	shalt  }
0x62: {  	_ =	shalt  }
0x63: {  	_ =	shalt  }
0x64: {  	_ =	shalt  }
0x65: {  	_ =	shalt  }
0x66: {  	_ =	shalt  }
0x67: {  	_ =	shalt  }
0x68: {  	_ =	shalt  }
0x69: {  	_ =	shalt  }
0x6a: {  	_ =	shalt  }
0x6b: {  	_ =	shalt  }
0x6c: {  	_ =	shalt  }
0x6d: {  	_ =	shalt  }
0x6e: {  	_ =	shalt  }
0x6f: {  	_ =	shalt  }
0x70: {  	_ =	shalt  }
0x71: {  	_ =	shalt  }
0x72: {  	_ =	shalt  }
0x73: {  	_ =	shalt  }
0x74: {  	_ =	shalt  }
0x75: {  	_ =	shalt  }
0x76: {  	_ =	shalt  }
0x77: {  	_ =	shalt  }
0x78: {  	_ =	shalt  }
0x79: {  	_ =	shalt  }
0x7a: {  	_ =	shalt  }
0x7b: {  	_ =	shalt  }
0x7c: {  	_ =	shalt  }
0x7d: {  	_ =	shalt  }
0x7e: {  	_ =	shalt  }
0x7f: {  	_ =	shalt  }
0x80: {  	_ =	shalt  }
0x81: {  	_ =	shalt  }
0x82: {  	_ =	shalt  }
0x83: {  	_ =	shalt  }
0x84: {  	_ =	shalt  }
0x85: {  	_ =	shalt  }
0x86: {  	_ =	shalt  }
0x87: {  	_ =	shalt  }
.Lfunc_end0:
.L_simem_size_0:
called_computation.1_lowered:
.L_overlay_start_0:
0x88: {  	s2 =	sld [smem:$0x3FD9]  }
0x89: {  	s3 =	sld [smem:$0x3FFE];
	_ =	sdelay $0x1  }
0x8a: {  	s1 =	srdreg.scid  }
0x8b: {  	s0 =	sand.u32 $0x1, s1  }
0x8c: {  	s16 =	sshll.u32 s0, $0xA;
	s2 =	sadd.s32 s3, s2  }
0x8d: {  	s2 =	sadd.s32 s2, s16  }
0x8e: {  	[smem:$0x3FA7] =	sst s2  }
0x8f: {  	_ = 	snop  }
0x90: {  	(tm) =	ssettm $0x1  }
0x91: {  	s17 =	sld [smem:$0x3FFB];
	_ =	sdelay $0x3  }
0x92: {  	_ =	strace s17  }
0x93: {  	s2 =	sld [smem:$0x3FFC];
	_ =	sdelay $0x3  }
0x94: {  	_ =	strace s2  }
0x95: {  	s2 =	sld [smem:$0x3FFD];
	_ =	sdelay $0x3  }
0x96: {  	_ =	strace s2  }
0x97: {  	_ =	strace $0x8FFFFFFF  }
0x98: {  	s18 =	sld [smem:$0x3FDB];
	_ =	sdelay $0x1  }
0x99: {  	s19 =	simm.s32 $_scs_section_size  }
0x9a: {  	s4 =	simm.s32 $_size__tile_overlayer_lowered;
	s5 =	simm.s32 $_tile_overlayer_lowered  }
0x9b: {  	s22 =	simm.s32 $0x1BFF;
	s21 =	sshll.u32 s5, $0x1;
	s2 =	sadd.s32 s19, s18  }
0x9c: {  	s6 =	simm.s32 $0x0;
	s20 =	sshll.u32 s4, $0x1;
	s4 =	sadd.s32 s21, s2  }
0x9d: {  	[timem:s6], [sflag:s22] =	dma.local [hbm:s4], s20  }
0x9e: {  	_ =	swait.ge [sflag:s22], s20  }
0x9f: {  	s3 =	ssub.s32 $0x0, s20;
	[sflag:s22] =	ssyncset.done $0x0  }
0xa0: {  	[sflag:s22] =	ssyncadd.s32 s3;
	_ =	sdelay $0x1  }
0xa1: {  	s23 =	simm.s32 $0x1B8B  }
0xa2: {  	_ =	swait.ge [sflag:s23], $0x1  }
0xa3: {  	[sflag:s23] =	ssyncset.done $0x0  }
0xa4: {  	s25 =	simm.s32 $0x1B8E;
	s24 =	sld [smem:$0x3FFE];
	[sflag:s23] =	ssyncadd.s32 $0xFFFFFFFF  }
0xa5: {  	s26 =	simm.s32 $execute0_lowered;
	[smem:$0x3FD2] =	sst s25  }
0xa6: {  	s4 =	sshll.u32 s26, $0x1;
	_ =	strace $0x80000049;
	[dreg:$0x1] =	wrdreg $0xFFFFFFFF  }
0xa7: {  	s28 =	simm.s32 $_size_execute0_lowered;
	s2 =	sadd.s32 s2, s4;
	[dreg:$0x0] =	wrdreg $0x0  }
0xa8: {  	s4 =	sshll.u32 s28, $0x1;
	[dreg:$0x2] =	wrdreg s2  }
0xa9: {  	[dreg:$0x3] =	wrdreg s4  }
0xaa: {  	[dreg:$0x4] =	wrdreg $0xC0  }
0xab: {  	_ =	task [dreg:s6], $0x5FFFF  }
0xac: {  	[dreg:$0x1] =	wrdreg $0xFFFFFFFF  }
0xad: {  	[dreg:$0x0] =	wrdreg $0x60  }
0xae: {  	[dreg:$0x2] =	wrdreg s24  }
0xaf: {  	[dreg:$0x3] =	wrdreg $0xB8000  }
0xb0: {  	[dreg:$0x4] =	wrdreg $0x9  }
0xb1: {  	_ =	task.clear_ibuf [dreg:s6], $0x5FFFF;
	_ =	strace $0x90000049  }
0xb2: {  	s29 =	simm.s32 $0x9;
	_ =	strace $0x8000004B  }
0xb3: {  	_ =	swait.ge [sflag:s29], $0x1  }
0xb4: {  	[sflag:s29] =	ssyncadd.s32 $0xFFFFFFFF  }
0xb5: {  	_ =	strace $0x9000004B  }
0xb6: {  	_ =	sfence  }
0xb7: {  	s30 =	sld [smem:$0x0];
	_ =	sdelay $0x2  }
0xb8: {  	s31 =	sshll.u32 s1, $0xD;
	s1 =	sshrl.u32 s1, $0x2  }
0xb9: {  	s3 =	sand.u32 $0x4000, s31;
	s1 =	sadd.s32 s1, s30  }
0xba: {  	s0 =	sor.u32 s3, s0;
	s1 =	sshll.u32 s1, $0x11  }
0xbb: {  	s0 =	sor.u32 s1, s0  }
0xbc: {  	s0 =	sadd.s32 $0x8F2B, s0  }
0xbd: {  	[sflag:s0] =	ssyncadd.remote.s32 $0x1  }
0xbe: {  	_ =	sfence.sel $0xFFFF  }
0xbf: {  	[dreg:$0x0] =	wrdreg $0xFFFFFFFF;
	(pc) =	sbr.abs _section_cstart, $3  }
0xc0: {  	[dreg:$0x1] =	wrdreg $0xFFFFFFFF  }
0xc1: {  	_ =	task.clear_ibuf [dreg:s6], $0x2FFFF;
	_ =	strace $0x9FFFFFFF  }
0xc2: {  	(tm) =	ssettm $0x7FFFFFFF  }
0xc3: {  	_ =	shalt  }
tec
execute0_lowered:
.L_overlay_start_1:
0x0: {  	(tag) =	ssettag $0x1  }
0x1: {  	s5 =	rddreg [dreg:$0x0]  }
0x2: {  	s2 =	rddreg [dreg:$0x1];
	s3 =	simm.s32 $0x0  }
0x3: {  	s0 =	srdreg.scid;
	s20 =	simm.s32 $0x180;
	[smem:$0x7FF] =	sst s3  }
0x4: {  	s21 =	simm.s32 $0x200;
	_ =	strace $0x8000004A;
	[dreg:$0x5] =	wrdreg s20  }
0x5: {  	s14 =	stileid.u32;
	s22 =	simm.s32 $0xC80;
	[dreg:$0x6] =	wrdreg s21  }
0x6: {  	s24 =	simm.s32 $0x280;
	s26 =	simm.s32 $0xD00;
	[dreg:$0x7] =	wrdreg s22  }
0x7: {  	s13 =	simm.s32 $0xD80;
	s16 =	simm.s32 $0x380;
	[dreg:$0x8] =	wrdreg s24  }
0x8: {  	s17 =	simm.s32 $0xE00;
	s18 =	simm.s32 $0x400;
	[dreg:$0x9] =	wrdreg s26  }
0x9: {  	s19 =	simm.s32 $0xE80;
	s28 =	simm.s32 $0x4;
	[dreg:$0xb] =	wrdreg s13  }
0xa: {  	s29 =	simm.s32 $0x8;
	s30 =	simm.s32 $0x5;
	[dreg:$0xc] =	wrdreg s16  }
0xb: {  	s31 =	simm.s32 $0x9;
	s0 =	sand.u32 $0x1, s0;
	[dreg:$0xd] =	wrdreg s17  }
0xc: {  	s1 =	smul.u32 $0xC000, s14;
	s4 =	sadd.s32 $0x35400, s5;
	[dreg:$0xe] =	wrdreg s18  }
0xd: {  	s9 =	sadd.s32 $0x5400, s5;
	[dreg:$0xf] =	wrdreg s19;
	s20 =	simm.s32 $0x480  }
0xe: {  	s10 =	smul.u32 $0x13C00, s14;
	s13 =	simm.s32 $0xF00;
	[dreg:$0x10] =	wrdreg s20  }
0xf: {  	s12 =	sshll.u32 s14, $0x1;
	s21 =	simm.s32 $0x500;
	[dreg:$0x11] =	wrdreg s13  }
0x10: {  	s15 =	smul.u32 $0x4F000, s14;
	s22 =	simm.s32 $0xF80;
	[dreg:$0x12] =	wrdreg s21  }
0x11: {  	s6 =	smul.u32 $0x6000, s0;
	s24 =	simm.s32 $0x1000;
	[dreg:$0x13] =	wrdreg s22  }
0x12: {  	s7 =	smul.u32 $0x13C000, s0;
	s16 =	simm.s32 $0x1200;
	[dreg:$0x15] =	wrdreg s24  }
0x13: {  	s23 =	ssub.s32 $0x2, s0;
	s17 =	simm.s32 $0x800;
	[dreg:$0x1d] =	wrdreg s16  }
0x14: {  	p0 =	sne.s32 s0, $0x0;
	s18 =	simm.s32 $0x1280;
	[dreg:$0x1e] =	wrdreg s17  }
0x15: {  	s19 =	simm.s32 $0x880;
	s25 =	sshrl.u32 s23, $0x1;
	[dreg:$0x1f] =	wrdreg s18  }
0x16: {  	s13 =	simm.s32 $0x700;
	[smem:$0x7F6] =	sst s19;
	s20 =	simm.s32 $0x1300  }
0x17: {  	s17 =	simm.s32 $0x3800;
	s21 =	simm.s32 $0x900;
	s22 =	simm.s32 $0x1380  }
0x18: {  	s19 =	simm.s32 $0x5800;
	s24 =	simm.s32 $0x1400;
	s16 =	simm.s32 $0x0  }
0x19: {  	s1 =	sadd.s32 s6, s1;
	s6 =	sadd.s32 $0x1D400, s5;
	[dreg:$0x1a] =	wrdreg s13  }
0x1a: {  	s7 =	sadd.s32 s10, s7;
	s10 =	ssub.s32 s23, s25;
	[smem:$0x7F7] =	sst s20  }
0x1b: {  	s23 =	simm.s32 $0x580;
	s25 =	simm.s32 $0x600;
	[smem:$0x7F8] =	sst s21  }
0x1c: {  	s13 =	simm.s32 $0xC00;
	[smem:$0x7F9] =	sst s22;
	s20 =	simm.s32 $0x7800  }
0x1d: {  	s21 =	simm.s32 $0x1;
	[smem:$0x7FB] =	sst s24;
	s22 =	simm.s32 $0x9800  }
0x1e: {  	s24 =	simm.s32 $0x6;
	s8 =	sshrl.u32 s1, $0x3;
	[dreg:$0x14] =	wrdreg s23  }
0x1f: {  	s1 =	sadd.s32 $0x5CC00, s5;
	s26 =	smax.u32 s10, $0x1;
	[dreg:$0x16] =	wrdreg s25  }
0x20: {  	s7 =	sshrl.u32 s7, $0x3;
	s10 =	simm.s32 $0x1100;
	[smem:$0x7F4] =	sst s26  }
0x21: {  	s23 =	simm.s32 $0x980;
	s25 =	simm.s32 $0x1480;
	[dreg:$0x19] =	wrdreg s10  }
0x22: {  	s11 =	sadd.s32 s8, s6;
	s8 =	sadd.s32 s8, s9;
	[smem:$0x7FA] =	sst s23  }
0x23: {  	s7 =	sadd.s32 s7, s5;
	[smem:$0x7FC] =	sst s25;
	s26 =	simm.s32 $0x1500  }
0x24: {  	s23 =	simm.s32 $0x2;
	s25 =	simm.s32 $0x3;
	[dreg:$0x3] =	wrdreg s11  }
0x25: {  	[dreg:$0x4] =	wrdreg s8;
	s11 =	simm.s32 $0x300;
	s8 =	sor.u32 s0, s12  }
0x26: {  	s12 =	smul.u32 $0x2780, s14;
	s7 =	sadd.s32 $0x5F400, s7;
	[smem:$0x7FD] =	sst s26  }
0x27: {  	s26 =	simm.s32 $0x7;
	s0 =	simm.s32 $0x1580;
	[dreg:$0xa] =	wrdreg s11  }
0x28: {  	s11 =	sshrl.u32 s15, $0x2;
	s8 =	smul.u32 $0x6000, s8;
	[smem:$0x7F3] =	sst s7  }
0x29: {  	s15 =	simm.s32 $0x780;
	s11 =	sadd.s32 s11, s2;
	s5 =	sadd.s32 s4, s12  }
0x2a: {  	s12 =	sshll.u32 s14, $0x6;
	s14 =	simm.s32 $0x1180;
	[dreg:$0x1c] =	wrdreg s15  }
0x2b: {  	s8 =	sshrl.u32 s8, $0x3;
	s5 =	smov.u32 @p0 s1;
	[dreg:$0x1b] =	wrdreg s14  }
0x2c: {  	s15 =	simm.s32 $0x1800;
	s9 =	sadd.s32 s9, s8;
	[smem:$0x7F5] =	sst s5  }
0x2d: {  	s10 =	sor.u32 $0x1C0B, s12;
	s6 =	sadd.s32 s6, s8;
	[smem:$0x7F1] =	sst s9  }
0x2e: {  	s11 =	sshrl.u32 s11, $0x3;
	s8 =	simm.s32 $0x1080;
	[smem:$0x7F2] =	sst s6  }
0x2f: {  	s12 =	simm.s32 $0xB;
	[dreg:$0x17] =	wrdreg s8;
	s9 =	simm.s32 $0x680  }
0x30: {  	s14 =	simm.s32 $0x40;
	s1 =	simm.s32 $0xA;
	[dreg:$0x18] =	wrdreg s9  }
.LBB2_1:
0x31: {  	s5 =	sld [smem:$0x7F5];
	_ =	sdelay $0x2  }
0x32: {  	[spmem:s11], [sflag:s10] =	dma.local [hbm:s5], $0x2780  }
0x33: {  	_ =	swait.ge [sflag:s12], $0x2780  }
0x34: {  	s7 =	sld [smem:$0x7F1]  }
0x35: {  	[sflag:s12] =	ssyncset.done $0x0  }
0x36: {  	[sflag:s12] =	ssyncadd.s32 $0xFFFFD880  }
0x37: {  	[tilespmem:s3], [sflag:$0xB] =	stream.linear.gather [hbm4b:s7+s3], $0xA00, $0x38;
	[tilespmem:$0x1F400] =	vst v63  }
0x38: {  	_ =	swait.ge [sflag:s12], $0xA00  }
0x39: {  	s8 =	sld [smem:$0x7F2]  }
0x3a: {  	[sflag:s12] =	ssyncset.done $0x0  }
0x3b: {  	[sflag:s12] =	ssyncadd.s32 $0xFFFFF600  }
0x3c: {  	[tilespmem:s13], [sflag:$0xB] =	stream.linear.gather [hbm4b:s8+s3], $0xA00, $0x38;
	[tilespmem:$0x1F400] =	vst v63  }
0x3d: {  	_ =	swait.ge [sflag:s12], $0xA00  }
0x3e: {  	[sflag:s12] =	ssyncset.done $0x0  }
0x3f: {  	[sflag:s12] =	ssyncadd.s32 $0xFFFFF600  }
0x40: {  	[tilespmem:s15], [sflag:$0x1] =	stream.indirect.gather [hbm4b:s4+s14], $0x80, s3, s14, $0xb8;
	[tilespmem:$0x1F400] =	vst v63  }
0x41: {  	s9 =	simm.s32 $0x80  }
0x42: {  	[tilespmem:s17], [sflag:$0x2] =	stream.indirect.gather [hbm4b:s4+s14], $0x80, s9, s14, $0xb8;
	[tilespmem:$0x1F400] =	vst v63  }
0x43: {  	s18 =	simm.s32 $0x100  }
0x44: {  	[tilespmem:s19], [sflag:$0x3] =	stream.indirect.gather [hbm4b:s4+s14], $0x80, s18, s14, $0xb8;
	[tilespmem:$0x1F400] =	vst v63  }
0x45: {  	[bflag:$0x0] =	sbarrier.arrive $0xFFFF  }
0x46: {  	p0 =	por $0x1, $0x1;
	s6 =	rddreg [dreg:$0x4]  }
0x47: {  	s7 =	simm.s32 @!p0 $0x0;
	s18 =	simm.s32 @!p0 $0xB;
	s6 =	sadd.s32 @!p0 $0x0, s6  }
0x48: {  	[tilespmem:s7], [sflag:$0xB] =	stream.linear.gather @!p0 [hbm4b:s6+s7], $0xA00, $0x38;
	[tilespmem:$0x1F400] =	vst v63  }
0x49: {  	_ =	swait.ge @!p0 [sflag:s18], $0xA00  }
0x4a: {  	s6 =	rddreg [dreg:$0x3];
	[sflag:s18] =	ssyncset.done @!p0 $0x0  }
0x4b: {  	s8 =	simm.s32 @!p0 $0xC00;
	[sflag:s18] =	ssyncadd.s32 @!p0 $0xFFFFF600;
	s6 =	sadd.s32 @!p0 $0x0, s6  }
0x4c: {  	[tilespmem:s8], [sflag:$0xB] =	stream.linear.gather @!p0 [hbm4b:s6+s7], $0xA00, $0x38;
	[tilespmem:$0x1F400] =	vst v63  }
0x4d: {  	_ =	swait.ge @!p0 [sflag:s18], $0xA00  }
0x4e: {  	[sflag:s18] =	ssyncset.done @!p0 $0x0  }
0x4f: {  	s6 =	simm.s32 @!p0 $0x40;
	s8 =	simm.s32 @!p0 $0x1800;
	[sflag:s18] =	ssyncadd.s32 @!p0 $0xFFFFF600  }
0x50: {  	[tilespmem:s8], [sflag:$0x1] =	stream.indirect.gather @!p0 [hbm4b:s4+s6], $0x80, s7, s6, $0xb8;
	[tilespmem:$0x1F400] =	vst v63  }
0x51: {  	s7 =	simm.s32 @!p0 $0x80;
	s8 =	simm.s32 @!p0 $0x3800  }
0x52: {  	[tilespmem:s8], [sflag:$0x2] =	stream.indirect.gather @!p0 [hbm4b:s4+s6], $0x80, s7, s6, $0xb8;
	[tilespmem:$0x1F400] =	vst v63  }
0x53: {  	s7 =	simm.s32 @!p0 $0x100;
	s8 =	simm.s32 @!p0 $0x5800  }
0x54: {  	[tilespmem:s8], [sflag:$0x3] =	stream.indirect.gather @!p0 [hbm4b:s4+s6], $0x80, s7, s6, $0xb8;
	[tilespmem:$0x1F400] =	vst v63  }
0x55: {  	s5 =	rddreg [dreg:$0x5]  }
0x56: {  	[tilespmem:s20], [sflag:$0x4] =	stream.indirect.gather [hbm4b:s4+s14], $0x80, s5, s14, $0xb8;
	[tilespmem:$0x1F400] =	vst v63  }
0x57: {  	_ =	swait.ge [sflag:s21], $0x2000  }
0x58: {  	[sflag:s21] =	ssyncset.done $0x0  }
0x59: {  	[sflag:s21] =	ssyncadd.s32 $0xFFFFE000  }
0x5a: {  	[spmem:s2] =	stream.indirect.scatter.add.f32 [tilespmem:s15], [sflag:$0x6], $0x80, s13, s14, $0xb8;
	[tilespmem:$0x1F400] =	vst v63  }
0x5b: {  	s7 =	rddreg [dreg:$0x6]  }
0x5c: {  	[tilespmem:s22], [sflag:$0x5] =	stream.indirect.gather [hbm4b:s4+s14], $0x80, s7, s14, $0xb8;
	[tilespmem:$0x1F400] =	vst v63  }
0x5d: {  	_ =	swait.ge [sflag:s23], $0x2000  }
0x5e: {  	[sflag:s23] =	ssyncset.done $0x0  }
0x5f: {  	s8 =	rddreg [dreg:$0x7];
	[sflag:s23] =	ssyncadd.s32 $0xFFFFE000  }
0x60: {  	[spmem:s2] =	stream.indirect.scatter.add.f32 [tilespmem:s17], [sflag:$0x7], $0x80, s8, s14, $0xb8;
	[tilespmem:$0x1F400] =	vst v63  }
0x61: {  	_ =	swait.ge [sflag:s24], $0x2000  }
0x62: {  	[sflag:s24] =	ssyncset.done $0x0  }
0x63: {  	s9 =	rddreg [dreg:$0x8];
	[sflag:s24] =	ssyncadd.s32 $0xFFFFE000  }
0x64: {  	[tilespmem:s15], [sflag:$0x1] =	stream.indirect.gather [hbm4b:s4+s14], $0x80, s9, s14, $0xb8;
	[tilespmem:$0x1F400] =	vst v63  }
0x65: {  	_ =	swait.ge [sflag:s25], $0x2000  }
0x66: {  	[sflag:s25] =	ssyncset.done $0x0  }
0x67: {  	s18 =	rddreg [dreg:$0x9];
	[sflag:s25] =	ssyncadd.s32 $0xFFFFE000  }
0x68: {  	[spmem:s2] =	stream.indirect.scatter.add.f32 [tilespmem:s19], [sflag:$0x8], $0x80, s18, s14, $0xb8;
	[tilespmem:$0x1F400] =	vst v63  }
0x69: {  	_ =	swait.ge [sflag:s26], $0x2000  }
0x6a: {  	[sflag:s26] =	ssyncset.done $0x0  }
0x6b: {  	s5 =	rddreg [dreg:$0xa];
	[sflag:s26] =	ssyncadd.s32 $0xFFFFE000  }
0x6c: {  	[tilespmem:s17], [sflag:$0x2] =	stream.indirect.gather [hbm4b:s4+s14], $0x80, s5, s14, $0xb8;
	[tilespmem:$0x1F400] =	vst v63  }
0x6d: {  	_ =	swait.ge [sflag:s28], $0x2000  }
0x6e: {  	[sflag:s28] =	ssyncset.done $0x0  }
0x6f: {  	s7 =	rddreg [dreg:$0xb];
	[sflag:s28] =	ssyncadd.s32 $0xFFFFE000  }
0x70: {  	[spmem:s2] =	stream.indirect.scatter.add.f32 [tilespmem:s20], [sflag:$0x9], $0x80, s7, s14, $0xb8;
	[tilespmem:$0x1F400] =	vst v63  }
0x71: {  	_ =	swait.ge [sflag:s29], $0x2000  }
0x72: {  	[sflag:s29] =	ssyncset.done $0x0  }
0x73: {  	s8 =	rddreg [dreg:$0xc];
	[sflag:s29] =	ssyncadd.s32 $0xFFFFE000  }
0x74: {  	[tilespmem:s19], [sflag:$0x3] =	stream.indirect.gather [hbm4b:s4+s14], $0x80, s8, s14, $0xb8;
	[tilespmem:$0x1F400] =	vst v63  }
0x75: {  	_ =	swait.ge [sflag:s30], $0x2000  }
0x76: {  	[sflag:s30] =	ssyncset.done $0x0  }
0x77: {  	s9 =	rddreg [dreg:$0xd];
	[sflag:s30] =	ssyncadd.s32 $0xFFFFE000  }
0x78: {  	[spmem:s2] =	stream.indirect.scatter.add.f32 [tilespmem:s22], [sflag:$0xA], $0x80, s9, s14, $0xb8;
	[tilespmem:$0x1F400] =	vst v63  }
0x79: {  	_ =	swait.ge [sflag:s31], $0x2000  }
0x7a: {  	[sflag:s31] =	ssyncset.done $0x0  }
0x7b: {  	s18 =	rddreg [dreg:$0xe];
	[sflag:s31] =	ssyncadd.s32 $0xFFFFE000  }
0x7c: {  	[tilespmem:s20], [sflag:$0x4] =	stream.indirect.gather [hbm4b:s4+s14], $0x80, s18, s14, $0xb8;
	[tilespmem:$0x1F400] =	vst v63  }
0x7d: {  	_ =	swait.ge [sflag:s21], $0x2000  }
0x7e: {  	[sflag:s21] =	ssyncset.done $0x0  }
0x7f: {  	s5 =	rddreg [dreg:$0xf];
	[sflag:s21] =	ssyncadd.s32 $0xFFFFE000  }
0x80: {  	[spmem:s2] =	stream.indirect.scatter.add.f32 [tilespmem:s15], [sflag:$0x6], $0x80, s5, s14, $0xb8;
	[tilespmem:$0x1F400] =	vst v63  }
0x81: {  	_ =	swait.ge [sflag:s1], $0x2000  }
0x82: {  	[sflag:s1] =	ssyncset.done $0x0  }
0x83: {  	s7 =	rddreg [dreg:$0x10];
	[sflag:s1] =	ssyncadd.s32 $0xFFFFE000  }
0x84: {  	[tilespmem:s22], [sflag:$0x5] =	stream.indirect.gather [hbm4b:s4+s14], $0x80, s7, s14, $0xb8;
	[tilespmem:$0x1F400] =	vst v63  }
0x85: {  	_ =	swait.ge [sflag:s23], $0x2000  }
0x86: {  	[sflag:s23] =	ssyncset.done $0x0  }
0x87: {  	s8 =	rddreg [dreg:$0x11];
	[sflag:s23] =	ssyncadd.s32 $0xFFFFE000  }
0x88: {  	[spmem:s2] =	stream.indirect.scatter.add.f32 [tilespmem:s17], [sflag:$0x7], $0x80, s8, s14, $0xb8;
	[tilespmem:$0x1F400] =	vst v63  }
0x89: {  	_ =	swait.ge [sflag:s24], $0x2000  }
0x8a: {  	[sflag:s24] =	ssyncset.done $0x0  }
0x8b: {  	s9 =	rddreg [dreg:$0x12];
	[sflag:s24] =	ssyncadd.s32 $0xFFFFE000  }
0x8c: {  	[tilespmem:s15], [sflag:$0x1] =	stream.indirect.gather [hbm4b:s4+s14], $0x80, s9, s14, $0xb8;
	[tilespmem:$0x1F400] =	vst v63  }
0x8d: {  	_ =	swait.ge [sflag:s25], $0x2000  }
0x8e: {  	[sflag:s25] =	ssyncset.done $0x0  }
0x8f: {  	s18 =	rddreg [dreg:$0x13];
	[sflag:s25] =	ssyncadd.s32 $0xFFFFE000  }
0x90: {  	[spmem:s2] =	stream.indirect.scatter.add.f32 [tilespmem:s19], [sflag:$0x8], $0x80, s18, s14, $0xb8;
	[tilespmem:$0x1F400] =	vst v63  }
0x91: {  	_ =	swait.ge [sflag:s26], $0x2000  }
0x92: {  	[sflag:s26] =	ssyncset.done $0x0  }
0x93: {  	s5 =	rddreg [dreg:$0x14];
	[sflag:s26] =	ssyncadd.s32 $0xFFFFE000  }
0x94: {  	[tilespmem:s17], [sflag:$0x2] =	stream.indirect.gather [hbm4b:s4+s14], $0x80, s5, s14, $0xb8;
	[tilespmem:$0x1F400] =	vst v63  }
0x95: {  	_ =	swait.ge [sflag:s28], $0x2000  }
0x96: {  	[sflag:s28] =	ssyncset.done $0x0  }
0x97: {  	s7 =	rddreg [dreg:$0x15];
	[sflag:s28] =	ssyncadd.s32 $0xFFFFE000  }
0x98: {  	[spmem:s2] =	stream.indirect.scatter.add.f32 [tilespmem:s20], [sflag:$0x9], $0x80, s7, s14, $0xb8;
	[tilespmem:$0x1F400] =	vst v63  }
0x99: {  	_ =	swait.ge [sflag:s29], $0x2000  }
0x9a: {  	[sflag:s29] =	ssyncset.done $0x0  }
0x9b: {  	s8 =	rddreg [dreg:$0x16];
	[sflag:s29] =	ssyncadd.s32 $0xFFFFE000  }
0x9c: {  	[tilespmem:s19], [sflag:$0x3] =	stream.indirect.gather [hbm4b:s4+s14], $0x80, s8, s14, $0xb8;
	[tilespmem:$0x1F400] =	vst v63  }
0x9d: {  	_ =	swait.ge [sflag:s30], $0x2000  }
0x9e: {  	[sflag:s30] =	ssyncset.done $0x0  }
0x9f: {  	s9 =	rddreg [dreg:$0x17];
	[sflag:s30] =	ssyncadd.s32 $0xFFFFE000  }
0xa0: {  	[spmem:s2] =	stream.indirect.scatter.add.f32 [tilespmem:s22], [sflag:$0xA], $0x80, s9, s14, $0xb8;
	[tilespmem:$0x1F400] =	vst v63  }
0xa1: {  	_ =	swait.ge [sflag:s31], $0x2000  }
0xa2: {  	[sflag:s31] =	ssyncset.done $0x0  }
0xa3: {  	s18 =	rddreg [dreg:$0x18];
	[sflag:s31] =	ssyncadd.s32 $0xFFFFE000  }
0xa4: {  	[tilespmem:s20], [sflag:$0x4] =	stream.indirect.gather [hbm4b:s4+s14], $0x80, s18, s14, $0xb8;
	[tilespmem:$0x1F400] =	vst v63  }
0xa5: {  	_ =	swait.ge [sflag:s21], $0x2000  }
0xa6: {  	[sflag:s21] =	ssyncset.done $0x0  }
0xa7: {  	s5 =	rddreg [dreg:$0x19];
	[sflag:s21] =	ssyncadd.s32 $0xFFFFE000  }
0xa8: {  	[spmem:s2] =	stream.indirect.scatter.add.f32 [tilespmem:s15], [sflag:$0x6], $0x80, s5, s14, $0xb8;
	[tilespmem:$0x1F400] =	vst v63  }
0xa9: {  	_ =	swait.ge [sflag:s1], $0x2000  }
0xaa: {  	[sflag:s1] =	ssyncset.done $0x0  }
0xab: {  	s7 =	rddreg [dreg:$0x1a];
	[sflag:s1] =	ssyncadd.s32 $0xFFFFE000  }
0xac: {  	[tilespmem:s22], [sflag:$0x5] =	stream.indirect.gather [hbm4b:s4+s14], $0x80, s7, s14, $0xb8;
	[tilespmem:$0x1F400] =	vst v63  }
0xad: {  	_ =	swait.ge [sflag:s23], $0x2000  }
0xae: {  	[sflag:s23] =	ssyncset.done $0x0  }
0xaf: {  	s8 =	rddreg [dreg:$0x1b];
	[sflag:s23] =	ssyncadd.s32 $0xFFFFE000  }
0xb0: {  	[spmem:s2] =	stream.indirect.scatter.add.f32 [tilespmem:s17], [sflag:$0x7], $0x80, s8, s14, $0xb8;
	[tilespmem:$0x1F400] =	vst v63  }
0xb1: {  	_ =	swait.ge [sflag:s24], $0x2000  }
0xb2: {  	[sflag:s24] =	ssyncset.done $0x0  }
0xb3: {  	s9 =	rddreg [dreg:$0x1c];
	[sflag:s24] =	ssyncadd.s32 $0xFFFFE000  }
0xb4: {  	[tilespmem:s15], [sflag:$0x1] =	stream.indirect.gather [hbm4b:s4+s14], $0x80, s9, s14, $0xb8;
	[tilespmem:$0x1F400] =	vst v63  }
0xb5: {  	_ =	swait.ge [sflag:s25], $0x2000  }
0xb6: {  	[sflag:s25] =	ssyncset.done $0x0  }
0xb7: {  	s18 =	rddreg [dreg:$0x1d];
	[sflag:s25] =	ssyncadd.s32 $0xFFFFE000  }
0xb8: {  	[spmem:s2] =	stream.indirect.scatter.add.f32 [tilespmem:s19], [sflag:$0x8], $0x80, s18, s14, $0xb8;
	[tilespmem:$0x1F400] =	vst v63  }
0xb9: {  	_ =	swait.ge [sflag:s26], $0x2000  }
0xba: {  	[sflag:s26] =	ssyncset.done $0x0  }
0xbb: {  	s5 =	rddreg [dreg:$0x1e];
	[sflag:s26] =	ssyncadd.s32 $0xFFFFE000  }
0xbc: {  	[tilespmem:s17], [sflag:$0x2] =	stream.indirect.gather [hbm4b:s4+s14], $0x80, s5, s14, $0xb8;
	[tilespmem:$0x1F400] =	vst v63  }
0xbd: {  	_ =	swait.ge [sflag:s28], $0x2000  }
0xbe: {  	[sflag:s28] =	ssyncset.done $0x0  }
0xbf: {  	s7 =	rddreg [dreg:$0x1f];
	[sflag:s28] =	ssyncadd.s32 $0xFFFFE000  }
0xc0: {  	[spmem:s2] =	stream.indirect.scatter.add.f32 [tilespmem:s20], [sflag:$0x9], $0x80, s7, s14, $0xb8;
	[tilespmem:$0x1F400] =	vst v63  }
0xc1: {  	_ =	swait.ge [sflag:s29], $0x2000  }
0xc2: {  	s8 =	sld [smem:$0x7F6]  }
0xc3: {  	[sflag:s29] =	ssyncset.done $0x0  }
0xc4: {  	[sflag:s29] =	ssyncadd.s32 $0xFFFFE000  }
0xc5: {  	[tilespmem:s19], [sflag:$0x3] =	stream.indirect.gather [hbm4b:s4+s14], $0x80, s8, s14, $0xb8;
	[tilespmem:$0x1F400] =	vst v63  }
0xc6: {  	_ =	swait.ge [sflag:s30], $0x2000  }
0xc7: {  	s9 =	sld [smem:$0x7F7]  }
0xc8: {  	[sflag:s30] =	ssyncset.done $0x0  }
0xc9: {  	[sflag:s30] =	ssyncadd.s32 $0xFFFFE000  }
0xca: {  	[spmem:s2] =	stream.indirect.scatter.add.f32 [tilespmem:s22], [sflag:$0xA], $0x80, s9, s14, $0xb8;
	[tilespmem:$0x1F400] =	vst v63  }
0xcb: {  	_ =	swait.ge [sflag:s31], $0x2000  }
0xcc: {  	s18 =	sld [smem:$0x7F8]  }
0xcd: {  	[sflag:s31] =	ssyncset.done $0x0  }
0xce: {  	[sflag:s31] =	ssyncadd.s32 $0xFFFFE000  }
0xcf: {  	[tilespmem:s20], [sflag:$0x4] =	stream.indirect.gather [hbm4b:s4+s14], $0x80, s18, s14, $0xb8;
	[tilespmem:$0x1F400] =	vst v63  }
0xd0: {  	_ =	swait.ge [sflag:s21], $0x2000  }
0xd1: {  	s5 =	sld [smem:$0x7F9]  }
0xd2: {  	[sflag:s21] =	ssyncset.done $0x0  }
0xd3: {  	[sflag:s21] =	ssyncadd.s32 $0xFFFFE000  }
0xd4: {  	[spmem:s2] =	stream.indirect.scatter.add.f32 [tilespmem:s15], [sflag:$0x6], $0x80, s5, s14, $0xb8;
	[tilespmem:$0x1F400] =	vst v63  }
0xd5: {  	_ =	swait.ge [sflag:s1], $0x2000  }
0xd6: {  	s7 =	sld [smem:$0x7FA]  }
0xd7: {  	[sflag:s1] =	ssyncset.done $0x0  }
0xd8: {  	[sflag:s1] =	ssyncadd.s32 $0xFFFFE000  }
0xd9: {  	[tilespmem:s22], [sflag:$0x5] =	stream.indirect.gather [hbm4b:s4+s14], $0x80, s7, s14, $0xb8;
	[tilespmem:$0x1F400] =	vst v63  }
0xda: {  	_ =	swait.ge [sflag:s23], $0x2000  }
0xdb: {  	s8 =	sld [smem:$0x7FB]  }
0xdc: {  	[sflag:s23] =	ssyncset.done $0x0  }
0xdd: {  	[sflag:s23] =	ssyncadd.s32 $0xFFFFE000  }
0xde: {  	[spmem:s2] =	stream.indirect.scatter.add.f32 [tilespmem:s17], [sflag:$0x7], $0x80, s8, s14, $0xb8;
	[tilespmem:$0x1F400] =	vst v63  }
0xdf: {  	_ =	swait.ge [sflag:s25], $0x2000  }
0xe0: {  	s9 =	sld [smem:$0x7FC]  }
0xe1: {  	[sflag:s25] =	ssyncset.done $0x0  }
0xe2: {  	[sflag:s25] =	ssyncadd.s32 $0xFFFFE000  }
0xe3: {  	[spmem:s2] =	stream.indirect.scatter.add.f32 [tilespmem:s19], [sflag:$0x8], $0x80, s9, s14, $0xb8;
	[tilespmem:$0x1F400] =	vst v63  }
0xe4: {  	_ =	swait.ge [sflag:s28], $0x2000  }
0xe5: {  	s18 =	sld [smem:$0x7FD]  }
0xe6: {  	[sflag:s28] =	ssyncset.done $0x0  }
0xe7: {  	[sflag:s28] =	ssyncadd.s32 $0xFFFFE000  }
0xe8: {  	[spmem:s2] =	stream.indirect.scatter.add.f32 [tilespmem:s20], [sflag:$0x9], $0x80, s18, s14, $0xb8;
	[tilespmem:$0x1F400] =	vst v63  }
0xe9: {  	_ =	swait.ge [sflag:s30], $0x2000  }
0xea: {  	[sflag:s30] =	ssyncset.done $0x0  }
0xeb: {  	[sflag:s30] =	ssyncadd.s32 $0xFFFFE000  }
0xec: {  	[spmem:s2] =	stream.indirect.scatter.add.f32 [tilespmem:s22], [sflag:$0xA], $0x80, s0, s14, $0xb8;
	[tilespmem:$0x1F400] =	vst v63  }
0xed: {  	_ =	swait.ge [sflag:s24], $0x2000  }
0xee: {  	[sflag:s24] =	ssyncset.done $0x0  }
0xef: {  	[sflag:s24] =	ssyncadd.s32 $0xFFFFE000  }
0xf0: {  	_ =	swait.ge [sflag:s26], $0x2000  }
0xf1: {  	[sflag:s26] =	ssyncset.done $0x0  }
0xf2: {  	[sflag:s26] =	ssyncadd.s32 $0xFFFFE000  }
0xf3: {  	_ =	swait.ge [sflag:s29], $0x2000  }
0xf4: {  	[sflag:s29] =	ssyncset.done $0x0  }
0xf5: {  	[sflag:s29] =	ssyncadd.s32 $0xFFFFE000  }
0xf6: {  	_ =	swait.ge [sflag:s31], $0x2000  }
0xf7: {  	[sflag:s31] =	ssyncset.done $0x0  }
0xf8: {  	[sflag:s31] =	ssyncadd.s32 $0xFFFFE000  }
0xf9: {  	s6 =	simm.s32 $0x300;
	_ =	swait.ge [sflag:s1], $0x2000  }
0xfa: {  	s18 =	simm.s32 $0x180;
	s7 =	rddreg [dreg:$0x4];
	[sflag:s1] =	ssyncset.done $0x0  }
.LBB2_2:
0xfb: {  	[sflag:s1] =	ssyncadd.s32 $0xFFFFE000;
	p1 =	seq.s32 s18, $0x0  }
0xfc: {  	s7 =	sadd.s32 @!p1 s18, s7;
	s9 =	simm.s32 @!p1 $0x0;
	s5 =	simm.s32 @!p1 $0xB  }
0xfd: {  	[tilespmem:s9], [sflag:$0xB] =	stream.linear.gather @!p1 [hbm4b:s7+s9], $0xA00, $0x38;
	[tilespmem:$0x1F400] =	vst v63  }
0xfe: {  	_ =	swait.ge @!p1 [sflag:s5], $0xA00  }
0xff: {  	s7 =	rddreg [dreg:$0x3];
	[sflag:s5] =	ssyncset.done @!p1 $0x0  }
0x100: {  	[sflag:s5] =	ssyncadd.s32 @!p1 $0xFFFFF600;
	s7 =	sadd.s32 @!p1 s18, s7;
	s18 =	simm.s32 @!p1 $0xC00  }
0x101: {  	[tilespmem:s18], [sflag:$0xB] =	stream.linear.gather @!p1 [hbm4b:s7+s9], $0xA00, $0x38;
	[tilespmem:$0x1F400] =	vst v63  }
0x102: {  	_ =	swait.ge @!p1 [sflag:s5], $0xA00  }
0x103: {  	s8 =	smov.u32 s6;
	[sflag:s5] =	ssyncset.done @!p1 $0x0  }
0x104: {  	s7 =	simm.s32 @!p1 $0x1800;
	[sflag:s5] =	ssyncadd.s32 @!p1 $0xFFFFF600;
	s5 =	simm.s32 @!p1 $0x40  }
0x105: {  	[tilespmem:s7], [sflag:$0x1] =	stream.indirect.gather @!p1 [hbm4b:s4+s5], $0x80, s9, s5, $0xb8;
	[tilespmem:$0x1F400] =	vst v63  }
0x106: {  	s18 =	smov.u32 s8;
	s8 =	simm.s32 @!p1 $0x3800;
	s7 =	simm.s32 @!p1 $0x80  }
0x107: {  	[tilespmem:s8], [sflag:$0x2] =	stream.indirect.gather @!p1 [hbm4b:s4+s5], $0x80, s7, s5, $0xb8;
	[tilespmem:$0x1F400] =	vst v63  }
0x108: {  	s7 =	simm.s32 @!p1 $0x100;
	s8 =	simm.s32 @!p1 $0x5800  }
0x109: {  	[tilespmem:s8], [sflag:$0x3] =	stream.indirect.gather @!p1 [hbm4b:s4+s5], $0x80, s7, s5, $0xb8;
	[tilespmem:$0x1F400] =	vst v63  }
0x10a: {  	s9 =	rddreg [dreg:$0x5]  }
0x10b: {  	[tilespmem:s20], [sflag:$0x4] =	stream.indirect.gather [hbm4b:s4+s14], $0x80, s9, s14, $0xb8;
	[tilespmem:$0x1F400] =	vst v63  }
0x10c: {  	_ =	swait.ge [sflag:s21], $0x2000  }
0x10d: {  	[sflag:s21] =	ssyncset.done $0x0  }
0x10e: {  	[sflag:s21] =	ssyncadd.s32 $0xFFFFE000  }
0x10f: {  	[spmem:s2] =	stream.indirect.scatter.add.f32 [tilespmem:s15], [sflag:$0x6], $0x80, s13, s14, $0xb8;
	[tilespmem:$0x1F400] =	vst v63  }
0x110: {  	s9 =	rddreg [dreg:$0x6]  }
0x111: {  	[tilespmem:s22], [sflag:$0x5] =	stream.indirect.gather [hbm4b:s4+s14], $0x80, s9, s14, $0xb8;
	[tilespmem:$0x1F400] =	vst v63  }
0x112: {  	_ =	swait.ge [sflag:s23], $0x2000  }
0x113: {  	[sflag:s23] =	ssyncset.done $0x0  }
0x114: {  	s7 =	rddreg [dreg:$0x7];
	[sflag:s23] =	ssyncadd.s32 $0xFFFFE000  }
0x115: {  	[spmem:s2] =	stream.indirect.scatter.add.f32 [tilespmem:s17], [sflag:$0x7], $0x80, s7, s14, $0xb8;
	[tilespmem:$0x1F400] =	vst v63  }
0x116: {  	_ =	swait.ge [sflag:s24], $0x2000  }
0x117: {  	[sflag:s24] =	ssyncset.done $0x0  }
0x118: {  	s8 =	rddreg [dreg:$0x8];
	[sflag:s24] =	ssyncadd.s32 $0xFFFFE000  }
0x119: {  	[tilespmem:s15], [sflag:$0x1] =	stream.indirect.gather [hbm4b:s4+s14], $0x80, s8, s14, $0xb8;
	[tilespmem:$0x1F400] =	vst v63  }
0x11a: {  	_ =	swait.ge [sflag:s25], $0x2000  }
0x11b: {  	[sflag:s25] =	ssyncset.done $0x0  }
0x11c: {  	s9 =	rddreg [dreg:$0x9];
	[sflag:s25] =	ssyncadd.s32 $0xFFFFE000  }
0x11d: {  	[spmem:s2] =	stream.indirect.scatter.add.f32 [tilespmem:s19], [sflag:$0x8], $0x80, s9, s14, $0xb8;
	[tilespmem:$0x1F400] =	vst v63  }
0x11e: {  	_ =	swait.ge [sflag:s26], $0x2000  }
0x11f: {  	[sflag:s26] =	ssyncset.done $0x0  }
0x120: {  	s7 =	rddreg [dreg:$0xa];
	[sflag:s26] =	ssyncadd.s32 $0xFFFFE000  }
0x121: {  	[tilespmem:s17], [sflag:$0x2] =	stream.indirect.gather [hbm4b:s4+s14], $0x80, s7, s14, $0xb8;
	[tilespmem:$0x1F400] =	vst v63  }
0x122: {  	_ =	swait.ge [sflag:s28], $0x2000  }
0x123: {  	[sflag:s28] =	ssyncset.done $0x0  }
0x124: {  	s8 =	rddreg [dreg:$0xb];
	[sflag:s28] =	ssyncadd.s32 $0xFFFFE000  }
0x125: {  	[spmem:s2] =	stream.indirect.scatter.add.f32 [tilespmem:s20], [sflag:$0x9], $0x80, s8, s14, $0xb8;
	[tilespmem:$0x1F400] =	vst v63  }
0x126: {  	_ =	swait.ge [sflag:s29], $0x2000  }
0x127: {  	[sflag:s29] =	ssyncset.done $0x0  }
0x128: {  	s9 =	rddreg [dreg:$0xc];
	[sflag:s29] =	ssyncadd.s32 $0xFFFFE000  }
0x129: {  	[tilespmem:s19], [sflag:$0x3] =	stream.indirect.gather [hbm4b:s4+s14], $0x80, s9, s14, $0xb8;
	[tilespmem:$0x1F400] =	vst v63  }
0x12a: {  	_ =	swait.ge [sflag:s30], $0x2000  }
0x12b: {  	[sflag:s30] =	ssyncset.done $0x0  }
0x12c: {  	s7 =	rddreg [dreg:$0xd];
	[sflag:s30] =	ssyncadd.s32 $0xFFFFE000  }
0x12d: {  	[spmem:s2] =	stream.indirect.scatter.add.f32 [tilespmem:s22], [sflag:$0xA], $0x80, s7, s14, $0xb8;
	[tilespmem:$0x1F400] =	vst v63  }
0x12e: {  	_ =	swait.ge [sflag:s31], $0x2000  }
0x12f: {  	[sflag:s31] =	ssyncset.done $0x0  }
0x130: {  	s8 =	rddreg [dreg:$0xe];
	[sflag:s31] =	ssyncadd.s32 $0xFFFFE000  }
0x131: {  	[tilespmem:s20], [sflag:$0x4] =	stream.indirect.gather [hbm4b:s4+s14], $0x80, s8, s14, $0xb8;
	[tilespmem:$0x1F400] =	vst v63  }
0x132: {  	_ =	swait.ge [sflag:s21], $0x2000  }
0x133: {  	[sflag:s21] =	ssyncset.done $0x0  }
0x134: {  	s9 =	rddreg [dreg:$0xf];
	[sflag:s21] =	ssyncadd.s32 $0xFFFFE000  }
0x135: {  	[spmem:s2] =	stream.indirect.scatter.add.f32 [tilespmem:s15], [sflag:$0x6], $0x80, s9, s14, $0xb8;
	[tilespmem:$0x1F400] =	vst v63  }
0x136: {  	_ =	swait.ge [sflag:s1], $0x2000  }
0x137: {  	[sflag:s1] =	ssyncset.done $0x0  }
0x138: {  	s7 =	rddreg [dreg:$0x10];
	[sflag:s1] =	ssyncadd.s32 $0xFFFFE000  }
0x139: {  	[tilespmem:s22], [sflag:$0x5] =	stream.indirect.gather [hbm4b:s4+s14], $0x80, s7, s14, $0xb8;
	[tilespmem:$0x1F400] =	vst v63  }
0x13a: {  	_ =	swait.ge [sflag:s23], $0x2000  }
0x13b: {  	[sflag:s23] =	ssyncset.done $0x0  }
0x13c: {  	s8 =	rddreg [dreg:$0x11];
	[sflag:s23] =	ssyncadd.s32 $0xFFFFE000  }
0x13d: {  	[spmem:s2] =	stream.indirect.scatter.add.f32 [tilespmem:s17], [sflag:$0x7], $0x80, s8, s14, $0xb8;
	[tilespmem:$0x1F400] =	vst v63  }
0x13e: {  	_ =	swait.ge [sflag:s24], $0x2000  }
0x13f: {  	[sflag:s24] =	ssyncset.done $0x0  }
0x140: {  	s9 =	rddreg [dreg:$0x12];
	[sflag:s24] =	ssyncadd.s32 $0xFFFFE000  }
0x141: {  	[tilespmem:s15], [sflag:$0x1] =	stream.indirect.gather [hbm4b:s4+s14], $0x80, s9, s14, $0xb8;
	[tilespmem:$0x1F400] =	vst v63  }
0x142: {  	_ =	swait.ge [sflag:s25], $0x2000  }
0x143: {  	[sflag:s25] =	ssyncset.done $0x0  }
0x144: {  	s7 =	rddreg [dreg:$0x13];
	[sflag:s25] =	ssyncadd.s32 $0xFFFFE000  }
0x145: {  	[spmem:s2] =	stream.indirect.scatter.add.f32 [tilespmem:s19], [sflag:$0x8], $0x80, s7, s14, $0xb8;
	[tilespmem:$0x1F400] =	vst v63  }
0x146: {  	_ =	swait.ge [sflag:s26], $0x2000  }
0x147: {  	[sflag:s26] =	ssyncset.done $0x0  }
0x148: {  	s8 =	rddreg [dreg:$0x14];
	[sflag:s26] =	ssyncadd.s32 $0xFFFFE000  }
0x149: {  	[tilespmem:s17], [sflag:$0x2] =	stream.indirect.gather [hbm4b:s4+s14], $0x80, s8, s14, $0xb8;
	[tilespmem:$0x1F400] =	vst v63  }
0x14a: {  	_ =	swait.ge [sflag:s28], $0x2000  }
0x14b: {  	[sflag:s28] =	ssyncset.done $0x0  }
0x14c: {  	s9 =	rddreg [dreg:$0x15];
	[sflag:s28] =	ssyncadd.s32 $0xFFFFE000  }
0x14d: {  	[spmem:s2] =	stream.indirect.scatter.add.f32 [tilespmem:s20], [sflag:$0x9], $0x80, s9, s14, $0xb8;
	[tilespmem:$0x1F400] =	vst v63  }
0x14e: {  	_ =	swait.ge [sflag:s29], $0x2000  }
0x14f: {  	[sflag:s29] =	ssyncset.done $0x0  }
0x150: {  	s7 =	rddreg [dreg:$0x16];
	[sflag:s29] =	ssyncadd.s32 $0xFFFFE000  }
0x151: {  	[tilespmem:s19], [sflag:$0x3] =	stream.indirect.gather [hbm4b:s4+s14], $0x80, s7, s14, $0xb8;
	[tilespmem:$0x1F400] =	vst v63  }
0x152: {  	_ =	swait.ge [sflag:s30], $0x2000  }
0x153: {  	[sflag:s30] =	ssyncset.done $0x0  }
0x154: {  	s8 =	rddreg [dreg:$0x17];
	[sflag:s30] =	ssyncadd.s32 $0xFFFFE000  }
0x155: {  	[spmem:s2] =	stream.indirect.scatter.add.f32 [tilespmem:s22], [sflag:$0xA], $0x80, s8, s14, $0xb8;
	[tilespmem:$0x1F400] =	vst v63  }
0x156: {  	_ =	swait.ge [sflag:s31], $0x2000  }
0x157: {  	[sflag:s31] =	ssyncset.done $0x0  }
0x158: {  	s9 =	rddreg [dreg:$0x18];
	[sflag:s31] =	ssyncadd.s32 $0xFFFFE000  }
0x159: {  	[tilespmem:s20], [sflag:$0x4] =	stream.indirect.gather [hbm4b:s4+s14], $0x80, s9, s14, $0xb8;
	[tilespmem:$0x1F400] =	vst v63  }
0x15a: {  	_ =	swait.ge [sflag:s21], $0x2000  }
0x15b: {  	[sflag:s21] =	ssyncset.done $0x0  }
0x15c: {  	s7 =	rddreg [dreg:$0x19];
	[sflag:s21] =	ssyncadd.s32 $0xFFFFE000  }
0x15d: {  	[spmem:s2] =	stream.indirect.scatter.add.f32 [tilespmem:s15], [sflag:$0x6], $0x80, s7, s14, $0xb8;
	[tilespmem:$0x1F400] =	vst v63  }
0x15e: {  	_ =	swait.ge [sflag:s1], $0x2000  }
0x15f: {  	[sflag:s1] =	ssyncset.done $0x0  }
0x160: {  	s8 =	rddreg [dreg:$0x1a];
	[sflag:s1] =	ssyncadd.s32 $0xFFFFE000  }
0x161: {  	[tilespmem:s22], [sflag:$0x5] =	stream.indirect.gather [hbm4b:s4+s14], $0x80, s8, s14, $0xb8;
	[tilespmem:$0x1F400] =	vst v63  }
0x162: {  	_ =	swait.ge [sflag:s23], $0x2000  }
0x163: {  	[sflag:s23] =	ssyncset.done $0x0  }
0x164: {  	s9 =	rddreg [dreg:$0x1b];
	[sflag:s23] =	ssyncadd.s32 $0xFFFFE000  }
0x165: {  	[spmem:s2] =	stream.indirect.scatter.add.f32 [tilespmem:s17], [sflag:$0x7], $0x80, s9, s14, $0xb8;
	[tilespmem:$0x1F400] =	vst v63  }
0x166: {  	_ =	swait.ge [sflag:s24], $0x2000  }
0x167: {  	[sflag:s24] =	ssyncset.done $0x0  }
0x168: {  	s7 =	rddreg [dreg:$0x1c];
	[sflag:s24] =	ssyncadd.s32 $0xFFFFE000  }
0x169: {  	[tilespmem:s15], [sflag:$0x1] =	stream.indirect.gather [hbm4b:s4+s14], $0x80, s7, s14, $0xb8;
	[tilespmem:$0x1F400] =	vst v63  }
0x16a: {  	_ =	swait.ge [sflag:s25], $0x2000  }
0x16b: {  	[sflag:s25] =	ssyncset.done $0x0  }
0x16c: {  	s8 =	rddreg [dreg:$0x1d];
	[sflag:s25] =	ssyncadd.s32 $0xFFFFE000  }
0x16d: {  	[spmem:s2] =	stream.indirect.scatter.add.f32 [tilespmem:s19], [sflag:$0x8], $0x80, s8, s14, $0xb8;
	[tilespmem:$0x1F400] =	vst v63  }
0x16e: {  	_ =	swait.ge [sflag:s26], $0x2000  }
0x16f: {  	[sflag:s26] =	ssyncset.done $0x0  }
0x170: {  	s9 =	rddreg [dreg:$0x1e];
	[sflag:s26] =	ssyncadd.s32 $0xFFFFE000  }
0x171: {  	[tilespmem:s17], [sflag:$0x2] =	stream.indirect.gather [hbm4b:s4+s14], $0x80, s9, s14, $0xb8;
	[tilespmem:$0x1F400] =	vst v63  }
0x172: {  	_ =	swait.ge [sflag:s28], $0x2000  }
0x173: {  	[sflag:s28] =	ssyncset.done $0x0  }
0x174: {  	s7 =	rddreg [dreg:$0x1f];
	[sflag:s28] =	ssyncadd.s32 $0xFFFFE000  }
0x175: {  	[spmem:s2] =	stream.indirect.scatter.add.f32 [tilespmem:s20], [sflag:$0x9], $0x80, s7, s14, $0xb8;
	[tilespmem:$0x1F400] =	vst v63  }
0x176: {  	_ =	swait.ge [sflag:s29], $0x2000  }
0x177: {  	s8 =	sld [smem:$0x7F6]  }
0x178: {  	[sflag:s29] =	ssyncset.done $0x0  }
0x179: {  	[sflag:s29] =	ssyncadd.s32 $0xFFFFE000  }
0x17a: {  	[tilespmem:s19], [sflag:$0x3] =	stream.indirect.gather [hbm4b:s4+s14], $0x80, s8, s14, $0xb8;
	[tilespmem:$0x1F400] =	vst v63  }
0x17b: {  	_ =	swait.ge [sflag:s30], $0x2000  }
0x17c: {  	s9 =	sld [smem:$0x7F7]  }
0x17d: {  	[sflag:s30] =	ssyncset.done $0x0  }
0x17e: {  	[sflag:s30] =	ssyncadd.s32 $0xFFFFE000  }
0x17f: {  	[spmem:s2] =	stream.indirect.scatter.add.f32 [tilespmem:s22], [sflag:$0xA], $0x80, s9, s14, $0xb8;
	[tilespmem:$0x1F400] =	vst v63  }
0x180: {  	_ =	swait.ge [sflag:s31], $0x2000  }
0x181: {  	s7 =	sld [smem:$0x7F8]  }
0x182: {  	[sflag:s31] =	ssyncset.done $0x0  }
0x183: {  	[sflag:s31] =	ssyncadd.s32 $0xFFFFE000  }
0x184: {  	[tilespmem:s20], [sflag:$0x4] =	stream.indirect.gather [hbm4b:s4+s14], $0x80, s7, s14, $0xb8;
	[tilespmem:$0x1F400] =	vst v63  }
0x185: {  	_ =	swait.ge [sflag:s21], $0x2000  }
0x186: {  	s8 =	sld [smem:$0x7F9]  }
0x187: {  	[sflag:s21] =	ssyncset.done $0x0  }
0x188: {  	[sflag:s21] =	ssyncadd.s32 $0xFFFFE000  }
0x189: {  	[spmem:s2] =	stream.indirect.scatter.add.f32 [tilespmem:s15], [sflag:$0x6], $0x80, s8, s14, $0xb8;
	[tilespmem:$0x1F400] =	vst v63  }
0x18a: {  	_ =	swait.ge [sflag:s1], $0x2000  }
0x18b: {  	s9 =	sld [smem:$0x7FA]  }
0x18c: {  	[sflag:s1] =	ssyncset.done $0x0  }
0x18d: {  	[sflag:s1] =	ssyncadd.s32 $0xFFFFE000  }
0x18e: {  	[tilespmem:s22], [sflag:$0x5] =	stream.indirect.gather [hbm4b:s4+s14], $0x80, s9, s14, $0xb8;
	[tilespmem:$0x1F400] =	vst v63  }
0x18f: {  	_ =	swait.ge [sflag:s23], $0x2000  }
0x190: {  	s7 =	sld [smem:$0x7FB]  }
0x191: {  	[sflag:s23] =	ssyncset.done $0x0  }
0x192: {  	[sflag:s23] =	ssyncadd.s32 $0xFFFFE000  }
0x193: {  	[spmem:s2] =	stream.indirect.scatter.add.f32 [tilespmem:s17], [sflag:$0x7], $0x80, s7, s14, $0xb8;
	[tilespmem:$0x1F400] =	vst v63  }
0x194: {  	_ =	swait.ge [sflag:s25], $0x2000  }
0x195: {  	s8 =	sld [smem:$0x7FC]  }
0x196: {  	[sflag:s25] =	ssyncset.done $0x0  }
0x197: {  	[sflag:s25] =	ssyncadd.s32 $0xFFFFE000  }
0x198: {  	[spmem:s2] =	stream.indirect.scatter.add.f32 [tilespmem:s19], [sflag:$0x8], $0x80, s8, s14, $0xb8;
	[tilespmem:$0x1F400] =	vst v63  }
0x199: {  	_ =	swait.ge [sflag:s28], $0x2000  }
0x19a: {  	s9 =	sld [smem:$0x7FD]  }
0x19b: {  	[sflag:s28] =	ssyncset.done $0x0  }
0x19c: {  	[sflag:s28] =	ssyncadd.s32 $0xFFFFE000  }
0x19d: {  	[spmem:s2] =	stream.indirect.scatter.add.f32 [tilespmem:s20], [sflag:$0x9], $0x80, s9, s14, $0xb8;
	[tilespmem:$0x1F400] =	vst v63  }
0x19e: {  	_ =	swait.ge [sflag:s30], $0x2000  }
0x19f: {  	[sflag:s30] =	ssyncset.done $0x0  }
0x1a0: {  	[sflag:s30] =	ssyncadd.s32 $0xFFFFE000  }
0x1a1: {  	[spmem:s2] =	stream.indirect.scatter.add.f32 [tilespmem:s22], [sflag:$0xA], $0x80, s0, s14, $0xb8;
	[tilespmem:$0x1F400] =	vst v63  }
0x1a2: {  	_ =	swait.ge [sflag:s24], $0x2000  }
0x1a3: {  	[sflag:s24] =	ssyncset.done $0x0  }
0x1a4: {  	[sflag:s24] =	ssyncadd.s32 $0xFFFFE000  }
0x1a5: {  	_ =	swait.ge [sflag:s26], $0x2000  }
0x1a6: {  	[sflag:s26] =	ssyncset.done $0x0  }
0x1a7: {  	[sflag:s26] =	ssyncadd.s32 $0xFFFFE000  }
0x1a8: {  	_ =	swait.ge [sflag:s29], $0x2000  }
0x1a9: {  	s6 =	sadd.s32 $0x180, s6;
	[sflag:s29] =	ssyncset.done $0x0  }
0x1aa: {  	p0 =	sne.s32 s6, $0xC00;
	[sflag:s29] =	ssyncadd.s32 $0xFFFFE000  }
.Ltmp0:
0x1ab: {  	_ =	swait.ge [sflag:s31], $0x2000;
	(pc) =	sbr.rel @p0 .LBB2_2-.Ltmp0, $4  }
0x1ac: {  	[sflag:s31] =	ssyncset.done $0x0  }
0x1ad: {  	[sflag:s31] =	ssyncadd.s32 $0xFFFFE000  }
0x1ae: {  	_ =	swait.ge [sflag:s1], $0x2000  }
0x1af: {  	s7 =	rddreg [dreg:$0x4];
	[sflag:s1] =	ssyncset.done $0x0  }
0x1b0: {  	[sflag:s1] =	ssyncadd.s32 $0xFFFFE000;
	p0 =	seq.s32 s18, $0x0  }
0x1b1: {  	s5 =	sadd.s32 @!p0 s18, s7;
	s6 =	simm.s32 @!p0 $0x0;
	s7 =	simm.s32 @!p0 $0xB  }
0x1b2: {  	[tilespmem:s6], [sflag:$0xB] =	stream.linear.gather @!p0 [hbm4b:s5+s6], $0xA00, $0x38;
	[tilespmem:$0x1F400] =	vst v63  }
0x1b3: {  	_ =	swait.ge @!p0 [sflag:s7], $0xA00  }
0x1b4: {  	s5 =	rddreg [dreg:$0x3];
	[sflag:s7] =	ssyncset.done @!p0 $0x0  }
0x1b5: {  	s8 =	simm.s32 @!p0 $0xC00;
	[sflag:s7] =	ssyncadd.s32 @!p0 $0xFFFFF600;
	s5 =	sadd.s32 @!p0 s18, s5  }
0x1b6: {  	[tilespmem:s8], [sflag:$0xB] =	stream.linear.gather @!p0 [hbm4b:s5+s6], $0xA00, $0x38;
	[tilespmem:$0x1F400] =	vst v63  }
0x1b7: {  	_ =	swait.ge @!p0 [sflag:s7], $0xA00  }
0x1b8: {  	[sflag:s7] =	ssyncset.done @!p0 $0x0  }
0x1b9: {  	s5 =	simm.s32 @!p0 $0x40;
	[sflag:s7] =	ssyncadd.s32 @!p0 $0xFFFFF600;
	s7 =	simm.s32 @!p0 $0x1800  }
0x1ba: {  	[tilespmem:s7], [sflag:$0x1] =	stream.indirect.gather @!p0 [hbm4b:s4+s5], $0x80, s6, s5, $0xb8;
	[tilespmem:$0x1F400] =	vst v63  }
0x1bb: {  	s6 =	simm.s32 @!p0 $0x80;
	s7 =	simm.s32 @!p0 $0x3800  }
0x1bc: {  	[tilespmem:s7], [sflag:$0x2] =	stream.indirect.gather @!p0 [hbm4b:s4+s5], $0x80, s6, s5, $0xb8;
	[tilespmem:$0x1F400] =	vst v63  }
0x1bd: {  	s6 =	simm.s32 @!p0 $0x100;
	s7 =	simm.s32 @!p0 $0x5800  }
0x1be: {  	[tilespmem:s7], [sflag:$0x3] =	stream.indirect.gather @!p0 [hbm4b:s4+s5], $0x80, s6, s5, $0xb8;
	[tilespmem:$0x1F400] =	vst v63  }
0x1bf: {  	s9 =	rddreg [dreg:$0x5]  }
0x1c0: {  	[tilespmem:s20], [sflag:$0x4] =	stream.indirect.gather [hbm4b:s4+s14], $0x80, s9, s14, $0xb8;
	[tilespmem:$0x1F400] =	vst v63  }
0x1c1: {  	_ =	swait.ge [sflag:s21], $0x2000  }
0x1c2: {  	[sflag:s21] =	ssyncset.done $0x0  }
0x1c3: {  	[sflag:s21] =	ssyncadd.s32 $0xFFFFE000  }
0x1c4: {  	[spmem:s2] =	stream.indirect.scatter.add.f32 [tilespmem:s15], [sflag:$0x6], $0x80, s13, s14, $0xb8;
	[tilespmem:$0x1F400] =	vst v63  }
0x1c5: {  	s18 =	rddreg [dreg:$0x6]  }
0x1c6: {  	[tilespmem:s22], [sflag:$0x5] =	stream.indirect.gather [hbm4b:s4+s14], $0x80, s18, s14, $0xb8;
	[tilespmem:$0x1F400] =	vst v63  }
0x1c7: {  	_ =	swait.ge [sflag:s23], $0x2000  }
0x1c8: {  	[sflag:s23] =	ssyncset.done $0x0  }
0x1c9: {  	s6 =	rddreg [dreg:$0x7];
	[sflag:s23] =	ssyncadd.s32 $0xFFFFE000  }
0x1ca: {  	[spmem:s2] =	stream.indirect.scatter.add.f32 [tilespmem:s17], [sflag:$0x7], $0x80, s6, s14, $0xb8;
	[tilespmem:$0x1F400] =	vst v63  }
0x1cb: {  	_ =	swait.ge [sflag:s24], $0x2000  }
0x1cc: {  	[sflag:s24] =	ssyncset.done $0x0  }
0x1cd: {  	s7 =	rddreg [dreg:$0x8];
	[sflag:s24] =	ssyncadd.s32 $0xFFFFE000  }
0x1ce: {  	[tilespmem:s15], [sflag:$0x1] =	stream.indirect.gather [hbm4b:s4+s14], $0x80, s7, s14, $0xb8;
	[tilespmem:$0x1F400] =	vst v63  }
0x1cf: {  	_ =	swait.ge [sflag:s25], $0x2000  }
0x1d0: {  	[sflag:s25] =	ssyncset.done $0x0  }
0x1d1: {  	s8 =	rddreg [dreg:$0x9];
	[sflag:s25] =	ssyncadd.s32 $0xFFFFE000  }
0x1d2: {  	[spmem:s2] =	stream.indirect.scatter.add.f32 [tilespmem:s19], [sflag:$0x8], $0x80, s8, s14, $0xb8;
	[tilespmem:$0x1F400] =	vst v63  }
0x1d3: {  	_ =	swait.ge [sflag:s26], $0x2000  }
0x1d4: {  	[sflag:s26] =	ssyncset.done $0x0  }
0x1d5: {  	s9 =	rddreg [dreg:$0xa];
	[sflag:s26] =	ssyncadd.s32 $0xFFFFE000  }
0x1d6: {  	[tilespmem:s17], [sflag:$0x2] =	stream.indirect.gather [hbm4b:s4+s14], $0x80, s9, s14, $0xb8;
	[tilespmem:$0x1F400] =	vst v63  }
0x1d7: {  	_ =	swait.ge [sflag:s28], $0x2000  }
0x1d8: {  	[sflag:s28] =	ssyncset.done $0x0  }
0x1d9: {  	s18 =	rddreg [dreg:$0xb];
	[sflag:s28] =	ssyncadd.s32 $0xFFFFE000  }
0x1da: {  	[spmem:s2] =	stream.indirect.scatter.add.f32 [tilespmem:s20], [sflag:$0x9], $0x80, s18, s14, $0xb8;
	[tilespmem:$0x1F400] =	vst v63  }
0x1db: {  	_ =	swait.ge [sflag:s29], $0x2000  }
0x1dc: {  	[sflag:s29] =	ssyncset.done $0x0  }
0x1dd: {  	s6 =	rddreg [dreg:$0xc];
	[sflag:s29] =	ssyncadd.s32 $0xFFFFE000  }
0x1de: {  	[tilespmem:s19], [sflag:$0x3] =	stream.indirect.gather [hbm4b:s4+s14], $0x80, s6, s14, $0xb8;
	[tilespmem:$0x1F400] =	vst v63  }
0x1df: {  	_ =	swait.ge [sflag:s30], $0x2000  }
0x1e0: {  	[sflag:s30] =	ssyncset.done $0x0  }
0x1e1: {  	s7 =	rddreg [dreg:$0xd];
	[sflag:s30] =	ssyncadd.s32 $0xFFFFE000  }
0x1e2: {  	[spmem:s2] =	stream.indirect.scatter.add.f32 [tilespmem:s22], [sflag:$0xA], $0x80, s7, s14, $0xb8;
	[tilespmem:$0x1F400] =	vst v63  }
0x1e3: {  	_ =	swait.ge [sflag:s31], $0x2000  }
0x1e4: {  	[sflag:s31] =	ssyncset.done $0x0  }
0x1e5: {  	s8 =	rddreg [dreg:$0xe];
	[sflag:s31] =	ssyncadd.s32 $0xFFFFE000  }
0x1e6: {  	[tilespmem:s20], [sflag:$0x4] =	stream.indirect.gather [hbm4b:s4+s14], $0x80, s8, s14, $0xb8;
	[tilespmem:$0x1F400] =	vst v63  }
0x1e7: {  	_ =	swait.ge [sflag:s21], $0x2000  }
0x1e8: {  	[sflag:s21] =	ssyncset.done $0x0  }
0x1e9: {  	s9 =	rddreg [dreg:$0xf];
	[sflag:s21] =	ssyncadd.s32 $0xFFFFE000  }
0x1ea: {  	[spmem:s2] =	stream.indirect.scatter.add.f32 [tilespmem:s15], [sflag:$0x6], $0x80, s9, s14, $0xb8;
	[tilespmem:$0x1F400] =	vst v63  }
0x1eb: {  	_ =	swait.ge [sflag:s1], $0x2000  }
0x1ec: {  	[sflag:s1] =	ssyncset.done $0x0  }
0x1ed: {  	s18 =	rddreg [dreg:$0x10];
	[sflag:s1] =	ssyncadd.s32 $0xFFFFE000  }
0x1ee: {  	[tilespmem:s22], [sflag:$0x5] =	stream.indirect.gather [hbm4b:s4+s14], $0x80, s18, s14, $0xb8;
	[tilespmem:$0x1F400] =	vst v63  }
0x1ef: {  	_ =	swait.ge [sflag:s23], $0x2000  }
0x1f0: {  	[sflag:s23] =	ssyncset.done $0x0  }
0x1f1: {  	s6 =	rddreg [dreg:$0x11];
	[sflag:s23] =	ssyncadd.s32 $0xFFFFE000  }
0x1f2: {  	[spmem:s2] =	stream.indirect.scatter.add.f32 [tilespmem:s17], [sflag:$0x7], $0x80, s6, s14, $0xb8;
	[tilespmem:$0x1F400] =	vst v63  }
0x1f3: {  	_ =	swait.ge [sflag:s24], $0x2000  }
0x1f4: {  	[sflag:s24] =	ssyncset.done $0x0  }
0x1f5: {  	s7 =	rddreg [dreg:$0x12];
	[sflag:s24] =	ssyncadd.s32 $0xFFFFE000  }
0x1f6: {  	[tilespmem:s15], [sflag:$0x1] =	stream.indirect.gather [hbm4b:s4+s14], $0x80, s7, s14, $0xb8;
	[tilespmem:$0x1F400] =	vst v63  }
0x1f7: {  	_ =	swait.ge [sflag:s25], $0x2000  }
0x1f8: {  	[sflag:s25] =	ssyncset.done $0x0  }
0x1f9: {  	s8 =	rddreg [dreg:$0x13];
	[sflag:s25] =	ssyncadd.s32 $0xFFFFE000  }
0x1fa: {  	[spmem:s2] =	stream.indirect.scatter.add.f32 [tilespmem:s19], [sflag:$0x8], $0x80, s8, s14, $0xb8;
	[tilespmem:$0x1F400] =	vst v63  }
0x1fb: {  	_ =	swait.ge [sflag:s26], $0x2000  }
0x1fc: {  	[sflag:s26] =	ssyncset.done $0x0  }
0x1fd: {  	s9 =	rddreg [dreg:$0x14];
	[sflag:s26] =	ssyncadd.s32 $0xFFFFE000  }
0x1fe: {  	[tilespmem:s17], [sflag:$0x2] =	stream.indirect.gather [hbm4b:s4+s14], $0x80, s9, s14, $0xb8;
	[tilespmem:$0x1F400] =	vst v63  }
0x1ff: {  	_ =	swait.ge [sflag:s28], $0x2000  }
0x200: {  	[sflag:s28] =	ssyncset.done $0x0  }
0x201: {  	s18 =	rddreg [dreg:$0x15];
	[sflag:s28] =	ssyncadd.s32 $0xFFFFE000  }
0x202: {  	[spmem:s2] =	stream.indirect.scatter.add.f32 [tilespmem:s20], [sflag:$0x9], $0x80, s18, s14, $0xb8;
	[tilespmem:$0x1F400] =	vst v63  }
0x203: {  	_ =	swait.ge [sflag:s29], $0x2000  }
0x204: {  	[sflag:s29] =	ssyncset.done $0x0  }
0x205: {  	s6 =	rddreg [dreg:$0x16];
	[sflag:s29] =	ssyncadd.s32 $0xFFFFE000  }
0x206: {  	[tilespmem:s19], [sflag:$0x3] =	stream.indirect.gather [hbm4b:s4+s14], $0x80, s6, s14, $0xb8;
	[tilespmem:$0x1F400] =	vst v63  }
0x207: {  	_ =	swait.ge [sflag:s30], $0x2000  }
0x208: {  	[sflag:s30] =	ssyncset.done $0x0  }
0x209: {  	s7 =	rddreg [dreg:$0x17];
	[sflag:s30] =	ssyncadd.s32 $0xFFFFE000  }
0x20a: {  	[spmem:s2] =	stream.indirect.scatter.add.f32 [tilespmem:s22], [sflag:$0xA], $0x80, s7, s14, $0xb8;
	[tilespmem:$0x1F400] =	vst v63  }
0x20b: {  	_ =	swait.ge [sflag:s31], $0x2000  }
0x20c: {  	[sflag:s31] =	ssyncset.done $0x0  }
0x20d: {  	s8 =	rddreg [dreg:$0x18];
	[sflag:s31] =	ssyncadd.s32 $0xFFFFE000  }
0x20e: {  	[tilespmem:s20], [sflag:$0x4] =	stream.indirect.gather [hbm4b:s4+s14], $0x80, s8, s14, $0xb8;
	[tilespmem:$0x1F400] =	vst v63  }
0x20f: {  	_ =	swait.ge [sflag:s21], $0x2000  }
0x210: {  	[sflag:s21] =	ssyncset.done $0x0  }
0x211: {  	s9 =	rddreg [dreg:$0x19];
	[sflag:s21] =	ssyncadd.s32 $0xFFFFE000  }
0x212: {  	[spmem:s2] =	stream.indirect.scatter.add.f32 [tilespmem:s15], [sflag:$0x6], $0x80, s9, s14, $0xb8;
	[tilespmem:$0x1F400] =	vst v63  }
0x213: {  	_ =	swait.ge [sflag:s1], $0x2000  }
0x214: {  	[sflag:s1] =	ssyncset.done $0x0  }
0x215: {  	s18 =	rddreg [dreg:$0x1a];
	[sflag:s1] =	ssyncadd.s32 $0xFFFFE000  }
0x216: {  	[tilespmem:s22], [sflag:$0x5] =	stream.indirect.gather [hbm4b:s4+s14], $0x80, s18, s14, $0xb8;
	[tilespmem:$0x1F400] =	vst v63  }
0x217: {  	_ =	swait.ge [sflag:s23], $0x2000  }
0x218: {  	[sflag:s23] =	ssyncset.done $0x0  }
0x219: {  	s6 =	rddreg [dreg:$0x1b];
	[sflag:s23] =	ssyncadd.s32 $0xFFFFE000  }
0x21a: {  	[spmem:s2] =	stream.indirect.scatter.add.f32 [tilespmem:s17], [sflag:$0x7], $0x80, s6, s14, $0xb8;
	[tilespmem:$0x1F400] =	vst v63  }
0x21b: {  	_ =	swait.ge [sflag:s24], $0x2000  }
0x21c: {  	[sflag:s24] =	ssyncset.done $0x0  }
0x21d: {  	s7 =	rddreg [dreg:$0x1c];
	[sflag:s24] =	ssyncadd.s32 $0xFFFFE000  }
0x21e: {  	[tilespmem:s15], [sflag:$0x1] =	stream.indirect.gather [hbm4b:s4+s14], $0x80, s7, s14, $0xb8;
	[tilespmem:$0x1F400] =	vst v63  }
0x21f: {  	_ =	swait.ge [sflag:s25], $0x2000  }
0x220: {  	[sflag:s25] =	ssyncset.done $0x0  }
0x221: {  	s8 =	rddreg [dreg:$0x1d];
	[sflag:s25] =	ssyncadd.s32 $0xFFFFE000  }
0x222: {  	[spmem:s2] =	stream.indirect.scatter.add.f32 [tilespmem:s19], [sflag:$0x8], $0x80, s8, s14, $0xb8;
	[tilespmem:$0x1F400] =	vst v63  }
0x223: {  	_ =	swait.ge [sflag:s26], $0x2000  }
0x224: {  	[sflag:s26] =	ssyncset.done $0x0  }
0x225: {  	s9 =	rddreg [dreg:$0x1e];
	[sflag:s26] =	ssyncadd.s32 $0xFFFFE000  }
0x226: {  	[tilespmem:s17], [sflag:$0x2] =	stream.indirect.gather [hbm4b:s4+s14], $0x80, s9, s14, $0xb8;
	[tilespmem:$0x1F400] =	vst v63  }
0x227: {  	_ =	swait.ge [sflag:s28], $0x2000  }
0x228: {  	[sflag:s28] =	ssyncset.done $0x0  }
0x229: {  	s18 =	rddreg [dreg:$0x1f];
	[sflag:s28] =	ssyncadd.s32 $0xFFFFE000  }
0x22a: {  	[spmem:s2] =	stream.indirect.scatter.add.f32 [tilespmem:s20], [sflag:$0x9], $0x80, s18, s14, $0xb8;
	[tilespmem:$0x1F400] =	vst v63  }
0x22b: {  	_ =	swait.ge [sflag:s29], $0x2000  }
0x22c: {  	s6 =	sld [smem:$0x7F6]  }
0x22d: {  	[sflag:s29] =	ssyncset.done $0x0  }
0x22e: {  	[sflag:s29] =	ssyncadd.s32 $0xFFFFE000  }
0x22f: {  	[tilespmem:s19], [sflag:$0x3] =	stream.indirect.gather [hbm4b:s4+s14], $0x80, s6, s14, $0xb8;
	[tilespmem:$0x1F400] =	vst v63  }
0x230: {  	_ =	swait.ge [sflag:s30], $0x2000  }
0x231: {  	s7 =	sld [smem:$0x7F7]  }
0x232: {  	[sflag:s30] =	ssyncset.done $0x0  }
0x233: {  	[sflag:s30] =	ssyncadd.s32 $0xFFFFE000  }
0x234: {  	[spmem:s2] =	stream.indirect.scatter.add.f32 [tilespmem:s22], [sflag:$0xA], $0x80, s7, s14, $0xb8;
	[tilespmem:$0x1F400] =	vst v63  }
0x235: {  	_ =	swait.ge [sflag:s31], $0x2000  }
0x236: {  	s8 =	sld [smem:$0x7F8]  }
0x237: {  	[sflag:s31] =	ssyncset.done $0x0  }
0x238: {  	[sflag:s31] =	ssyncadd.s32 $0xFFFFE000  }
0x239: {  	[tilespmem:s20], [sflag:$0x4] =	stream.indirect.gather [hbm4b:s4+s14], $0x80, s8, s14, $0xb8;
	[tilespmem:$0x1F400] =	vst v63  }
0x23a: {  	_ =	swait.ge [sflag:s21], $0x2000  }
0x23b: {  	s9 =	sld [smem:$0x7F9]  }
0x23c: {  	[sflag:s21] =	ssyncset.done $0x0  }
0x23d: {  	[sflag:s21] =	ssyncadd.s32 $0xFFFFE000  }
0x23e: {  	[spmem:s2] =	stream.indirect.scatter.add.f32 [tilespmem:s15], [sflag:$0x6], $0x80, s9, s14, $0xb8;
	[tilespmem:$0x1F400] =	vst v63  }
0x23f: {  	_ =	swait.ge [sflag:s1], $0x2000  }
0x240: {  	s18 =	sld [smem:$0x7FA]  }
0x241: {  	[sflag:s1] =	ssyncset.done $0x0  }
0x242: {  	[sflag:s1] =	ssyncadd.s32 $0xFFFFE000  }
0x243: {  	[tilespmem:s22], [sflag:$0x5] =	stream.indirect.gather [hbm4b:s4+s14], $0x80, s18, s14, $0xb8;
	[tilespmem:$0x1F400] =	vst v63  }
0x244: {  	_ =	swait.ge [sflag:s23], $0x2000  }
0x245: {  	s6 =	sld [smem:$0x7FB]  }
0x246: {  	[sflag:s23] =	ssyncset.done $0x0  }
0x247: {  	[sflag:s23] =	ssyncadd.s32 $0xFFFFE000  }
0x248: {  	[spmem:s2] =	stream.indirect.scatter.add.f32 [tilespmem:s17], [sflag:$0x7], $0x80, s6, s14, $0xb8;
	[tilespmem:$0x1F400] =	vst v63  }
0x249: {  	_ =	swait.ge [sflag:s25], $0x2000  }
0x24a: {  	s7 =	sld [smem:$0x7FC]  }
0x24b: {  	[sflag:s25] =	ssyncset.done $0x0  }
0x24c: {  	[sflag:s25] =	ssyncadd.s32 $0xFFFFE000  }
0x24d: {  	[spmem:s2] =	stream.indirect.scatter.add.f32 [tilespmem:s19], [sflag:$0x8], $0x80, s7, s14, $0xb8;
	[tilespmem:$0x1F400] =	vst v63  }
0x24e: {  	_ =	swait.ge [sflag:s28], $0x2000  }
0x24f: {  	s8 =	sld [smem:$0x7FD]  }
0x250: {  	[sflag:s28] =	ssyncset.done $0x0  }
0x251: {  	[sflag:s28] =	ssyncadd.s32 $0xFFFFE000  }
0x252: {  	[spmem:s2] =	stream.indirect.scatter.add.f32 [tilespmem:s20], [sflag:$0x9], $0x80, s8, s14, $0xb8;
	[tilespmem:$0x1F400] =	vst v63  }
0x253: {  	_ =	swait.ge [sflag:s30], $0x2000  }
0x254: {  	[sflag:s30] =	ssyncset.done $0x0  }
0x255: {  	[sflag:s30] =	ssyncadd.s32 $0xFFFFE000  }
0x256: {  	[spmem:s2] =	stream.indirect.scatter.add.f32 [tilespmem:s22], [sflag:$0xA], $0x80, s0, s14, $0xb8;
	[tilespmem:$0x1F400] =	vst v63  }
0x257: {  	_ =	swait.ge [sflag:s24], $0x2000  }
0x258: {  	[sflag:s24] =	ssyncset.done $0x0  }
0x259: {  	[sflag:s24] =	ssyncadd.s32 $0xFFFFE000  }
0x25a: {  	_ =	swait.ge [sflag:s26], $0x2000  }
0x25b: {  	[sflag:s26] =	ssyncset.done $0x0  }
0x25c: {  	[sflag:s26] =	ssyncadd.s32 $0xFFFFE000  }
0x25d: {  	_ =	swait.ge [sflag:s29], $0x2000  }
0x25e: {  	[sflag:s29] =	ssyncset.done $0x0  }
0x25f: {  	[sflag:s29] =	ssyncadd.s32 $0xFFFFE000  }
0x260: {  	_ =	swait.ge [sflag:s31], $0x2000  }
0x261: {  	[sflag:s31] =	ssyncset.done $0x0  }
0x262: {  	[sflag:s31] =	ssyncadd.s32 $0xFFFFE000  }
0x263: {  	_ =	swait.ge [sflag:s1], $0x2000  }
0x264: {  	[sflag:s1] =	ssyncset.done $0x0  }
0x265: {  	[sflag:s1] =	ssyncadd.s32 $0xFFFFE000  }
0x266: {  	[bflag:$0x0] =	sbarrier.arrive $0xFFFF  }
0x267: {  	s9 =	sld [smem:$0x7F3];
	_ =	sdelay $0x2  }
0x268: {  	[hbm:s9], [sflag:s10] =	dma.local [spmem:s11], $0x2780  }
0x269: {  	_ =	swait.ge [sflag:s12], $0x2780  }
0x26a: {  	s18 =	sld [smem:$0x7F4];
	_ =	sdelay $0x1  }
0x26b: {  	s16 =	sadd.s32 $0x1, s16  }
0x26c: {  	p0 =	sne.s32 s16, s18  }
.Ltmp1:
0x26d: {  	_ = 	snop;
	(pc) =	sbr.rel @p0 .LBB2_1-.Ltmp1, $3  }
0x26e: {  	_ =	sdelay $0x1  }
0x26f: {  	[sflag:s12] =	ssyncset.done $0x0  }
0x270: {  	[sflag:s12] =	ssyncadd.s32 $0xFFFFD880  }
0x271: {  	_ =	sfence.sel $0x180000  }
0x272: {  	[bflag:$0x0] =	sbarrier.arrive $0xFFFF  }
0x273: {  	_ =	strace $0x9000004A  }
0x274: {  	s0 =	stileid.u32;
	[bflag:$0x2] =	sbarrier.arrive $0xFFFF  }
0x275: {  	p0 =	sne.s32 s0, $0x0;
	s0 =	rddreg [dreg:$0x2]  }
0x276: {  	s0 =	sadd.s32 @!p0 $0x100000, s0  }
0x277: {  	[sflag:s0] =	ssyncadd.tile.s32 @!p0 $0x1;
	_ =	shalt  }
.Lfunc_end2:
_tile_overlayer_lowered:
.L_overlay_start_2:
0x278: {  	(tag) =	ssettag $0x2  }
0x279: {  	s0 =	rddreg [dreg:$0x0];
	s2 =	stileid.u32  }
0x27a: {  	s1 =	rddreg [dreg:$0x1];
	p0 =	sne.s32 s2, $0x0  }
0x27b: {  	s3 =	rddreg [dreg:$0x2];
	[bflag:$0x3] =	sbarrier.arrive $0xFFFF;
	s2 =	simm.s32 @!p0 $0x1C0B  }
0x27c: {  	[timem:s3], [sflag:s2] =	dma.local @!p0 [hbm:s0], s1  }
0x27d: {  	s0 =	simm.s32 @!p0 $0xB  }
0x27e: {  	_ =	swait.ge @!p0 [sflag:s0], s1  }
0x27f: {  	s1 =	ssub.s32 @!p0 $0x0, s1;
	[sflag:s0] =	ssyncset.done @!p0 $0x0  }
0x280: {  	[sflag:s0] =	ssyncadd.s32 @!p0 s1  }
0x281: {  	[bflag:$0x3] =	sbarrier.arrive $0xFFFF  }
0x282: {  	_ =	shalt  }

// kernel: kernel.14.cloned.1.call-start
scs
__scs_entry_jumppad:
0x0: {  	(pc) =	sbr.rel $0x88, $3  }
0x1: {  	(tag) =	ssettag $0x0;
	lr =	simm.s32 $0x1  }
0x2: {  	[smem:$0x3F80] =	sst lr;
	_ =	strace $0xD0000000  }
0x3: {  	_ = 	snop  }
0x4: {  	_ = 	snop  }
0x5: {  	_ = 	snop  }
0x6: {  	_ = 	snop  }
0x7: {  	_ = 	snop  }
__scs_overlays_trampoline_lowered:
0x8: {  	[smem:$0x3F8F] =	sst s0  }
0x9: {  	[smem:$0x3F90] =	sst s1  }
0xa: {  	[smem:$0x3F91] =	sst s2  }
0xb: {  	[smem:$0x3F92] =	sst s3  }
0xc: {  	[smem:$0x3F93] =	sst s4  }
0xd: {  	[smem:$0x3F94] =	sst s5  }
0xe: {  	[smem:$0x3F95] =	sst s6  }
0xf: {  	[smem:$0x3F96] =	sst s7  }
0x10: {  	[smem:$0x3F97] =	sst s8  }
0x11: {  	[smem:$0x3F98] =	sst s9;
	s0 =	simm.s32 @!p0 $0x0  }
0x12: {  	s1 =	sld [smem:$0x3F7E];
	s0 =	simm.s32 @p0 $0x1  }
0x13: {  	[smem:$0x3F99] =	sst s0;
	s0 =	simm.s32 @!p1 $0x0  }
0x14: {  	s2 =	sld [smem:$0x3F7D];
	s0 =	simm.s32 @p1 $0x1  }
0x15: {  	[smem:$0x3F9A] =	sst s0;
	s0 =	simm.s32 @!p2 $0x0  }
0x16: {  	s3 =	sld [smem:$0x3FDB];
	s0 =	simm.s32 @p2 $0x1  }
0x17: {  	s4 =	simm.s32 $0x1BF5;
	[smem:$0x3F9C] =	sst s0  }
0x18: {  	s0 =	sld [smem:$0x3F7F];
	_ =	swait.ge [sflag:s4], $0x0  }
0x19: {  	s7 =	sld [smem:$0x3F80]  }
0x1a: {  	s8 =	sadd.s32 $0xFFFFE003, lr  }
0x1b: {  	s9 =	sadd.s32 $0xFFFFFEF7, lr;
	s5 =	simm.s32 $0xFFFFFFFF;
	p2 =	slt.u32 s8, $0xFFFFF086  }
0x1c: {  	p1 =	slt.u32 s9, $0xF7A;
	s5 =	simm.s32 @!p2 $0x0  }
0x1d: {  	s5 =	simm.s32 @p1 $0x1;
	p0 =	seq.s32 s7, s2  }
0x1e: {  	s7 =	smul.u32 @!p0 $0xF7A, s2;
	p2 =	seq.s32 @!p0 s5, $0x0  }
0x1f: {  	s9 =	smul.u32 $0xF7A, s1;
	s8 =	simm.s32 @!p0 $0x1BF5;
	p2 =	por !p2, p0  }
0x20: {  	[sflag:s8] =	ssyncset.s32 @!p0 $0xFFFFF086;
	s6 =	sadd.s32 @!p0 s3, s7;
	s7 =	simm.s32 @!p0 $0x108  }
0x21: {  	s3 =	sadd.s32 s3, s9;
	s6 =	sadd.s32 @!p0 $0x88, s6;
	s7 =	simm.s32 @p2 $0x1082  }
0x22: {  	[simem:s7], [sflag:s8] =	dma.local @!p0 [hbm:s6], $0xF7A  }
0x23: {  	s9 =	sor.u32 $0xD0000000, s2;
	s6 =	simm.s32 $0x108;
	_ =	swait.ge @!p0 [sflag:s8], $0x0  }
0x24: {  	s3 =	sadd.s32 $0x88, s3;
	s6 =	simm.s32 @!p1 $0x1082;
	[sflag:s4] =	ssyncset.s32 $0xFFFFF086  }
0x25: {  	[simem:s6], [sflag:s4] =	dma.local [hbm:s3], $0xF7A  }
0x26: {  	[smem:$0x3F80] =	sst s1;
	(tag) =	ssettag s2;
	_ =	strace s9  }
0x27: {  	s1 =	sld [smem:$0x3F90]  }
0x28: {  	s2 =	sld [smem:$0x3F91]  }
0x29: {  	s4 =	sld [smem:$0x3F93]  }
0x2a: {  	p0 =	seq.s32 s5, $0x0;
	s5 =	sld [smem:$0x3F94]  }
0x2b: {  	s6 =	sld [smem:$0x3F95]  }
0x2c: {  	s7 =	sld [smem:$0x3F96]  }
0x2d: {  	s3 =	simm.s32 $0x108;
	s8 =	sld [smem:$0x3F97]  }
0x2e: {  	s3 =	simm.s32 @!p0 $0x1082;
	s9 =	sld [smem:$0x3F98]  }
0x2f: {  	lr =	sadd.s32 s0, s3;
	s0 =	sld [smem:$0x3F8F]  }
0x30: {  	s3 =	sld [smem:$0x3F92]  }
0x31: {  	[smem:$0x3F9B] =	sst s10  }
0x32: {  	s10 =	sld [smem:$0x3F99];
	_ =	sdelay $0x3  }
0x33: {  	p0 =	seq.s32 s10, $0x1;
	s10 =	sld [smem:$0x3F9B];
	_ =	sdelay $0x3  }
0x34: {  	[smem:$0x3F9B] =	sst s10  }
0x35: {  	s10 =	sld [smem:$0x3F9A];
	_ =	sdelay $0x3  }
0x36: {  	p1 =	seq.s32 s10, $0x1;
	s10 =	sld [smem:$0x3F9B];
	_ =	sdelay $0x3  }
0x37: {  	[smem:$0x3F9B] =	sst s10  }
0x38: {  	s10 =	sld [smem:$0x3F9C]  }
0x39: {  	_ = 	snop;
	(pc) =	sbr.ind lr, $3  }
0x3a: {  	_ = 	snop  }
0x3b: {  	_ = 	snop  }
0x3c: {  	p2 =	seq.s32 s10, $0x1;
	s10 =	sld [smem:$0x3F9B]  }
0x3d: {  	_ =	shalt  }
0x3e: {  	_ =	shalt  }
0x3f: {  	_ =	shalt  }
0x40: {  	_ =	shalt  }
0x41: {  	_ =	shalt  }
0x42: {  	_ =	shalt  }
0x43: {  	_ =	shalt  }
0x44: {  	_ =	shalt  }
0x45: {  	_ =	shalt  }
0x46: {  	_ =	shalt  }
0x47: {  	_ =	shalt  }
0x48: {  	_ =	shalt  }
0x49: {  	_ =	shalt  }
0x4a: {  	_ =	shalt  }
0x4b: {  	_ =	shalt  }
0x4c: {  	_ =	shalt  }
0x4d: {  	_ =	shalt  }
0x4e: {  	_ =	shalt  }
0x4f: {  	_ =	shalt  }
0x50: {  	_ =	shalt  }
0x51: {  	_ =	shalt  }
0x52: {  	_ =	shalt  }
0x53: {  	_ =	shalt  }
0x54: {  	_ =	shalt  }
0x55: {  	_ =	shalt  }
0x56: {  	_ =	shalt  }
0x57: {  	_ =	shalt  }
0x58: {  	_ =	shalt  }
0x59: {  	_ =	shalt  }
0x5a: {  	_ =	shalt  }
0x5b: {  	_ =	shalt  }
0x5c: {  	_ =	shalt  }
0x5d: {  	_ =	shalt  }
0x5e: {  	_ =	shalt  }
0x5f: {  	_ =	shalt  }
0x60: {  	_ =	shalt  }
0x61: {  	_ =	shalt  }
0x62: {  	_ =	shalt  }
0x63: {  	_ =	shalt  }
0x64: {  	_ =	shalt  }
0x65: {  	_ =	shalt  }
0x66: {  	_ =	shalt  }
0x67: {  	_ =	shalt  }
0x68: {  	_ =	shalt  }
0x69: {  	_ =	shalt  }
0x6a: {  	_ =	shalt  }
0x6b: {  	_ =	shalt  }
0x6c: {  	_ =	shalt  }
0x6d: {  	_ =	shalt  }
0x6e: {  	_ =	shalt  }
0x6f: {  	_ =	shalt  }
0x70: {  	_ =	shalt  }
0x71: {  	_ =	shalt  }
0x72: {  	_ =	shalt  }
0x73: {  	_ =	shalt  }
0x74: {  	_ =	shalt  }
0x75: {  	_ =	shalt  }
0x76: {  	_ =	shalt  }
0x77: {  	_ =	shalt  }
0x78: {  	_ =	shalt  }
0x79: {  	_ =	shalt  }
0x7a: {  	_ =	shalt  }
0x7b: {  	_ =	shalt  }
0x7c: {  	_ =	shalt  }
0x7d: {  	_ =	shalt  }
0x7e: {  	_ =	shalt  }
0x7f: {  	_ =	shalt  }
0x80: {  	_ =	shalt  }
0x81: {  	_ =	shalt  }
0x82: {  	_ =	shalt  }
0x83: {  	_ =	shalt  }
0x84: {  	_ =	shalt  }
0x85: {  	_ =	shalt  }
0x86: {  	_ =	shalt  }
0x87: {  	_ =	shalt  }
.Lfunc_end0:
.L_simem_size_0:
called_computation.2_lowered:
.L_overlay_start_0:
0x88: {  	s2 =	sld [smem:$0x3FD9]  }
0x89: {  	s3 =	sld [smem:$0x3FFE];
	_ =	sdelay $0x1  }
0x8a: {  	s1 =	srdreg.scid  }
0x8b: {  	s0 =	sand.u32 $0x1, s1  }
0x8c: {  	s16 =	sshll.u32 s0, $0xA;
	s2 =	sadd.s32 s3, s2  }
0x8d: {  	s2 =	sadd.s32 s2, s16  }
0x8e: {  	[smem:$0x3FA7] =	sst s2  }
0x8f: {  	_ = 	snop  }
0x90: {  	(tm) =	ssettm $0x1  }
0x91: {  	s17 =	sld [smem:$0x3FFB];
	_ =	sdelay $0x3  }
0x92: {  	_ =	strace s17  }
0x93: {  	s2 =	sld [smem:$0x3FFC];
	_ =	sdelay $0x3  }
0x94: {  	_ =	strace s2  }
0x95: {  	s2 =	sld [smem:$0x3FFD];
	_ =	sdelay $0x3  }
0x96: {  	_ =	strace s2  }
0x97: {  	_ =	strace $0x8FFFFFFF  }
0x98: {  	s18 =	sld [smem:$0x3FDB];
	_ =	sdelay $0x1  }
0x99: {  	s19 =	simm.s32 $_scs_section_size  }
0x9a: {  	s4 =	simm.s32 $_size__tile_overlayer_lowered;
	s5 =	simm.s32 $_tile_overlayer_lowered  }
0x9b: {  	s22 =	simm.s32 $0x1BFF;
	s21 =	sshll.u32 s5, $0x1;
	s2 =	sadd.s32 s19, s18  }
0x9c: {  	s6 =	simm.s32 $0x0;
	s20 =	sshll.u32 s4, $0x1;
	s4 =	sadd.s32 s21, s2  }
0x9d: {  	[timem:s6], [sflag:s22] =	dma.local [hbm:s4], s20  }
0x9e: {  	_ =	swait.ge [sflag:s22], s20  }
0x9f: {  	s3 =	ssub.s32 $0x0, s20;
	[sflag:s22] =	ssyncset.done $0x0  }
0xa0: {  	[sflag:s22] =	ssyncadd.s32 s3;
	_ =	sdelay $0x1  }
0xa1: {  	s23 =	simm.s32 $0x1B8B  }
0xa2: {  	_ =	swait.ge [sflag:s23], $0x1  }
0xa3: {  	[sflag:s23] =	ssyncset.done $0x0  }
0xa4: {  	s25 =	simm.s32 $0x1B8E;
	s24 =	sld [smem:$0x3FFE];
	[sflag:s23] =	ssyncadd.s32 $0xFFFFFFFF  }
0xa5: {  	s26 =	simm.s32 $execute0_lowered;
	[smem:$0x3FD2] =	sst s25  }
0xa6: {  	s4 =	sshll.u32 s26, $0x1;
	_ =	strace $0x8000004C;
	[dreg:$0x1] =	wrdreg $0xFFFFFFFF  }
0xa7: {  	s28 =	simm.s32 $_size_execute0_lowered;
	s2 =	sadd.s32 s2, s4;
	[dreg:$0x0] =	wrdreg $0x0  }
0xa8: {  	s4 =	sshll.u32 s28, $0x1;
	[dreg:$0x2] =	wrdreg s2  }
0xa9: {  	[dreg:$0x3] =	wrdreg s4  }
0xaa: {  	[dreg:$0x4] =	wrdreg $0xC0  }
0xab: {  	_ =	task [dreg:s6], $0x5FFFF  }
0xac: {  	[dreg:$0x1] =	wrdreg $0xFFFFFFFF  }
0xad: {  	[dreg:$0x0] =	wrdreg $0x60  }
0xae: {  	[dreg:$0x2] =	wrdreg s24  }
0xaf: {  	[dreg:$0x3] =	wrdreg $0xB8000  }
0xb0: {  	[dreg:$0x4] =	wrdreg $0x9  }
0xb1: {  	_ =	task.clear_ibuf [dreg:s6], $0x5FFFF;
	_ =	strace $0x9000004C  }
0xb2: {  	s29 =	simm.s32 $0x9;
	_ =	strace $0x8000004E  }
0xb3: {  	_ =	swait.ge [sflag:s29], $0x1  }
0xb4: {  	[sflag:s29] =	ssyncadd.s32 $0xFFFFFFFF  }
0xb5: {  	_ =	strace $0x9000004E  }
0xb6: {  	_ =	sfence  }
0xb7: {  	s30 =	sld [smem:$0x0];
	_ =	sdelay $0x2  }
0xb8: {  	s31 =	sshll.u32 s1, $0xD;
	s1 =	sshrl.u32 s1, $0x2  }
0xb9: {  	s3 =	sand.u32 $0x4000, s31;
	s1 =	sadd.s32 s1, s30  }
0xba: {  	s0 =	sor.u32 s3, s0;
	s1 =	sshll.u32 s1, $0x11  }
0xbb: {  	s0 =	sor.u32 s1, s0  }
0xbc: {  	s0 =	sadd.s32 $0x8F2B, s0  }
0xbd: {  	[sflag:s0] =	ssyncadd.remote.s32 $0x1  }
0xbe: {  	_ =	sfence.sel $0xFFFF  }
0xbf: {  	[dreg:$0x0] =	wrdreg $0xFFFFFFFF;
	(pc) =	sbr.abs _section_cstart, $3  }
0xc0: {  	[dreg:$0x1] =	wrdreg $0xFFFFFFFF  }
0xc1: {  	_ =	task.clear_ibuf [dreg:s6], $0x2FFFF;
	_ =	strace $0x9FFFFFFF  }
0xc2: {  	(tm) =	ssettm $0x7FFFFFFF  }
0xc3: {  	_ =	shalt  }
tec
execute0_lowered:
.L_overlay_start_1:
0x0: {  	(tag) =	ssettag $0x1  }
0x1: {  	s5 =	rddreg [dreg:$0x0]  }
0x2: {  	s2 =	rddreg [dreg:$0x1];
	s3 =	simm.s32 $0x0  }
0x3: {  	s0 =	srdreg.scid;
	s20 =	simm.s32 $0x180;
	[smem:$0x7FF] =	sst s3  }
0x4: {  	s21 =	simm.s32 $0x200;
	_ =	strace $0x8000004D;
	[dreg:$0x5] =	wrdreg s20  }
0x5: {  	s14 =	stileid.u32;
	s22 =	simm.s32 $0xC80;
	[dreg:$0x6] =	wrdreg s21  }
0x6: {  	s24 =	simm.s32 $0x280;
	s26 =	simm.s32 $0xD00;
	[dreg:$0x7] =	wrdreg s22  }
0x7: {  	s13 =	simm.s32 $0xD80;
	s16 =	simm.s32 $0x380;
	[dreg:$0x8] =	wrdreg s24  }
0x8: {  	s17 =	simm.s32 $0xE00;
	s18 =	simm.s32 $0x400;
	[dreg:$0x9] =	wrdreg s26  }
0x9: {  	s19 =	simm.s32 $0xE80;
	s28 =	simm.s32 $0x4;
	[dreg:$0xb] =	wrdreg s13  }
0xa: {  	s29 =	simm.s32 $0x8;
	s30 =	simm.s32 $0x5;
	[dreg:$0xc] =	wrdreg s16  }
0xb: {  	s31 =	simm.s32 $0x9;
	s0 =	sand.u32 $0x1, s0;
	[dreg:$0xd] =	wrdreg s17  }
0xc: {  	s1 =	smul.u32 $0xC000, s14;
	s4 =	sadd.s32 $0x35400, s5;
	[dreg:$0xe] =	wrdreg s18  }
0xd: {  	s9 =	sadd.s32 $0x5400, s5;
	[dreg:$0xf] =	wrdreg s19;
	s20 =	simm.s32 $0x480  }
0xe: {  	s10 =	smul.u32 $0x13C00, s14;
	s13 =	simm.s32 $0xF00;
	[dreg:$0x10] =	wrdreg s20  }
0xf: {  	s12 =	sshll.u32 s14, $0x1;
	s21 =	simm.s32 $0x500;
	[dreg:$0x11] =	wrdreg s13  }
0x10: {  	s15 =	smul.u32 $0x4F000, s14;
	s22 =	simm.s32 $0xF80;
	[dreg:$0x12] =	wrdreg s21  }
0x11: {  	s6 =	smul.u32 $0x6000, s0;
	s24 =	simm.s32 $0x1000;
	[dreg:$0x13] =	wrdreg s22  }
0x12: {  	s7 =	smul.u32 $0x13C000, s0;
	s16 =	simm.s32 $0x1200;
	[dreg:$0x15] =	wrdreg s24  }
0x13: {  	s23 =	ssub.s32 $0x2, s0;
	s17 =	simm.s32 $0x800;
	[dreg:$0x1d] =	wrdreg s16  }
0x14: {  	p0 =	sne.s32 s0, $0x0;
	s18 =	simm.s32 $0x1280;
	[dreg:$0x1e] =	wrdreg s17  }
0x15: {  	s19 =	simm.s32 $0x880;
	s25 =	sshrl.u32 s23, $0x1;
	[dreg:$0x1f] =	wrdreg s18  }
0x16: {  	s13 =	simm.s32 $0x700;
	[smem:$0x7F6] =	sst s19;
	s20 =	simm.s32 $0x1300  }
0x17: {  	s17 =	simm.s32 $0x3800;
	s21 =	simm.s32 $0x900;
	s22 =	simm.s32 $0x1380  }
0x18: {  	s19 =	simm.s32 $0x5800;
	s24 =	simm.s32 $0x1400;
	s16 =	simm.s32 $0x0  }
0x19: {  	s1 =	sadd.s32 s6, s1;
	s6 =	sadd.s32 $0x1D400, s5;
	[dreg:$0x1a] =	wrdreg s13  }
0x1a: {  	s7 =	sadd.s32 s10, s7;
	s10 =	ssub.s32 s23, s25;
	[smem:$0x7F7] =	sst s20  }
0x1b: {  	s23 =	simm.s32 $0x580;
	s25 =	simm.s32 $0x600;
	[smem:$0x7F8] =	sst s21  }
0x1c: {  	s13 =	simm.s32 $0xC00;
	[smem:$0x7F9] =	sst s22;
	s20 =	simm.s32 $0x7800  }
0x1d: {  	s21 =	simm.s32 $0x1;
	[smem:$0x7FB] =	sst s24;
	s22 =	simm.s32 $0x9800  }
0x1e: {  	s24 =	simm.s32 $0x6;
	s8 =	sshrl.u32 s1, $0x3;
	[dreg:$0x14] =	wrdreg s23  }
0x1f: {  	s1 =	sadd.s32 $0x5CC00, s5;
	s26 =	smax.u32 s10, $0x1;
	[dreg:$0x16] =	wrdreg s25  }
0x20: {  	s7 =	sshrl.u32 s7, $0x3;
	s10 =	simm.s32 $0x1100;
	[smem:$0x7F4] =	sst s26  }
0x21: {  	s23 =	simm.s32 $0x980;
	s25 =	simm.s32 $0x1480;
	[dreg:$0x19] =	wrdreg s10  }
0x22: {  	s11 =	sadd.s32 s8, s6;
	s8 =	sadd.s32 s8, s9;
	[smem:$0x7FA] =	sst s23  }
0x23: {  	s7 =	sadd.s32 s7, s5;
	[smem:$0x7FC] =	sst s25;
	s26 =	simm.s32 $0x1500  }
0x24: {  	s23 =	simm.s32 $0x2;
	s25 =	simm.s32 $0x3;
	[dreg:$0x3] =	wrdreg s11  }
0x25: {  	[dreg:$0x4] =	wrdreg s8;
	s11 =	simm.s32 $0x300;
	s8 =	sor.u32 s0, s12  }
0x26: {  	s12 =	smul.u32 $0x2780, s14;
	s7 =	sadd.s32 $0x5F400, s7;
	[smem:$0x7FD] =	sst s26  }
0x27: {  	s26 =	simm.s32 $0x7;
	s0 =	simm.s32 $0x1580;
	[dreg:$0xa] =	wrdreg s11  }
0x28: {  	s11 =	sshrl.u32 s15, $0x2;
	s8 =	smul.u32 $0x6000, s8;
	[smem:$0x7F3] =	sst s7  }
0x29: {  	s15 =	simm.s32 $0x780;
	s11 =	sadd.s32 s11, s2;
	s5 =	sadd.s32 s4, s12  }
0x2a: {  	s12 =	sshll.u32 s14, $0x6;
	s14 =	simm.s32 $0x1180;
	[dreg:$0x1c] =	wrdreg s15  }
0x2b: {  	s8 =	sshrl.u32 s8, $0x3;
	s5 =	smov.u32 @p0 s1;
	[dreg:$0x1b] =	wrdreg s14  }
0x2c: {  	s15 =	simm.s32 $0x1800;
	s9 =	sadd.s32 s9, s8;
	[smem:$0x7F5] =	sst s5  }
0x2d: {  	s10 =	sor.u32 $0x1C0B, s12;
	s6 =	sadd.s32 s6, s8;
	[smem:$0x7F1] =	sst s9  }
0x2e: {  	s11 =	sshrl.u32 s11, $0x3;
	s8 =	simm.s32 $0x1080;
	[smem:$0x7F2] =	sst s6  }
0x2f: {  	s12 =	simm.s32 $0xB;
	[dreg:$0x17] =	wrdreg s8;
	s9 =	simm.s32 $0x680  }
0x30: {  	s14 =	simm.s32 $0x40;
	s1 =	simm.s32 $0xA;
	[dreg:$0x18] =	wrdreg s9  }
.LBB2_1:
0x31: {  	s5 =	sld [smem:$0x7F5];
	_ =	sdelay $0x2  }
0x32: {  	[spmem:s11], [sflag:s10] =	dma.local [hbm:s5], $0x2780  }
0x33: {  	_ =	swait.ge [sflag:s12], $0x2780  }
0x34: {  	s7 =	sld [smem:$0x7F1]  }
0x35: {  	[sflag:s12] =	ssyncset.done $0x0  }
0x36: {  	[sflag:s12] =	ssyncadd.s32 $0xFFFFD880  }
0x37: {  	[tilespmem:s3], [sflag:$0xB] =	stream.linear.gather [hbm4b:s7+s3], $0xA00, $0x38;
	[tilespmem:$0x1F400] =	vst v63  }
0x38: {  	_ =	swait.ge [sflag:s12], $0xA00  }
0x39: {  	s8 =	sld [smem:$0x7F2]  }
0x3a: {  	[sflag:s12] =	ssyncset.done $0x0  }
0x3b: {  	[sflag:s12] =	ssyncadd.s32 $0xFFFFF600  }
0x3c: {  	[tilespmem:s13], [sflag:$0xB] =	stream.linear.gather [hbm4b:s8+s3], $0xA00, $0x38;
	[tilespmem:$0x1F400] =	vst v63  }
0x3d: {  	_ =	swait.ge [sflag:s12], $0xA00  }
0x3e: {  	[sflag:s12] =	ssyncset.done $0x0  }
0x3f: {  	[sflag:s12] =	ssyncadd.s32 $0xFFFFF600  }
0x40: {  	[tilespmem:s15], [sflag:$0x1] =	stream.indirect.gather [hbm4b:s4+s14], $0x80, s3, s14, $0xb8;
	[tilespmem:$0x1F400] =	vst v63  }
0x41: {  	s9 =	simm.s32 $0x80  }
0x42: {  	[tilespmem:s17], [sflag:$0x2] =	stream.indirect.gather [hbm4b:s4+s14], $0x80, s9, s14, $0xb8;
	[tilespmem:$0x1F400] =	vst v63  }
0x43: {  	s18 =	simm.s32 $0x100  }
0x44: {  	[tilespmem:s19], [sflag:$0x3] =	stream.indirect.gather [hbm4b:s4+s14], $0x80, s18, s14, $0xb8;
	[tilespmem:$0x1F400] =	vst v63  }
0x45: {  	[bflag:$0x0] =	sbarrier.arrive $0xFFFF  }
0x46: {  	p0 =	por $0x1, $0x1;
	s6 =	rddreg [dreg:$0x4]  }
0x47: {  	s7 =	simm.s32 @!p0 $0x0;
	s18 =	simm.s32 @!p0 $0xB;
	s6 =	sadd.s32 @!p0 $0x0, s6  }
0x48: {  	[tilespmem:s7], [sflag:$0xB] =	stream.linear.gather @!p0 [hbm4b:s6+s7], $0xA00, $0x38;
	[tilespmem:$0x1F400] =	vst v63  }
0x49: {  	_ =	swait.ge @!p0 [sflag:s18], $0xA00  }
0x4a: {  	s6 =	rddreg [dreg:$0x3];
	[sflag:s18] =	ssyncset.done @!p0 $0x0  }
0x4b: {  	s8 =	simm.s32 @!p0 $0xC00;
	[sflag:s18] =	ssyncadd.s32 @!p0 $0xFFFFF600;
	s6 =	sadd.s32 @!p0 $0x0, s6  }
0x4c: {  	[tilespmem:s8], [sflag:$0xB] =	stream.linear.gather @!p0 [hbm4b:s6+s7], $0xA00, $0x38;
	[tilespmem:$0x1F400] =	vst v63  }
0x4d: {  	_ =	swait.ge @!p0 [sflag:s18], $0xA00  }
0x4e: {  	[sflag:s18] =	ssyncset.done @!p0 $0x0  }
0x4f: {  	s6 =	simm.s32 @!p0 $0x40;
	s8 =	simm.s32 @!p0 $0x1800;
	[sflag:s18] =	ssyncadd.s32 @!p0 $0xFFFFF600  }
0x50: {  	[tilespmem:s8], [sflag:$0x1] =	stream.indirect.gather @!p0 [hbm4b:s4+s6], $0x80, s7, s6, $0xb8;
	[tilespmem:$0x1F400] =	vst v63  }
0x51: {  	s7 =	simm.s32 @!p0 $0x80;
	s8 =	simm.s32 @!p0 $0x3800  }
0x52: {  	[tilespmem:s8], [sflag:$0x2] =	stream.indirect.gather @!p0 [hbm4b:s4+s6], $0x80, s7, s6, $0xb8;
	[tilespmem:$0x1F400] =	vst v63  }
0x53: {  	s7 =	simm.s32 @!p0 $0x100;
	s8 =	simm.s32 @!p0 $0x5800  }
0x54: {  	[tilespmem:s8], [sflag:$0x3] =	stream.indirect.gather @!p0 [hbm4b:s4+s6], $0x80, s7, s6, $0xb8;
	[tilespmem:$0x1F400] =	vst v63  }
0x55: {  	s5 =	rddreg [dreg:$0x5]  }
0x56: {  	[tilespmem:s20], [sflag:$0x4] =	stream.indirect.gather [hbm4b:s4+s14], $0x80, s5, s14, $0xb8;
	[tilespmem:$0x1F400] =	vst v63  }
0x57: {  	_ =	swait.ge [sflag:s21], $0x2000  }
0x58: {  	[sflag:s21] =	ssyncset.done $0x0  }
0x59: {  	[sflag:s21] =	ssyncadd.s32 $0xFFFFE000  }
0x5a: {  	[spmem:s2] =	stream.indirect.scatter.add.f32 [tilespmem:s15], [sflag:$0x6], $0x80, s13, s14, $0xb8;
	[tilespmem:$0x1F400] =	vst v63  }
0x5b: {  	s7 =	rddreg [dreg:$0x6]  }
0x5c: {  	[tilespmem:s22], [sflag:$0x5] =	stream.indirect.gather [hbm4b:s4+s14], $0x80, s7, s14, $0xb8;
	[tilespmem:$0x1F400] =	vst v63  }
0x5d: {  	_ =	swait.ge [sflag:s23], $0x2000  }
0x5e: {  	[sflag:s23] =	ssyncset.done $0x0  }
0x5f: {  	s8 =	rddreg [dreg:$0x7];
	[sflag:s23] =	ssyncadd.s32 $0xFFFFE000  }
0x60: {  	[spmem:s2] =	stream.indirect.scatter.add.f32 [tilespmem:s17], [sflag:$0x7], $0x80, s8, s14, $0xb8;
	[tilespmem:$0x1F400] =	vst v63  }
0x61: {  	_ =	swait.ge [sflag:s24], $0x2000  }
0x62: {  	[sflag:s24] =	ssyncset.done $0x0  }
0x63: {  	s9 =	rddreg [dreg:$0x8];
	[sflag:s24] =	ssyncadd.s32 $0xFFFFE000  }
0x64: {  	[tilespmem:s15], [sflag:$0x1] =	stream.indirect.gather [hbm4b:s4+s14], $0x80, s9, s14, $0xb8;
	[tilespmem:$0x1F400] =	vst v63  }
0x65: {  	_ =	swait.ge [sflag:s25], $0x2000  }
0x66: {  	[sflag:s25] =	ssyncset.done $0x0  }
0x67: {  	s18 =	rddreg [dreg:$0x9];
	[sflag:s25] =	ssyncadd.s32 $0xFFFFE000  }
0x68: {  	[spmem:s2] =	stream.indirect.scatter.add.f32 [tilespmem:s19], [sflag:$0x8], $0x80, s18, s14, $0xb8;
	[tilespmem:$0x1F400] =	vst v63  }
0x69: {  	_ =	swait.ge [sflag:s26], $0x2000  }
0x6a: {  	[sflag:s26] =	ssyncset.done $0x0  }
0x6b: {  	s5 =	rddreg [dreg:$0xa];
	[sflag:s26] =	ssyncadd.s32 $0xFFFFE000  }
0x6c: {  	[tilespmem:s17], [sflag:$0x2] =	stream.indirect.gather [hbm4b:s4+s14], $0x80, s5, s14, $0xb8;
	[tilespmem:$0x1F400] =	vst v63  }
0x6d: {  	_ =	swait.ge [sflag:s28], $0x2000  }
0x6e: {  	[sflag:s28] =	ssyncset.done $0x0  }
0x6f: {  	s7 =	rddreg [dreg:$0xb];
	[sflag:s28] =	ssyncadd.s32 $0xFFFFE000  }
0x70: {  	[spmem:s2] =	stream.indirect.scatter.add.f32 [tilespmem:s20], [sflag:$0x9], $0x80, s7, s14, $0xb8;
	[tilespmem:$0x1F400] =	vst v63  }
0x71: {  	_ =	swait.ge [sflag:s29], $0x2000  }
0x72: {  	[sflag:s29] =	ssyncset.done $0x0  }
0x73: {  	s8 =	rddreg [dreg:$0xc];
	[sflag:s29] =	ssyncadd.s32 $0xFFFFE000  }
0x74: {  	[tilespmem:s19], [sflag:$0x3] =	stream.indirect.gather [hbm4b:s4+s14], $0x80, s8, s14, $0xb8;
	[tilespmem:$0x1F400] =	vst v63  }
0x75: {  	_ =	swait.ge [sflag:s30], $0x2000  }
0x76: {  	[sflag:s30] =	ssyncset.done $0x0  }
0x77: {  	s9 =	rddreg [dreg:$0xd];
	[sflag:s30] =	ssyncadd.s32 $0xFFFFE000  }
0x78: {  	[spmem:s2] =	stream.indirect.scatter.add.f32 [tilespmem:s22], [sflag:$0xA], $0x80, s9, s14, $0xb8;
	[tilespmem:$0x1F400] =	vst v63  }
0x79: {  	_ =	swait.ge [sflag:s31], $0x2000  }
0x7a: {  	[sflag:s31] =	ssyncset.done $0x0  }
0x7b: {  	s18 =	rddreg [dreg:$0xe];
	[sflag:s31] =	ssyncadd.s32 $0xFFFFE000  }
0x7c: {  	[tilespmem:s20], [sflag:$0x4] =	stream.indirect.gather [hbm4b:s4+s14], $0x80, s18, s14, $0xb8;
	[tilespmem:$0x1F400] =	vst v63  }
0x7d: {  	_ =	swait.ge [sflag:s21], $0x2000  }
0x7e: {  	[sflag:s21] =	ssyncset.done $0x0  }
0x7f: {  	s5 =	rddreg [dreg:$0xf];
	[sflag:s21] =	ssyncadd.s32 $0xFFFFE000  }
0x80: {  	[spmem:s2] =	stream.indirect.scatter.add.f32 [tilespmem:s15], [sflag:$0x6], $0x80, s5, s14, $0xb8;
	[tilespmem:$0x1F400] =	vst v63  }
0x81: {  	_ =	swait.ge [sflag:s1], $0x2000  }
0x82: {  	[sflag:s1] =	ssyncset.done $0x0  }
0x83: {  	s7 =	rddreg [dreg:$0x10];
	[sflag:s1] =	ssyncadd.s32 $0xFFFFE000  }
0x84: {  	[tilespmem:s22], [sflag:$0x5] =	stream.indirect.gather [hbm4b:s4+s14], $0x80, s7, s14, $0xb8;
	[tilespmem:$0x1F400] =	vst v63  }
0x85: {  	_ =	swait.ge [sflag:s23], $0x2000  }
0x86: {  	[sflag:s23] =	ssyncset.done $0x0  }
0x87: {  	s8 =	rddreg [dreg:$0x11];
	[sflag:s23] =	ssyncadd.s32 $0xFFFFE000  }
0x88: {  	[spmem:s2] =	stream.indirect.scatter.add.f32 [tilespmem:s17], [sflag:$0x7], $0x80, s8, s14, $0xb8;
	[tilespmem:$0x1F400] =	vst v63  }
0x89: {  	_ =	swait.ge [sflag:s24], $0x2000  }
0x8a: {  	[sflag:s24] =	ssyncset.done $0x0  }
0x8b: {  	s9 =	rddreg [dreg:$0x12];
	[sflag:s24] =	ssyncadd.s32 $0xFFFFE000  }
0x8c: {  	[tilespmem:s15], [sflag:$0x1] =	stream.indirect.gather [hbm4b:s4+s14], $0x80, s9, s14, $0xb8;
	[tilespmem:$0x1F400] =	vst v63  }
0x8d: {  	_ =	swait.ge [sflag:s25], $0x2000  }
0x8e: {  	[sflag:s25] =	ssyncset.done $0x0  }
0x8f: {  	s18 =	rddreg [dreg:$0x13];
	[sflag:s25] =	ssyncadd.s32 $0xFFFFE000  }
0x90: {  	[spmem:s2] =	stream.indirect.scatter.add.f32 [tilespmem:s19], [sflag:$0x8], $0x80, s18, s14, $0xb8;
	[tilespmem:$0x1F400] =	vst v63  }
0x91: {  	_ =	swait.ge [sflag:s26], $0x2000  }
0x92: {  	[sflag:s26] =	ssyncset.done $0x0  }
0x93: {  	s5 =	rddreg [dreg:$0x14];
	[sflag:s26] =	ssyncadd.s32 $0xFFFFE000  }
0x94: {  	[tilespmem:s17], [sflag:$0x2] =	stream.indirect.gather [hbm4b:s4+s14], $0x80, s5, s14, $0xb8;
	[tilespmem:$0x1F400] =	vst v63  }
0x95: {  	_ =	swait.ge [sflag:s28], $0x2000  }
0x96: {  	[sflag:s28] =	ssyncset.done $0x0  }
0x97: {  	s7 =	rddreg [dreg:$0x15];
	[sflag:s28] =	ssyncadd.s32 $0xFFFFE000  }
0x98: {  	[spmem:s2] =	stream.indirect.scatter.add.f32 [tilespmem:s20], [sflag:$0x9], $0x80, s7, s14, $0xb8;
	[tilespmem:$0x1F400] =	vst v63  }
0x99: {  	_ =	swait.ge [sflag:s29], $0x2000  }
0x9a: {  	[sflag:s29] =	ssyncset.done $0x0  }
0x9b: {  	s8 =	rddreg [dreg:$0x16];
	[sflag:s29] =	ssyncadd.s32 $0xFFFFE000  }
0x9c: {  	[tilespmem:s19], [sflag:$0x3] =	stream.indirect.gather [hbm4b:s4+s14], $0x80, s8, s14, $0xb8;
	[tilespmem:$0x1F400] =	vst v63  }
0x9d: {  	_ =	swait.ge [sflag:s30], $0x2000  }
0x9e: {  	[sflag:s30] =	ssyncset.done $0x0  }
0x9f: {  	s9 =	rddreg [dreg:$0x17];
	[sflag:s30] =	ssyncadd.s32 $0xFFFFE000  }
0xa0: {  	[spmem:s2] =	stream.indirect.scatter.add.f32 [tilespmem:s22], [sflag:$0xA], $0x80, s9, s14, $0xb8;
	[tilespmem:$0x1F400] =	vst v63  }
0xa1: {  	_ =	swait.ge [sflag:s31], $0x2000  }
0xa2: {  	[sflag:s31] =	ssyncset.done $0x0  }
0xa3: {  	s18 =	rddreg [dreg:$0x18];
	[sflag:s31] =	ssyncadd.s32 $0xFFFFE000  }
0xa4: {  	[tilespmem:s20], [sflag:$0x4] =	stream.indirect.gather [hbm4b:s4+s14], $0x80, s18, s14, $0xb8;
	[tilespmem:$0x1F400] =	vst v63  }
0xa5: {  	_ =	swait.ge [sflag:s21], $0x2000  }
0xa6: {  	[sflag:s21] =	ssyncset.done $0x0  }
0xa7: {  	s5 =	rddreg [dreg:$0x19];
	[sflag:s21] =	ssyncadd.s32 $0xFFFFE000  }
0xa8: {  	[spmem:s2] =	stream.indirect.scatter.add.f32 [tilespmem:s15], [sflag:$0x6], $0x80, s5, s14, $0xb8;
	[tilespmem:$0x1F400] =	vst v63  }
0xa9: {  	_ =	swait.ge [sflag:s1], $0x2000  }
0xaa: {  	[sflag:s1] =	ssyncset.done $0x0  }
0xab: {  	s7 =	rddreg [dreg:$0x1a];
	[sflag:s1] =	ssyncadd.s32 $0xFFFFE000  }
0xac: {  	[tilespmem:s22], [sflag:$0x5] =	stream.indirect.gather [hbm4b:s4+s14], $0x80, s7, s14, $0xb8;
	[tilespmem:$0x1F400] =	vst v63  }
0xad: {  	_ =	swait.ge [sflag:s23], $0x2000  }
0xae: {  	[sflag:s23] =	ssyncset.done $0x0  }
0xaf: {  	s8 =	rddreg [dreg:$0x1b];
	[sflag:s23] =	ssyncadd.s32 $0xFFFFE000  }
0xb0: {  	[spmem:s2] =	stream.indirect.scatter.add.f32 [tilespmem:s17], [sflag:$0x7], $0x80, s8, s14, $0xb8;
	[tilespmem:$0x1F400] =	vst v63  }
0xb1: {  	_ =	swait.ge [sflag:s24], $0x2000  }
0xb2: {  	[sflag:s24] =	ssyncset.done $0x0  }
0xb3: {  	s9 =	rddreg [dreg:$0x1c];
	[sflag:s24] =	ssyncadd.s32 $0xFFFFE000  }
0xb4: {  	[tilespmem:s15], [sflag:$0x1] =	stream.indirect.gather [hbm4b:s4+s14], $0x80, s9, s14, $0xb8;
	[tilespmem:$0x1F400] =	vst v63  }
0xb5: {  	_ =	swait.ge [sflag:s25], $0x2000  }
0xb6: {  	[sflag:s25] =	ssyncset.done $0x0  }
0xb7: {  	s18 =	rddreg [dreg:$0x1d];
	[sflag:s25] =	ssyncadd.s32 $0xFFFFE000  }
0xb8: {  	[spmem:s2] =	stream.indirect.scatter.add.f32 [tilespmem:s19], [sflag:$0x8], $0x80, s18, s14, $0xb8;
	[tilespmem:$0x1F400] =	vst v63  }
0xb9: {  	_ =	swait.ge [sflag:s26], $0x2000  }
0xba: {  	[sflag:s26] =	ssyncset.done $0x0  }
0xbb: {  	s5 =	rddreg [dreg:$0x1e];
	[sflag:s26] =	ssyncadd.s32 $0xFFFFE000  }
0xbc: {  	[tilespmem:s17], [sflag:$0x2] =	stream.indirect.gather [hbm4b:s4+s14], $0x80, s5, s14, $0xb8;
	[tilespmem:$0x1F400] =	vst v63  }
0xbd: {  	_ =	swait.ge [sflag:s28], $0x2000  }
0xbe: {  	[sflag:s28] =	ssyncset.done $0x0  }
0xbf: {  	s7 =	rddreg [dreg:$0x1f];
	[sflag:s28] =	ssyncadd.s32 $0xFFFFE000  }
0xc0: {  	[spmem:s2] =	stream.indirect.scatter.add.f32 [tilespmem:s20], [sflag:$0x9], $0x80, s7, s14, $0xb8;
	[tilespmem:$0x1F400] =	vst v63  }
0xc1: {  	_ =	swait.ge [sflag:s29], $0x2000  }
0xc2: {  	s8 =	sld [smem:$0x7F6]  }
0xc3: {  	[sflag:s29] =	ssyncset.done $0x0  }
0xc4: {  	[sflag:s29] =	ssyncadd.s32 $0xFFFFE000  }
0xc5: {  	[tilespmem:s19], [sflag:$0x3] =	stream.indirect.gather [hbm4b:s4+s14], $0x80, s8, s14, $0xb8;
	[tilespmem:$0x1F400] =	vst v63  }
0xc6: {  	_ =	swait.ge [sflag:s30], $0x2000  }
0xc7: {  	s9 =	sld [smem:$0x7F7]  }
0xc8: {  	[sflag:s30] =	ssyncset.done $0x0  }
0xc9: {  	[sflag:s30] =	ssyncadd.s32 $0xFFFFE000  }
0xca: {  	[spmem:s2] =	stream.indirect.scatter.add.f32 [tilespmem:s22], [sflag:$0xA], $0x80, s9, s14, $0xb8;
	[tilespmem:$0x1F400] =	vst v63  }
0xcb: {  	_ =	swait.ge [sflag:s31], $0x2000  }
0xcc: {  	s18 =	sld [smem:$0x7F8]  }
0xcd: {  	[sflag:s31] =	ssyncset.done $0x0  }
0xce: {  	[sflag:s31] =	ssyncadd.s32 $0xFFFFE000  }
0xcf: {  	[tilespmem:s20], [sflag:$0x4] =	stream.indirect.gather [hbm4b:s4+s14], $0x80, s18, s14, $0xb8;
	[tilespmem:$0x1F400] =	vst v63  }
0xd0: {  	_ =	swait.ge [sflag:s21], $0x2000  }
0xd1: {  	s5 =	sld [smem:$0x7F9]  }
0xd2: {  	[sflag:s21] =	ssyncset.done $0x0  }
0xd3: {  	[sflag:s21] =	ssyncadd.s32 $0xFFFFE000  }
0xd4: {  	[spmem:s2] =	stream.indirect.scatter.add.f32 [tilespmem:s15], [sflag:$0x6], $0x80, s5, s14, $0xb8;
	[tilespmem:$0x1F400] =	vst v63  }
0xd5: {  	_ =	swait.ge [sflag:s1], $0x2000  }
0xd6: {  	s7 =	sld [smem:$0x7FA]  }
0xd7: {  	[sflag:s1] =	ssyncset.done $0x0  }
0xd8: {  	[sflag:s1] =	ssyncadd.s32 $0xFFFFE000  }
0xd9: {  	[tilespmem:s22], [sflag:$0x5] =	stream.indirect.gather [hbm4b:s4+s14], $0x80, s7, s14, $0xb8;
	[tilespmem:$0x1F400] =	vst v63  }
0xda: {  	_ =	swait.ge [sflag:s23], $0x2000  }
0xdb: {  	s8 =	sld [smem:$0x7FB]  }
0xdc: {  	[sflag:s23] =	ssyncset.done $0x0  }
0xdd: {  	[sflag:s23] =	ssyncadd.s32 $0xFFFFE000  }
0xde: {  	[spmem:s2] =	stream.indirect.scatter.add.f32 [tilespmem:s17], [sflag:$0x7], $0x80, s8, s14, $0xb8;
	[tilespmem:$0x1F400] =	vst v63  }
0xdf: {  	_ =	swait.ge [sflag:s25], $0x2000  }
0xe0: {  	s9 =	sld [smem:$0x7FC]  }
0xe1: {  	[sflag:s25] =	ssyncset.done $0x0  }
0xe2: {  	[sflag:s25] =	ssyncadd.s32 $0xFFFFE000  }
0xe3: {  	[spmem:s2] =	stream.indirect.scatter.add.f32 [tilespmem:s19], [sflag:$0x8], $0x80, s9, s14, $0xb8;
	[tilespmem:$0x1F400] =	vst v63  }
0xe4: {  	_ =	swait.ge [sflag:s28], $0x2000  }
0xe5: {  	s18 =	sld [smem:$0x7FD]  }
0xe6: {  	[sflag:s28] =	ssyncset.done $0x0  }
0xe7: {  	[sflag:s28] =	ssyncadd.s32 $0xFFFFE000  }
0xe8: {  	[spmem:s2] =	stream.indirect.scatter.add.f32 [tilespmem:s20], [sflag:$0x9], $0x80, s18, s14, $0xb8;
	[tilespmem:$0x1F400] =	vst v63  }
0xe9: {  	_ =	swait.ge [sflag:s30], $0x2000  }
0xea: {  	[sflag:s30] =	ssyncset.done $0x0  }
0xeb: {  	[sflag:s30] =	ssyncadd.s32 $0xFFFFE000  }
0xec: {  	[spmem:s2] =	stream.indirect.scatter.add.f32 [tilespmem:s22], [sflag:$0xA], $0x80, s0, s14, $0xb8;
	[tilespmem:$0x1F400] =	vst v63  }
0xed: {  	_ =	swait.ge [sflag:s24], $0x2000  }
0xee: {  	[sflag:s24] =	ssyncset.done $0x0  }
0xef: {  	[sflag:s24] =	ssyncadd.s32 $0xFFFFE000  }
0xf0: {  	_ =	swait.ge [sflag:s26], $0x2000  }
0xf1: {  	[sflag:s26] =	ssyncset.done $0x0  }
0xf2: {  	[sflag:s26] =	ssyncadd.s32 $0xFFFFE000  }
0xf3: {  	_ =	swait.ge [sflag:s29], $0x2000  }
0xf4: {  	[sflag:s29] =	ssyncset.done $0x0  }
0xf5: {  	[sflag:s29] =	ssyncadd.s32 $0xFFFFE000  }
0xf6: {  	_ =	swait.ge [sflag:s31], $0x2000  }
0xf7: {  	[sflag:s31] =	ssyncset.done $0x0  }
0xf8: {  	[sflag:s31] =	ssyncadd.s32 $0xFFFFE000  }
0xf9: {  	s6 =	simm.s32 $0x300;
	_ =	swait.ge [sflag:s1], $0x2000  }
0xfa: {  	s18 =	simm.s32 $0x180;
	s7 =	rddreg [dreg:$0x4];
	[sflag:s1] =	ssyncset.done $0x0  }
.LBB2_2:
0xfb: {  	[sflag:s1] =	ssyncadd.s32 $0xFFFFE000;
	p1 =	seq.s32 s18, $0x0  }
0xfc: {  	s7 =	sadd.s32 @!p1 s18, s7;
	s9 =	simm.s32 @!p1 $0x0;
	s5 =	simm.s32 @!p1 $0xB  }
0xfd: {  	[tilespmem:s9], [sflag:$0xB] =	stream.linear.gather @!p1 [hbm4b:s7+s9], $0xA00, $0x38;
	[tilespmem:$0x1F400] =	vst v63  }
0xfe: {  	_ =	swait.ge @!p1 [sflag:s5], $0xA00  }
0xff: {  	s7 =	rddreg [dreg:$0x3];
	[sflag:s5] =	ssyncset.done @!p1 $0x0  }
0x100: {  	[sflag:s5] =	ssyncadd.s32 @!p1 $0xFFFFF600;
	s7 =	sadd.s32 @!p1 s18, s7;
	s18 =	simm.s32 @!p1 $0xC00  }
0x101: {  	[tilespmem:s18], [sflag:$0xB] =	stream.linear.gather @!p1 [hbm4b:s7+s9], $0xA00, $0x38;
	[tilespmem:$0x1F400] =	vst v63  }
0x102: {  	_ =	swait.ge @!p1 [sflag:s5], $0xA00  }
0x103: {  	s8 =	smov.u32 s6;
	[sflag:s5] =	ssyncset.done @!p1 $0x0  }
0x104: {  	s7 =	simm.s32 @!p1 $0x1800;
	[sflag:s5] =	ssyncadd.s32 @!p1 $0xFFFFF600;
	s5 =	simm.s32 @!p1 $0x40  }
0x105: {  	[tilespmem:s7], [sflag:$0x1] =	stream.indirect.gather @!p1 [hbm4b:s4+s5], $0x80, s9, s5, $0xb8;
	[tilespmem:$0x1F400] =	vst v63  }
0x106: {  	s18 =	smov.u32 s8;
	s8 =	simm.s32 @!p1 $0x3800;
	s7 =	simm.s32 @!p1 $0x80  }
0x107: {  	[tilespmem:s8], [sflag:$0x2] =	stream.indirect.gather @!p1 [hbm4b:s4+s5], $0x80, s7, s5, $0xb8;
	[tilespmem:$0x1F400] =	vst v63  }
0x108: {  	s7 =	simm.s32 @!p1 $0x100;
	s8 =	simm.s32 @!p1 $0x5800  }
0x109: {  	[tilespmem:s8], [sflag:$0x3] =	stream.indirect.gather @!p1 [hbm4b:s4+s5], $0x80, s7, s5, $0xb8;
	[tilespmem:$0x1F400] =	vst v63  }
0x10a: {  	s9 =	rddreg [dreg:$0x5]  }
0x10b: {  	[tilespmem:s20], [sflag:$0x4] =	stream.indirect.gather [hbm4b:s4+s14], $0x80, s9, s14, $0xb8;
	[tilespmem:$0x1F400] =	vst v63  }
0x10c: {  	_ =	swait.ge [sflag:s21], $0x2000  }
0x10d: {  	[sflag:s21] =	ssyncset.done $0x0  }
0x10e: {  	[sflag:s21] =	ssyncadd.s32 $0xFFFFE000  }
0x10f: {  	[spmem:s2] =	stream.indirect.scatter.add.f32 [tilespmem:s15], [sflag:$0x6], $0x80, s13, s14, $0xb8;
	[tilespmem:$0x1F400] =	vst v63  }
0x110: {  	s9 =	rddreg [dreg:$0x6]  }
0x111: {  	[tilespmem:s22], [sflag:$0x5] =	stream.indirect.gather [hbm4b:s4+s14], $0x80, s9, s14, $0xb8;
	[tilespmem:$0x1F400] =	vst v63  }
0x112: {  	_ =	swait.ge [sflag:s23], $0x2000  }
0x113: {  	[sflag:s23] =	ssyncset.done $0x0  }
0x114: {  	s7 =	rddreg [dreg:$0x7];
	[sflag:s23] =	ssyncadd.s32 $0xFFFFE000  }
0x115: {  	[spmem:s2] =	stream.indirect.scatter.add.f32 [tilespmem:s17], [sflag:$0x7], $0x80, s7, s14, $0xb8;
	[tilespmem:$0x1F400] =	vst v63  }
0x116: {  	_ =	swait.ge [sflag:s24], $0x2000  }
0x117: {  	[sflag:s24] =	ssyncset.done $0x0  }
0x118: {  	s8 =	rddreg [dreg:$0x8];
	[sflag:s24] =	ssyncadd.s32 $0xFFFFE000  }
0x119: {  	[tilespmem:s15], [sflag:$0x1] =	stream.indirect.gather [hbm4b:s4+s14], $0x80, s8, s14, $0xb8;
	[tilespmem:$0x1F400] =	vst v63  }
0x11a: {  	_ =	swait.ge [sflag:s25], $0x2000  }
0x11b: {  	[sflag:s25] =	ssyncset.done $0x0  }
0x11c: {  	s9 =	rddreg [dreg:$0x9];
	[sflag:s25] =	ssyncadd.s32 $0xFFFFE000  }
0x11d: {  	[spmem:s2] =	stream.indirect.scatter.add.f32 [tilespmem:s19], [sflag:$0x8], $0x80, s9, s14, $0xb8;
	[tilespmem:$0x1F400] =	vst v63  }
0x11e: {  	_ =	swait.ge [sflag:s26], $0x2000  }
0x11f: {  	[sflag:s26] =	ssyncset.done $0x0  }
0x120: {  	s7 =	rddreg [dreg:$0xa];
	[sflag:s26] =	ssyncadd.s32 $0xFFFFE000  }
0x121: {  	[tilespmem:s17], [sflag:$0x2] =	stream.indirect.gather [hbm4b:s4+s14], $0x80, s7, s14, $0xb8;
	[tilespmem:$0x1F400] =	vst v63  }
0x122: {  	_ =	swait.ge [sflag:s28], $0x2000  }
0x123: {  	[sflag:s28] =	ssyncset.done $0x0  }
0x124: {  	s8 =	rddreg [dreg:$0xb];
	[sflag:s28] =	ssyncadd.s32 $0xFFFFE000  }
0x125: {  	[spmem:s2] =	stream.indirect.scatter.add.f32 [tilespmem:s20], [sflag:$0x9], $0x80, s8, s14, $0xb8;
	[tilespmem:$0x1F400] =	vst v63  }
0x126: {  	_ =	swait.ge [sflag:s29], $0x2000  }
0x127: {  	[sflag:s29] =	ssyncset.done $0x0  }
0x128: {  	s9 =	rddreg [dreg:$0xc];
	[sflag:s29] =	ssyncadd.s32 $0xFFFFE000  }
0x129: {  	[tilespmem:s19], [sflag:$0x3] =	stream.indirect.gather [hbm4b:s4+s14], $0x80, s9, s14, $0xb8;
	[tilespmem:$0x1F400] =	vst v63  }
0x12a: {  	_ =	swait.ge [sflag:s30], $0x2000  }
0x12b: {  	[sflag:s30] =	ssyncset.done $0x0  }
0x12c: {  	s7 =	rddreg [dreg:$0xd];
	[sflag:s30] =	ssyncadd.s32 $0xFFFFE000  }
0x12d: {  	[spmem:s2] =	stream.indirect.scatter.add.f32 [tilespmem:s22], [sflag:$0xA], $0x80, s7, s14, $0xb8;
	[tilespmem:$0x1F400] =	vst v63  }
0x12e: {  	_ =	swait.ge [sflag:s31], $0x2000  }
0x12f: {  	[sflag:s31] =	ssyncset.done $0x0  }
0x130: {  	s8 =	rddreg [dreg:$0xe];
	[sflag:s31] =	ssyncadd.s32 $0xFFFFE000  }
0x131: {  	[tilespmem:s20], [sflag:$0x4] =	stream.indirect.gather [hbm4b:s4+s14], $0x80, s8, s14, $0xb8;
	[tilespmem:$0x1F400] =	vst v63  }
0x132: {  	_ =	swait.ge [sflag:s21], $0x2000  }
0x133: {  	[sflag:s21] =	ssyncset.done $0x0  }
0x134: {  	s9 =	rddreg [dreg:$0xf];
	[sflag:s21] =	ssyncadd.s32 $0xFFFFE000  }
0x135: {  	[spmem:s2] =	stream.indirect.scatter.add.f32 [tilespmem:s15], [sflag:$0x6], $0x80, s9, s14, $0xb8;
	[tilespmem:$0x1F400] =	vst v63  }
0x136: {  	_ =	swait.ge [sflag:s1], $0x2000  }
0x137: {  	[sflag:s1] =	ssyncset.done $0x0  }
0x138: {  	s7 =	rddreg [dreg:$0x10];
	[sflag:s1] =	ssyncadd.s32 $0xFFFFE000  }
0x139: {  	[tilespmem:s22], [sflag:$0x5] =	stream.indirect.gather [hbm4b:s4+s14], $0x80, s7, s14, $0xb8;
	[tilespmem:$0x1F400] =	vst v63  }
0x13a: {  	_ =	swait.ge [sflag:s23], $0x2000  }
0x13b: {  	[sflag:s23] =	ssyncset.done $0x0  }
0x13c: {  	s8 =	rddreg [dreg:$0x11];
	[sflag:s23] =	ssyncadd.s32 $0xFFFFE000  }
0x13d: {  	[spmem:s2] =	stream.indirect.scatter.add.f32 [tilespmem:s17], [sflag:$0x7], $0x80, s8, s14, $0xb8;
	[tilespmem:$0x1F400] =	vst v63  }
0x13e: {  	_ =	swait.ge [sflag:s24], $0x2000  }
0x13f: {  	[sflag:s24] =	ssyncset.done $0x0  }
0x140: {  	s9 =	rddreg [dreg:$0x12];
	[sflag:s24] =	ssyncadd.s32 $0xFFFFE000  }
0x141: {  	[tilespmem:s15], [sflag:$0x1] =	stream.indirect.gather [hbm4b:s4+s14], $0x80, s9, s14, $0xb8;
	[tilespmem:$0x1F400] =	vst v63  }
0x142: {  	_ =	swait.ge [sflag:s25], $0x2000  }
0x143: {  	[sflag:s25] =	ssyncset.done $0x0  }
0x144: {  	s7 =	rddreg [dreg:$0x13];
	[sflag:s25] =	ssyncadd.s32 $0xFFFFE000  }
0x145: {  	[spmem:s2] =	stream.indirect.scatter.add.f32 [tilespmem:s19], [sflag:$0x8], $0x80, s7, s14, $0xb8;
	[tilespmem:$0x1F400] =	vst v63  }
0x146: {  	_ =	swait.ge [sflag:s26], $0x2000  }
0x147: {  	[sflag:s26] =	ssyncset.done $0x0  }
0x148: {  	s8 =	rddreg [dreg:$0x14];
	[sflag:s26] =	ssyncadd.s32 $0xFFFFE000  }
0x149: {  	[tilespmem:s17], [sflag:$0x2] =	stream.indirect.gather [hbm4b:s4+s14], $0x80, s8, s14, $0xb8;
	[tilespmem:$0x1F400] =	vst v63  }
0x14a: {  	_ =	swait.ge [sflag:s28], $0x2000  }
0x14b: {  	[sflag:s28] =	ssyncset.done $0x0  }
0x14c: {  	s9 =	rddreg [dreg:$0x15];
	[sflag:s28] =	ssyncadd.s32 $0xFFFFE000  }
0x14d: {  	[spmem:s2] =	stream.indirect.scatter.add.f32 [tilespmem:s20], [sflag:$0x9], $0x80, s9, s14, $0xb8;
	[tilespmem:$0x1F400] =	vst v63  }
0x14e: {  	_ =	swait.ge [sflag:s29], $0x2000  }
0x14f: {  	[sflag:s29] =	ssyncset.done $0x0  }
0x150: {  	s7 =	rddreg [dreg:$0x16];
	[sflag:s29] =	ssyncadd.s32 $0xFFFFE000  }
0x151: {  	[tilespmem:s19], [sflag:$0x3] =	stream.indirect.gather [hbm4b:s4+s14], $0x80, s7, s14, $0xb8;
	[tilespmem:$0x1F400] =	vst v63  }
0x152: {  	_ =	swait.ge [sflag:s30], $0x2000  }
0x153: {  	[sflag:s30] =	ssyncset.done $0x0  }
0x154: {  	s8 =	rddreg [dreg:$0x17];
	[sflag:s30] =	ssyncadd.s32 $0xFFFFE000  }
0x155: {  	[spmem:s2] =	stream.indirect.scatter.add.f32 [tilespmem:s22], [sflag:$0xA], $0x80, s8, s14, $0xb8;
	[tilespmem:$0x1F400] =	vst v63  }
0x156: {  	_ =	swait.ge [sflag:s31], $0x2000  }
0x157: {  	[sflag:s31] =	ssyncset.done $0x0  }
0x158: {  	s9 =	rddreg [dreg:$0x18];
	[sflag:s31] =	ssyncadd.s32 $0xFFFFE000  }
0x159: {  	[tilespmem:s20], [sflag:$0x4] =	stream.indirect.gather [hbm4b:s4+s14], $0x80, s9, s14, $0xb8;
	[tilespmem:$0x1F400] =	vst v63  }
0x15a: {  	_ =	swait.ge [sflag:s21], $0x2000  }
0x15b: {  	[sflag:s21] =	ssyncset.done $0x0  }
0x15c: {  	s7 =	rddreg [dreg:$0x19];
	[sflag:s21] =	ssyncadd.s32 $0xFFFFE000  }
0x15d: {  	[spmem:s2] =	stream.indirect.scatter.add.f32 [tilespmem:s15], [sflag:$0x6], $0x80, s7, s14, $0xb8;
	[tilespmem:$0x1F400] =	vst v63  }
0x15e: {  	_ =	swait.ge [sflag:s1], $0x2000  }
0x15f: {  	[sflag:s1] =	ssyncset.done $0x0  }
0x160: {  	s8 =	rddreg [dreg:$0x1a];
	[sflag:s1] =	ssyncadd.s32 $0xFFFFE000  }
0x161: {  	[tilespmem:s22], [sflag:$0x5] =	stream.indirect.gather [hbm4b:s4+s14], $0x80, s8, s14, $0xb8;
	[tilespmem:$0x1F400] =	vst v63  }
0x162: {  	_ =	swait.ge [sflag:s23], $0x2000  }
0x163: {  	[sflag:s23] =	ssyncset.done $0x0  }
0x164: {  	s9 =	rddreg [dreg:$0x1b];
	[sflag:s23] =	ssyncadd.s32 $0xFFFFE000  }
0x165: {  	[spmem:s2] =	stream.indirect.scatter.add.f32 [tilespmem:s17], [sflag:$0x7], $0x80, s9, s14, $0xb8;
	[tilespmem:$0x1F400] =	vst v63  }
0x166: {  	_ =	swait.ge [sflag:s24], $0x2000  }
0x167: {  	[sflag:s24] =	ssyncset.done $0x0  }
0x168: {  	s7 =	rddreg [dreg:$0x1c];
	[sflag:s24] =	ssyncadd.s32 $0xFFFFE000  }
0x169: {  	[tilespmem:s15], [sflag:$0x1] =	stream.indirect.gather [hbm4b:s4+s14], $0x80, s7, s14, $0xb8;
	[tilespmem:$0x1F400] =	vst v63  }
0x16a: {  	_ =	swait.ge [sflag:s25], $0x2000  }
0x16b: {  	[sflag:s25] =	ssyncset.done $0x0  }
0x16c: {  	s8 =	rddreg [dreg:$0x1d];
	[sflag:s25] =	ssyncadd.s32 $0xFFFFE000  }
0x16d: {  	[spmem:s2] =	stream.indirect.scatter.add.f32 [tilespmem:s19], [sflag:$0x8], $0x80, s8, s14, $0xb8;
	[tilespmem:$0x1F400] =	vst v63  }
0x16e: {  	_ =	swait.ge [sflag:s26], $0x2000  }
0x16f: {  	[sflag:s26] =	ssyncset.done $0x0  }
0x170: {  	s9 =	rddreg [dreg:$0x1e];
	[sflag:s26] =	ssyncadd.s32 $0xFFFFE000  }
0x171: {  	[tilespmem:s17], [sflag:$0x2] =	stream.indirect.gather [hbm4b:s4+s14], $0x80, s9, s14, $0xb8;
	[tilespmem:$0x1F400] =	vst v63  }
0x172: {  	_ =	swait.ge [sflag:s28], $0x2000  }
0x173: {  	[sflag:s28] =	ssyncset.done $0x0  }
0x174: {  	s7 =	rddreg [dreg:$0x1f];
	[sflag:s28] =	ssyncadd.s32 $0xFFFFE000  }
0x175: {  	[spmem:s2] =	stream.indirect.scatter.add.f32 [tilespmem:s20], [sflag:$0x9], $0x80, s7, s14, $0xb8;
	[tilespmem:$0x1F400] =	vst v63  }
0x176: {  	_ =	swait.ge [sflag:s29], $0x2000  }
0x177: {  	s8 =	sld [smem:$0x7F6]  }
0x178: {  	[sflag:s29] =	ssyncset.done $0x0  }
0x179: {  	[sflag:s29] =	ssyncadd.s32 $0xFFFFE000  }
0x17a: {  	[tilespmem:s19], [sflag:$0x3] =	stream.indirect.gather [hbm4b:s4+s14], $0x80, s8, s14, $0xb8;
	[tilespmem:$0x1F400] =	vst v63  }
0x17b: {  	_ =	swait.ge [sflag:s30], $0x2000  }
0x17c: {  	s9 =	sld [smem:$0x7F7]  }
0x17d: {  	[sflag:s30] =	ssyncset.done $0x0  }
0x17e: {  	[sflag:s30] =	ssyncadd.s32 $0xFFFFE000  }
0x17f: {  	[spmem:s2] =	stream.indirect.scatter.add.f32 [tilespmem:s22], [sflag:$0xA], $0x80, s9, s14, $0xb8;
	[tilespmem:$0x1F400] =	vst v63  }
0x180: {  	_ =	swait.ge [sflag:s31], $0x2000  }
0x181: {  	s7 =	sld [smem:$0x7F8]  }
0x182: {  	[sflag:s31] =	ssyncset.done $0x0  }
0x183: {  	[sflag:s31] =	ssyncadd.s32 $0xFFFFE000  }
0x184: {  	[tilespmem:s20], [sflag:$0x4] =	stream.indirect.gather [hbm4b:s4+s14], $0x80, s7, s14, $0xb8;
	[tilespmem:$0x1F400] =	vst v63  }
0x185: {  	_ =	swait.ge [sflag:s21], $0x2000  }
0x186: {  	s8 =	sld [smem:$0x7F9]  }
0x187: {  	[sflag:s21] =	ssyncset.done $0x0  }
0x188: {  	[sflag:s21] =	ssyncadd.s32 $0xFFFFE000  }
0x189: {  	[spmem:s2] =	stream.indirect.scatter.add.f32 [tilespmem:s15], [sflag:$0x6], $0x80, s8, s14, $0xb8;
	[tilespmem:$0x1F400] =	vst v63  }
0x18a: {  	_ =	swait.ge [sflag:s1], $0x2000  }
0x18b: {  	s9 =	sld [smem:$0x7FA]  }
0x18c: {  	[sflag:s1] =	ssyncset.done $0x0  }
0x18d: {  	[sflag:s1] =	ssyncadd.s32 $0xFFFFE000  }
0x18e: {  	[tilespmem:s22], [sflag:$0x5] =	stream.indirect.gather [hbm4b:s4+s14], $0x80, s9, s14, $0xb8;
	[tilespmem:$0x1F400] =	vst v63  }
0x18f: {  	_ =	swait.ge [sflag:s23], $0x2000  }
0x190: {  	s7 =	sld [smem:$0x7FB]  }
0x191: {  	[sflag:s23] =	ssyncset.done $0x0  }
0x192: {  	[sflag:s23] =	ssyncadd.s32 $0xFFFFE000  }
0x193: {  	[spmem:s2] =	stream.indirect.scatter.add.f32 [tilespmem:s17], [sflag:$0x7], $0x80, s7, s14, $0xb8;
	[tilespmem:$0x1F400] =	vst v63  }
0x194: {  	_ =	swait.ge [sflag:s25], $0x2000  }
0x195: {  	s8 =	sld [smem:$0x7FC]  }
0x196: {  	[sflag:s25] =	ssyncset.done $0x0  }
0x197: {  	[sflag:s25] =	ssyncadd.s32 $0xFFFFE000  }
0x198: {  	[spmem:s2] =	stream.indirect.scatter.add.f32 [tilespmem:s19], [sflag:$0x8], $0x80, s8, s14, $0xb8;
	[tilespmem:$0x1F400] =	vst v63  }
0x199: {  	_ =	swait.ge [sflag:s28], $0x2000  }
0x19a: {  	s9 =	sld [smem:$0x7FD]  }
0x19b: {  	[sflag:s28] =	ssyncset.done $0x0  }
0x19c: {  	[sflag:s28] =	ssyncadd.s32 $0xFFFFE000  }
0x19d: {  	[spmem:s2] =	stream.indirect.scatter.add.f32 [tilespmem:s20], [sflag:$0x9], $0x80, s9, s14, $0xb8;
	[tilespmem:$0x1F400] =	vst v63  }
0x19e: {  	_ =	swait.ge [sflag:s30], $0x2000  }
0x19f: {  	[sflag:s30] =	ssyncset.done $0x0  }
0x1a0: {  	[sflag:s30] =	ssyncadd.s32 $0xFFFFE000  }
0x1a1: {  	[spmem:s2] =	stream.indirect.scatter.add.f32 [tilespmem:s22], [sflag:$0xA], $0x80, s0, s14, $0xb8;
	[tilespmem:$0x1F400] =	vst v63  }
0x1a2: {  	_ =	swait.ge [sflag:s24], $0x2000  }
0x1a3: {  	[sflag:s24] =	ssyncset.done $0x0  }
0x1a4: {  	[sflag:s24] =	ssyncadd.s32 $0xFFFFE000  }
0x1a5: {  	_ =	swait.ge [sflag:s26], $0x2000  }
0x1a6: {  	[sflag:s26] =	ssyncset.done $0x0  }
0x1a7: {  	[sflag:s26] =	ssyncadd.s32 $0xFFFFE000  }
0x1a8: {  	_ =	swait.ge [sflag:s29], $0x2000  }
0x1a9: {  	s6 =	sadd.s32 $0x180, s6;
	[sflag:s29] =	ssyncset.done $0x0  }
0x1aa: {  	p0 =	sne.s32 s6, $0xC00;
	[sflag:s29] =	ssyncadd.s32 $0xFFFFE000  }
.Ltmp0:
0x1ab: {  	_ =	swait.ge [sflag:s31], $0x2000;
	(pc) =	sbr.rel @p0 .LBB2_2-.Ltmp0, $4  }
0x1ac: {  	[sflag:s31] =	ssyncset.done $0x0  }
0x1ad: {  	[sflag:s31] =	ssyncadd.s32 $0xFFFFE000  }
0x1ae: {  	_ =	swait.ge [sflag:s1], $0x2000  }
0x1af: {  	s7 =	rddreg [dreg:$0x4];
	[sflag:s1] =	ssyncset.done $0x0  }
0x1b0: {  	[sflag:s1] =	ssyncadd.s32 $0xFFFFE000;
	p0 =	seq.s32 s18, $0x0  }
0x1b1: {  	s5 =	sadd.s32 @!p0 s18, s7;
	s6 =	simm.s32 @!p0 $0x0;
	s7 =	simm.s32 @!p0 $0xB  }
0x1b2: {  	[tilespmem:s6], [sflag:$0xB] =	stream.linear.gather @!p0 [hbm4b:s5+s6], $0xA00, $0x38;
	[tilespmem:$0x1F400] =	vst v63  }
0x1b3: {  	_ =	swait.ge @!p0 [sflag:s7], $0xA00  }
0x1b4: {  	s5 =	rddreg [dreg:$0x3];
	[sflag:s7] =	ssyncset.done @!p0 $0x0  }
0x1b5: {  	s8 =	simm.s32 @!p0 $0xC00;
	[sflag:s7] =	ssyncadd.s32 @!p0 $0xFFFFF600;
	s5 =	sadd.s32 @!p0 s18, s5  }
0x1b6: {  	[tilespmem:s8], [sflag:$0xB] =	stream.linear.gather @!p0 [hbm4b:s5+s6], $0xA00, $0x38;
	[tilespmem:$0x1F400] =	vst v63  }
0x1b7: {  	_ =	swait.ge @!p0 [sflag:s7], $0xA00  }
0x1b8: {  	[sflag:s7] =	ssyncset.done @!p0 $0x0  }
0x1b9: {  	s5 =	simm.s32 @!p0 $0x40;
	[sflag:s7] =	ssyncadd.s32 @!p0 $0xFFFFF600;
	s7 =	simm.s32 @!p0 $0x1800  }
0x1ba: {  	[tilespmem:s7], [sflag:$0x1] =	stream.indirect.gather @!p0 [hbm4b:s4+s5], $0x80, s6, s5, $0xb8;
	[tilespmem:$0x1F400] =	vst v63  }
0x1bb: {  	s6 =	simm.s32 @!p0 $0x80;
	s7 =	simm.s32 @!p0 $0x3800  }
0x1bc: {  	[tilespmem:s7], [sflag:$0x2] =	stream.indirect.gather @!p0 [hbm4b:s4+s5], $0x80, s6, s5, $0xb8;
	[tilespmem:$0x1F400] =	vst v63  }
0x1bd: {  	s6 =	simm.s32 @!p0 $0x100;
	s7 =	simm.s32 @!p0 $0x5800  }
0x1be: {  	[tilespmem:s7], [sflag:$0x3] =	stream.indirect.gather @!p0 [hbm4b:s4+s5], $0x80, s6, s5, $0xb8;
	[tilespmem:$0x1F400] =	vst v63  }
0x1bf: {  	s9 =	rddreg [dreg:$0x5]  }
0x1c0: {  	[tilespmem:s20], [sflag:$0x4] =	stream.indirect.gather [hbm4b:s4+s14], $0x80, s9, s14, $0xb8;
	[tilespmem:$0x1F400] =	vst v63  }
0x1c1: {  	_ =	swait.ge [sflag:s21], $0x2000  }
0x1c2: {  	[sflag:s21] =	ssyncset.done $0x0  }
0x1c3: {  	[sflag:s21] =	ssyncadd.s32 $0xFFFFE000  }
0x1c4: {  	[spmem:s2] =	stream.indirect.scatter.add.f32 [tilespmem:s15], [sflag:$0x6], $0x80, s13, s14, $0xb8;
	[tilespmem:$0x1F400] =	vst v63  }
0x1c5: {  	s18 =	rddreg [dreg:$0x6]  }
0x1c6: {  	[tilespmem:s22], [sflag:$0x5] =	stream.indirect.gather [hbm4b:s4+s14], $0x80, s18, s14, $0xb8;
	[tilespmem:$0x1F400] =	vst v63  }
0x1c7: {  	_ =	swait.ge [sflag:s23], $0x2000  }
0x1c8: {  	[sflag:s23] =	ssyncset.done $0x0  }
0x1c9: {  	s6 =	rddreg [dreg:$0x7];
	[sflag:s23] =	ssyncadd.s32 $0xFFFFE000  }
0x1ca: {  	[spmem:s2] =	stream.indirect.scatter.add.f32 [tilespmem:s17], [sflag:$0x7], $0x80, s6, s14, $0xb8;
	[tilespmem:$0x1F400] =	vst v63  }
0x1cb: {  	_ =	swait.ge [sflag:s24], $0x2000  }
0x1cc: {  	[sflag:s24] =	ssyncset.done $0x0  }
0x1cd: {  	s7 =	rddreg [dreg:$0x8];
	[sflag:s24] =	ssyncadd.s32 $0xFFFFE000  }
0x1ce: {  	[tilespmem:s15], [sflag:$0x1] =	stream.indirect.gather [hbm4b:s4+s14], $0x80, s7, s14, $0xb8;
	[tilespmem:$0x1F400] =	vst v63  }
0x1cf: {  	_ =	swait.ge [sflag:s25], $0x2000  }
0x1d0: {  	[sflag:s25] =	ssyncset.done $0x0  }
0x1d1: {  	s8 =	rddreg [dreg:$0x9];
	[sflag:s25] =	ssyncadd.s32 $0xFFFFE000  }
0x1d2: {  	[spmem:s2] =	stream.indirect.scatter.add.f32 [tilespmem:s19], [sflag:$0x8], $0x80, s8, s14, $0xb8;
	[tilespmem:$0x1F400] =	vst v63  }
0x1d3: {  	_ =	swait.ge [sflag:s26], $0x2000  }
0x1d4: {  	[sflag:s26] =	ssyncset.done $0x0  }
0x1d5: {  	s9 =	rddreg [dreg:$0xa];
	[sflag:s26] =	ssyncadd.s32 $0xFFFFE000  }
0x1d6: {  	[tilespmem:s17], [sflag:$0x2] =	stream.indirect.gather [hbm4b:s4+s14], $0x80, s9, s14, $0xb8;
	[tilespmem:$0x1F400] =	vst v63  }
0x1d7: {  	_ =	swait.ge [sflag:s28], $0x2000  }
0x1d8: {  	[sflag:s28] =	ssyncset.done $0x0  }
0x1d9: {  	s18 =	rddreg [dreg:$0xb];
	[sflag:s28] =	ssyncadd.s32 $0xFFFFE000  }
0x1da: {  	[spmem:s2] =	stream.indirect.scatter.add.f32 [tilespmem:s20], [sflag:$0x9], $0x80, s18, s14, $0xb8;
	[tilespmem:$0x1F400] =	vst v63  }
0x1db: {  	_ =	swait.ge [sflag:s29], $0x2000  }
0x1dc: {  	[sflag:s29] =	ssyncset.done $0x0  }
0x1dd: {  	s6 =	rddreg [dreg:$0xc];
	[sflag:s29] =	ssyncadd.s32 $0xFFFFE000  }
0x1de: {  	[tilespmem:s19], [sflag:$0x3] =	stream.indirect.gather [hbm4b:s4+s14], $0x80, s6, s14, $0xb8;
	[tilespmem:$0x1F400] =	vst v63  }
0x1df: {  	_ =	swait.ge [sflag:s30], $0x2000  }
0x1e0: {  	[sflag:s30] =	ssyncset.done $0x0  }
0x1e1: {  	s7 =	rddreg [dreg:$0xd];
	[sflag:s30] =	ssyncadd.s32 $0xFFFFE000  }
0x1e2: {  	[spmem:s2] =	stream.indirect.scatter.add.f32 [tilespmem:s22], [sflag:$0xA], $0x80, s7, s14, $0xb8;
	[tilespmem:$0x1F400] =	vst v63  }
0x1e3: {  	_ =	swait.ge [sflag:s31], $0x2000  }
0x1e4: {  	[sflag:s31] =	ssyncset.done $0x0  }
0x1e5: {  	s8 =	rddreg [dreg:$0xe];
	[sflag:s31] =	ssyncadd.s32 $0xFFFFE000  }
0x1e6: {  	[tilespmem:s20], [sflag:$0x4] =	stream.indirect.gather [hbm4b:s4+s14], $0x80, s8, s14, $0xb8;
	[tilespmem:$0x1F400] =	vst v63  }
0x1e7: {  	_ =	swait.ge [sflag:s21], $0x2000  }
0x1e8: {  	[sflag:s21] =	ssyncset.done $0x0  }
0x1e9: {  	s9 =	rddreg [dreg:$0xf];
	[sflag:s21] =	ssyncadd.s32 $0xFFFFE000  }
0x1ea: {  	[spmem:s2] =	stream.indirect.scatter.add.f32 [tilespmem:s15], [sflag:$0x6], $0x80, s9, s14, $0xb8;
	[tilespmem:$0x1F400] =	vst v63  }
0x1eb: {  	_ =	swait.ge [sflag:s1], $0x2000  }
0x1ec: {  	[sflag:s1] =	ssyncset.done $0x0  }
0x1ed: {  	s18 =	rddreg [dreg:$0x10];
	[sflag:s1] =	ssyncadd.s32 $0xFFFFE000  }
0x1ee: {  	[tilespmem:s22], [sflag:$0x5] =	stream.indirect.gather [hbm4b:s4+s14], $0x80, s18, s14, $0xb8;
	[tilespmem:$0x1F400] =	vst v63  }
0x1ef: {  	_ =	swait.ge [sflag:s23], $0x2000  }
0x1f0: {  	[sflag:s23] =	ssyncset.done $0x0  }
0x1f1: {  	s6 =	rddreg [dreg:$0x11];
	[sflag:s23] =	ssyncadd.s32 $0xFFFFE000  }
0x1f2: {  	[spmem:s2] =	stream.indirect.scatter.add.f32 [tilespmem:s17], [sflag:$0x7], $0x80, s6, s14, $0xb8;
	[tilespmem:$0x1F400] =	vst v63  }
0x1f3: {  	_ =	swait.ge [sflag:s24], $0x2000  }
0x1f4: {  	[sflag:s24] =	ssyncset.done $0x0  }
0x1f5: {  	s7 =	rddreg [dreg:$0x12];
	[sflag:s24] =	ssyncadd.s32 $0xFFFFE000  }
0x1f6: {  	[tilespmem:s15], [sflag:$0x1] =	stream.indirect.gather [hbm4b:s4+s14], $0x80, s7, s14, $0xb8;
	[tilespmem:$0x1F400] =	vst v63  }
0x1f7: {  	_ =	swait.ge [sflag:s25], $0x2000  }
0x1f8: {  	[sflag:s25] =	ssyncset.done $0x0  }
0x1f9: {  	s8 =	rddreg [dreg:$0x13];
	[sflag:s25] =	ssyncadd.s32 $0xFFFFE000  }
0x1fa: {  	[spmem:s2] =	stream.indirect.scatter.add.f32 [tilespmem:s19], [sflag:$0x8], $0x80, s8, s14, $0xb8;
	[tilespmem:$0x1F400] =	vst v63  }
0x1fb: {  	_ =	swait.ge [sflag:s26], $0x2000  }
0x1fc: {  	[sflag:s26] =	ssyncset.done $0x0  }
0x1fd: {  	s9 =	rddreg [dreg:$0x14];
	[sflag:s26] =	ssyncadd.s32 $0xFFFFE000  }
0x1fe: {  	[tilespmem:s17], [sflag:$0x2] =	stream.indirect.gather [hbm4b:s4+s14], $0x80, s9, s14, $0xb8;
	[tilespmem:$0x1F400] =	vst v63  }
0x1ff: {  	_ =	swait.ge [sflag:s28], $0x2000  }
0x200: {  	[sflag:s28] =	ssyncset.done $0x0  }
0x201: {  	s18 =	rddreg [dreg:$0x15];
	[sflag:s28] =	ssyncadd.s32 $0xFFFFE000  }
0x202: {  	[spmem:s2] =	stream.indirect.scatter.add.f32 [tilespmem:s20], [sflag:$0x9], $0x80, s18, s14, $0xb8;
	[tilespmem:$0x1F400] =	vst v63  }
0x203: {  	_ =	swait.ge [sflag:s29], $0x2000  }
0x204: {  	[sflag:s29] =	ssyncset.done $0x0  }
0x205: {  	s6 =	rddreg [dreg:$0x16];
	[sflag:s29] =	ssyncadd.s32 $0xFFFFE000  }
0x206: {  	[tilespmem:s19], [sflag:$0x3] =	stream.indirect.gather [hbm4b:s4+s14], $0x80, s6, s14, $0xb8;
	[tilespmem:$0x1F400] =	vst v63  }
0x207: {  	_ =	swait.ge [sflag:s30], $0x2000  }
0x208: {  	[sflag:s30] =	ssyncset.done $0x0  }
0x209: {  	s7 =	rddreg [dreg:$0x17];
	[sflag:s30] =	ssyncadd.s32 $0xFFFFE000  }
0x20a: {  	[spmem:s2] =	stream.indirect.scatter.add.f32 [tilespmem:s22], [sflag:$0xA], $0x80, s7, s14, $0xb8;
	[tilespmem:$0x1F400] =	vst v63  }
0x20b: {  	_ =	swait.ge [sflag:s31], $0x2000  }
0x20c: {  	[sflag:s31] =	ssyncset.done $0x0  }
0x20d: {  	s8 =	rddreg [dreg:$0x18];
	[sflag:s31] =	ssyncadd.s32 $0xFFFFE000  }
0x20e: {  	[tilespmem:s20], [sflag:$0x4] =	stream.indirect.gather [hbm4b:s4+s14], $0x80, s8, s14, $0xb8;
	[tilespmem:$0x1F400] =	vst v63  }
0x20f: {  	_ =	swait.ge [sflag:s21], $0x2000  }
0x210: {  	[sflag:s21] =	ssyncset.done $0x0  }
0x211: {  	s9 =	rddreg [dreg:$0x19];
	[sflag:s21] =	ssyncadd.s32 $0xFFFFE000  }
0x212: {  	[spmem:s2] =	stream.indirect.scatter.add.f32 [tilespmem:s15], [sflag:$0x6], $0x80, s9, s14, $0xb8;
	[tilespmem:$0x1F400] =	vst v63  }
0x213: {  	_ =	swait.ge [sflag:s1], $0x2000  }
0x214: {  	[sflag:s1] =	ssyncset.done $0x0  }
0x215: {  	s18 =	rddreg [dreg:$0x1a];
	[sflag:s1] =	ssyncadd.s32 $0xFFFFE000  }
0x216: {  	[tilespmem:s22], [sflag:$0x5] =	stream.indirect.gather [hbm4b:s4+s14], $0x80, s18, s14, $0xb8;
	[tilespmem:$0x1F400] =	vst v63  }
0x217: {  	_ =	swait.ge [sflag:s23], $0x2000  }
0x218: {  	[sflag:s23] =	ssyncset.done $0x0  }
0x219: {  	s6 =	rddreg [dreg:$0x1b];
	[sflag:s23] =	ssyncadd.s32 $0xFFFFE000  }
0x21a: {  	[spmem:s2] =	stream.indirect.scatter.add.f32 [tilespmem:s17], [sflag:$0x7], $0x80, s6, s14, $0xb8;
	[tilespmem:$0x1F400] =	vst v63  }
0x21b: {  	_ =	swait.ge [sflag:s24], $0x2000  }
0x21c: {  	[sflag:s24] =	ssyncset.done $0x0  }
0x21d: {  	s7 =	rddreg [dreg:$0x1c];
	[sflag:s24] =	ssyncadd.s32 $0xFFFFE000  }
0x21e: {  	[tilespmem:s15], [sflag:$0x1] =	stream.indirect.gather [hbm4b:s4+s14], $0x80, s7, s14, $0xb8;
	[tilespmem:$0x1F400] =	vst v63  }
0x21f: {  	_ =	swait.ge [sflag:s25], $0x2000  }
0x220: {  	[sflag:s25] =	ssyncset.done $0x0  }
0x221: {  	s8 =	rddreg [dreg:$0x1d];
	[sflag:s25] =	ssyncadd.s32 $0xFFFFE000  }
0x222: {  	[spmem:s2] =	stream.indirect.scatter.add.f32 [tilespmem:s19], [sflag:$0x8], $0x80, s8, s14, $0xb8;
	[tilespmem:$0x1F400] =	vst v63  }
0x223: {  	_ =	swait.ge [sflag:s26], $0x2000  }
0x224: {  	[sflag:s26] =	ssyncset.done $0x0  }
0x225: {  	s9 =	rddreg [dreg:$0x1e];
	[sflag:s26] =	ssyncadd.s32 $0xFFFFE000  }
0x226: {  	[tilespmem:s17], [sflag:$0x2] =	stream.indirect.gather [hbm4b:s4+s14], $0x80, s9, s14, $0xb8;
	[tilespmem:$0x1F400] =	vst v63  }
0x227: {  	_ =	swait.ge [sflag:s28], $0x2000  }
0x228: {  	[sflag:s28] =	ssyncset.done $0x0  }
0x229: {  	s18 =	rddreg [dreg:$0x1f];
	[sflag:s28] =	ssyncadd.s32 $0xFFFFE000  }
0x22a: {  	[spmem:s2] =	stream.indirect.scatter.add.f32 [tilespmem:s20], [sflag:$0x9], $0x80, s18, s14, $0xb8;
	[tilespmem:$0x1F400] =	vst v63  }
0x22b: {  	_ =	swait.ge [sflag:s29], $0x2000  }
0x22c: {  	s6 =	sld [smem:$0x7F6]  }
0x22d: {  	[sflag:s29] =	ssyncset.done $0x0  }
0x22e: {  	[sflag:s29] =	ssyncadd.s32 $0xFFFFE000  }
0x22f: {  	[tilespmem:s19], [sflag:$0x3] =	stream.indirect.gather [hbm4b:s4+s14], $0x80, s6, s14, $0xb8;
	[tilespmem:$0x1F400] =	vst v63  }
0x230: {  	_ =	swait.ge [sflag:s30], $0x2000  }
0x231: {  	s7 =	sld [smem:$0x7F7]  }
0x232: {  	[sflag:s30] =	ssyncset.done $0x0  }
0x233: {  	[sflag:s30] =	ssyncadd.s32 $0xFFFFE000  }
0x234: {  	[spmem:s2] =	stream.indirect.scatter.add.f32 [tilespmem:s22], [sflag:$0xA], $0x80, s7, s14, $0xb8;
	[tilespmem:$0x1F400] =	vst v63  }
0x235: {  	_ =	swait.ge [sflag:s31], $0x2000  }
0x236: {  	s8 =	sld [smem:$0x7F8]  }
0x237: {  	[sflag:s31] =	ssyncset.done $0x0  }
0x238: {  	[sflag:s31] =	ssyncadd.s32 $0xFFFFE000  }
0x239: {  	[tilespmem:s20], [sflag:$0x4] =	stream.indirect.gather [hbm4b:s4+s14], $0x80, s8, s14, $0xb8;
	[tilespmem:$0x1F400] =	vst v63  }
0x23a: {  	_ =	swait.ge [sflag:s21], $0x2000  }
0x23b: {  	s9 =	sld [smem:$0x7F9]  }
0x23c: {  	[sflag:s21] =	ssyncset.done $0x0  }
0x23d: {  	[sflag:s21] =	ssyncadd.s32 $0xFFFFE000  }
0x23e: {  	[spmem:s2] =	stream.indirect.scatter.add.f32 [tilespmem:s15], [sflag:$0x6], $0x80, s9, s14, $0xb8;
	[tilespmem:$0x1F400] =	vst v63  }
0x23f: {  	_ =	swait.ge [sflag:s1], $0x2000  }
0x240: {  	s18 =	sld [smem:$0x7FA]  }
0x241: {  	[sflag:s1] =	ssyncset.done $0x0  }
0x242: {  	[sflag:s1] =	ssyncadd.s32 $0xFFFFE000  }
0x243: {  	[tilespmem:s22], [sflag:$0x5] =	stream.indirect.gather [hbm4b:s4+s14], $0x80, s18, s14, $0xb8;
	[tilespmem:$0x1F400] =	vst v63  }
0x244: {  	_ =	swait.ge [sflag:s23], $0x2000  }
0x245: {  	s6 =	sld [smem:$0x7FB]  }
0x246: {  	[sflag:s23] =	ssyncset.done $0x0  }
0x247: {  	[sflag:s23] =	ssyncadd.s32 $0xFFFFE000  }
0x248: {  	[spmem:s2] =	stream.indirect.scatter.add.f32 [tilespmem:s17], [sflag:$0x7], $0x80, s6, s14, $0xb8;
	[tilespmem:$0x1F400] =	vst v63  }
0x249: {  	_ =	swait.ge [sflag:s25], $0x2000  }
0x24a: {  	s7 =	sld [smem:$0x7FC]  }
0x24b: {  	[sflag:s25] =	ssyncset.done $0x0  }
0x24c: {  	[sflag:s25] =	ssyncadd.s32 $0xFFFFE000  }
0x24d: {  	[spmem:s2] =	stream.indirect.scatter.add.f32 [tilespmem:s19], [sflag:$0x8], $0x80, s7, s14, $0xb8;
	[tilespmem:$0x1F400] =	vst v63  }
0x24e: {  	_ =	swait.ge [sflag:s28], $0x2000  }
0x24f: {  	s8 =	sld [smem:$0x7FD]  }
0x250: {  	[sflag:s28] =	ssyncset.done $0x0  }
0x251: {  	[sflag:s28] =	ssyncadd.s32 $0xFFFFE000  }
0x252: {  	[spmem:s2] =	stream.indirect.scatter.add.f32 [tilespmem:s20], [sflag:$0x9], $0x80, s8, s14, $0xb8;
	[tilespmem:$0x1F400] =	vst v63  }
0x253: {  	_ =	swait.ge [sflag:s30], $0x2000  }
0x254: {  	[sflag:s30] =	ssyncset.done $0x0  }
0x255: {  	[sflag:s30] =	ssyncadd.s32 $0xFFFFE000  }
0x256: {  	[spmem:s2] =	stream.indirect.scatter.add.f32 [tilespmem:s22], [sflag:$0xA], $0x80, s0, s14, $0xb8;
	[tilespmem:$0x1F400] =	vst v63  }
0x257: {  	_ =	swait.ge [sflag:s24], $0x2000  }
0x258: {  	[sflag:s24] =	ssyncset.done $0x0  }
0x259: {  	[sflag:s24] =	ssyncadd.s32 $0xFFFFE000  }
0x25a: {  	_ =	swait.ge [sflag:s26], $0x2000  }
0x25b: {  	[sflag:s26] =	ssyncset.done $0x0  }
0x25c: {  	[sflag:s26] =	ssyncadd.s32 $0xFFFFE000  }
0x25d: {  	_ =	swait.ge [sflag:s29], $0x2000  }
0x25e: {  	[sflag:s29] =	ssyncset.done $0x0  }
0x25f: {  	[sflag:s29] =	ssyncadd.s32 $0xFFFFE000  }
0x260: {  	_ =	swait.ge [sflag:s31], $0x2000  }
0x261: {  	[sflag:s31] =	ssyncset.done $0x0  }
0x262: {  	[sflag:s31] =	ssyncadd.s32 $0xFFFFE000  }
0x263: {  	_ =	swait.ge [sflag:s1], $0x2000  }
0x264: {  	[sflag:s1] =	ssyncset.done $0x0  }
0x265: {  	[sflag:s1] =	ssyncadd.s32 $0xFFFFE000  }
0x266: {  	[bflag:$0x0] =	sbarrier.arrive $0xFFFF  }
0x267: {  	s9 =	sld [smem:$0x7F3];
	_ =	sdelay $0x2  }
0x268: {  	[hbm:s9], [sflag:s10] =	dma.local [spmem:s11], $0x2780  }
0x269: {  	_ =	swait.ge [sflag:s12], $0x2780  }
0x26a: {  	s18 =	sld [smem:$0x7F4];
	_ =	sdelay $0x1  }
0x26b: {  	s16 =	sadd.s32 $0x1, s16  }
0x26c: {  	p0 =	sne.s32 s16, s18  }
.Ltmp1:
0x26d: {  	_ = 	snop;
	(pc) =	sbr.rel @p0 .LBB2_1-.Ltmp1, $3  }
0x26e: {  	_ =	sdelay $0x1  }
0x26f: {  	[sflag:s12] =	ssyncset.done $0x0  }
0x270: {  	[sflag:s12] =	ssyncadd.s32 $0xFFFFD880  }
0x271: {  	_ =	sfence.sel $0x180000  }
0x272: {  	[bflag:$0x0] =	sbarrier.arrive $0xFFFF  }
0x273: {  	_ =	strace $0x9000004D  }
0x274: {  	s0 =	stileid.u32;
	[bflag:$0x2] =	sbarrier.arrive $0xFFFF  }
0x275: {  	p0 =	sne.s32 s0, $0x0;
	s0 =	rddreg [dreg:$0x2]  }
0x276: {  	s0 =	sadd.s32 @!p0 $0x100000, s0  }
0x277: {  	[sflag:s0] =	ssyncadd.tile.s32 @!p0 $0x1;
	_ =	shalt  }
.Lfunc_end2:
_tile_overlayer_lowered:
.L_overlay_start_2:
0x278: {  	(tag) =	ssettag $0x2  }
0x279: {  	s0 =	rddreg [dreg:$0x0];
	s2 =	stileid.u32  }
0x27a: {  	s1 =	rddreg [dreg:$0x1];
	p0 =	sne.s32 s2, $0x0  }
0x27b: {  	s3 =	rddreg [dreg:$0x2];
	[bflag:$0x3] =	sbarrier.arrive $0xFFFF;
	s2 =	simm.s32 @!p0 $0x1C0B  }
0x27c: {  	[timem:s3], [sflag:s2] =	dma.local @!p0 [hbm:s0], s1  }
0x27d: {  	s0 =	simm.s32 @!p0 $0xB  }
0x27e: {  	_ =	swait.ge @!p0 [sflag:s0], s1  }
0x27f: {  	s1 =	ssub.s32 @!p0 $0x0, s1;
	[sflag:s0] =	ssyncset.done @!p0 $0x0  }
0x280: {  	[sflag:s0] =	ssyncadd.s32 @!p0 s1  }
0x281: {  	[bflag:$0x3] =	sbarrier.arrive $0xFFFF  }
0x282: {  	_ =	shalt  }

// kernel: kernel.8.cloned.1.call-start
scs
__scs_entry_jumppad:
0x0: {  	(pc) =	sbr.rel $0x88, $3  }
0x1: {  	(tag) =	ssettag $0x0;
	lr =	simm.s32 $0x1  }
0x2: {  	[smem:$0x3F80] =	sst lr;
	_ =	strace $0xD0000000  }
0x3: {  	_ = 	snop  }
0x4: {  	_ = 	snop  }
0x5: {  	_ = 	snop  }
0x6: {  	_ = 	snop  }
0x7: {  	_ = 	snop  }
__scs_overlays_trampoline_lowered:
0x8: {  	[smem:$0x3F8F] =	sst s0  }
0x9: {  	[smem:$0x3F90] =	sst s1  }
0xa: {  	[smem:$0x3F91] =	sst s2  }
0xb: {  	[smem:$0x3F92] =	sst s3  }
0xc: {  	[smem:$0x3F93] =	sst s4  }
0xd: {  	[smem:$0x3F94] =	sst s5  }
0xe: {  	[smem:$0x3F95] =	sst s6  }
0xf: {  	[smem:$0x3F96] =	sst s7  }
0x10: {  	[smem:$0x3F97] =	sst s8  }
0x11: {  	[smem:$0x3F98] =	sst s9;
	s0 =	simm.s32 @!p0 $0x0  }
0x12: {  	s1 =	sld [smem:$0x3F7E];
	s0 =	simm.s32 @p0 $0x1  }
0x13: {  	[smem:$0x3F99] =	sst s0;
	s0 =	simm.s32 @!p1 $0x0  }
0x14: {  	s2 =	sld [smem:$0x3F7D];
	s0 =	simm.s32 @p1 $0x1  }
0x15: {  	[smem:$0x3F9A] =	sst s0;
	s0 =	simm.s32 @!p2 $0x0  }
0x16: {  	s3 =	sld [smem:$0x3FDB];
	s0 =	simm.s32 @p2 $0x1  }
0x17: {  	s4 =	simm.s32 $0x1BF5;
	[smem:$0x3F9C] =	sst s0  }
0x18: {  	s0 =	sld [smem:$0x3F7F];
	_ =	swait.ge [sflag:s4], $0x0  }
0x19: {  	s7 =	sld [smem:$0x3F80]  }
0x1a: {  	s8 =	sadd.s32 $0xFFFFE003, lr  }
0x1b: {  	s9 =	sadd.s32 $0xFFFFFEF7, lr;
	s5 =	simm.s32 $0xFFFFFFFF;
	p2 =	slt.u32 s8, $0xFFFFF086  }
0x1c: {  	p1 =	slt.u32 s9, $0xF7A;
	s5 =	simm.s32 @!p2 $0x0  }
0x1d: {  	s5 =	simm.s32 @p1 $0x1;
	p0 =	seq.s32 s7, s2  }
0x1e: {  	s7 =	smul.u32 @!p0 $0xF7A, s2;
	p2 =	seq.s32 @!p0 s5, $0x0  }
0x1f: {  	s9 =	smul.u32 $0xF7A, s1;
	s8 =	simm.s32 @!p0 $0x1BF5;
	p2 =	por !p2, p0  }
0x20: {  	[sflag:s8] =	ssyncset.s32 @!p0 $0xFFFFF086;
	s6 =	sadd.s32 @!p0 s3, s7;
	s7 =	simm.s32 @!p0 $0x108  }
0x21: {  	s3 =	sadd.s32 s3, s9;
	s6 =	sadd.s32 @!p0 $0x88, s6;
	s7 =	simm.s32 @p2 $0x1082  }
0x22: {  	[simem:s7], [sflag:s8] =	dma.local @!p0 [hbm:s6], $0xF7A  }
0x23: {  	s9 =	sor.u32 $0xD0000000, s2;
	s6 =	simm.s32 $0x108;
	_ =	swait.ge @!p0 [sflag:s8], $0x0  }
0x24: {  	s3 =	sadd.s32 $0x88, s3;
	s6 =	simm.s32 @!p1 $0x1082;
	[sflag:s4] =	ssyncset.s32 $0xFFFFF086  }
0x25: {  	[simem:s6], [sflag:s4] =	dma.local [hbm:s3], $0xF7A  }
0x26: {  	[smem:$0x3F80] =	sst s1;
	(tag) =	ssettag s2;
	_ =	strace s9  }
0x27: {  	s1 =	sld [smem:$0x3F90]  }
0x28: {  	s2 =	sld [smem:$0x3F91]  }
0x29: {  	s4 =	sld [smem:$0x3F93]  }
0x2a: {  	p0 =	seq.s32 s5, $0x0;
	s5 =	sld [smem:$0x3F94]  }
0x2b: {  	s6 =	sld [smem:$0x3F95]  }
0x2c: {  	s7 =	sld [smem:$0x3F96]  }
0x2d: {  	s3 =	simm.s32 $0x108;
	s8 =	sld [smem:$0x3F97]  }
0x2e: {  	s3 =	simm.s32 @!p0 $0x1082;
	s9 =	sld [smem:$0x3F98]  }
0x2f: {  	lr =	sadd.s32 s0, s3;
	s0 =	sld [smem:$0x3F8F]  }
0x30: {  	s3 =	sld [smem:$0x3F92]  }
0x31: {  	[smem:$0x3F9B] =	sst s10  }
0x32: {  	s10 =	sld [smem:$0x3F99];
	_ =	sdelay $0x3  }
0x33: {  	p0 =	seq.s32 s10, $0x1;
	s10 =	sld [smem:$0x3F9B];
	_ =	sdelay $0x3  }
0x34: {  	[smem:$0x3F9B] =	sst s10  }
0x35: {  	s10 =	sld [smem:$0x3F9A];
	_ =	sdelay $0x3  }
0x36: {  	p1 =	seq.s32 s10, $0x1;
	s10 =	sld [smem:$0x3F9B];
	_ =	sdelay $0x3  }
0x37: {  	[smem:$0x3F9B] =	sst s10  }
0x38: {  	s10 =	sld [smem:$0x3F9C]  }
0x39: {  	_ = 	snop;
	(pc) =	sbr.ind lr, $3  }
0x3a: {  	_ = 	snop  }
0x3b: {  	_ = 	snop  }
0x3c: {  	p2 =	seq.s32 s10, $0x1;
	s10 =	sld [smem:$0x3F9B]  }
0x3d: {  	_ =	shalt  }
0x3e: {  	_ =	shalt  }
0x3f: {  	_ =	shalt  }
0x40: {  	_ =	shalt  }
0x41: {  	_ =	shalt  }
0x42: {  	_ =	shalt  }
0x43: {  	_ =	shalt  }
0x44: {  	_ =	shalt  }
0x45: {  	_ =	shalt  }
0x46: {  	_ =	shalt  }
0x47: {  	_ =	shalt  }
0x48: {  	_ =	shalt  }
0x49: {  	_ =	shalt  }
0x4a: {  	_ =	shalt  }
0x4b: {  	_ =	shalt  }
0x4c: {  	_ =	shalt  }
0x4d: {  	_ =	shalt  }
0x4e: {  	_ =	shalt  }
0x4f: {  	_ =	shalt  }
0x50: {  	_ =	shalt  }
0x51: {  	_ =	shalt  }
0x52: {  	_ =	shalt  }
0x53: {  	_ =	shalt  }
0x54: {  	_ =	shalt  }
0x55: {  	_ =	shalt  }
0x56: {  	_ =	shalt  }
0x57: {  	_ =	shalt  }
0x58: {  	_ =	shalt  }
0x59: {  	_ =	shalt  }
0x5a: {  	_ =	shalt  }
0x5b: {  	_ =	shalt  }
0x5c: {  	_ =	shalt  }
0x5d: {  	_ =	shalt  }
0x5e: {  	_ =	shalt  }
0x5f: {  	_ =	shalt  }
0x60: {  	_ =	shalt  }
0x61: {  	_ =	shalt  }
0x62: {  	_ =	shalt  }
0x63: {  	_ =	shalt  }
0x64: {  	_ =	shalt  }
0x65: {  	_ =	shalt  }
0x66: {  	_ =	shalt  }
0x67: {  	_ =	shalt  }
0x68: {  	_ =	shalt  }
0x69: {  	_ =	shalt  }
0x6a: {  	_ =	shalt  }
0x6b: {  	_ =	shalt  }
0x6c: {  	_ =	shalt  }
0x6d: {  	_ =	shalt  }
0x6e: {  	_ =	shalt  }
0x6f: {  	_ =	shalt  }
0x70: {  	_ =	shalt  }
0x71: {  	_ =	shalt  }
0x72: {  	_ =	shalt  }
0x73: {  	_ =	shalt  }
0x74: {  	_ =	shalt  }
0x75: {  	_ =	shalt  }
0x76: {  	_ =	shalt  }
0x77: {  	_ =	shalt  }
0x78: {  	_ =	shalt  }
0x79: {  	_ =	shalt  }
0x7a: {  	_ =	shalt  }
0x7b: {  	_ =	shalt  }
0x7c: {  	_ =	shalt  }
0x7d: {  	_ =	shalt  }
0x7e: {  	_ =	shalt  }
0x7f: {  	_ =	shalt  }
0x80: {  	_ =	shalt  }
0x81: {  	_ =	shalt  }
0x82: {  	_ =	shalt  }
0x83: {  	_ =	shalt  }
0x84: {  	_ =	shalt  }
0x85: {  	_ =	shalt  }
0x86: {  	_ =	shalt  }
0x87: {  	_ =	shalt  }
.Lfunc_end0:
.L_simem_size_0:
called_computation_lowered:
.L_overlay_start_0:
0x88: {  	s2 =	sld [smem:$0x3FD9]  }
0x89: {  	s3 =	sld [smem:$0x3FFE];
	_ =	sdelay $0x1  }
0x8a: {  	s1 =	srdreg.scid  }
0x8b: {  	s0 =	sand.u32 $0x1, s1  }
0x8c: {  	s16 =	sshll.u32 s0, $0xA;
	s2 =	sadd.s32 s3, s2  }
0x8d: {  	s2 =	sadd.s32 s2, s16  }
0x8e: {  	[smem:$0x3FA7] =	sst s2  }
0x8f: {  	_ = 	snop  }
0x90: {  	(tm) =	ssettm $0x1  }
0x91: {  	s17 =	sld [smem:$0x3FFB];
	_ =	sdelay $0x3  }
0x92: {  	_ =	strace s17  }
0x93: {  	s2 =	sld [smem:$0x3FFC];
	_ =	sdelay $0x3  }
0x94: {  	_ =	strace s2  }
0x95: {  	s2 =	sld [smem:$0x3FFD];
	_ =	sdelay $0x3  }
0x96: {  	_ =	strace s2  }
0x97: {  	_ =	strace $0x8FFFFFFF  }
0x98: {  	s18 =	sld [smem:$0x3FDB];
	_ =	sdelay $0x1  }
0x99: {  	s19 =	simm.s32 $_scs_section_size  }
0x9a: {  	s4 =	simm.s32 $_size__tile_overlayer_lowered;
	s5 =	simm.s32 $_tile_overlayer_lowered  }
0x9b: {  	s22 =	simm.s32 $0x1BFF;
	s21 =	sshll.u32 s5, $0x1;
	s2 =	sadd.s32 s19, s18  }
0x9c: {  	s6 =	simm.s32 $0x0;
	s20 =	sshll.u32 s4, $0x1;
	s4 =	sadd.s32 s21, s2  }
0x9d: {  	[timem:s6], [sflag:s22] =	dma.local [hbm:s4], s20  }
0x9e: {  	_ =	swait.ge [sflag:s22], s20  }
0x9f: {  	s3 =	ssub.s32 $0x0, s20;
	[sflag:s22] =	ssyncset.done $0x0  }
0xa0: {  	[sflag:s22] =	ssyncadd.s32 s3;
	_ =	sdelay $0x1  }
0xa1: {  	s23 =	simm.s32 $0x1B8B  }
0xa2: {  	_ =	swait.ge [sflag:s23], $0x1  }
0xa3: {  	[sflag:s23] =	ssyncset.done $0x0  }
0xa4: {  	s25 =	simm.s32 $0x1B8E;
	s24 =	sld [smem:$0x3FFE];
	[sflag:s23] =	ssyncadd.s32 $0xFFFFFFFF  }
0xa5: {  	s26 =	simm.s32 $execute0_lowered;
	[smem:$0x3FD2] =	sst s25  }
0xa6: {  	s4 =	sshll.u32 s26, $0x1;
	_ =	strace $0x80000046;
	[dreg:$0x1] =	wrdreg $0xFFFFFFFF  }
0xa7: {  	s28 =	simm.s32 $_size_execute0_lowered;
	s2 =	sadd.s32 s2, s4;
	[dreg:$0x0] =	wrdreg $0x0  }
0xa8: {  	s4 =	sshll.u32 s28, $0x1;
	[dreg:$0x2] =	wrdreg s2  }
0xa9: {  	[dreg:$0x3] =	wrdreg s4  }
0xaa: {  	[dreg:$0x4] =	wrdreg $0xC0  }
0xab: {  	_ =	task [dreg:s6], $0x5FFFF  }
0xac: {  	[dreg:$0x1] =	wrdreg $0xFFFFFFFF  }
0xad: {  	[dreg:$0x0] =	wrdreg $0x60  }
0xae: {  	[dreg:$0x2] =	wrdreg s24  }
0xaf: {  	[dreg:$0x3] =	wrdreg $0xB8000  }
0xb0: {  	[dreg:$0x4] =	wrdreg $0x9  }
0xb1: {  	_ =	task.clear_ibuf [dreg:s6], $0x5FFFF;
	_ =	strace $0x90000046  }
0xb2: {  	s29 =	simm.s32 $0x9;
	_ =	strace $0x80000048  }
0xb3: {  	_ =	swait.ge [sflag:s29], $0x1  }
0xb4: {  	[sflag:s29] =	ssyncadd.s32 $0xFFFFFFFF  }
0xb5: {  	_ =	strace $0x90000048  }
0xb6: {  	_ =	sfence  }
0xb7: {  	s30 =	sld [smem:$0x0];
	_ =	sdelay $0x2  }
0xb8: {  	s31 =	sshll.u32 s1, $0xD;
	s1 =	sshrl.u32 s1, $0x2  }
0xb9: {  	s3 =	sand.u32 $0x4000, s31;
	s1 =	sadd.s32 s1, s30  }
0xba: {  	s0 =	sor.u32 s3, s0;
	s1 =	sshll.u32 s1, $0x11  }
0xbb: {  	s0 =	sor.u32 s1, s0  }
0xbc: {  	s0 =	sadd.s32 $0x8F2B, s0  }
0xbd: {  	[sflag:s0] =	ssyncadd.remote.s32 $0x1  }
0xbe: {  	_ =	sfence.sel $0xFFFF  }
0xbf: {  	[dreg:$0x0] =	wrdreg $0xFFFFFFFF;
	(pc) =	sbr.abs _section_cstart, $3  }
0xc0: {  	[dreg:$0x1] =	wrdreg $0xFFFFFFFF  }
0xc1: {  	_ =	task.clear_ibuf [dreg:s6], $0x2FFFF;
	_ =	strace $0x9FFFFFFF  }
0xc2: {  	(tm) =	ssettm $0x7FFFFFFF  }
0xc3: {  	_ =	shalt  }
tec
execute0_lowered:
.L_overlay_start_1:
0x0: {  	(tag) =	ssettag $0x1  }
0x1: {  	s5 =	rddreg [dreg:$0x0]  }
0x2: {  	s2 =	rddreg [dreg:$0x1];
	s3 =	simm.s32 $0x0  }
0x3: {  	s0 =	srdreg.scid;
	s20 =	simm.s32 $0x180;
	[smem:$0x7FF] =	sst s3  }
0x4: {  	s21 =	simm.s32 $0x200;
	_ =	strace $0x80000047;
	[dreg:$0x5] =	wrdreg s20  }
0x5: {  	s14 =	stileid.u32;
	s22 =	simm.s32 $0xC80;
	[dreg:$0x6] =	wrdreg s21  }
0x6: {  	s24 =	simm.s32 $0x280;
	s26 =	simm.s32 $0xD00;
	[dreg:$0x7] =	wrdreg s22  }
0x7: {  	s13 =	simm.s32 $0xD80;
	s16 =	simm.s32 $0x380;
	[dreg:$0x8] =	wrdreg s24  }
0x8: {  	s17 =	simm.s32 $0xE00;
	s18 =	simm.s32 $0x400;
	[dreg:$0x9] =	wrdreg s26  }
0x9: {  	s19 =	simm.s32 $0xE80;
	s28 =	simm.s32 $0x4;
	[dreg:$0xb] =	wrdreg s13  }
0xa: {  	s29 =	simm.s32 $0x8;
	s30 =	simm.s32 $0x5;
	[dreg:$0xc] =	wrdreg s16  }
0xb: {  	s31 =	simm.s32 $0x9;
	s0 =	sand.u32 $0x1, s0;
	[dreg:$0xd] =	wrdreg s17  }
0xc: {  	s1 =	smul.u32 $0xC000, s14;
	s4 =	sadd.s32 $0x35400, s5;
	[dreg:$0xe] =	wrdreg s18  }
0xd: {  	s9 =	sadd.s32 $0x5400, s5;
	[dreg:$0xf] =	wrdreg s19;
	s20 =	simm.s32 $0x480  }
0xe: {  	s10 =	smul.u32 $0x13C00, s14;
	s13 =	simm.s32 $0xF00;
	[dreg:$0x10] =	wrdreg s20  }
0xf: {  	s12 =	sshll.u32 s14, $0x1;
	s21 =	simm.s32 $0x500;
	[dreg:$0x11] =	wrdreg s13  }
0x10: {  	s15 =	smul.u32 $0x4F000, s14;
	s22 =	simm.s32 $0xF80;
	[dreg:$0x12] =	wrdreg s21  }
0x11: {  	s6 =	smul.u32 $0x6000, s0;
	s24 =	simm.s32 $0x1000;
	[dreg:$0x13] =	wrdreg s22  }
0x12: {  	s7 =	smul.u32 $0x13C000, s0;
	s16 =	simm.s32 $0x1200;
	[dreg:$0x15] =	wrdreg s24  }
0x13: {  	s23 =	ssub.s32 $0x2, s0;
	s17 =	simm.s32 $0x800;
	[dreg:$0x1d] =	wrdreg s16  }
0x14: {  	p0 =	sne.s32 s0, $0x0;
	s18 =	simm.s32 $0x1280;
	[dreg:$0x1e] =	wrdreg s17  }
0x15: {  	s19 =	simm.s32 $0x880;
	s25 =	sshrl.u32 s23, $0x1;
	[dreg:$0x1f] =	wrdreg s18  }
0x16: {  	s13 =	simm.s32 $0x700;
	[smem:$0x7F6] =	sst s19;
	s20 =	simm.s32 $0x1300  }
0x17: {  	s17 =	simm.s32 $0x3800;
	s21 =	simm.s32 $0x900;
	s22 =	simm.s32 $0x1380  }
0x18: {  	s19 =	simm.s32 $0x5800;
	s24 =	simm.s32 $0x1400;
	s16 =	simm.s32 $0x0  }
0x19: {  	s1 =	sadd.s32 s6, s1;
	s6 =	sadd.s32 $0x1D400, s5;
	[dreg:$0x1a] =	wrdreg s13  }
0x1a: {  	s7 =	sadd.s32 s10, s7;
	s10 =	ssub.s32 s23, s25;
	[smem:$0x7F7] =	sst s20  }
0x1b: {  	s23 =	simm.s32 $0x580;
	s25 =	simm.s32 $0x600;
	[smem:$0x7F8] =	sst s21  }
0x1c: {  	s13 =	simm.s32 $0xC00;
	[smem:$0x7F9] =	sst s22;
	s20 =	simm.s32 $0x7800  }
0x1d: {  	s21 =	simm.s32 $0x1;
	[smem:$0x7FB] =	sst s24;
	s22 =	simm.s32 $0x9800  }
0x1e: {  	s24 =	simm.s32 $0x6;
	s8 =	sshrl.u32 s1, $0x3;
	[dreg:$0x14] =	wrdreg s23  }
0x1f: {  	s1 =	sadd.s32 $0x5CC00, s5;
	s26 =	smax.u32 s10, $0x1;
	[dreg:$0x16] =	wrdreg s25  }
0x20: {  	s7 =	sshrl.u32 s7, $0x3;
	s10 =	simm.s32 $0x1100;
	[smem:$0x7F4] =	sst s26  }
0x21: {  	s23 =	simm.s32 $0x980;
	s25 =	simm.s32 $0x1480;
	[dreg:$0x19] =	wrdreg s10  }
0x22: {  	s11 =	sadd.s32 s8, s6;
	s8 =	sadd.s32 s8, s9;
	[smem:$0x7FA] =	sst s23  }
0x23: {  	s7 =	sadd.s32 s7, s5;
	[smem:$0x7FC] =	sst s25;
	s26 =	simm.s32 $0x1500  }
0x24: {  	s23 =	simm.s32 $0x2;
	s25 =	simm.s32 $0x3;
	[dreg:$0x3] =	wrdreg s11  }
0x25: {  	[dreg:$0x4] =	wrdreg s8;
	s11 =	simm.s32 $0x300;
	s8 =	sor.u32 s0, s12  }
0x26: {  	s12 =	smul.u32 $0x2780, s14;
	s7 =	sadd.s32 $0x5F400, s7;
	[smem:$0x7FD] =	sst s26  }
0x27: {  	s26 =	simm.s32 $0x7;
	s0 =	simm.s32 $0x1580;
	[dreg:$0xa] =	wrdreg s11  }
0x28: {  	s11 =	sshrl.u32 s15, $0x2;
	s8 =	smul.u32 $0x6000, s8;
	[smem:$0x7F3] =	sst s7  }
0x29: {  	s15 =	simm.s32 $0x780;
	s11 =	sadd.s32 s11, s2;
	s5 =	sadd.s32 s4, s12  }
0x2a: {  	s12 =	sshll.u32 s14, $0x6;
	s14 =	simm.s32 $0x1180;
	[dreg:$0x1c] =	wrdreg s15  }
0x2b: {  	s8 =	sshrl.u32 s8, $0x3;
	s5 =	smov.u32 @p0 s1;
	[dreg:$0x1b] =	wrdreg s14  }
0x2c: {  	s15 =	simm.s32 $0x1800;
	s9 =	sadd.s32 s9, s8;
	[smem:$0x7F5] =	sst s5  }
0x2d: {  	s10 =	sor.u32 $0x1C0B, s12;
	s6 =	sadd.s32 s6, s8;
	[smem:$0x7F1] =	sst s9  }
0x2e: {  	s11 =	sshrl.u32 s11, $0x3;
	s8 =	simm.s32 $0x1080;
	[smem:$0x7F2] =	sst s6  }
0x2f: {  	s12 =	simm.s32 $0xB;
	[dreg:$0x17] =	wrdreg s8;
	s9 =	simm.s32 $0x680  }
0x30: {  	s14 =	simm.s32 $0x40;
	s1 =	simm.s32 $0xA;
	[dreg:$0x18] =	wrdreg s9  }
.LBB2_1:
0x31: {  	s5 =	sld [smem:$0x7F5];
	_ =	sdelay $0x2  }
0x32: {  	[spmem:s11], [sflag:s10] =	dma.local [hbm:s5], $0x2780  }
0x33: {  	_ =	swait.ge [sflag:s12], $0x2780  }
0x34: {  	s7 =	sld [smem:$0x7F1]  }
0x35: {  	[sflag:s12] =	ssyncset.done $0x0  }
0x36: {  	[sflag:s12] =	ssyncadd.s32 $0xFFFFD880  }
0x37: {  	[tilespmem:s3], [sflag:$0xB] =	stream.linear.gather [hbm4b:s7+s3], $0xA00, $0x38;
	[tilespmem:$0x1F400] =	vst v63  }
0x38: {  	_ =	swait.ge [sflag:s12], $0xA00  }
0x39: {  	s8 =	sld [smem:$0x7F2]  }
0x3a: {  	[sflag:s12] =	ssyncset.done $0x0  }
0x3b: {  	[sflag:s12] =	ssyncadd.s32 $0xFFFFF600  }
0x3c: {  	[tilespmem:s13], [sflag:$0xB] =	stream.linear.gather [hbm4b:s8+s3], $0xA00, $0x38;
	[tilespmem:$0x1F400] =	vst v63  }
0x3d: {  	_ =	swait.ge [sflag:s12], $0xA00  }
0x3e: {  	[sflag:s12] =	ssyncset.done $0x0  }
0x3f: {  	[sflag:s12] =	ssyncadd.s32 $0xFFFFF600  }
0x40: {  	[tilespmem:s15], [sflag:$0x1] =	stream.indirect.gather [hbm4b:s4+s14], $0x80, s3, s14, $0xb8;
	[tilespmem:$0x1F400] =	vst v63  }
0x41: {  	s9 =	simm.s32 $0x80  }
0x42: {  	[tilespmem:s17], [sflag:$0x2] =	stream.indirect.gather [hbm4b:s4+s14], $0x80, s9, s14, $0xb8;
	[tilespmem:$0x1F400] =	vst v63  }
0x43: {  	s18 =	simm.s32 $0x100  }
0x44: {  	[tilespmem:s19], [sflag:$0x3] =	stream.indirect.gather [hbm4b:s4+s14], $0x80, s18, s14, $0xb8;
	[tilespmem:$0x1F400] =	vst v63  }
0x45: {  	[bflag:$0x0] =	sbarrier.arrive $0xFFFF  }
0x46: {  	p0 =	por $0x1, $0x1;
	s6 =	rddreg [dreg:$0x4]  }
0x47: {  	s7 =	simm.s32 @!p0 $0x0;
	s18 =	simm.s32 @!p0 $0xB;
	s6 =	sadd.s32 @!p0 $0x0, s6  }
0x48: {  	[tilespmem:s7], [sflag:$0xB] =	stream.linear.gather @!p0 [hbm4b:s6+s7], $0xA00, $0x38;
	[tilespmem:$0x1F400] =	vst v63  }
0x49: {  	_ =	swait.ge @!p0 [sflag:s18], $0xA00  }
0x4a: {  	s6 =	rddreg [dreg:$0x3];
	[sflag:s18] =	ssyncset.done @!p0 $0x0  }
0x4b: {  	s8 =	simm.s32 @!p0 $0xC00;
	[sflag:s18] =	ssyncadd.s32 @!p0 $0xFFFFF600;
	s6 =	sadd.s32 @!p0 $0x0, s6  }
0x4c: {  	[tilespmem:s8], [sflag:$0xB] =	stream.linear.gather @!p0 [hbm4b:s6+s7], $0xA00, $0x38;
	[tilespmem:$0x1F400] =	vst v63  }
0x4d: {  	_ =	swait.ge @!p0 [sflag:s18], $0xA00  }
0x4e: {  	[sflag:s18] =	ssyncset.done @!p0 $0x0  }
0x4f: {  	s6 =	simm.s32 @!p0 $0x40;
	s8 =	simm.s32 @!p0 $0x1800;
	[sflag:s18] =	ssyncadd.s32 @!p0 $0xFFFFF600  }
0x50: {  	[tilespmem:s8], [sflag:$0x1] =	stream.indirect.gather @!p0 [hbm4b:s4+s6], $0x80, s7, s6, $0xb8;
	[tilespmem:$0x1F400] =	vst v63  }
0x51: {  	s7 =	simm.s32 @!p0 $0x80;
	s8 =	simm.s32 @!p0 $0x3800  }
0x52: {  	[tilespmem:s8], [sflag:$0x2] =	stream.indirect.gather @!p0 [hbm4b:s4+s6], $0x80, s7, s6, $0xb8;
	[tilespmem:$0x1F400] =	vst v63  }
0x53: {  	s7 =	simm.s32 @!p0 $0x100;
	s8 =	simm.s32 @!p0 $0x5800  }
0x54: {  	[tilespmem:s8], [sflag:$0x3] =	stream.indirect.gather @!p0 [hbm4b:s4+s6], $0x80, s7, s6, $0xb8;
	[tilespmem:$0x1F400] =	vst v63  }
0x55: {  	s5 =	rddreg [dreg:$0x5]  }
0x56: {  	[tilespmem:s20], [sflag:$0x4] =	stream.indirect.gather [hbm4b:s4+s14], $0x80, s5, s14, $0xb8;
	[tilespmem:$0x1F400] =	vst v63  }
0x57: {  	_ =	swait.ge [sflag:s21], $0x2000  }
0x58: {  	[sflag:s21] =	ssyncset.done $0x0  }
0x59: {  	[sflag:s21] =	ssyncadd.s32 $0xFFFFE000  }
0x5a: {  	[spmem:s2] =	stream.indirect.scatter.add.f32 [tilespmem:s15], [sflag:$0x6], $0x80, s13, s14, $0xb8;
	[tilespmem:$0x1F400] =	vst v63  }
0x5b: {  	s7 =	rddreg [dreg:$0x6]  }
0x5c: {  	[tilespmem:s22], [sflag:$0x5] =	stream.indirect.gather [hbm4b:s4+s14], $0x80, s7, s14, $0xb8;
	[tilespmem:$0x1F400] =	vst v63  }
0x5d: {  	_ =	swait.ge [sflag:s23], $0x2000  }
0x5e: {  	[sflag:s23] =	ssyncset.done $0x0  }
0x5f: {  	s8 =	rddreg [dreg:$0x7];
	[sflag:s23] =	ssyncadd.s32 $0xFFFFE000  }
0x60: {  	[spmem:s2] =	stream.indirect.scatter.add.f32 [tilespmem:s17], [sflag:$0x7], $0x80, s8, s14, $0xb8;
	[tilespmem:$0x1F400] =	vst v63  }
0x61: {  	_ =	swait.ge [sflag:s24], $0x2000  }
0x62: {  	[sflag:s24] =	ssyncset.done $0x0  }
0x63: {  	s9 =	rddreg [dreg:$0x8];
	[sflag:s24] =	ssyncadd.s32 $0xFFFFE000  }
0x64: {  	[tilespmem:s15], [sflag:$0x1] =	stream.indirect.gather [hbm4b:s4+s14], $0x80, s9, s14, $0xb8;
	[tilespmem:$0x1F400] =	vst v63  }
0x65: {  	_ =	swait.ge [sflag:s25], $0x2000  }
0x66: {  	[sflag:s25] =	ssyncset.done $0x0  }
0x67: {  	s18 =	rddreg [dreg:$0x9];
	[sflag:s25] =	ssyncadd.s32 $0xFFFFE000  }
0x68: {  	[spmem:s2] =	stream.indirect.scatter.add.f32 [tilespmem:s19], [sflag:$0x8], $0x80, s18, s14, $0xb8;
	[tilespmem:$0x1F400] =	vst v63  }
0x69: {  	_ =	swait.ge [sflag:s26], $0x2000  }
0x6a: {  	[sflag:s26] =	ssyncset.done $0x0  }
0x6b: {  	s5 =	rddreg [dreg:$0xa];
	[sflag:s26] =	ssyncadd.s32 $0xFFFFE000  }
0x6c: {  	[tilespmem:s17], [sflag:$0x2] =	stream.indirect.gather [hbm4b:s4+s14], $0x80, s5, s14, $0xb8;
	[tilespmem:$0x1F400] =	vst v63  }
0x6d: {  	_ =	swait.ge [sflag:s28], $0x2000  }
0x6e: {  	[sflag:s28] =	ssyncset.done $0x0  }
0x6f: {  	s7 =	rddreg [dreg:$0xb];
	[sflag:s28] =	ssyncadd.s32 $0xFFFFE000  }
0x70: {  	[spmem:s2] =	stream.indirect.scatter.add.f32 [tilespmem:s20], [sflag:$0x9], $0x80, s7, s14, $0xb8;
	[tilespmem:$0x1F400] =	vst v63  }
0x71: {  	_ =	swait.ge [sflag:s29], $0x2000  }
0x72: {  	[sflag:s29] =	ssyncset.done $0x0  }
0x73: {  	s8 =	rddreg [dreg:$0xc];
	[sflag:s29] =	ssyncadd.s32 $0xFFFFE000  }
0x74: {  	[tilespmem:s19], [sflag:$0x3] =	stream.indirect.gather [hbm4b:s4+s14], $0x80, s8, s14, $0xb8;
	[tilespmem:$0x1F400] =	vst v63  }
0x75: {  	_ =	swait.ge [sflag:s30], $0x2000  }
0x76: {  	[sflag:s30] =	ssyncset.done $0x0  }
0x77: {  	s9 =	rddreg [dreg:$0xd];
	[sflag:s30] =	ssyncadd.s32 $0xFFFFE000  }
0x78: {  	[spmem:s2] =	stream.indirect.scatter.add.f32 [tilespmem:s22], [sflag:$0xA], $0x80, s9, s14, $0xb8;
	[tilespmem:$0x1F400] =	vst v63  }
0x79: {  	_ =	swait.ge [sflag:s31], $0x2000  }
0x7a: {  	[sflag:s31] =	ssyncset.done $0x0  }
0x7b: {  	s18 =	rddreg [dreg:$0xe];
	[sflag:s31] =	ssyncadd.s32 $0xFFFFE000  }
0x7c: {  	[tilespmem:s20], [sflag:$0x4] =	stream.indirect.gather [hbm4b:s4+s14], $0x80, s18, s14, $0xb8;
	[tilespmem:$0x1F400] =	vst v63  }
0x7d: {  	_ =	swait.ge [sflag:s21], $0x2000  }
0x7e: {  	[sflag:s21] =	ssyncset.done $0x0  }
0x7f: {  	s5 =	rddreg [dreg:$0xf];
	[sflag:s21] =	ssyncadd.s32 $0xFFFFE000  }
0x80: {  	[spmem:s2] =	stream.indirect.scatter.add.f32 [tilespmem:s15], [sflag:$0x6], $0x80, s5, s14, $0xb8;
	[tilespmem:$0x1F400] =	vst v63  }
0x81: {  	_ =	swait.ge [sflag:s1], $0x2000  }
0x82: {  	[sflag:s1] =	ssyncset.done $0x0  }
0x83: {  	s7 =	rddreg [dreg:$0x10];
	[sflag:s1] =	ssyncadd.s32 $0xFFFFE000  }
0x84: {  	[tilespmem:s22], [sflag:$0x5] =	stream.indirect.gather [hbm4b:s4+s14], $0x80, s7, s14, $0xb8;
	[tilespmem:$0x1F400] =	vst v63  }
0x85: {  	_ =	swait.ge [sflag:s23], $0x2000  }
0x86: {  	[sflag:s23] =	ssyncset.done $0x0  }
0x87: {  	s8 =	rddreg [dreg:$0x11];
	[sflag:s23] =	ssyncadd.s32 $0xFFFFE000  }
0x88: {  	[spmem:s2] =	stream.indirect.scatter.add.f32 [tilespmem:s17], [sflag:$0x7], $0x80, s8, s14, $0xb8;
	[tilespmem:$0x1F400] =	vst v63  }
0x89: {  	_ =	swait.ge [sflag:s24], $0x2000  }
0x8a: {  	[sflag:s24] =	ssyncset.done $0x0  }
0x8b: {  	s9 =	rddreg [dreg:$0x12];
	[sflag:s24] =	ssyncadd.s32 $0xFFFFE000  }
0x8c: {  	[tilespmem:s15], [sflag:$0x1] =	stream.indirect.gather [hbm4b:s4+s14], $0x80, s9, s14, $0xb8;
	[tilespmem:$0x1F400] =	vst v63  }
0x8d: {  	_ =	swait.ge [sflag:s25], $0x2000  }
0x8e: {  	[sflag:s25] =	ssyncset.done $0x0  }
0x8f: {  	s18 =	rddreg [dreg:$0x13];
	[sflag:s25] =	ssyncadd.s32 $0xFFFFE000  }
0x90: {  	[spmem:s2] =	stream.indirect.scatter.add.f32 [tilespmem:s19], [sflag:$0x8], $0x80, s18, s14, $0xb8;
	[tilespmem:$0x1F400] =	vst v63  }
0x91: {  	_ =	swait.ge [sflag:s26], $0x2000  }
0x92: {  	[sflag:s26] =	ssyncset.done $0x0  }
0x93: {  	s5 =	rddreg [dreg:$0x14];
	[sflag:s26] =	ssyncadd.s32 $0xFFFFE000  }
0x94: {  	[tilespmem:s17], [sflag:$0x2] =	stream.indirect.gather [hbm4b:s4+s14], $0x80, s5, s14, $0xb8;
	[tilespmem:$0x1F400] =	vst v63  }
0x95: {  	_ =	swait.ge [sflag:s28], $0x2000  }
0x96: {  	[sflag:s28] =	ssyncset.done $0x0  }
0x97: {  	s7 =	rddreg [dreg:$0x15];
	[sflag:s28] =	ssyncadd.s32 $0xFFFFE000  }
0x98: {  	[spmem:s2] =	stream.indirect.scatter.add.f32 [tilespmem:s20], [sflag:$0x9], $0x80, s7, s14, $0xb8;
	[tilespmem:$0x1F400] =	vst v63  }
0x99: {  	_ =	swait.ge [sflag:s29], $0x2000  }
0x9a: {  	[sflag:s29] =	ssyncset.done $0x0  }
0x9b: {  	s8 =	rddreg [dreg:$0x16];
	[sflag:s29] =	ssyncadd.s32 $0xFFFFE000  }
0x9c: {  	[tilespmem:s19], [sflag:$0x3] =	stream.indirect.gather [hbm4b:s4+s14], $0x80, s8, s14, $0xb8;
	[tilespmem:$0x1F400] =	vst v63  }
0x9d: {  	_ =	swait.ge [sflag:s30], $0x2000  }
0x9e: {  	[sflag:s30] =	ssyncset.done $0x0  }
0x9f: {  	s9 =	rddreg [dreg:$0x17];
	[sflag:s30] =	ssyncadd.s32 $0xFFFFE000  }
0xa0: {  	[spmem:s2] =	stream.indirect.scatter.add.f32 [tilespmem:s22], [sflag:$0xA], $0x80, s9, s14, $0xb8;
	[tilespmem:$0x1F400] =	vst v63  }
0xa1: {  	_ =	swait.ge [sflag:s31], $0x2000  }
0xa2: {  	[sflag:s31] =	ssyncset.done $0x0  }
0xa3: {  	s18 =	rddreg [dreg:$0x18];
	[sflag:s31] =	ssyncadd.s32 $0xFFFFE000  }
0xa4: {  	[tilespmem:s20], [sflag:$0x4] =	stream.indirect.gather [hbm4b:s4+s14], $0x80, s18, s14, $0xb8;
	[tilespmem:$0x1F400] =	vst v63  }
0xa5: {  	_ =	swait.ge [sflag:s21], $0x2000  }
0xa6: {  	[sflag:s21] =	ssyncset.done $0x0  }
0xa7: {  	s5 =	rddreg [dreg:$0x19];
	[sflag:s21] =	ssyncadd.s32 $0xFFFFE000  }
0xa8: {  	[spmem:s2] =	stream.indirect.scatter.add.f32 [tilespmem:s15], [sflag:$0x6], $0x80, s5, s14, $0xb8;
	[tilespmem:$0x1F400] =	vst v63  }
0xa9: {  	_ =	swait.ge [sflag:s1], $0x2000  }
0xaa: {  	[sflag:s1] =	ssyncset.done $0x0  }
0xab: {  	s7 =	rddreg [dreg:$0x1a];
	[sflag:s1] =	ssyncadd.s32 $0xFFFFE000  }
0xac: {  	[tilespmem:s22], [sflag:$0x5] =	stream.indirect.gather [hbm4b:s4+s14], $0x80, s7, s14, $0xb8;
	[tilespmem:$0x1F400] =	vst v63  }
0xad: {  	_ =	swait.ge [sflag:s23], $0x2000  }
0xae: {  	[sflag:s23] =	ssyncset.done $0x0  }
0xaf: {  	s8 =	rddreg [dreg:$0x1b];
	[sflag:s23] =	ssyncadd.s32 $0xFFFFE000  }
0xb0: {  	[spmem:s2] =	stream.indirect.scatter.add.f32 [tilespmem:s17], [sflag:$0x7], $0x80, s8, s14, $0xb8;
	[tilespmem:$0x1F400] =	vst v63  }
0xb1: {  	_ =	swait.ge [sflag:s24], $0x2000  }
0xb2: {  	[sflag:s24] =	ssyncset.done $0x0  }
0xb3: {  	s9 =	rddreg [dreg:$0x1c];
	[sflag:s24] =	ssyncadd.s32 $0xFFFFE000  }
0xb4: {  	[tilespmem:s15], [sflag:$0x1] =	stream.indirect.gather [hbm4b:s4+s14], $0x80, s9, s14, $0xb8;
	[tilespmem:$0x1F400] =	vst v63  }
0xb5: {  	_ =	swait.ge [sflag:s25], $0x2000  }
0xb6: {  	[sflag:s25] =	ssyncset.done $0x0  }
0xb7: {  	s18 =	rddreg [dreg:$0x1d];
	[sflag:s25] =	ssyncadd.s32 $0xFFFFE000  }
0xb8: {  	[spmem:s2] =	stream.indirect.scatter.add.f32 [tilespmem:s19], [sflag:$0x8], $0x80, s18, s14, $0xb8;
	[tilespmem:$0x1F400] =	vst v63  }
0xb9: {  	_ =	swait.ge [sflag:s26], $0x2000  }
0xba: {  	[sflag:s26] =	ssyncset.done $0x0  }
0xbb: {  	s5 =	rddreg [dreg:$0x1e];
	[sflag:s26] =	ssyncadd.s32 $0xFFFFE000  }
0xbc: {  	[tilespmem:s17], [sflag:$0x2] =	stream.indirect.gather [hbm4b:s4+s14], $0x80, s5, s14, $0xb8;
	[tilespmem:$0x1F400] =	vst v63  }
0xbd: {  	_ =	swait.ge [sflag:s28], $0x2000  }
0xbe: {  	[sflag:s28] =	ssyncset.done $0x0  }
0xbf: {  	s7 =	rddreg [dreg:$0x1f];
	[sflag:s28] =	ssyncadd.s32 $0xFFFFE000  }
0xc0: {  	[spmem:s2] =	stream.indirect.scatter.add.f32 [tilespmem:s20], [sflag:$0x9], $0x80, s7, s14, $0xb8;
	[tilespmem:$0x1F400] =	vst v63  }
0xc1: {  	_ =	swait.ge [sflag:s29], $0x2000  }
0xc2: {  	s8 =	sld [smem:$0x7F6]  }
0xc3: {  	[sflag:s29] =	ssyncset.done $0x0  }
0xc4: {  	[sflag:s29] =	ssyncadd.s32 $0xFFFFE000  }
0xc5: {  	[tilespmem:s19], [sflag:$0x3] =	stream.indirect.gather [hbm4b:s4+s14], $0x80, s8, s14, $0xb8;
	[tilespmem:$0x1F400] =	vst v63  }
0xc6: {  	_ =	swait.ge [sflag:s30], $0x2000  }
0xc7: {  	s9 =	sld [smem:$0x7F7]  }
0xc8: {  	[sflag:s30] =	ssyncset.done $0x0  }
0xc9: {  	[sflag:s30] =	ssyncadd.s32 $0xFFFFE000  }
0xca: {  	[spmem:s2] =	stream.indirect.scatter.add.f32 [tilespmem:s22], [sflag:$0xA], $0x80, s9, s14, $0xb8;
	[tilespmem:$0x1F400] =	vst v63  }
0xcb: {  	_ =	swait.ge [sflag:s31], $0x2000  }
0xcc: {  	s18 =	sld [smem:$0x7F8]  }
0xcd: {  	[sflag:s31] =	ssyncset.done $0x0  }
0xce: {  	[sflag:s31] =	ssyncadd.s32 $0xFFFFE000  }
0xcf: {  	[tilespmem:s20], [sflag:$0x4] =	stream.indirect.gather [hbm4b:s4+s14], $0x80, s18, s14, $0xb8;
	[tilespmem:$0x1F400] =	vst v63  }
0xd0: {  	_ =	swait.ge [sflag:s21], $0x2000  }
0xd1: {  	s5 =	sld [smem:$0x7F9]  }
0xd2: {  	[sflag:s21] =	ssyncset.done $0x0  }
0xd3: {  	[sflag:s21] =	ssyncadd.s32 $0xFFFFE000  }
0xd4: {  	[spmem:s2] =	stream.indirect.scatter.add.f32 [tilespmem:s15], [sflag:$0x6], $0x80, s5, s14, $0xb8;
	[tilespmem:$0x1F400] =	vst v63  }
0xd5: {  	_ =	swait.ge [sflag:s1], $0x2000  }
0xd6: {  	s7 =	sld [smem:$0x7FA]  }
0xd7: {  	[sflag:s1] =	ssyncset.done $0x0  }
0xd8: {  	[sflag:s1] =	ssyncadd.s32 $0xFFFFE000  }
0xd9: {  	[tilespmem:s22], [sflag:$0x5] =	stream.indirect.gather [hbm4b:s4+s14], $0x80, s7, s14, $0xb8;
	[tilespmem:$0x1F400] =	vst v63  }
0xda: {  	_ =	swait.ge [sflag:s23], $0x2000  }
0xdb: {  	s8 =	sld [smem:$0x7FB]  }
0xdc: {  	[sflag:s23] =	ssyncset.done $0x0  }
0xdd: {  	[sflag:s23] =	ssyncadd.s32 $0xFFFFE000  }
0xde: {  	[spmem:s2] =	stream.indirect.scatter.add.f32 [tilespmem:s17], [sflag:$0x7], $0x80, s8, s14, $0xb8;
	[tilespmem:$0x1F400] =	vst v63  }
0xdf: {  	_ =	swait.ge [sflag:s25], $0x2000  }
0xe0: {  	s9 =	sld [smem:$0x7FC]  }
0xe1: {  	[sflag:s25] =	ssyncset.done $0x0  }
0xe2: {  	[sflag:s25] =	ssyncadd.s32 $0xFFFFE000  }
0xe3: {  	[spmem:s2] =	stream.indirect.scatter.add.f32 [tilespmem:s19], [sflag:$0x8], $0x80, s9, s14, $0xb8;
	[tilespmem:$0x1F400] =	vst v63  }
0xe4: {  	_ =	swait.ge [sflag:s28], $0x2000  }
0xe5: {  	s18 =	sld [smem:$0x7FD]  }
0xe6: {  	[sflag:s28] =	ssyncset.done $0x0  }
0xe7: {  	[sflag:s28] =	ssyncadd.s32 $0xFFFFE000  }
0xe8: {  	[spmem:s2] =	stream.indirect.scatter.add.f32 [tilespmem:s20], [sflag:$0x9], $0x80, s18, s14, $0xb8;
	[tilespmem:$0x1F400] =	vst v63  }
0xe9: {  	_ =	swait.ge [sflag:s30], $0x2000  }
0xea: {  	[sflag:s30] =	ssyncset.done $0x0  }
0xeb: {  	[sflag:s30] =	ssyncadd.s32 $0xFFFFE000  }
0xec: {  	[spmem:s2] =	stream.indirect.scatter.add.f32 [tilespmem:s22], [sflag:$0xA], $0x80, s0, s14, $0xb8;
	[tilespmem:$0x1F400] =	vst v63  }
0xed: {  	_ =	swait.ge [sflag:s24], $0x2000  }
0xee: {  	[sflag:s24] =	ssyncset.done $0x0  }
0xef: {  	[sflag:s24] =	ssyncadd.s32 $0xFFFFE000  }
0xf0: {  	_ =	swait.ge [sflag:s26], $0x2000  }
0xf1: {  	[sflag:s26] =	ssyncset.done $0x0  }
0xf2: {  	[sflag:s26] =	ssyncadd.s32 $0xFFFFE000  }
0xf3: {  	_ =	swait.ge [sflag:s29], $0x2000  }
0xf4: {  	[sflag:s29] =	ssyncset.done $0x0  }
0xf5: {  	[sflag:s29] =	ssyncadd.s32 $0xFFFFE000  }
0xf6: {  	_ =	swait.ge [sflag:s31], $0x2000  }
0xf7: {  	[sflag:s31] =	ssyncset.done $0x0  }
0xf8: {  	[sflag:s31] =	ssyncadd.s32 $0xFFFFE000  }
0xf9: {  	s6 =	simm.s32 $0x300;
	_ =	swait.ge [sflag:s1], $0x2000  }
0xfa: {  	s18 =	simm.s32 $0x180;
	s7 =	rddreg [dreg:$0x4];
	[sflag:s1] =	ssyncset.done $0x0  }
.LBB2_2:
0xfb: {  	[sflag:s1] =	ssyncadd.s32 $0xFFFFE000;
	p1 =	seq.s32 s18, $0x0  }
0xfc: {  	s7 =	sadd.s32 @!p1 s18, s7;
	s9 =	simm.s32 @!p1 $0x0;
	s5 =	simm.s32 @!p1 $0xB  }
0xfd: {  	[tilespmem:s9], [sflag:$0xB] =	stream.linear.gather @!p1 [hbm4b:s7+s9], $0xA00, $0x38;
	[tilespmem:$0x1F400] =	vst v63  }
0xfe: {  	_ =	swait.ge @!p1 [sflag:s5], $0xA00  }
0xff: {  	s7 =	rddreg [dreg:$0x3];
	[sflag:s5] =	ssyncset.done @!p1 $0x0  }
0x100: {  	[sflag:s5] =	ssyncadd.s32 @!p1 $0xFFFFF600;
	s7 =	sadd.s32 @!p1 s18, s7;
	s18 =	simm.s32 @!p1 $0xC00  }
0x101: {  	[tilespmem:s18], [sflag:$0xB] =	stream.linear.gather @!p1 [hbm4b:s7+s9], $0xA00, $0x38;
	[tilespmem:$0x1F400] =	vst v63  }
0x102: {  	_ =	swait.ge @!p1 [sflag:s5], $0xA00  }
0x103: {  	s8 =	smov.u32 s6;
	[sflag:s5] =	ssyncset.done @!p1 $0x0  }
0x104: {  	s7 =	simm.s32 @!p1 $0x1800;
	[sflag:s5] =	ssyncadd.s32 @!p1 $0xFFFFF600;
	s5 =	simm.s32 @!p1 $0x40  }
0x105: {  	[tilespmem:s7], [sflag:$0x1] =	stream.indirect.gather @!p1 [hbm4b:s4+s5], $0x80, s9, s5, $0xb8;
	[tilespmem:$0x1F400] =	vst v63  }
0x106: {  	s18 =	smov.u32 s8;
	s8 =	simm.s32 @!p1 $0x3800;
	s7 =	simm.s32 @!p1 $0x80  }
0x107: {  	[tilespmem:s8], [sflag:$0x2] =	stream.indirect.gather @!p1 [hbm4b:s4+s5], $0x80, s7, s5, $0xb8;
	[tilespmem:$0x1F400] =	vst v63  }
0x108: {  	s7 =	simm.s32 @!p1 $0x100;
	s8 =	simm.s32 @!p1 $0x5800  }
0x109: {  	[tilespmem:s8], [sflag:$0x3] =	stream.indirect.gather @!p1 [hbm4b:s4+s5], $0x80, s7, s5, $0xb8;
	[tilespmem:$0x1F400] =	vst v63  }
0x10a: {  	s9 =	rddreg [dreg:$0x5]  }
0x10b: {  	[tilespmem:s20], [sflag:$0x4] =	stream.indirect.gather [hbm4b:s4+s14], $0x80, s9, s14, $0xb8;
	[tilespmem:$0x1F400] =	vst v63  }
0x10c: {  	_ =	swait.ge [sflag:s21], $0x2000  }
0x10d: {  	[sflag:s21] =	ssyncset.done $0x0  }
0x10e: {  	[sflag:s21] =	ssyncadd.s32 $0xFFFFE000  }
0x10f: {  	[spmem:s2] =	stream.indirect.scatter.add.f32 [tilespmem:s15], [sflag:$0x6], $0x80, s13, s14, $0xb8;
	[tilespmem:$0x1F400] =	vst v63  }
0x110: {  	s9 =	rddreg [dreg:$0x6]  }
0x111: {  	[tilespmem:s22], [sflag:$0x5] =	stream.indirect.gather [hbm4b:s4+s14], $0x80, s9, s14, $0xb8;
	[tilespmem:$0x1F400] =	vst v63  }
0x112: {  	_ =	swait.ge [sflag:s23], $0x2000  }
0x113: {  	[sflag:s23] =	ssyncset.done $0x0  }
0x114: {  	s7 =	rddreg [dreg:$0x7];
	[sflag:s23] =	ssyncadd.s32 $0xFFFFE000  }
0x115: {  	[spmem:s2] =	stream.indirect.scatter.add.f32 [tilespmem:s17], [sflag:$0x7], $0x80, s7, s14, $0xb8;
	[tilespmem:$0x1F400] =	vst v63  }
0x116: {  	_ =	swait.ge [sflag:s24], $0x2000  }
0x117: {  	[sflag:s24] =	ssyncset.done $0x0  }
0x118: {  	s8 =	rddreg [dreg:$0x8];
	[sflag:s24] =	ssyncadd.s32 $0xFFFFE000  }
0x119: {  	[tilespmem:s15], [sflag:$0x1] =	stream.indirect.gather [hbm4b:s4+s14], $0x80, s8, s14, $0xb8;
	[tilespmem:$0x1F400] =	vst v63  }
0x11a: {  	_ =	swait.ge [sflag:s25], $0x2000  }
0x11b: {  	[sflag:s25] =	ssyncset.done $0x0  }
0x11c: {  	s9 =	rddreg [dreg:$0x9];
	[sflag:s25] =	ssyncadd.s32 $0xFFFFE000  }
0x11d: {  	[spmem:s2] =	stream.indirect.scatter.add.f32 [tilespmem:s19], [sflag:$0x8], $0x80, s9, s14, $0xb8;
	[tilespmem:$0x1F400] =	vst v63  }
0x11e: {  	_ =	swait.ge [sflag:s26], $0x2000  }
0x11f: {  	[sflag:s26] =	ssyncset.done $0x0  }
0x120: {  	s7 =	rddreg [dreg:$0xa];
	[sflag:s26] =	ssyncadd.s32 $0xFFFFE000  }
0x121: {  	[tilespmem:s17], [sflag:$0x2] =	stream.indirect.gather [hbm4b:s4+s14], $0x80, s7, s14, $0xb8;
	[tilespmem:$0x1F400] =	vst v63  }
0x122: {  	_ =	swait.ge [sflag:s28], $0x2000  }
0x123: {  	[sflag:s28] =	ssyncset.done $0x0  }
0x124: {  	s8 =	rddreg [dreg:$0xb];
	[sflag:s28] =	ssyncadd.s32 $0xFFFFE000  }
0x125: {  	[spmem:s2] =	stream.indirect.scatter.add.f32 [tilespmem:s20], [sflag:$0x9], $0x80, s8, s14, $0xb8;
	[tilespmem:$0x1F400] =	vst v63  }
0x126: {  	_ =	swait.ge [sflag:s29], $0x2000  }
0x127: {  	[sflag:s29] =	ssyncset.done $0x0  }
0x128: {  	s9 =	rddreg [dreg:$0xc];
	[sflag:s29] =	ssyncadd.s32 $0xFFFFE000  }
0x129: {  	[tilespmem:s19], [sflag:$0x3] =	stream.indirect.gather [hbm4b:s4+s14], $0x80, s9, s14, $0xb8;
	[tilespmem:$0x1F400] =	vst v63  }
0x12a: {  	_ =	swait.ge [sflag:s30], $0x2000  }
0x12b: {  	[sflag:s30] =	ssyncset.done $0x0  }
0x12c: {  	s7 =	rddreg [dreg:$0xd];
	[sflag:s30] =	ssyncadd.s32 $0xFFFFE000  }
0x12d: {  	[spmem:s2] =	stream.indirect.scatter.add.f32 [tilespmem:s22], [sflag:$0xA], $0x80, s7, s14, $0xb8;
	[tilespmem:$0x1F400] =	vst v63  }
0x12e: {  	_ =	swait.ge [sflag:s31], $0x2000  }
0x12f: {  	[sflag:s31] =	ssyncset.done $0x0  }
0x130: {  	s8 =	rddreg [dreg:$0xe];
	[sflag:s31] =	ssyncadd.s32 $0xFFFFE000  }
0x131: {  	[tilespmem:s20], [sflag:$0x4] =	stream.indirect.gather [hbm4b:s4+s14], $0x80, s8, s14, $0xb8;
	[tilespmem:$0x1F400] =	vst v63  }
0x132: {  	_ =	swait.ge [sflag:s21], $0x2000  }
0x133: {  	[sflag:s21] =	ssyncset.done $0x0  }
0x134: {  	s9 =	rddreg [dreg:$0xf];
	[sflag:s21] =	ssyncadd.s32 $0xFFFFE000  }
0x135: {  	[spmem:s2] =	stream.indirect.scatter.add.f32 [tilespmem:s15], [sflag:$0x6], $0x80, s9, s14, $0xb8;
	[tilespmem:$0x1F400] =	vst v63  }
0x136: {  	_ =	swait.ge [sflag:s1], $0x2000  }
0x137: {  	[sflag:s1] =	ssyncset.done $0x0  }
0x138: {  	s7 =	rddreg [dreg:$0x10];
	[sflag:s1] =	ssyncadd.s32 $0xFFFFE000  }
0x139: {  	[tilespmem:s22], [sflag:$0x5] =	stream.indirect.gather [hbm4b:s4+s14], $0x80, s7, s14, $0xb8;
	[tilespmem:$0x1F400] =	vst v63  }
0x13a: {  	_ =	swait.ge [sflag:s23], $0x2000  }
0x13b: {  	[sflag:s23] =	ssyncset.done $0x0  }
0x13c: {  	s8 =	rddreg [dreg:$0x11];
	[sflag:s23] =	ssyncadd.s32 $0xFFFFE000  }
0x13d: {  	[spmem:s2] =	stream.indirect.scatter.add.f32 [tilespmem:s17], [sflag:$0x7], $0x80, s8, s14, $0xb8;
	[tilespmem:$0x1F400] =	vst v63  }
0x13e: {  	_ =	swait.ge [sflag:s24], $0x2000  }
0x13f: {  	[sflag:s24] =	ssyncset.done $0x0  }
0x140: {  	s9 =	rddreg [dreg:$0x12];
	[sflag:s24] =	ssyncadd.s32 $0xFFFFE000  }
0x141: {  	[tilespmem:s15], [sflag:$0x1] =	stream.indirect.gather [hbm4b:s4+s14], $0x80, s9, s14, $0xb8;
	[tilespmem:$0x1F400] =	vst v63  }
0x142: {  	_ =	swait.ge [sflag:s25], $0x2000  }
0x143: {  	[sflag:s25] =	ssyncset.done $0x0  }
0x144: {  	s7 =	rddreg [dreg:$0x13];
	[sflag:s25] =	ssyncadd.s32 $0xFFFFE000  }
0x145: {  	[spmem:s2] =	stream.indirect.scatter.add.f32 [tilespmem:s19], [sflag:$0x8], $0x80, s7, s14, $0xb8;
	[tilespmem:$0x1F400] =	vst v63  }
0x146: {  	_ =	swait.ge [sflag:s26], $0x2000  }
0x147: {  	[sflag:s26] =	ssyncset.done $0x0  }
0x148: {  	s8 =	rddreg [dreg:$0x14];
	[sflag:s26] =	ssyncadd.s32 $0xFFFFE000  }
0x149: {  	[tilespmem:s17], [sflag:$0x2] =	stream.indirect.gather [hbm4b:s4+s14], $0x80, s8, s14, $0xb8;
	[tilespmem:$0x1F400] =	vst v63  }
0x14a: {  	_ =	swait.ge [sflag:s28], $0x2000  }
0x14b: {  	[sflag:s28] =	ssyncset.done $0x0  }
0x14c: {  	s9 =	rddreg [dreg:$0x15];
	[sflag:s28] =	ssyncadd.s32 $0xFFFFE000  }
0x14d: {  	[spmem:s2] =	stream.indirect.scatter.add.f32 [tilespmem:s20], [sflag:$0x9], $0x80, s9, s14, $0xb8;
	[tilespmem:$0x1F400] =	vst v63  }
0x14e: {  	_ =	swait.ge [sflag:s29], $0x2000  }
0x14f: {  	[sflag:s29] =	ssyncset.done $0x0  }
0x150: {  	s7 =	rddreg [dreg:$0x16];
	[sflag:s29] =	ssyncadd.s32 $0xFFFFE000  }
0x151: {  	[tilespmem:s19], [sflag:$0x3] =	stream.indirect.gather [hbm4b:s4+s14], $0x80, s7, s14, $0xb8;
	[tilespmem:$0x1F400] =	vst v63  }
0x152: {  	_ =	swait.ge [sflag:s30], $0x2000  }
0x153: {  	[sflag:s30] =	ssyncset.done $0x0  }
0x154: {  	s8 =	rddreg [dreg:$0x17];
	[sflag:s30] =	ssyncadd.s32 $0xFFFFE000  }
0x155: {  	[spmem:s2] =	stream.indirect.scatter.add.f32 [tilespmem:s22], [sflag:$0xA], $0x80, s8, s14, $0xb8;
	[tilespmem:$0x1F400] =	vst v63  }
0x156: {  	_ =	swait.ge [sflag:s31], $0x2000  }
0x157: {  	[sflag:s31] =	ssyncset.done $0x0  }
0x158: {  	s9 =	rddreg [dreg:$0x18];
	[sflag:s31] =	ssyncadd.s32 $0xFFFFE000  }
0x159: {  	[tilespmem:s20], [sflag:$0x4] =	stream.indirect.gather [hbm4b:s4+s14], $0x80, s9, s14, $0xb8;
	[tilespmem:$0x1F400] =	vst v63  }
0x15a: {  	_ =	swait.ge [sflag:s21], $0x2000  }
0x15b: {  	[sflag:s21] =	ssyncset.done $0x0  }
0x15c: {  	s7 =	rddreg [dreg:$0x19];
	[sflag:s21] =	ssyncadd.s32 $0xFFFFE000  }
0x15d: {  	[spmem:s2] =	stream.indirect.scatter.add.f32 [tilespmem:s15], [sflag:$0x6], $0x80, s7, s14, $0xb8;
	[tilespmem:$0x1F400] =	vst v63  }
0x15e: {  	_ =	swait.ge [sflag:s1], $0x2000  }
0x15f: {  	[sflag:s1] =	ssyncset.done $0x0  }
0x160: {  	s8 =	rddreg [dreg:$0x1a];
	[sflag:s1] =	ssyncadd.s32 $0xFFFFE000  }
0x161: {  	[tilespmem:s22], [sflag:$0x5] =	stream.indirect.gather [hbm4b:s4+s14], $0x80, s8, s14, $0xb8;
	[tilespmem:$0x1F400] =	vst v63  }
0x162: {  	_ =	swait.ge [sflag:s23], $0x2000  }
0x163: {  	[sflag:s23] =	ssyncset.done $0x0  }
0x164: {  	s9 =	rddreg [dreg:$0x1b];
	[sflag:s23] =	ssyncadd.s32 $0xFFFFE000  }
0x165: {  	[spmem:s2] =	stream.indirect.scatter.add.f32 [tilespmem:s17], [sflag:$0x7], $0x80, s9, s14, $0xb8;
	[tilespmem:$0x1F400] =	vst v63  }
0x166: {  	_ =	swait.ge [sflag:s24], $0x2000  }
0x167: {  	[sflag:s24] =	ssyncset.done $0x0  }
0x168: {  	s7 =	rddreg [dreg:$0x1c];
	[sflag:s24] =	ssyncadd.s32 $0xFFFFE000  }
0x169: {  	[tilespmem:s15], [sflag:$0x1] =	stream.indirect.gather [hbm4b:s4+s14], $0x80, s7, s14, $0xb8;
	[tilespmem:$0x1F400] =	vst v63  }
0x16a: {  	_ =	swait.ge [sflag:s25], $0x2000  }
0x16b: {  	[sflag:s25] =	ssyncset.done $0x0  }
0x16c: {  	s8 =	rddreg [dreg:$0x1d];
	[sflag:s25] =	ssyncadd.s32 $0xFFFFE000  }
0x16d: {  	[spmem:s2] =	stream.indirect.scatter.add.f32 [tilespmem:s19], [sflag:$0x8], $0x80, s8, s14, $0xb8;
	[tilespmem:$0x1F400] =	vst v63  }
0x16e: {  	_ =	swait.ge [sflag:s26], $0x2000  }
0x16f: {  	[sflag:s26] =	ssyncset.done $0x0  }
0x170: {  	s9 =	rddreg [dreg:$0x1e];
	[sflag:s26] =	ssyncadd.s32 $0xFFFFE000  }
0x171: {  	[tilespmem:s17], [sflag:$0x2] =	stream.indirect.gather [hbm4b:s4+s14], $0x80, s9, s14, $0xb8;
	[tilespmem:$0x1F400] =	vst v63  }
0x172: {  	_ =	swait.ge [sflag:s28], $0x2000  }
0x173: {  	[sflag:s28] =	ssyncset.done $0x0  }
0x174: {  	s7 =	rddreg [dreg:$0x1f];
	[sflag:s28] =	ssyncadd.s32 $0xFFFFE000  }
0x175: {  	[spmem:s2] =	stream.indirect.scatter.add.f32 [tilespmem:s20], [sflag:$0x9], $0x80, s7, s14, $0xb8;
	[tilespmem:$0x1F400] =	vst v63  }
0x176: {  	_ =	swait.ge [sflag:s29], $0x2000  }
0x177: {  	s8 =	sld [smem:$0x7F6]  }
0x178: {  	[sflag:s29] =	ssyncset.done $0x0  }
0x179: {  	[sflag:s29] =	ssyncadd.s32 $0xFFFFE000  }
0x17a: {  	[tilespmem:s19], [sflag:$0x3] =	stream.indirect.gather [hbm4b:s4+s14], $0x80, s8, s14, $0xb8;
	[tilespmem:$0x1F400] =	vst v63  }
0x17b: {  	_ =	swait.ge [sflag:s30], $0x2000  }
0x17c: {  	s9 =	sld [smem:$0x7F7]  }
0x17d: {  	[sflag:s30] =	ssyncset.done $0x0  }
0x17e: {  	[sflag:s30] =	ssyncadd.s32 $0xFFFFE000  }
0x17f: {  	[spmem:s2] =	stream.indirect.scatter.add.f32 [tilespmem:s22], [sflag:$0xA], $0x80, s9, s14, $0xb8;
	[tilespmem:$0x1F400] =	vst v63  }
0x180: {  	_ =	swait.ge [sflag:s31], $0x2000  }
0x181: {  	s7 =	sld [smem:$0x7F8]  }
0x182: {  	[sflag:s31] =	ssyncset.done $0x0  }
0x183: {  	[sflag:s31] =	ssyncadd.s32 $0xFFFFE000  }
0x184: {  	[tilespmem:s20], [sflag:$0x4] =	stream.indirect.gather [hbm4b:s4+s14], $0x80, s7, s14, $0xb8;
	[tilespmem:$0x1F400] =	vst v63  }
0x185: {  	_ =	swait.ge [sflag:s21], $0x2000  }
0x186: {  	s8 =	sld [smem:$0x7F9]  }
0x187: {  	[sflag:s21] =	ssyncset.done $0x0  }
0x188: {  	[sflag:s21] =	ssyncadd.s32 $0xFFFFE000  }
0x189: {  	[spmem:s2] =	stream.indirect.scatter.add.f32 [tilespmem:s15], [sflag:$0x6], $0x80, s8, s14, $0xb8;
	[tilespmem:$0x1F400] =	vst v63  }
0x18a: {  	_ =	swait.ge [sflag:s1], $0x2000  }
0x18b: {  	s9 =	sld [smem:$0x7FA]  }
0x18c: {  	[sflag:s1] =	ssyncset.done $0x0  }
0x18d: {  	[sflag:s1] =	ssyncadd.s32 $0xFFFFE000  }
0x18e: {  	[tilespmem:s22], [sflag:$0x5] =	stream.indirect.gather [hbm4b:s4+s14], $0x80, s9, s14, $0xb8;
	[tilespmem:$0x1F400] =	vst v63  }
0x18f: {  	_ =	swait.ge [sflag:s23], $0x2000  }
0x190: {  	s7 =	sld [smem:$0x7FB]  }
0x191: {  	[sflag:s23] =	ssyncset.done $0x0  }
0x192: {  	[sflag:s23] =	ssyncadd.s32 $0xFFFFE000  }
0x193: {  	[spmem:s2] =	stream.indirect.scatter.add.f32 [tilespmem:s17], [sflag:$0x7], $0x80, s7, s14, $0xb8;
	[tilespmem:$0x1F400] =	vst v63  }
0x194: {  	_ =	swait.ge [sflag:s25], $0x2000  }
0x195: {  	s8 =	sld [smem:$0x7FC]  }
0x196: {  	[sflag:s25] =	ssyncset.done $0x0  }
0x197: {  	[sflag:s25] =	ssyncadd.s32 $0xFFFFE000  }
0x198: {  	[spmem:s2] =	stream.indirect.scatter.add.f32 [tilespmem:s19], [sflag:$0x8], $0x80, s8, s14, $0xb8;
	[tilespmem:$0x1F400] =	vst v63  }
0x199: {  	_ =	swait.ge [sflag:s28], $0x2000  }
0x19a: {  	s9 =	sld [smem:$0x7FD]  }
0x19b: {  	[sflag:s28] =	ssyncset.done $0x0  }
0x19c: {  	[sflag:s28] =	ssyncadd.s32 $0xFFFFE000  }
0x19d: {  	[spmem:s2] =	stream.indirect.scatter.add.f32 [tilespmem:s20], [sflag:$0x9], $0x80, s9, s14, $0xb8;
	[tilespmem:$0x1F400] =	vst v63  }
0x19e: {  	_ =	swait.ge [sflag:s30], $0x2000  }
0x19f: {  	[sflag:s30] =	ssyncset.done $0x0  }
0x1a0: {  	[sflag:s30] =	ssyncadd.s32 $0xFFFFE000  }
0x1a1: {  	[spmem:s2] =	stream.indirect.scatter.add.f32 [tilespmem:s22], [sflag:$0xA], $0x80, s0, s14, $0xb8;
	[tilespmem:$0x1F400] =	vst v63  }
0x1a2: {  	_ =	swait.ge [sflag:s24], $0x2000  }
0x1a3: {  	[sflag:s24] =	ssyncset.done $0x0  }
0x1a4: {  	[sflag:s24] =	ssyncadd.s32 $0xFFFFE000  }
0x1a5: {  	_ =	swait.ge [sflag:s26], $0x2000  }
0x1a6: {  	[sflag:s26] =	ssyncset.done $0x0  }
0x1a7: {  	[sflag:s26] =	ssyncadd.s32 $0xFFFFE000  }
0x1a8: {  	_ =	swait.ge [sflag:s29], $0x2000  }
0x1a9: {  	s6 =	sadd.s32 $0x180, s6;
	[sflag:s29] =	ssyncset.done $0x0  }
0x1aa: {  	p0 =	sne.s32 s6, $0xC00;
	[sflag:s29] =	ssyncadd.s32 $0xFFFFE000  }
.Ltmp0:
0x1ab: {  	_ =	swait.ge [sflag:s31], $0x2000;
	(pc) =	sbr.rel @p0 .LBB2_2-.Ltmp0, $4  }
0x1ac: {  	[sflag:s31] =	ssyncset.done $0x0  }
0x1ad: {  	[sflag:s31] =	ssyncadd.s32 $0xFFFFE000  }
0x1ae: {  	_ =	swait.ge [sflag:s1], $0x2000  }
0x1af: {  	s7 =	rddreg [dreg:$0x4];
	[sflag:s1] =	ssyncset.done $0x0  }
0x1b0: {  	[sflag:s1] =	ssyncadd.s32 $0xFFFFE000;
	p0 =	seq.s32 s18, $0x0  }
0x1b1: {  	s5 =	sadd.s32 @!p0 s18, s7;
	s6 =	simm.s32 @!p0 $0x0;
	s7 =	simm.s32 @!p0 $0xB  }
0x1b2: {  	[tilespmem:s6], [sflag:$0xB] =	stream.linear.gather @!p0 [hbm4b:s5+s6], $0xA00, $0x38;
	[tilespmem:$0x1F400] =	vst v63  }
0x1b3: {  	_ =	swait.ge @!p0 [sflag:s7], $0xA00  }
0x1b4: {  	s5 =	rddreg [dreg:$0x3];
	[sflag:s7] =	ssyncset.done @!p0 $0x0  }
0x1b5: {  	s8 =	simm.s32 @!p0 $0xC00;
	[sflag:s7] =	ssyncadd.s32 @!p0 $0xFFFFF600;
	s5 =	sadd.s32 @!p0 s18, s5  }
0x1b6: {  	[tilespmem:s8], [sflag:$0xB] =	stream.linear.gather @!p0 [hbm4b:s5+s6], $0xA00, $0x38;
	[tilespmem:$0x1F400] =	vst v63  }
0x1b7: {  	_ =	swait.ge @!p0 [sflag:s7], $0xA00  }
0x1b8: {  	[sflag:s7] =	ssyncset.done @!p0 $0x0  }
0x1b9: {  	s5 =	simm.s32 @!p0 $0x40;
	[sflag:s7] =	ssyncadd.s32 @!p0 $0xFFFFF600;
	s7 =	simm.s32 @!p0 $0x1800  }
0x1ba: {  	[tilespmem:s7], [sflag:$0x1] =	stream.indirect.gather @!p0 [hbm4b:s4+s5], $0x80, s6, s5, $0xb8;
	[tilespmem:$0x1F400] =	vst v63  }
0x1bb: {  	s6 =	simm.s32 @!p0 $0x80;
	s7 =	simm.s32 @!p0 $0x3800  }
0x1bc: {  	[tilespmem:s7], [sflag:$0x2] =	stream.indirect.gather @!p0 [hbm4b:s4+s5], $0x80, s6, s5, $0xb8;
	[tilespmem:$0x1F400] =	vst v63  }
0x1bd: {  	s6 =	simm.s32 @!p0 $0x100;
	s7 =	simm.s32 @!p0 $0x5800  }
0x1be: {  	[tilespmem:s7], [sflag:$0x3] =	stream.indirect.gather @!p0 [hbm4b:s4+s5], $0x80, s6, s5, $0xb8;
	[tilespmem:$0x1F400] =	vst v63  }
0x1bf: {  	s9 =	rddreg [dreg:$0x5]  }
0x1c0: {  	[tilespmem:s20], [sflag:$0x4] =	stream.indirect.gather [hbm4b:s4+s14], $0x80, s9, s14, $0xb8;
	[tilespmem:$0x1F400] =	vst v63  }
0x1c1: {  	_ =	swait.ge [sflag:s21], $0x2000  }
0x1c2: {  	[sflag:s21] =	ssyncset.done $0x0  }
0x1c3: {  	[sflag:s21] =	ssyncadd.s32 $0xFFFFE000  }
0x1c4: {  	[spmem:s2] =	stream.indirect.scatter.add.f32 [tilespmem:s15], [sflag:$0x6], $0x80, s13, s14, $0xb8;
	[tilespmem:$0x1F400] =	vst v63  }
0x1c5: {  	s18 =	rddreg [dreg:$0x6]  }
0x1c6: {  	[tilespmem:s22], [sflag:$0x5] =	stream.indirect.gather [hbm4b:s4+s14], $0x80, s18, s14, $0xb8;
	[tilespmem:$0x1F400] =	vst v63  }
0x1c7: {  	_ =	swait.ge [sflag:s23], $0x2000  }
0x1c8: {  	[sflag:s23] =	ssyncset.done $0x0  }
0x1c9: {  	s6 =	rddreg [dreg:$0x7];
	[sflag:s23] =	ssyncadd.s32 $0xFFFFE000  }
0x1ca: {  	[spmem:s2] =	stream.indirect.scatter.add.f32 [tilespmem:s17], [sflag:$0x7], $0x80, s6, s14, $0xb8;
	[tilespmem:$0x1F400] =	vst v63  }
0x1cb: {  	_ =	swait.ge [sflag:s24], $0x2000  }
0x1cc: {  	[sflag:s24] =	ssyncset.done $0x0  }
0x1cd: {  	s7 =	rddreg [dreg:$0x8];
	[sflag:s24] =	ssyncadd.s32 $0xFFFFE000  }
0x1ce: {  	[tilespmem:s15], [sflag:$0x1] =	stream.indirect.gather [hbm4b:s4+s14], $0x80, s7, s14, $0xb8;
	[tilespmem:$0x1F400] =	vst v63  }
0x1cf: {  	_ =	swait.ge [sflag:s25], $0x2000  }
0x1d0: {  	[sflag:s25] =	ssyncset.done $0x0  }
0x1d1: {  	s8 =	rddreg [dreg:$0x9];
	[sflag:s25] =	ssyncadd.s32 $0xFFFFE000  }
0x1d2: {  	[spmem:s2] =	stream.indirect.scatter.add.f32 [tilespmem:s19], [sflag:$0x8], $0x80, s8, s14, $0xb8;
	[tilespmem:$0x1F400] =	vst v63  }
0x1d3: {  	_ =	swait.ge [sflag:s26], $0x2000  }
0x1d4: {  	[sflag:s26] =	ssyncset.done $0x0  }
0x1d5: {  	s9 =	rddreg [dreg:$0xa];
	[sflag:s26] =	ssyncadd.s32 $0xFFFFE000  }
0x1d6: {  	[tilespmem:s17], [sflag:$0x2] =	stream.indirect.gather [hbm4b:s4+s14], $0x80, s9, s14, $0xb8;
	[tilespmem:$0x1F400] =	vst v63  }
0x1d7: {  	_ =	swait.ge [sflag:s28], $0x2000  }
0x1d8: {  	[sflag:s28] =	ssyncset.done $0x0  }
0x1d9: {  	s18 =	rddreg [dreg:$0xb];
	[sflag:s28] =	ssyncadd.s32 $0xFFFFE000  }
0x1da: {  	[spmem:s2] =	stream.indirect.scatter.add.f32 [tilespmem:s20], [sflag:$0x9], $0x80, s18, s14, $0xb8;
	[tilespmem:$0x1F400] =	vst v63  }
0x1db: {  	_ =	swait.ge [sflag:s29], $0x2000  }
0x1dc: {  	[sflag:s29] =	ssyncset.done $0x0  }
0x1dd: {  	s6 =	rddreg [dreg:$0xc];
	[sflag:s29] =	ssyncadd.s32 $0xFFFFE000  }
0x1de: {  	[tilespmem:s19], [sflag:$0x3] =	stream.indirect.gather [hbm4b:s4+s14], $0x80, s6, s14, $0xb8;
	[tilespmem:$0x1F400] =	vst v63  }
0x1df: {  	_ =	swait.ge [sflag:s30], $0x2000  }
0x1e0: {  	[sflag:s30] =	ssyncset.done $0x0  }
0x1e1: {  	s7 =	rddreg [dreg:$0xd];
	[sflag:s30] =	ssyncadd.s32 $0xFFFFE000  }
0x1e2: {  	[spmem:s2] =	stream.indirect.scatter.add.f32 [tilespmem:s22], [sflag:$0xA], $0x80, s7, s14, $0xb8;
	[tilespmem:$0x1F400] =	vst v63  }
0x1e3: {  	_ =	swait.ge [sflag:s31], $0x2000  }
0x1e4: {  	[sflag:s31] =	ssyncset.done $0x0  }
0x1e5: {  	s8 =	rddreg [dreg:$0xe];
	[sflag:s31] =	ssyncadd.s32 $0xFFFFE000  }
0x1e6: {  	[tilespmem:s20], [sflag:$0x4] =	stream.indirect.gather [hbm4b:s4+s14], $0x80, s8, s14, $0xb8;
	[tilespmem:$0x1F400] =	vst v63  }
0x1e7: {  	_ =	swait.ge [sflag:s21], $0x2000  }
0x1e8: {  	[sflag:s21] =	ssyncset.done $0x0  }
0x1e9: {  	s9 =	rddreg [dreg:$0xf];
	[sflag:s21] =	ssyncadd.s32 $0xFFFFE000  }
0x1ea: {  	[spmem:s2] =	stream.indirect.scatter.add.f32 [tilespmem:s15], [sflag:$0x6], $0x80, s9, s14, $0xb8;
	[tilespmem:$0x1F400] =	vst v63  }
0x1eb: {  	_ =	swait.ge [sflag:s1], $0x2000  }
0x1ec: {  	[sflag:s1] =	ssyncset.done $0x0  }
0x1ed: {  	s18 =	rddreg [dreg:$0x10];
	[sflag:s1] =	ssyncadd.s32 $0xFFFFE000  }
0x1ee: {  	[tilespmem:s22], [sflag:$0x5] =	stream.indirect.gather [hbm4b:s4+s14], $0x80, s18, s14, $0xb8;
	[tilespmem:$0x1F400] =	vst v63  }
0x1ef: {  	_ =	swait.ge [sflag:s23], $0x2000  }
0x1f0: {  	[sflag:s23] =	ssyncset.done $0x0  }
0x1f1: {  	s6 =	rddreg [dreg:$0x11];
	[sflag:s23] =	ssyncadd.s32 $0xFFFFE000  }
0x1f2: {  	[spmem:s2] =	stream.indirect.scatter.add.f32 [tilespmem:s17], [sflag:$0x7], $0x80, s6, s14, $0xb8;
	[tilespmem:$0x1F400] =	vst v63  }
0x1f3: {  	_ =	swait.ge [sflag:s24], $0x2000  }
0x1f4: {  	[sflag:s24] =	ssyncset.done $0x0  }
0x1f5: {  	s7 =	rddreg [dreg:$0x12];
	[sflag:s24] =	ssyncadd.s32 $0xFFFFE000  }
0x1f6: {  	[tilespmem:s15], [sflag:$0x1] =	stream.indirect.gather [hbm4b:s4+s14], $0x80, s7, s14, $0xb8;
	[tilespmem:$0x1F400] =	vst v63  }
0x1f7: {  	_ =	swait.ge [sflag:s25], $0x2000  }
0x1f8: {  	[sflag:s25] =	ssyncset.done $0x0  }
0x1f9: {  	s8 =	rddreg [dreg:$0x13];
	[sflag:s25] =	ssyncadd.s32 $0xFFFFE000  }
0x1fa: {  	[spmem:s2] =	stream.indirect.scatter.add.f32 [tilespmem:s19], [sflag:$0x8], $0x80, s8, s14, $0xb8;
	[tilespmem:$0x1F400] =	vst v63  }
0x1fb: {  	_ =	swait.ge [sflag:s26], $0x2000  }
0x1fc: {  	[sflag:s26] =	ssyncset.done $0x0  }
0x1fd: {  	s9 =	rddreg [dreg:$0x14];
	[sflag:s26] =	ssyncadd.s32 $0xFFFFE000  }
0x1fe: {  	[tilespmem:s17], [sflag:$0x2] =	stream.indirect.gather [hbm4b:s4+s14], $0x80, s9, s14, $0xb8;
	[tilespmem:$0x1F400] =	vst v63  }
0x1ff: {  	_ =	swait.ge [sflag:s28], $0x2000  }
0x200: {  	[sflag:s28] =	ssyncset.done $0x0  }
0x201: {  	s18 =	rddreg [dreg:$0x15];
	[sflag:s28] =	ssyncadd.s32 $0xFFFFE000  }
0x202: {  	[spmem:s2] =	stream.indirect.scatter.add.f32 [tilespmem:s20], [sflag:$0x9], $0x80, s18, s14, $0xb8;
	[tilespmem:$0x1F400] =	vst v63  }
0x203: {  	_ =	swait.ge [sflag:s29], $0x2000  }
0x204: {  	[sflag:s29] =	ssyncset.done $0x0  }
0x205: {  	s6 =	rddreg [dreg:$0x16];
	[sflag:s29] =	ssyncadd.s32 $0xFFFFE000  }
0x206: {  	[tilespmem:s19], [sflag:$0x3] =	stream.indirect.gather [hbm4b:s4+s14], $0x80, s6, s14, $0xb8;
	[tilespmem:$0x1F400] =	vst v63  }
0x207: {  	_ =	swait.ge [sflag:s30], $0x2000  }
0x208: {  	[sflag:s30] =	ssyncset.done $0x0  }
0x209: {  	s7 =	rddreg [dreg:$0x17];
	[sflag:s30] =	ssyncadd.s32 $0xFFFFE000  }
0x20a: {  	[spmem:s2] =	stream.indirect.scatter.add.f32 [tilespmem:s22], [sflag:$0xA], $0x80, s7, s14, $0xb8;
	[tilespmem:$0x1F400] =	vst v63  }
0x20b: {  	_ =	swait.ge [sflag:s31], $0x2000  }
0x20c: {  	[sflag:s31] =	ssyncset.done $0x0  }
0x20d: {  	s8 =	rddreg [dreg:$0x18];
	[sflag:s31] =	ssyncadd.s32 $0xFFFFE000  }
0x20e: {  	[tilespmem:s20], [sflag:$0x4] =	stream.indirect.gather [hbm4b:s4+s14], $0x80, s8, s14, $0xb8;
	[tilespmem:$0x1F400] =	vst v63  }
0x20f: {  	_ =	swait.ge [sflag:s21], $0x2000  }
0x210: {  	[sflag:s21] =	ssyncset.done $0x0  }
0x211: {  	s9 =	rddreg [dreg:$0x19];
	[sflag:s21] =	ssyncadd.s32 $0xFFFFE000  }
0x212: {  	[spmem:s2] =	stream.indirect.scatter.add.f32 [tilespmem:s15], [sflag:$0x6], $0x80, s9, s14, $0xb8;
	[tilespmem:$0x1F400] =	vst v63  }
0x213: {  	_ =	swait.ge [sflag:s1], $0x2000  }
0x214: {  	[sflag:s1] =	ssyncset.done $0x0  }
0x215: {  	s18 =	rddreg [dreg:$0x1a];
	[sflag:s1] =	ssyncadd.s32 $0xFFFFE000  }
0x216: {  	[tilespmem:s22], [sflag:$0x5] =	stream.indirect.gather [hbm4b:s4+s14], $0x80, s18, s14, $0xb8;
	[tilespmem:$0x1F400] =	vst v63  }
0x217: {  	_ =	swait.ge [sflag:s23], $0x2000  }
0x218: {  	[sflag:s23] =	ssyncset.done $0x0  }
0x219: {  	s6 =	rddreg [dreg:$0x1b];
	[sflag:s23] =	ssyncadd.s32 $0xFFFFE000  }
0x21a: {  	[spmem:s2] =	stream.indirect.scatter.add.f32 [tilespmem:s17], [sflag:$0x7], $0x80, s6, s14, $0xb8;
	[tilespmem:$0x1F400] =	vst v63  }
0x21b: {  	_ =	swait.ge [sflag:s24], $0x2000  }
0x21c: {  	[sflag:s24] =	ssyncset.done $0x0  }
0x21d: {  	s7 =	rddreg [dreg:$0x1c];
	[sflag:s24] =	ssyncadd.s32 $0xFFFFE000  }
0x21e: {  	[tilespmem:s15], [sflag:$0x1] =	stream.indirect.gather [hbm4b:s4+s14], $0x80, s7, s14, $0xb8;
	[tilespmem:$0x1F400] =	vst v63  }
0x21f: {  	_ =	swait.ge [sflag:s25], $0x2000  }
0x220: {  	[sflag:s25] =	ssyncset.done $0x0  }
0x221: {  	s8 =	rddreg [dreg:$0x1d];
	[sflag:s25] =	ssyncadd.s32 $0xFFFFE000  }
0x222: {  	[spmem:s2] =	stream.indirect.scatter.add.f32 [tilespmem:s19], [sflag:$0x8], $0x80, s8, s14, $0xb8;
	[tilespmem:$0x1F400] =	vst v63  }
0x223: {  	_ =	swait.ge [sflag:s26], $0x2000  }
0x224: {  	[sflag:s26] =	ssyncset.done $0x0  }
0x225: {  	s9 =	rddreg [dreg:$0x1e];
	[sflag:s26] =	ssyncadd.s32 $0xFFFFE000  }
0x226: {  	[tilespmem:s17], [sflag:$0x2] =	stream.indirect.gather [hbm4b:s4+s14], $0x80, s9, s14, $0xb8;
	[tilespmem:$0x1F400] =	vst v63  }
0x227: {  	_ =	swait.ge [sflag:s28], $0x2000  }
0x228: {  	[sflag:s28] =	ssyncset.done $0x0  }
0x229: {  	s18 =	rddreg [dreg:$0x1f];
	[sflag:s28] =	ssyncadd.s32 $0xFFFFE000  }
0x22a: {  	[spmem:s2] =	stream.indirect.scatter.add.f32 [tilespmem:s20], [sflag:$0x9], $0x80, s18, s14, $0xb8;
	[tilespmem:$0x1F400] =	vst v63  }
0x22b: {  	_ =	swait.ge [sflag:s29], $0x2000  }
0x22c: {  	s6 =	sld [smem:$0x7F6]  }
0x22d: {  	[sflag:s29] =	ssyncset.done $0x0  }
0x22e: {  	[sflag:s29] =	ssyncadd.s32 $0xFFFFE000  }
0x22f: {  	[tilespmem:s19], [sflag:$0x3] =	stream.indirect.gather [hbm4b:s4+s14], $0x80, s6, s14, $0xb8;
	[tilespmem:$0x1F400] =	vst v63  }
0x230: {  	_ =	swait.ge [sflag:s30], $0x2000  }
0x231: {  	s7 =	sld [smem:$0x7F7]  }
0x232: {  	[sflag:s30] =	ssyncset.done $0x0  }
0x233: {  	[sflag:s30] =	ssyncadd.s32 $0xFFFFE000  }
0x234: {  	[spmem:s2] =	stream.indirect.scatter.add.f32 [tilespmem:s22], [sflag:$0xA], $0x80, s7, s14, $0xb8;
	[tilespmem:$0x1F400] =	vst v63  }
0x235: {  	_ =	swait.ge [sflag:s31], $0x2000  }
0x236: {  	s8 =	sld [smem:$0x7F8]  }
0x237: {  	[sflag:s31] =	ssyncset.done $0x0  }
0x238: {  	[sflag:s31] =	ssyncadd.s32 $0xFFFFE000  }
0x239: {  	[tilespmem:s20], [sflag:$0x4] =	stream.indirect.gather [hbm4b:s4+s14], $0x80, s8, s14, $0xb8;
	[tilespmem:$0x1F400] =	vst v63  }
0x23a: {  	_ =	swait.ge [sflag:s21], $0x2000  }
0x23b: {  	s9 =	sld [smem:$0x7F9]  }
0x23c: {  	[sflag:s21] =	ssyncset.done $0x0  }
0x23d: {  	[sflag:s21] =	ssyncadd.s32 $0xFFFFE000  }
0x23e: {  	[spmem:s2] =	stream.indirect.scatter.add.f32 [tilespmem:s15], [sflag:$0x6], $0x80, s9, s14, $0xb8;
	[tilespmem:$0x1F400] =	vst v63  }
0x23f: {  	_ =	swait.ge [sflag:s1], $0x2000  }
0x240: {  	s18 =	sld [smem:$0x7FA]  }
0x241: {  	[sflag:s1] =	ssyncset.done $0x0  }
0x242: {  	[sflag:s1] =	ssyncadd.s32 $0xFFFFE000  }
0x243: {  	[tilespmem:s22], [sflag:$0x5] =	stream.indirect.gather [hbm4b:s4+s14], $0x80, s18, s14, $0xb8;
	[tilespmem:$0x1F400] =	vst v63  }
0x244: {  	_ =	swait.ge [sflag:s23], $0x2000  }
0x245: {  	s6 =	sld [smem:$0x7FB]  }
0x246: {  	[sflag:s23] =	ssyncset.done $0x0  }
0x247: {  	[sflag:s23] =	ssyncadd.s32 $0xFFFFE000  }
0x248: {  	[spmem:s2] =	stream.indirect.scatter.add.f32 [tilespmem:s17], [sflag:$0x7], $0x80, s6, s14, $0xb8;
	[tilespmem:$0x1F400] =	vst v63  }
0x249: {  	_ =	swait.ge [sflag:s25], $0x2000  }
0x24a: {  	s7 =	sld [smem:$0x7FC]  }
0x24b: {  	[sflag:s25] =	ssyncset.done $0x0  }
0x24c: {  	[sflag:s25] =	ssyncadd.s32 $0xFFFFE000  }
0x24d: {  	[spmem:s2] =	stream.indirect.scatter.add.f32 [tilespmem:s19], [sflag:$0x8], $0x80, s7, s14, $0xb8;
	[tilespmem:$0x1F400] =	vst v63  }
0x24e: {  	_ =	swait.ge [sflag:s28], $0x2000  }
0x24f: {  	s8 =	sld [smem:$0x7FD]  }
0x250: {  	[sflag:s28] =	ssyncset.done $0x0  }
0x251: {  	[sflag:s28] =	ssyncadd.s32 $0xFFFFE000  }
0x252: {  	[spmem:s2] =	stream.indirect.scatter.add.f32 [tilespmem:s20], [sflag:$0x9], $0x80, s8, s14, $0xb8;
	[tilespmem:$0x1F400] =	vst v63  }
0x253: {  	_ =	swait.ge [sflag:s30], $0x2000  }
0x254: {  	[sflag:s30] =	ssyncset.done $0x0  }
0x255: {  	[sflag:s30] =	ssyncadd.s32 $0xFFFFE000  }
0x256: {  	[spmem:s2] =	stream.indirect.scatter.add.f32 [tilespmem:s22], [sflag:$0xA], $0x80, s0, s14, $0xb8;
	[tilespmem:$0x1F400] =	vst v63  }
0x257: {  	_ =	swait.ge [sflag:s24], $0x2000  }
0x258: {  	[sflag:s24] =	ssyncset.done $0x0  }
0x259: {  	[sflag:s24] =	ssyncadd.s32 $0xFFFFE000  }
0x25a: {  	_ =	swait.ge [sflag:s26], $0x2000  }
0x25b: {  	[sflag:s26] =	ssyncset.done $0x0  }
0x25c: {  	[sflag:s26] =	ssyncadd.s32 $0xFFFFE000  }
0x25d: {  	_ =	swait.ge [sflag:s29], $0x2000  }
0x25e: {  	[sflag:s29] =	ssyncset.done $0x0  }
0x25f: {  	[sflag:s29] =	ssyncadd.s32 $0xFFFFE000  }
0x260: {  	_ =	swait.ge [sflag:s31], $0x2000  }
0x261: {  	[sflag:s31] =	ssyncset.done $0x0  }
0x262: {  	[sflag:s31] =	ssyncadd.s32 $0xFFFFE000  }
0x263: {  	_ =	swait.ge [sflag:s1], $0x2000  }
0x264: {  	[sflag:s1] =	ssyncset.done $0x0  }
0x265: {  	[sflag:s1] =	ssyncadd.s32 $0xFFFFE000  }
0x266: {  	[bflag:$0x0] =	sbarrier.arrive $0xFFFF  }
0x267: {  	s9 =	sld [smem:$0x7F3];
	_ =	sdelay $0x2  }
0x268: {  	[hbm:s9], [sflag:s10] =	dma.local [spmem:s11], $0x2780  }
0x269: {  	_ =	swait.ge [sflag:s12], $0x2780  }
0x26a: {  	s18 =	sld [smem:$0x7F4];
	_ =	sdelay $0x1  }
0x26b: {  	s16 =	sadd.s32 $0x1, s16  }
0x26c: {  	p0 =	sne.s32 s16, s18  }
.Ltmp1:
0x26d: {  	_ = 	snop;
	(pc) =	sbr.rel @p0 .LBB2_1-.Ltmp1, $3  }
0x26e: {  	_ =	sdelay $0x1  }
0x26f: {  	[sflag:s12] =	ssyncset.done $0x0  }
0x270: {  	[sflag:s12] =	ssyncadd.s32 $0xFFFFD880  }
0x271: {  	_ =	sfence.sel $0x180000  }
0x272: {  	[bflag:$0x0] =	sbarrier.arrive $0xFFFF  }
0x273: {  	_ =	strace $0x90000047  }
0x274: {  	s0 =	stileid.u32;
	[bflag:$0x2] =	sbarrier.arrive $0xFFFF  }
0x275: {  	p0 =	sne.s32 s0, $0x0;
	s0 =	rddreg [dreg:$0x2]  }
0x276: {  	s0 =	sadd.s32 @!p0 $0x100000, s0  }
0x277: {  	[sflag:s0] =	ssyncadd.tile.s32 @!p0 $0x1;
	_ =	shalt  }
.Lfunc_end2:
_tile_overlayer_lowered:
.L_overlay_start_2:
0x278: {  	(tag) =	ssettag $0x2  }
0x279: {  	s0 =	rddreg [dreg:$0x0];
	s2 =	stileid.u32  }
0x27a: {  	s1 =	rddreg [dreg:$0x1];
	p0 =	sne.s32 s2, $0x0  }
0x27b: {  	s3 =	rddreg [dreg:$0x2];
	[bflag:$0x3] =	sbarrier.arrive $0xFFFF;
	s2 =	simm.s32 @!p0 $0x1C0B  }
0x27c: {  	[timem:s3], [sflag:s2] =	dma.local @!p0 [hbm:s0], s1  }
0x27d: {  	s0 =	simm.s32 @!p0 $0xB  }
0x27e: {  	_ =	swait.ge @!p0 [sflag:s0], s1  }
0x27f: {  	s1 =	ssub.s32 @!p0 $0x0, s1;
	[sflag:s0] =	ssyncset.done @!p0 $0x0  }
0x280: {  	[sflag:s0] =	ssyncadd.s32 @!p0 s1  }
0x281: {  	[bflag:$0x3] =	sbarrier.arrive $0xFFFF  }
0x282: {  	_ =	shalt  }

</sc_bundles>
